<compile_context>
chip_gen: v7x
topology: tpu7x:2x2x1
jax: 0.10.2.dev20260603
libtpu: 0.0.44.dev20260713+nightly
codegen_flags: <defaults>
</compile_context>

<pallas_src>
import functools

import jax
import jax.numpy as jnp
from jax import lax
from jax.experimental import pallas as pl
from jax.experimental.pallas import tpu as pltpu
from jax.experimental.pallas import tpu_sc as plsc

N = 10000
E = 320000
EH = E // 2
D = 128
H = 64

NC = 2
NS = 16
NW = NC * NS

PERW_G = EH // NW
GCH = 40
GIDX = 2 * GCH
GNCH = PERW_G // GCH
GSLOTS = 5
GITER = GNCH // GSLOTS

PERW = 10000
SCH = 80
SNCH = PERW // SCH
SSLOTS = 5
SITER = SNCH // SSLOTS

BLOCK_E = 6400
GRID_H = EH // BLOCK_E
EPAIR = BLOCK_E // 2
DCOV = 19200
DPAD = 6400

NPAD = 10240
RPT = NPAD // NS

_relu = jax.nn.relu


def _dot(a, b):
    return jnp.dot(a, b, preferred_element_type=jnp.float32)


def _prep_body(nf, ga, Wv, bv, Wu, bu, ABe, De, b1e, Dn, b1n,
               t_o, u_o, cue_o, cun_o):
    v = _relu(_dot(nf[...], Wv[...]) + bv[...])
    t_o[...] = _dot(v, ABe[...])
    u = _relu(_dot(ga[...], Wu[...]) + bu[...])
    u_o[...] = u
    cue_o[...] = _dot(u, De[...]) + b1e[...]
    cun_o[...] = _dot(u, Dn[...]) + b1n[...]


def _prep_call(nf, ga, Wv, bv, Wu, bu, ABe, De, b1e, Dn, b1n):
    f32 = jnp.float32
    return pl.pallas_call(
        _prep_body,
        out_shape=[
            jax.ShapeDtypeStruct((N, D), f32),
            jax.ShapeDtypeStruct((1, H), f32),
            jax.ShapeDtypeStruct((1, H), f32),
            jax.ShapeDtypeStruct((1, H), f32),
        ],
    )(nf, ga, Wv, bv, Wu, bu, ABe, De, b1e, Dn, b1n)


def _gather_core(t2_hbm, g2_hbm, srcv, dstv, idxv, bufs, gsems, wsems,
                 base, obase):

    def bld(ch, carry):
        for g in range(GIDX // 16):
            p = lax.iota(jnp.int32, 16) + (ch * GIDX + 16 * g)
            e = lax.shift_right_logical(p, 1)
            par = lax.bitwise_and(p, 1)
            sv = plsc.load_gather(srcv, [e])
            dv = plsc.load_gather(dstv, [e])
            idxv[ch, pl.ds(16 * g, 16)] = jnp.where(par == 1,
                                                    2 * dv + 1, 2 * sv)
        return carry

    lax.fori_loop(0, GNCH, bld, 0)

    def g_start(ch, k):
        pltpu.async_copy(t2_hbm.at[idxv.at[ch]], bufs[k], gsems[k])

    def g_wait(ch, k):
        pltpu.make_async_copy(t2_hbm.at[idxv.at[ch]], bufs[k],
                              gsems[k]).wait()

    def w_rows(ch):
        return g2_hbm.at[pl.ds(obase + ch * GIDX, GIDX)]

    for k in range(GSLOTS):
        g_start(k, k)

    def body(i, carry):
        ch0 = i * GSLOTS
        for k in range(GSLOTS):
            g_wait(ch0 + k, k)
            pltpu.async_copy(bufs[k], w_rows(ch0 + k), wsems[k])
        for k in range(GSLOTS):
            @pl.when(i < GITER - 1)
            def _():
                pltpu.make_async_copy(bufs[k], w_rows(ch0 + k),
                                      wsems[k]).wait()
                g_start(ch0 + GSLOTS + k, k)
        return carry

    lax.fori_loop(0, GITER, body, 0)
    last = (GITER - 1) * GSLOTS
    for k in range(GSLOTS):
        pltpu.make_async_copy(bufs[k], w_rows(last + k), wsems[k]).wait()


def _gather_b_body(t2_hbm, src_hbm, dst_hbm, z16_hbm, ones_hbm,
                   g2_hbm, dg_hbm,
                   srcv, dstv, dstd, idxv, b0, b1, b2, b3, b4,
                   idxd, dbuf, ones, dsem,
                   g0, g1, g2s, g3, g4, w0, w1, w2, w3, w4, dacc):
    c = lax.axis_index("c")
    s = lax.axis_index("s")
    w = s * NC + c
    base = EH + w * PERW_G
    obase = 2 * w * PERW_G
    bufs = (b0, b1, b2, b3, b4)
    gsems = (g0, g1, g2s, g3, g4)
    wsems = (w0, w1, w2, w3, w4)

    pltpu.sync_copy(src_hbm.at[pl.ds(base, PERW_G)], srcv)
    pltpu.sync_copy(dst_hbm.at[pl.ds(base, PERW_G)], dstv)

    pltpu.sync_copy(z16_hbm, dbuf)
    pltpu.sync_copy(dbuf, dacc.at[pl.ds(s * RPT, RPT)])
    pltpu.sync_copy(ones_hbm, ones)
    pltpu.sync_copy(dst_hbm.at[pl.ds(w * PERW, PERW)], dstd)

    def bld_d(j, carry):
        for g in range(SCH // 16):
            idxd[j, pl.ds(16 * g, 16)] = dstd[pl.ds(j * SCH + 16 * g, 16)]
        return carry

    lax.fori_loop(0, SNCH, bld_d, 0)
    plsc.subcore_barrier()

    def deg_round(r, carry):
        for t in range(25):
            pltpu.async_copy(ones, dacc.at[idxd.at[r * 25 + t]], dsem,
                             add=True)
        for t in range(25):
            pltpu.make_async_copy(ones, dacc.at[idxd.at[r * 25 + t]],
                                  dsem).wait()
        return carry

    lax.fori_loop(0, SNCH // 25, deg_round, 0)

    _gather_core(t2_hbm, g2_hbm, srcv, dstv, idxv, bufs, gsems, wsems,
                 base, obase)

    plsc.subcore_barrier()
    pltpu.sync_copy(dacc.at[pl.ds(s * RPT, RPT)], dbuf)
    pltpu.sync_copy(dbuf, dg_hbm.at[c].at[pl.ds(s * RPT, RPT)])


def _gather_a_body(t2_hbm, src_hbm, dst_hbm,
                   g2_hbm,
                   srcv, dstv, idxv, b0, b1, b2, b3, b4,
                   g0, g1, g2s, g3, g4, w0, w1, w2, w3, w4):
    c = lax.axis_index("c")
    s = lax.axis_index("s")
    w = s * NC + c
    base = w * PERW_G
    obase = 2 * base
    bufs = (b0, b1, b2, b3, b4)
    gsems = (g0, g1, g2s, g3, g4)
    wsems = (w0, w1, w2, w3, w4)
    pltpu.sync_copy(src_hbm.at[pl.ds(base, PERW_G)], srcv)
    pltpu.sync_copy(dst_hbm.at[pl.ds(base, PERW_G)], dstv)
    _gather_core(t2_hbm, g2_hbm, srcv, dstv, idxv, bufs, gsems, wsems,
                 base, obase)


_SC_PARAMS = pltpu.CompilerParams(use_tc_tiling_on_sc=False,
                                  needs_layout_passes=False)
_MESH = plsc.VectorSubcoreMesh(core_axis_name="c", subcore_axis_name="s")


def _gather_b_call(t2, src_full, dst_full, z16, ones):
    f32 = jnp.float32
    fn = pl.kernel(
        _gather_b_body,
        out_type=[
            jax.ShapeDtypeStruct((2 * EH, H), f32),
            jax.ShapeDtypeStruct((NC, NPAD, 16), f32),
        ],
        mesh=_MESH,
        compiler_params=_SC_PARAMS,
        scratch_types=(
            [pltpu.VMEM((PERW_G,), jnp.int32),
             pltpu.VMEM((PERW_G,), jnp.int32),
             pltpu.VMEM((PERW,), jnp.int32),
             pltpu.VMEM((GNCH, GIDX), jnp.int32)]
            + [pltpu.VMEM((GIDX, H), f32) for _ in range(GSLOTS)]
            + [pltpu.VMEM((SNCH, SCH), jnp.int32),
               pltpu.VMEM((RPT, 16), f32),
               pltpu.VMEM((SCH, 16), f32),
               pltpu.SemaphoreType.DMA]
            + [pltpu.SemaphoreType.DMA for _ in range(2 * GSLOTS)]
            + [pltpu.VMEM_SHARED((NPAD, 16), f32)]
        ),
    )
    return fn(t2, src_full, dst_full, z16, ones)


def _gather_a_call(t2, src_full, dst_full):
    f32 = jnp.float32
    fn = pl.kernel(
        _gather_a_body,
        out_type=[jax.ShapeDtypeStruct((2 * EH, H), f32)],
        mesh=_MESH,
        compiler_params=_SC_PARAMS,
        scratch_types=(
            [pltpu.VMEM((PERW_G,), jnp.int32),
             pltpu.VMEM((PERW_G,), jnp.int32),
             pltpu.VMEM((GNCH, GIDX), jnp.int32)]
            + [pltpu.VMEM((GIDX, H), f32) for _ in range(GSLOTS)]
            + [pltpu.SemaphoreType.DMA for _ in range(2 * GSLOTS)]
        ),
    )
    return fn(t2, src_full, dst_full)


def _edge_body_a(ef, g, cue, We, be, Ce, W2e, b2e, Cn, oe, m2, ue):
    _edge_compute(ef, g, cue, We, be, Ce, W2e, b2e, Cn, oe, m2, ue)


def _edge_body_b(seed, ef, g, cue, We, be, Ce, W2e, b2e, Cn, oe, m2, ue):
    _edge_compute(ef, g, cue, We, be, Ce, W2e, b2e, Cn, oe, m2, ue)


def _edge_compute(ef, g, cue, We, be, Ce, W2e, b2e, Cn, oe, m2, ue):
    i = pl.program_id(0)
    e1 = _relu(_dot(ef[...], We[...]) + be[...])
    gg = g[...]
    h1 = _relu(_dot(e1, Ce[...]) + gg[:, :H] + gg[:, H:] + cue[...])
    mij = _relu(_dot(h1, W2e[...]) + b2e[...])
    oe[...] = mij + ef[...]
    nb = mij.shape[0] // 2
    m2[...] = jnp.concatenate(
        [_dot(mij[:nb], Cn[...]), _dot(mij[nb:], Cn[...])], axis=1)

    @pl.when(i == 0)
    def _():
        ue[...] = jnp.zeros_like(ue)

    ue[...] += jnp.sum(mij, axis=0, keepdims=True)


def _edge_call(ef, g, cue, We, be, Ce, W2e, b2e, Cn, half, seed=None):
    f32 = jnp.float32
    full = lambda i: (0, 0)
    off = half * GRID_H
    in_specs = [
        pl.BlockSpec((BLOCK_E, D), lambda i: (i + off, 0)),
        pl.BlockSpec((BLOCK_E, D), lambda i: (i, 0)),
        pl.BlockSpec((1, H), full),
        pl.BlockSpec((D, H), full),
        pl.BlockSpec((1, H), full),
        pl.BlockSpec((H, H), full),
        pl.BlockSpec((H, D), full),
        pl.BlockSpec((1, D), full),
        pl.BlockSpec((D, H), full),
    ]
    args = [ef, g, cue, We, be, Ce, W2e, b2e, Cn]
    kwargs = {}
    if seed is None:
        body = _edge_body_a
    else:
        body = _edge_body_b
        in_specs = [pl.BlockSpec((8, D), full)] + in_specs
        args = [seed] + args
        kwargs["input_output_aliases"] = {0: 0}
    return pl.pallas_call(
        body,
        grid=(GRID_H,),
        in_specs=in_specs,
        out_specs=[
            pl.BlockSpec((BLOCK_E, D), lambda i: (i + off, 0)),
            pl.BlockSpec((BLOCK_E // 2, D), lambda i: (i, 0)),
            pl.BlockSpec((1, D), full),
        ],
        out_shape=[
            jax.ShapeDtypeStruct((E, D), f32),
            jax.ShapeDtypeStruct((EH // 2, D), f32),
            jax.ShapeDtypeStruct((1, D), f32),
        ],
        **kwargs,
    )(*args)


def _scatter_body(ma_hbm, mb_hbm, dst_hbm, zrow_hbm,
                  s_hbm,
                  dstbuf, dd0, dd1, dd2, dd3, dd4,
                  m0, m1, m2b, m3, m4, obuf,
                  l0, l1, l2, l3, l4, s0, s1, s2, s3, s4,
                  acc):
    c = lax.axis_index("c")
    s = lax.axis_index("s")
    mbufs = (m0, m1, m2b, m3, m4)
    dd = (dd0, dd1, dd2, dd3, dd4)
    lsems = (l0, l1, l2, l3, l4)
    ssems = (s0, s1, s2, s3, s4)

    def run(m2_hbm, half):
        base_d = half * EH + s * PERW
        base = s * PERW
        loadbase = base_d - lax.rem(base_d, BLOCK_E)

        pltpu.sync_copy(zrow_hbm, obuf)
        pltpu.sync_copy(obuf, acc.at[pl.ds(s * RPT, RPT)])
        pltpu.sync_copy(dst_hbm.at[pl.ds(loadbase, DCOV)], dstbuf)
        plsc.subcore_barrier()

        def build_idx(ch, k):
            q0 = base_d + ch * SCH
            off = lax.rem(q0, BLOCK_E)
            r1 = (q0 - off) + lax.shift_right_logical(off, 1) - loadbase
            for g in range(SCH // 16):
                u = lax.iota(jnp.int32, 16) + 16 * g
                pos = (r1 + lax.bitwise_and(u, 1) * EPAIR
                       + lax.shift_right_logical(u, 1))
                dd[k][pl.ds(16 * g, 16)] = plsc.load_gather(dstbuf, [pos])

        def rows(ch):
            return m2_hbm.at[pl.ds(base + ch * SCH, SCH)]

        def l_start(ch, k):
            pltpu.async_copy(rows(ch), mbufs[k], lsems[k])

        for k in range(SSLOTS):
            l_start(k, k)

        def body(i, carry):
            ch0 = i * SSLOTS
            for k in range(SSLOTS):
                pltpu.make_async_copy(rows(ch0 + k), mbufs[k],
                                      lsems[k]).wait()
                build_idx(ch0 + k, k)
                pltpu.async_copy(mbufs[k], acc.at[dd[k]], ssems[k],
                                 add=True)
            for k in range(SSLOTS):
                @pl.when(i < SITER - 1)
                def _():
                    pltpu.make_async_copy(mbufs[k], acc.at[dd[k]],
                                          ssems[k]).wait()
                    l_start(ch0 + SSLOTS + k, k)
            return carry

        lax.fori_loop(0, SITER, body, 0)
        for k in range(SSLOTS):
            pltpu.make_async_copy(mbufs[k], acc.at[dd[k]], ssems[k]).wait()
        plsc.subcore_barrier()

        pltpu.sync_copy(acc.at[pl.ds(s * RPT, RPT)], obuf)
        pltpu.sync_copy(obuf, s_hbm.at[c].at[pl.ds(s * RPT, RPT)])

    @pl.when(c == 0)
    def _():
        run(ma_hbm, 0)

    @pl.when(c == 1)
    def _():
        run(mb_hbm, 1)


def _scatter_call(m2a, m2b, dstp, zrow):
    f32 = jnp.float32
    fn = pl.kernel(
        _scatter_body,
        out_type=[
            jax.ShapeDtypeStruct((NC, NPAD, H), f32),
        ],
        mesh=_MESH,
        compiler_params=_SC_PARAMS,
        scratch_types=(
            [pltpu.VMEM((DCOV,), jnp.int32)]
            + [pltpu.VMEM((SCH,), jnp.int32) for _ in range(SSLOTS)]
            + [pltpu.VMEM((SCH, H), f32) for _ in range(SSLOTS)]
            + [pltpu.VMEM((RPT, H), f32)]
            + [pltpu.SemaphoreType.DMA for _ in range(2 * SSLOTS)]
            + [pltpu.VMEM_SHARED((NPAD, H), f32)]
        ),
    )
    return fn(m2a, m2b, dstp, zrow)


def _node_body(nf, S, DG, u, uea, ueb, ga, Wv, bv, An, cun, W2n, b2n,
               Wau, Wae, Wav, b1a, W2a, b2a, ov, ou):
    v = _relu(_dot(nf[...], Wv[...]) + bv[...])
    ssum = S[0, :N, :] + S[1, :N, :]
    deg = DG[0, :N, 0:1] + DG[1, :N, 0:1]
    ve_c = ssum / jnp.maximum(deg, 1.0)
    h = _relu(_dot(v, An[...]) + ve_c + cun[...])
    v_new = _relu(_dot(h, W2n[...]) + b2n[...])
    ov[...] = v_new + nf[...]
    uv = jnp.sum(v_new, axis=0, keepdims=True) * (1.0 / N)
    ue = (uea[...] + ueb[...]) * (1.0 / E)
    ha = _relu(_dot(u[...], Wau[...]) + _dot(ue, Wae[...])
               + _dot(uv, Wav[...]) + b1a[...])
    u_new = _relu(_dot(ha, W2a[...]) + b2a[...])
    ou[...] = u_new + ga[...]


def _node_call(nf, S, DG, u, uea, ueb, ga, Wv, bv, An, cun, W2n, b2n,
               Wau, Wae, Wav, b1a, W2a, b2a):
    f32 = jnp.float32
    return pl.pallas_call(
        _node_body,
        out_shape=[
            jax.ShapeDtypeStruct((N, D), f32),
            jax.ShapeDtypeStruct((1, D), f32),
        ],
    )(nf, S, DG, u, uea, ueb, ga, Wv, bv, An, cun, W2n, b2n,
      Wau, Wae, Wav, b1a, W2a, b2a)


def kernel(edge_feat, node_feat, graph_attr, params, edge_index):
    f32 = jnp.float32
    (We, be), = params["edge_dense"]
    (Wv, bv), = params["node_dense"]
    (Wu, bu), = params["attr_dense"]
    (W1e, b1e), (W2e, b2e) = params["conv_edge"]
    (W1n, b1n), (W2n, b2n) = params["conv_node"]
    (W1a, b1a), (W2a, b2a) = params["conv_attr"]

    ABe = jnp.concatenate([W1e[0:64], W1e[64:128]], axis=1)
    Ce, De = W1e[128:192], W1e[192:256]
    An, Cn, Dn = W1n[0:64], W1n[64:192], W1n[192:256]
    Wau, Wae, Wav = W1a[0:64], W1a[64:192], W1a[192:320]
    row = lambda b: b.reshape(1, -1)

    src = edge_index[0]
    dst = edge_index[1]

    tcat, u, cue, cun = _prep_call(
        node_feat, graph_attr, Wv, row(bv), Wu, row(bu),
        ABe, De, row(b1e), Dn, row(b1n))
    t2 = tcat.reshape(2 * N, H)

    z16 = jnp.zeros((RPT, 16), f32)
    ones = jnp.ones((SCH, 16), f32)
    g2a, = _gather_a_call(t2, src, dst)
    g2b, DG = _gather_b_call(t2, src, dst, z16, ones)

    ew = (We, row(be), Ce, W2e, row(b2e), Cn)
    oeA, m2pA, ueA = _edge_call(edge_feat, g2a.reshape(EH, D), cue, *ew,
                                half=0)
    oe, m2pB, ueB = _edge_call(edge_feat, g2b.reshape(EH, D), cue, *ew,
                               half=1, seed=oeA)

    zrow = jnp.zeros((RPT, H), f32)
    dstp = jnp.pad(dst, (0, DPAD))
    S, = _scatter_call(m2pA.reshape(EH, H), m2pB.reshape(EH, H),
                       dstp, zrow)

    out_v, out_u = _node_call(
        node_feat, S, DG, u, ueA, ueB, graph_attr, Wv, row(bv), An, cun,
        W2n, row(b2n), Wau, Wae, Wav, row(b1a), W2a, row(b2a))

    return (oe, out_v, out_u)

# --- scband reference (transcript-rebuilt; emitter-appended) ---
"""Pipeline reference for scband-megnet-block-74998718922913 (READ-ONLY COPY).

The authoritative reference and input builder live on the scoring server;
editing this copy changes nothing except your own understanding.
"""

import jax, jax.numpy as jnp
import numpy as np

N = 10000
E = 320000
D = 128
DIMS = [128, 64]            # dense pre-MLP dims (edge/node/attr)
CONV_E = [256, 64, 128]     # edge_in = 2*64 + 64 + 64 = 256
CONV_N = [256, 64, 128]     # node_in = 128 + 64 + 64 = 256
CONV_A = [320, 64, 128]     # attr_in = 128 + 128 + 64 = 320


def _mlp_params(key, dims):
    ps = []
    for i in range(len(dims) - 1):
        key, k1 = jax.random.split(key)
        W = jax.random.normal(k1, (dims[i], dims[i + 1]), dtype=jnp.float32) * 0.02
        b = jnp.zeros((dims[i + 1],), dtype=jnp.float32)
        ps.append((W, b))
    return ps


def _mlp(x, ps):
    # MLP with activate_last=True (relu after every layer)
    for W, b in ps:
        x = jax.nn.relu(x @ W + b)
    return x


def setup_inputs(seed: int = 0):
    key = jax.random.key(seed)
    ks = jax.random.split(key, 10)
    edge_feat = jax.random.normal(ks[0], (E, D), dtype=jnp.float32)
    node_feat = jax.random.normal(ks[1], (N, D), dtype=jnp.float32)
    graph_attr = jax.random.normal(ks[2], (1, D), dtype=jnp.float32)
    edge_index = jax.random.randint(ks[3], (2, E), 0, N, dtype=jnp.int32)
    params = {
        "edge_dense": _mlp_params(ks[4], DIMS),
        "node_dense": _mlp_params(ks[5], DIMS),
        "attr_dense": _mlp_params(ks[6], DIMS),
        "conv_edge": _mlp_params(ks[7], CONV_E),
        "conv_node": _mlp_params(ks[8], CONV_N),
        "conv_attr": _mlp_params(ks[9], CONV_A),
    }
    return {"edge_feat": edge_feat, "node_feat": node_feat,
            "graph_attr": graph_attr, "params": params,
            "edge_index": edge_index}


def reference(edge_feat, node_feat, graph_attr, params, edge_index):
    e0, v0, u0 = edge_feat, node_feat, graph_attr
    # dense pre-MLPs (has_dense since len(dims) > 1)
    e = _mlp(edge_feat, params["edge_dense"])    # [E, 64]
    v = _mlp(node_feat, params["node_dense"])    # [N, 64]
    u = _mlp(graph_attr, params["attr_dense"])   # [1, 64]
    src = edge_index[0]
    dst = edge_index[1]
    n_nodes = v.shape[0]
    # edge update: hstack([v_src, v_dst, e, u_broadcast]) -> edge MLP
    u_e = jnp.broadcast_to(u, (e.shape[0], u.shape[1]))
    edge_in = jnp.concatenate([v[src], v[dst], e, u_e], axis=1)
    mij = _mlp(edge_in, params["conv_edge"])     # [E, 128]
    # node update: mean of incoming edge messages on dst (dgl fn.mean)
    ones = jnp.ones((mij.shape[0],), dtype=mij.dtype)
    deg = jax.ops.segment_sum(ones, dst, num_segments=n_nodes)
    ve = jax.ops.segment_sum(mij, dst, num_segments=n_nodes) / jnp.maximum(deg, 1.0)[:, None]
    u_n = jnp.broadcast_to(u, (n_nodes, u.shape[1]))
    node_in = jnp.concatenate([v, ve, u_n], axis=1)
    v_new = _mlp(node_in, params["conv_node"])   # [N, 128]
    # attr update: mean readouts over edges and nodes
    ue = jnp.mean(mij, axis=0, keepdims=True)
    uv = jnp.mean(v_new, axis=0, keepdims=True)
    attr_in = jnp.concatenate([u, ue, uv], axis=1)
    u_new = _mlp(attr_in, params["conv_attr"])   # [1, 128]
    # skip connections (dropout=None)
    return (mij + e0, v_new + v0, u_new + u0)

if __name__ == "__main__":
    import jax
    _d = setup_inputs()
    print(jax.jit(kernel)(*tuple(_d.values())))

</pallas_src>

<mosaic_0001>
#map = affine_map<(d0, d1) -> (0, 0)>
#map1 = affine_map<(d0, d1) -> (0)>
#map2 = affine_map<(d0, d1) -> (0, 0, 0)>
module attributes {stable_mosaic.version = 14 : i64} {
  func.func @_gather_b_body(%arg0: i32, %arg1: i32, %arg2: memref<20000x64xf32, #tpu.memory_space<hbm>>, %arg3: memref<320000xi32, #tpu.memory_space<hbm>>, %arg4: memref<320000xi32, #tpu.memory_space<hbm>>, %arg5: memref<640x16xf32, #tpu.memory_space<hbm>>, %arg6: memref<80x16xf32, #tpu.memory_space<hbm>>, %arg7: memref<320000x64xf32, #tpu.memory_space<hbm>>, %arg8: memref<2x10240x16xf32, #tpu.memory_space<hbm>>, %arg9: memref<5000xi32, #tpu.memory_space<vmem>>, %arg10: memref<5000xi32, #tpu.memory_space<vmem>>, %arg11: memref<10000xi32, #tpu.memory_space<vmem>>, %arg12: memref<125x80xi32, #tpu.memory_space<vmem>>, %arg13: memref<80x64xf32, #tpu.memory_space<vmem>>, %arg14: memref<80x64xf32, #tpu.memory_space<vmem>>, %arg15: memref<80x64xf32, #tpu.memory_space<vmem>>, %arg16: memref<80x64xf32, #tpu.memory_space<vmem>>, %arg17: memref<80x64xf32, #tpu.memory_space<vmem>>, %arg18: memref<125x80xi32, #tpu.memory_space<vmem>>, %arg19: memref<640x16xf32, #tpu.memory_space<vmem>>, %arg20: memref<80x16xf32, #tpu.memory_space<vmem>>, %arg21: memref<!tpu.dma_semaphore, #tpu.memory_space<semaphore_mem>>, %arg22: memref<!tpu.dma_semaphore, #tpu.memory_space<semaphore_mem>>, %arg23: memref<!tpu.dma_semaphore, #tpu.memory_space<semaphore_mem>>, %arg24: memref<!tpu.dma_semaphore, #tpu.memory_space<semaphore_mem>>, %arg25: memref<!tpu.dma_semaphore, #tpu.memory_space<semaphore_mem>>, %arg26: memref<!tpu.dma_semaphore, #tpu.memory_space<semaphore_mem>>, %arg27: memref<!tpu.dma_semaphore, #tpu.memory_space<semaphore_mem>>, %arg28: memref<!tpu.dma_semaphore, #tpu.memory_space<semaphore_mem>>, %arg29: memref<!tpu.dma_semaphore, #tpu.memory_space<semaphore_mem>>, %arg30: memref<!tpu.dma_semaphore, #tpu.memory_space<semaphore_mem>>, %arg31: memref<!tpu.dma_semaphore, #tpu.memory_space<semaphore_mem>>, %arg32: memref<10240x16xf32, #tpu.memory_space<vmem_shared>>) attributes {dimension_semantics = [#tpu.dimension_semantics<core_parallel>, #tpu.dimension_semantics<subcore_parallel>], iteration_bounds = array<i64: 2, 16>, scalar_prefetch = 0 : i64, scratch_operands = 24 : i64, tpu.core_type = #tpu.core_type<sc_vector_subcore>, window_params = [{transform_indices = #map}, {transform_indices = #map1}, {transform_indices = #map1}, {transform_indices = #map}, {transform_indices = #map}, {transform_indices = #map}, {transform_indices = #map2}]} {
    %mul3A = arith.constant 2 : i32
    %mul3A_0 = arith.muli %arg1, %mul3A : i32
    %add3A = arith.addi %mul3A_0, %arg0 : i32
    %mul3A_1 = arith.constant 5000 : i32
    %mul3A_2 = arith.muli %add3A, %mul3A_1 : i32
    %add3A_3 = arith.constant 160000 : i32
    %add3A_4 = arith.addi %add3A_3, %mul3A_2 : i32
    %mul3A_5 = arith.constant 2 : i32
    %mul3A_6 = arith.muli %mul3A_5, %add3A : i32
    %mul3A_7 = arith.constant 5000 : i32
    %mul3A_8 = arith.muli %mul3A_6, %mul3A_7 : i32
    "tpu.region"() ({
      %run_scoped3A = tpu.sem_alloc : memref<!tpu.dma_semaphore, #tpu.memory_space<semaphore_mem>>
      %dma_start3A_104 = tpu.memref_slice %arg3[%add3A_4] : memref<320000xi32, #tpu.memory_space<hbm>> -> memref<5000xi32, #tpu.memory_space<hbm>>
      %dma_start3A_105 = tpu.memref_slice %arg3[%add3A_4] : memref<320000xi32, #tpu.memory_space<hbm>> -> memref<5000xi32, #tpu.memory_space<hbm>>
      tpu.enqueue_dma source(%dma_start3A_105 : memref<5000xi32, #tpu.memory_space<hbm>>) target(%arg9 : memref<5000xi32, #tpu.memory_space<vmem>>) target_semaphore(%run_scoped3A : memref<!tpu.dma_semaphore, #tpu.memory_space<semaphore_mem>>)
      %dma_wait3A_106 = tpu.memref_slice %arg3[%add3A_4] : memref<320000xi32, #tpu.memory_space<hbm>> -> memref<5000xi32, #tpu.memory_space<hbm>>
      %dma_wait3A_107 = tpu.memref_slice %arg3[%add3A_4] : memref<320000xi32, #tpu.memory_space<hbm>> -> memref<5000xi32, #tpu.memory_space<hbm>>
      tpu.wait_dma2 semaphore(%run_scoped3A : memref<!tpu.dma_semaphore, #tpu.memory_space<semaphore_mem>>) src(%dma_wait3A_107 : memref<5000xi32, #tpu.memory_space<hbm>>) dst(%arg9 : memref<5000xi32, #tpu.memory_space<vmem>>)
      tpu.yield
    }) : () -> ()
    "tpu.region"() ({
      %run_scoped3A = tpu.sem_alloc : memref<!tpu.dma_semaphore, #tpu.memory_space<semaphore_mem>>
      %dma_start3A_104 = tpu.memref_slice %arg4[%add3A_4] : memref<320000xi32, #tpu.memory_space<hbm>> -> memref<5000xi32, #tpu.memory_space<hbm>>
      %dma_start3A_105 = tpu.memref_slice %arg4[%add3A_4] : memref<320000xi32, #tpu.memory_space<hbm>> -> memref<5000xi32, #tpu.memory_space<hbm>>
      tpu.enqueue_dma source(%dma_start3A_105 : memref<5000xi32, #tpu.memory_space<hbm>>) target(%arg10 : memref<5000xi32, #tpu.memory_space<vmem>>) target_semaphore(%run_scoped3A : memref<!tpu.dma_semaphore, #tpu.memory_space<semaphore_mem>>)
      %dma_wait3A_106 = tpu.memref_slice %arg4[%add3A_4] : memref<320000xi32, #tpu.memory_space<hbm>> -> memref<5000xi32, #tpu.memory_space<hbm>>
      %dma_wait3A_107 = tpu.memref_slice %arg4[%add3A_4] : memref<320000xi32, #tpu.memory_space<hbm>> -> memref<5000xi32, #tpu.memory_space<hbm>>
      tpu.wait_dma2 semaphore(%run_scoped3A : memref<!tpu.dma_semaphore, #tpu.memory_space<semaphore_mem>>) src(%dma_wait3A_107 : memref<5000xi32, #tpu.memory_space<hbm>>) dst(%arg10 : memref<5000xi32, #tpu.memory_space<vmem>>)
      tpu.yield
    }) : () -> ()
    "tpu.region"() ({
      %run_scoped3A = tpu.sem_alloc : memref<!tpu.dma_semaphore, #tpu.memory_space<semaphore_mem>>
      tpu.enqueue_dma source(%arg5 : memref<640x16xf32, #tpu.memory_space<hbm>>) target(%arg19 : memref<640x16xf32, #tpu.memory_space<vmem>>) target_semaphore(%run_scoped3A : memref<!tpu.dma_semaphore, #tpu.memory_space<semaphore_mem>>)
      tpu.wait_dma2 semaphore(%run_scoped3A : memref<!tpu.dma_semaphore, #tpu.memory_space<semaphore_mem>>) src(%arg5 : memref<640x16xf32, #tpu.memory_space<hbm>>) dst(%arg19 : memref<640x16xf32, #tpu.memory_space<vmem>>)
      tpu.yield
    }) : () -> ()
    %mul3A_9 = arith.constant 640 : i32
    %mul3A_10 = arith.muli %arg1, %mul3A_9 : i32
    "tpu.region"() ({
      %run_scoped3A = tpu.sem_alloc : memref<!tpu.dma_semaphore, #tpu.memory_space<semaphore_mem>>
      %dma_start3A_104 = arith.constant 0 : i32
      %dma_start3A_105 = tpu.memref_slice %arg32[%mul3A_10, %dma_start3A_104] : memref<10240x16xf32, #tpu.memory_space<vmem_shared>> -> memref<640x16xf32, #tpu.memory_space<vmem_shared>>
      %dma_start3A_106 = arith.constant 0 : i32
      %dma_start3A_107 = tpu.memref_slice %arg32[%mul3A_10, %dma_start3A_106] : memref<10240x16xf32, #tpu.memory_space<vmem_shared>> -> memref<640x16xf32, #tpu.memory_space<vmem_shared>>
      tpu.enqueue_dma source(%arg19 : memref<640x16xf32, #tpu.memory_space<vmem>>) target(%dma_start3A_107 : memref<640x16xf32, #tpu.memory_space<vmem_shared>>) target_semaphore(%run_scoped3A : memref<!tpu.dma_semaphore, #tpu.memory_space<semaphore_mem>>)
      %dma_wait3A_108 = arith.constant 0 : i32
      %dma_wait3A_109 = tpu.memref_slice %arg32[%mul3A_10, %dma_wait3A_108] : memref<10240x16xf32, #tpu.memory_space<vmem_shared>> -> memref<640x16xf32, #tpu.memory_space<vmem_shared>>
      %dma_wait3A_110 = arith.constant 0 : i32
      %dma_wait3A_111 = tpu.memref_slice %arg32[%mul3A_10, %dma_wait3A_110] : memref<10240x16xf32, #tpu.memory_space<vmem_shared>> -> memref<640x16xf32, #tpu.memory_space<vmem_shared>>
      tpu.wait_dma2 semaphore(%run_scoped3A : memref<!tpu.dma_semaphore, #tpu.memory_space<semaphore_mem>>) src(%arg19 : memref<640x16xf32, #tpu.memory_space<vmem>>) dst(%dma_wait3A_111 : memref<640x16xf32, #tpu.memory_space<vmem_shared>>)
      tpu.yield
    }) : () -> ()
    "tpu.region"() ({
      %run_scoped3A = tpu.sem_alloc : memref<!tpu.dma_semaphore, #tpu.memory_space<semaphore_mem>>
      tpu.enqueue_dma source(%arg6 : memref<80x16xf32, #tpu.memory_space<hbm>>) target(%arg20 : memref<80x16xf32, #tpu.memory_space<vmem>>) target_semaphore(%run_scoped3A : memref<!tpu.dma_semaphore, #tpu.memory_space<semaphore_mem>>)
      tpu.wait_dma2 semaphore(%run_scoped3A : memref<!tpu.dma_semaphore, #tpu.memory_space<semaphore_mem>>) src(%arg6 : memref<80x16xf32, #tpu.memory_space<hbm>>) dst(%arg20 : memref<80x16xf32, #tpu.memory_space<vmem>>)
      tpu.yield
    }) : () -> ()
    %mul3A_11 = arith.constant 10000 : i32
    %mul3A_12 = arith.muli %add3A, %mul3A_11 : i32
    "tpu.region"() ({
      %run_scoped3A = tpu.sem_alloc : memref<!tpu.dma_semaphore, #tpu.memory_space<semaphore_mem>>
      %dma_start3A_104 = tpu.memref_slice %arg4[%mul3A_12] : memref<320000xi32, #tpu.memory_space<hbm>> -> memref<10000xi32, #tpu.memory_space<hbm>>
      %dma_start3A_105 = tpu.memref_slice %arg4[%mul3A_12] : memref<320000xi32, #tpu.memory_space<hbm>> -> memref<10000xi32, #tpu.memory_space<hbm>>
      tpu.enqueue_dma source(%dma_start3A_105 : memref<10000xi32, #tpu.memory_space<hbm>>) target(%arg11 : memref<10000xi32, #tpu.memory_space<vmem>>) target_semaphore(%run_scoped3A : memref<!tpu.dma_semaphore, #tpu.memory_space<semaphore_mem>>)
      %dma_wait3A_106 = tpu.memref_slice %arg4[%mul3A_12] : memref<320000xi32, #tpu.memory_space<hbm>> -> memref<10000xi32, #tpu.memory_space<hbm>>
      %dma_wait3A_107 = tpu.memref_slice %arg4[%mul3A_12] : memref<320000xi32, #tpu.memory_space<hbm>> -> memref<10000xi32, #tpu.memory_space<hbm>>
      tpu.wait_dma2 semaphore(%run_scoped3A : memref<!tpu.dma_semaphore, #tpu.memory_space<semaphore_mem>>) src(%dma_wait3A_107 : memref<10000xi32, #tpu.memory_space<hbm>>) dst(%arg11 : memref<10000xi32, #tpu.memory_space<vmem>>)
      tpu.yield
    }) : () -> ()
    %scan3A = arith.constant 0 : i32
    %scan3A_13 = arith.constant 0 : i32
    %scan3A_14 = arith.constant 125 : i32
    %scan3A_15 = arith.addi %scan3A_13, %scan3A_14 : i32
    %scan3A_16 = arith.constant 1 : i32
    scf.for %scan3A_104 = %scan3A_13 to %scan3A_15 step %scan3A_16  : i32 {
      %mul3A_105 = arith.constant 80 : i32
      %mul3A_106 = arith.muli %scan3A_104, %mul3A_105 : i32
      %add3A_107 = arith.constant 0 : i32
      %add3A_108 = arith.addi %mul3A_106, %add3A_107 : i32
      %get3A = arith.index_cast %add3A_108 : i32 to index
      %get3A_109 = tpu.vector_load %arg11[%get3A] {strides = array<i32>} : memref<10000xi32, #tpu.memory_space<vmem>>, vector<16xi32>,
      %swap3A = arith.index_cast %scan3A_104 : i32 to index
      %swap3A_110 = arith.constant 0 : index
      %swap3A_111 = tpu.vector_load %arg18[%swap3A, %swap3A_110] {strides = array<i32>} : memref<125x80xi32, #tpu.memory_space<vmem>>, vector<16xi32>,
      tpu.vector_store %arg18[%swap3A, %swap3A_110], %get3A_109 {strides = array<i32>} : memref<125x80xi32, #tpu.memory_space<vmem>>, vector<16xi32>,
      %mul3A_112 = arith.constant 80 : i32
      %mul3A_113 = arith.muli %scan3A_104, %mul3A_112 : i32
      %add3A_114 = arith.constant 16 : i32
      %add3A_115 = arith.addi %mul3A_113, %add3A_114 : i32
      %get3A_116 = arith.index_cast %add3A_115 : i32 to index
      %get3A_117 = tpu.vector_load %arg11[%get3A_116] {strides = array<i32>} : memref<10000xi32, #tpu.memory_space<vmem>>, vector<16xi32>,
      %swap3A_118 = arith.index_cast %scan3A_104 : i32 to index
      %swap3A_119 = arith.constant 16 : index
      %swap3A_120 = tpu.vector_load %arg18[%swap3A_118, %swap3A_119] {strides = array<i32>} : memref<125x80xi32, #tpu.memory_space<vmem>>, vector<16xi32>,
      tpu.vector_store %arg18[%swap3A_118, %swap3A_119], %get3A_117 {strides = array<i32>} : memref<125x80xi32, #tpu.memory_space<vmem>>, vector<16xi32>,
      %mul3A_121 = arith.constant 80 : i32
      %mul3A_122 = arith.muli %scan3A_104, %mul3A_121 : i32
      %add3A_123 = arith.constant 32 : i32
      %add3A_124 = arith.addi %mul3A_122, %add3A_123 : i32
      %get3A_125 = arith.index_cast %add3A_124 : i32 to index
      %get3A_126 = tpu.vector_load %arg11[%get3A_125] {strides = array<i32>} : memref<10000xi32, #tpu.memory_space<vmem>>, vector<16xi32>,
      %swap3A_127 = arith.index_cast %scan3A_104 : i32 to index
      %swap3A_128 = arith.constant 32 : index
      %swap3A_129 = tpu.vector_load %arg18[%swap3A_127, %swap3A_128] {strides = array<i32>} : memref<125x80xi32, #tpu.memory_space<vmem>>, vector<16xi32>,
      tpu.vector_store %arg18[%swap3A_127, %swap3A_128], %get3A_126 {strides = array<i32>} : memref<125x80xi32, #tpu.memory_space<vmem>>, vector<16xi32>,
      %mul3A_130 = arith.constant 80 : i32
      %mul3A_131 = arith.muli %scan3A_104, %mul3A_130 : i32
      %add3A_132 = arith.constant 48 : i32
      %add3A_133 = arith.addi %mul3A_131, %add3A_132 : i32
      %get3A_134 = arith.index_cast %add3A_133 : i32 to index
      %get3A_135 = tpu.vector_load %arg11[%get3A_134] {strides = array<i32>} : memref<10000xi32, #tpu.memory_space<vmem>>, vector<16xi32>,
      %swap3A_136 = arith.index_cast %scan3A_104 : i32 to index
      %swap3A_137 = arith.constant 48 : index
      %swap3A_138 = tpu.vector_load %arg18[%swap3A_136, %swap3A_137] {strides = array<i32>} : memref<125x80xi32, #tpu.memory_space<vmem>>, vector<16xi32>,
      tpu.vector_store %arg18[%swap3A_136, %swap3A_137], %get3A_135 {strides = array<i32>} : memref<125x80xi32, #tpu.memory_space<vmem>>, vector<16xi32>,
      %mul3A_139 = arith.constant 80 : i32
      %mul3A_140 = arith.muli %scan3A_104, %mul3A_139 : i32
      %add3A_141 = arith.constant 64 : i32
      %add3A_142 = arith.addi %mul3A_140, %add3A_141 : i32
      %get3A_143 = arith.index_cast %add3A_142 : i32 to index
      %get3A_144 = tpu.vector_load %arg11[%get3A_143] {strides = array<i32>} : memref<10000xi32, #tpu.memory_space<vmem>>, vector<16xi32>,
      %swap3A_145 = arith.index_cast %scan3A_104 : i32 to index
      %swap3A_146 = arith.constant 64 : index
      %swap3A_147 = tpu.vector_load %arg18[%swap3A_145, %swap3A_146] {strides = array<i32>} : memref<125x80xi32, #tpu.memory_space<vmem>>, vector<16xi32>,
      tpu.vector_store %arg18[%swap3A_145, %swap3A_146], %get3A_144 {strides = array<i32>} : memref<125x80xi32, #tpu.memory_space<vmem>>, vector<16xi32>,
    }
    %scan3A_17 = arith.constant 125 : i32
    %barrier3A = arith.constant 0 : index
    tpu.barrier barrier_id(%barrier3A)
    %scan3A_18 = arith.constant 0 : i32
    %scan3A_19 = arith.constant 0 : i32
    %scan3A_20 = arith.constant 5 : i32
    %scan3A_21 = arith.addi %scan3A_19, %scan3A_20 : i32
    %scan3A_22 = arith.constant 1 : i32
    scf.for %scan3A_104 = %scan3A_19 to %scan3A_21 step %scan3A_22  : i32 {
      %mul3A_105 = arith.constant 25 : i32
      %mul3A_106 = arith.muli %scan3A_104, %mul3A_105 : i32
      %add3A_107 = arith.constant 0 : i32
      %add3A_108 = arith.addi %mul3A_106, %add3A_107 : i32
      %dma_start3A_109 = arith.constant 0 : i32
      %dma_start3A_110 = tpu.memref_slice %arg18[%add3A_108, %dma_start3A_109] : memref<125x80xi32, #tpu.memory_space<vmem>> -> memref<1x80xi32, #tpu.memory_space<vmem>>
      %dma_start3A_111 = tpu.memref_squeeze %dma_start3A_110 : memref<1x80xi32, #tpu.memory_space<vmem>> -> memref<80xi32, #tpu.memory_space<vmem>>
      %dma_start3A_112 = arith.constant 0 : i32
      %dma_start3A_113 = arith.constant 0 : i32
      %dma_start3A_114 = tpu.memref_slice %arg32[%dma_start3A_112, %dma_start3A_113] : memref<10240x16xf32, #tpu.memory_space<vmem_shared>> -> memref<10240x16xf32, #tpu.memory_space<vmem_shared>>
      tpu.enqueue_indirect_dma source(%arg20 : memref<80x16xf32, #tpu.memory_space<vmem>>) target(%dma_start3A_114 : memref<10240x16xf32, #tpu.memory_space<vmem_shared>>) offsets(%dma_start3A_111 : memref<80xi32, #tpu.memory_space<vmem>>) semaphore(%arg21 : memref<!tpu.dma_semaphore, #tpu.memory_space<semaphore_mem>>) {add = true}
      %mul3A_115 = arith.constant 25 : i32
      %mul3A_116 = arith.muli %scan3A_104, %mul3A_115 : i32
      %add3A_117 = arith.constant 1 : i32
      %add3A_118 = arith.addi %mul3A_116, %add3A_117 : i32
      %dma_start3A_119 = arith.constant 0 : i32
      %dma_start3A_120 = tpu.memref_slice %arg18[%add3A_118, %dma_start3A_119] : memref<125x80xi32, #tpu.memory_space<vmem>> -> memref<1x80xi32, #tpu.memory_space<vmem>>
      %dma_start3A_121 = tpu.memref_squeeze %dma_start3A_120 : memref<1x80xi32, #tpu.memory_space<vmem>> -> memref<80xi32, #tpu.memory_space<vmem>>
      %dma_start3A_122 = arith.constant 0 : i32
      %dma_start3A_123 = arith.constant 0 : i32
      %dma_start3A_124 = tpu.memref_slice %arg32[%dma_start3A_122, %dma_start3A_123] : memref<10240x16xf32, #tpu.memory_space<vmem_shared>> -> memref<10240x16xf32, #tpu.memory_space<vmem_shared>>
      tpu.enqueue_indirect_dma source(%arg20 : memref<80x16xf32, #tpu.memory_space<vmem>>) target(%dma_start3A_124 : memref<10240x16xf32, #tpu.memory_space<vmem_shared>>) offsets(%dma_start3A_121 : memref<80xi32, #tpu.memory_space<vmem>>) semaphore(%arg21 : memref<!tpu.dma_semaphore, #tpu.memory_space<semaphore_mem>>) {add = true}
      %mul3A_125 = arith.constant 25 : i32
      %mul3A_126 = arith.muli %scan3A_104, %mul3A_125 : i32
      %add3A_127 = arith.constant 2 : i32
      %add3A_128 = arith.addi %mul3A_126, %add3A_127 : i32
      %dma_start3A_129 = arith.constant 0 : i32
      %dma_start3A_130 = tpu.memref_slice %arg18[%add3A_128, %dma_start3A_129] : memref<125x80xi32, #tpu.memory_space<vmem>> -> memref<1x80xi32, #tpu.memory_space<vmem>>
      %dma_start3A_131 = tpu.memref_squeeze %dma_start3A_130 : memref<1x80xi32, #tpu.memory_space<vmem>> -> memref<80xi32, #tpu.memory_space<vmem>>
      %dma_start3A_132 = arith.constant 0 : i32
      %dma_start3A_133 = arith.constant 0 : i32
      %dma_start3A_134 = tpu.memref_slice %arg32[%dma_start3A_132, %dma_start3A_133] : memref<10240x16xf32, #tpu.memory_space<vmem_shared>> -> memref<10240x16xf32, #tpu.memory_space<vmem_shared>>
      tpu.enqueue_indirect_dma source(%arg20 : memref<80x16xf32, #tpu.memory_space<vmem>>) target(%dma_start3A_134 : memref<10240x16xf32, #tpu.memory_space<vmem_shared>>) offsets(%dma_start3A_131 : memref<80xi32, #tpu.memory_space<vmem>>) semaphore(%arg21 : memref<!tpu.dma_semaphore, #tpu.memory_space<semaphore_mem>>) {add = true}
      %mul3A_135 = arith.constant 25 : i32
      %mul3A_136 = arith.muli %scan3A_104, %mul3A_135 : i32
      %add3A_137 = arith.constant 3 : i32
      %add3A_138 = arith.addi %mul3A_136, %add3A_137 : i32
      %dma_start3A_139 = arith.constant 0 : i32
      %dma_start3A_140 = tpu.memref_slice %arg18[%add3A_138, %dma_start3A_139] : memref<125x80xi32, #tpu.memory_space<vmem>> -> memref<1x80xi32, #tpu.memory_space<vmem>>
      %dma_start3A_141 = tpu.memref_squeeze %dma_start3A_140 : memref<1x80xi32, #tpu.memory_space<vmem>> -> memref<80xi32, #tpu.memory_space<vmem>>
      %dma_start3A_142 = arith.constant 0 : i32
      %dma_start3A_143 = arith.constant 0 : i32
      %dma_start3A_144 = tpu.memref_slice %arg32[%dma_start3A_142, %dma_start3A_143] : memref<10240x16xf32, #tpu.memory_space<vmem_shared>> -> memref<10240x16xf32, #tpu.memory_space<vmem_shared>>
      tpu.enqueue_indirect_dma source(%arg20 : memref<80x16xf32, #tpu.memory_space<vmem>>) target(%dma_start3A_144 : memref<10240x16xf32, #tpu.memory_space<vmem_shared>>) offsets(%dma_start3A_141 : memref<80xi32, #tpu.memory_space<vmem>>) semaphore(%arg21 : memref<!tpu.dma_semaphore, #tpu.memory_space<semaphore_mem>>) {add = true}
      %mul3A_145 = arith.constant 25 : i32
      %mul3A_146 = arith.muli %scan3A_104, %mul3A_145 : i32
      %add3A_147 = arith.constant 4 : i32
      %add3A_148 = arith.addi %mul3A_146, %add3A_147 : i32
      %dma_start3A_149 = arith.constant 0 : i32
      %dma_start3A_150 = tpu.memref_slice %arg18[%add3A_148, %dma_start3A_149] : memref<125x80xi32, #tpu.memory_space<vmem>> -> memref<1x80xi32, #tpu.memory_space<vmem>>
      %dma_start3A_151 = tpu.memref_squeeze %dma_start3A_150 : memref<1x80xi32, #tpu.memory_space<vmem>> -> memref<80xi32, #tpu.memory_space<vmem>>
      %dma_start3A_152 = arith.constant 0 : i32
      %dma_start3A_153 = arith.constant 0 : i32
      %dma_start3A_154 = tpu.memref_slice %arg32[%dma_start3A_152, %dma_start3A_153] : memref<10240x16xf32, #tpu.memory_space<vmem_shared>> -> memref<10240x16xf32, #tpu.memory_space<vmem_shared>>
      tpu.enqueue_indirect_dma source(%arg20 : memref<80x16xf32, #tpu.memory_space<vmem>>) target(%dma_start3A_154 : memref<10240x16xf32, #tpu.memory_space<vmem_shared>>) offsets(%dma_start3A_151 : memref<80xi32, #tpu.memory_space<vmem>>) semaphore(%arg21 : memref<!tpu.dma_semaphore, #tpu.memory_space<semaphore_mem>>) {add = true}
      %mul3A_155 = arith.constant 25 : i32
      %mul3A_156 = arith.muli %scan3A_104, %mul3A_155 : i32
      %add3A_157 = arith.constant 5 : i32
      %add3A_158 = arith.addi %mul3A_156, %add3A_157 : i32
      %dma_start3A_159 = arith.constant 0 : i32
      %dma_start3A_160 = tpu.memref_slice %arg18[%add3A_158, %dma_start3A_159] : memref<125x80xi32, #tpu.memory_space<vmem>> -> memref<1x80xi32, #tpu.memory_space<vmem>>
      %dma_start3A_161 = tpu.memref_squeeze %dma_start3A_160 : memref<1x80xi32, #tpu.memory_space<vmem>> -> memref<80xi32, #tpu.memory_space<vmem>>
      %dma_start3A_162 = arith.constant 0 : i32
      %dma_start3A_163 = arith.constant 0 : i32
      %dma_start3A_164 = tpu.memref_slice %arg32[%dma_start3A_162, %dma_start3A_163] : memref<10240x16xf32, #tpu.memory_space<vmem_shared>> -> memref<10240x16xf32, #tpu.memory_space<vmem_shared>>
      tpu.enqueue_indirect_dma source(%arg20 : memref<80x16xf32, #tpu.memory_space<vmem>>) target(%dma_start3A_164 : memref<10240x16xf32, #tpu.memory_space<vmem_shared>>) offsets(%dma_start3A_161 : memref<80xi32, #tpu.memory_space<vmem>>) semaphore(%arg21 : memref<!tpu.dma_semaphore, #tpu.memory_space<semaphore_mem>>) {add = true}
      %mul3A_165 = arith.constant 25 : i32
      %mul3A_166 = arith.muli %scan3A_104, %mul3A_165 : i32
      %add3A_167 = arith.constant 6 : i32
      %add3A_168 = arith.addi %mul3A_166, %add3A_167 : i32
      %dma_start3A_169 = arith.constant 0 : i32
      %dma_start3A_170 = tpu.memref_slice %arg18[%add3A_168, %dma_start3A_169] : memref<125x80xi32, #tpu.memory_space<vmem>> -> memref<1x80xi32, #tpu.memory_space<vmem>>
      %dma_start3A_171 = tpu.memref_squeeze %dma_start3A_170 : memref<1x80xi32, #tpu.memory_space<vmem>> -> memref<80xi32, #tpu.memory_space<vmem>>
      %dma_start3A_172 = arith.constant 0 : i32
      %dma_start3A_173 = arith.constant 0 : i32
      %dma_start3A_174 = tpu.memref_slice %arg32[%dma_start3A_172, %dma_start3A_173] : memref<10240x16xf32, #tpu.memory_space<vmem_shared>> -> memref<10240x16xf32, #tpu.memory_space<vmem_shared>>
      tpu.enqueue_indirect_dma source(%arg20 : memref<80x16xf32, #tpu.memory_space<vmem>>) target(%dma_start3A_174 : memref<10240x16xf32, #tpu.memory_space<vmem_shared>>) offsets(%dma_start3A_171 : memref<80xi32, #tpu.memory_space<vmem>>) semaphore(%arg21 : memref<!tpu.dma_semaphore, #tpu.memory_space<semaphore_mem>>) {add = true}
      %mul3A_175 = arith.constant 25 : i32
      %mul3A_176 = arith.muli %scan3A_104, %mul3A_175 : i32
      %add3A_177 = arith.constant 7 : i32
      %add3A_178 = arith.addi %mul3A_176, %add3A_177 : i32
      %dma_start3A_179 = arith.constant 0 : i32
      %dma_start3A_180 = tpu.memref_slice %arg18[%add3A_178, %dma_start3A_179] : memref<125x80xi32, #tpu.memory_space<vmem>> -> memref<1x80xi32, #tpu.memory_space<vmem>>
      %dma_start3A_181 = tpu.memref_squeeze %dma_start3A_180 : memref<1x80xi32, #tpu.memory_space<vmem>> -> memref<80xi32, #tpu.memory_space<vmem>>
      %dma_start3A_182 = arith.constant 0 : i32
      %dma_start3A_183 = arith.constant 0 : i32
      %dma_start3A_184 = tpu.memref_slice %arg32[%dma_start3A_182, %dma_start3A_183] : memref<10240x16xf32, #tpu.memory_space<vmem_shared>> -> memref<10240x16xf32, #tpu.memory_space<vmem_shared>>
      tpu.enqueue_indirect_dma source(%arg20 : memref<80x16xf32, #tpu.memory_space<vmem>>) target(%dma_start3A_184 : memref<10240x16xf32, #tpu.memory_space<vmem_shared>>) offsets(%dma_start3A_181 : memref<80xi32, #tpu.memory_space<vmem>>) semaphore(%arg21 : memref<!tpu.dma_semaphore, #tpu.memory_space<semaphore_mem>>) {add = true}
      %mul3A_185 = arith.constant 25 : i32
      %mul3A_186 = arith.muli %scan3A_104, %mul3A_185 : i32
      %add3A_187 = arith.constant 8 : i32
      %add3A_188 = arith.addi %mul3A_186, %add3A_187 : i32
      %dma_start3A_189 = arith.constant 0 : i32
      %dma_start3A_190 = tpu.memref_slice %arg18[%add3A_188, %dma_start3A_189] : memref<125x80xi32, #tpu.memory_space<vmem>> -> memref<1x80xi32, #tpu.memory_space<vmem>>
      %dma_start3A_191 = tpu.memref_squeeze %dma_start3A_190 : memref<1x80xi32, #tpu.memory_space<vmem>> -> memref<80xi32, #tpu.memory_space<vmem>>
      %dma_start3A_192 = arith.constant 0 : i32
      %dma_start3A_193 = arith.constant 0 : i32
      %dma_start3A_194 = tpu.memref_slice %arg32[%dma_start3A_192, %dma_start3A_193] : memref<10240x16xf32, #tpu.memory_space<vmem_shared>> -> memref<10240x16xf32, #tpu.memory_space<vmem_shared>>
      tpu.enqueue_indirect_dma source(%arg20 : memref<80x16xf32, #tpu.memory_space<vmem>>) target(%dma_start3A_194 : memref<10240x16xf32, #tpu.memory_space<vmem_shared>>) offsets(%dma_start3A_191 : memref<80xi32, #tpu.memory_space<vmem>>) semaphore(%arg21 : memref<!tpu.dma_semaphore, #tpu.memory_space<semaphore_mem>>) {add = true}
      %mul3A_195 = arith.constant 25 : i32
      %mul3A_196 = arith.muli %scan3A_104, %mul3A_195 : i32
      %add3A_197 = arith.constant 9 : i32
      %add3A_198 = arith.addi %mul3A_196, %add3A_197 : i32
      %dma_start3A_199 = arith.constant 0 : i32
      %dma_start3A_200 = tpu.memref_slice %arg18[%add3A_198, %dma_start3A_199] : memref<125x80xi32, #tpu.memory_space<vmem>> -> memref<1x80xi32, #tpu.memory_space<vmem>>
      %dma_start3A_201 = tpu.memref_squeeze %dma_start3A_200 : memref<1x80xi32, #tpu.memory_space<vmem>> -> memref<80xi32, #tpu.memory_space<vmem>>
      %dma_start3A_202 = arith.constant 0 : i32
      %dma_start3A_203 = arith.constant 0 : i32
      %dma_start3A_204 = tpu.memref_slice %arg32[%dma_start3A_202, %dma_start3A_203] : memref<10240x16xf32, #tpu.memory_space<vmem_shared>> -> memref<10240x16xf32, #tpu.memory_space<vmem_shared>>
      tpu.enqueue_indirect_dma source(%arg20 : memref<80x16xf32, #tpu.memory_space<vmem>>) target(%dma_start3A_204 : memref<10240x16xf32, #tpu.memory_space<vmem_shared>>) offsets(%dma_start3A_201 : memref<80xi32, #tpu.memory_space<vmem>>) semaphore(%arg21 : memref<!tpu.dma_semaphore, #tpu.memory_space<semaphore_mem>>) {add = true}
      %mul3A_205 = arith.constant 25 : i32
      %mul3A_206 = arith.muli %scan3A_104, %mul3A_205 : i32
      %add3A_207 = arith.constant 10 : i32
      %add3A_208 = arith.addi %mul3A_206, %add3A_207 : i32
      %dma_start3A_209 = arith.constant 0 : i32
      %dma_start3A_210 = tpu.memref_slice %arg18[%add3A_208, %dma_start3A_209] : memref<125x80xi32, #tpu.memory_space<vmem>> -> memref<1x80xi32, #tpu.memory_space<vmem>>
      %dma_start3A_211 = tpu.memref_squeeze %dma_start3A_210 : memref<1x80xi32, #tpu.memory_space<vmem>> -> memref<80xi32, #tpu.memory_space<vmem>>
      %dma_start3A_212 = arith.constant 0 : i32
      %dma_start3A_213 = arith.constant 0 : i32
      %dma_start3A_214 = tpu.memref_slice %arg32[%dma_start3A_212, %dma_start3A_213] : memref<10240x16xf32, #tpu.memory_space<vmem_shared>> -> memref<10240x16xf32, #tpu.memory_space<vmem_shared>>
      tpu.enqueue_indirect_dma source(%arg20 : memref<80x16xf32, #tpu.memory_space<vmem>>) target(%dma_start3A_214 : memref<10240x16xf32, #tpu.memory_space<vmem_shared>>) offsets(%dma_start3A_211 : memref<80xi32, #tpu.memory_space<vmem>>) semaphore(%arg21 : memref<!tpu.dma_semaphore, #tpu.memory_space<semaphore_mem>>) {add = true}
      %mul3A_215 = arith.constant 25 : i32
      %mul3A_216 = arith.muli %scan3A_104, %mul3A_215 : i32
      %add3A_217 = arith.constant 11 : i32
      %add3A_218 = arith.addi %mul3A_216, %add3A_217 : i32
      %dma_start3A_219 = arith.constant 0 : i32
      %dma_start3A_220 = tpu.memref_slice %arg18[%add3A_218, %dma_start3A_219] : memref<125x80xi32, #tpu.memory_space<vmem>> -> memref<1x80xi32, #tpu.memory_space<vmem>>
      %dma_start3A_221 = tpu.memref_squeeze %dma_start3A_220 : memref<1x80xi32, #tpu.memory_space<vmem>> -> memref<80xi32, #tpu.memory_space<vmem>>
      %dma_start3A_222 = arith.constant 0 : i32
      %dma_start3A_223 = arith.constant 0 : i32
      %dma_start3A_224 = tpu.memref_slice %arg32[%dma_start3A_222, %dma_start3A_223] : memref<10240x16xf32, #tpu.memory_space<vmem_shared>> -> memref<10240x16xf32, #tpu.memory_space<vmem_shared>>
      tpu.enqueue_indirect_dma source(%arg20 : memref<80x16xf32, #tpu.memory_space<vmem>>) target(%dma_start3A_224 : memref<10240x16xf32, #tpu.memory_space<vmem_shared>>) offsets(%dma_start3A_221 : memref<80xi32, #tpu.memory_space<vmem>>) semaphore(%arg21 : memref<!tpu.dma_semaphore, #tpu.memory_space<semaphore_mem>>) {add = true}
      %mul3A_225 = arith.constant 25 : i32
      %mul3A_226 = arith.muli %scan3A_104, %mul3A_225 : i32
      %add3A_227 = arith.constant 12 : i32
      %add3A_228 = arith.addi %mul3A_226, %add3A_227 : i32
      %dma_start3A_229 = arith.constant 0 : i32
      %dma_start3A_230 = tpu.memref_slice %arg18[%add3A_228, %dma_start3A_229] : memref<125x80xi32, #tpu.memory_space<vmem>> -> memref<1x80xi32, #tpu.memory_space<vmem>>
      %dma_start3A_231 = tpu.memref_squeeze %dma_start3A_230 : memref<1x80xi32, #tpu.memory_space<vmem>> -> memref<80xi32, #tpu.memory_space<vmem>>
      %dma_start3A_232 = arith.constant 0 : i32
      %dma_start3A_233 = arith.constant 0 : i32
      %dma_start3A_234 = tpu.memref_slice %arg32[%dma_start3A_232, %dma_start3A_233] : memref<10240x16xf32, #tpu.memory_space<vmem_shared>> -> memref<10240x16xf32, #tpu.memory_space<vmem_shared>>
      tpu.enqueue_indirect_dma source(%arg20 : memref<80x16xf32, #tpu.memory_space<vmem>>) target(%dma_start3A_234 : memref<10240x16xf32, #tpu.memory_space<vmem_shared>>) offsets(%dma_start3A_231 : memref<80xi32, #tpu.memory_space<vmem>>) semaphore(%arg21 : memref<!tpu.dma_semaphore, #tpu.memory_space<semaphore_mem>>) {add = true}
      %mul3A_235 = arith.constant 25 : i32
      %mul3A_236 = arith.muli %scan3A_104, %mul3A_235 : i32
      %add3A_237 = arith.constant 13 : i32
      %add3A_238 = arith.addi %mul3A_236, %add3A_237 : i32
      %dma_start3A_239 = arith.constant 0 : i32
      %dma_start3A_240 = tpu.memref_slice %arg18[%add3A_238, %dma_start3A_239] : memref<125x80xi32, #tpu.memory_space<vmem>> -> memref<1x80xi32, #tpu.memory_space<vmem>>
      %dma_start3A_241 = tpu.memref_squeeze %dma_start3A_240 : memref<1x80xi32, #tpu.memory_space<vmem>> -> memref<80xi32, #tpu.memory_space<vmem>>
      %dma_start3A_242 = arith.constant 0 : i32
      %dma_start3A_243 = arith.constant 0 : i32
      %dma_start3A_244 = tpu.memref_slice %arg32[%dma_start3A_242, %dma_start3A_243] : memref<10240x16xf32, #tpu.memory_space<vmem_shared>> -> memref<10240x16xf32, #tpu.memory_space<vmem_shared>>
      tpu.enqueue_indirect_dma source(%arg20 : memref<80x16xf32, #tpu.memory_space<vmem>>) target(%dma_start3A_244 : memref<10240x16xf32, #tpu.memory_space<vmem_shared>>) offsets(%dma_start3A_241 : memref<80xi32, #tpu.memory_space<vmem>>) semaphore(%arg21 : memref<!tpu.dma_semaphore, #tpu.memory_space<semaphore_mem>>) {add = true}
      %mul3A_245 = arith.constant 25 : i32
      %mul3A_246 = arith.muli %scan3A_104, %mul3A_245 : i32
      %add3A_247 = arith.constant 14 : i32
      %add3A_248 = arith.addi %mul3A_246, %add3A_247 : i32
      %dma_start3A_249 = arith.constant 0 : i32
      %dma_start3A_250 = tpu.memref_slice %arg18[%add3A_248, %dma_start3A_249] : memref<125x80xi32, #tpu.memory_space<vmem>> -> memref<1x80xi32, #tpu.memory_space<vmem>>
      %dma_start3A_251 = tpu.memref_squeeze %dma_start3A_250 : memref<1x80xi32, #tpu.memory_space<vmem>> -> memref<80xi32, #tpu.memory_space<vmem>>
      %dma_start3A_252 = arith.constant 0 : i32
      %dma_start3A_253 = arith.constant 0 : i32
      %dma_start3A_254 = tpu.memref_slice %arg32[%dma_start3A_252, %dma_start3A_253] : memref<10240x16xf32, #tpu.memory_space<vmem_shared>> -> memref<10240x16xf32, #tpu.memory_space<vmem_shared>>
      tpu.enqueue_indirect_dma source(%arg20 : memref<80x16xf32, #tpu.memory_space<vmem>>) target(%dma_start3A_254 : memref<10240x16xf32, #tpu.memory_space<vmem_shared>>) offsets(%dma_start3A_251 : memref<80xi32, #tpu.memory_space<vmem>>) semaphore(%arg21 : memref<!tpu.dma_semaphore, #tpu.memory_space<semaphore_mem>>) {add = true}
      %mul3A_255 = arith.constant 25 : i32
      %mul3A_256 = arith.muli %scan3A_104, %mul3A_255 : i32
      %add3A_257 = arith.constant 15 : i32
      %add3A_258 = arith.addi %mul3A_256, %add3A_257 : i32
      %dma_start3A_259 = arith.constant 0 : i32
      %dma_start3A_260 = tpu.memref_slice %arg18[%add3A_258, %dma_start3A_259] : memref<125x80xi32, #tpu.memory_space<vmem>> -> memref<1x80xi32, #tpu.memory_space<vmem>>
      %dma_start3A_261 = tpu.memref_squeeze %dma_start3A_260 : memref<1x80xi32, #tpu.memory_space<vmem>> -> memref<80xi32, #tpu.memory_space<vmem>>
      %dma_start3A_262 = arith.constant 0 : i32
      %dma_start3A_263 = arith.constant 0 : i32
      %dma_start3A_264 = tpu.memref_slice %arg32[%dma_start3A_262, %dma_start3A_263] : memref<10240x16xf32, #tpu.memory_space<vmem_shared>> -> memref<10240x16xf32, #tpu.memory_space<vmem_shared>>
      tpu.enqueue_indirect_dma source(%arg20 : memref<80x16xf32, #tpu.memory_space<vmem>>) target(%dma_start3A_264 : memref<10240x16xf32, #tpu.memory_space<vmem_shared>>) offsets(%dma_start3A_261 : memref<80xi32, #tpu.memory_space<vmem>>) semaphore(%arg21 : memref<!tpu.dma_semaphore, #tpu.memory_space<semaphore_mem>>) {add = true}
      %mul3A_265 = arith.constant 25 : i32
      %mul3A_266 = arith.muli %scan3A_104, %mul3A_265 : i32
      %add3A_267 = arith.constant 16 : i32
      %add3A_268 = arith.addi %mul3A_266, %add3A_267 : i32
      %dma_start3A_269 = arith.constant 0 : i32
      %dma_start3A_270 = tpu.memref_slice %arg18[%add3A_268, %dma_start3A_269] : memref<125x80xi32, #tpu.memory_space<vmem>> -> memref<1x80xi32, #tpu.memory_space<vmem>>
      %dma_start3A_271 = tpu.memref_squeeze %dma_start3A_270 : memref<1x80xi32, #tpu.memory_space<vmem>> -> memref<80xi32, #tpu.memory_space<vmem>>
      %dma_start3A_272 = arith.constant 0 : i32
      %dma_start3A_273 = arith.constant 0 : i32
      %dma_start3A_274 = tpu.memref_slice %arg32[%dma_start3A_272, %dma_start3A_273] : memref<10240x16xf32, #tpu.memory_space<vmem_shared>> -> memref<10240x16xf32, #tpu.memory_space<vmem_shared>>
      tpu.enqueue_indirect_dma source(%arg20 : memref<80x16xf32, #tpu.memory_space<vmem>>) target(%dma_start3A_274 : memref<10240x16xf32, #tpu.memory_space<vmem_shared>>) offsets(%dma_start3A_271 : memref<80xi32, #tpu.memory_space<vmem>>) semaphore(%arg21 : memref<!tpu.dma_semaphore, #tpu.memory_space<semaphore_mem>>) {add = true}
      %mul3A_275 = arith.constant 25 : i32
      %mul3A_276 = arith.muli %scan3A_104, %mul3A_275 : i32
      %add3A_277 = arith.constant 17 : i32
      %add3A_278 = arith.addi %mul3A_276, %add3A_277 : i32
      %dma_start3A_279 = arith.constant 0 : i32
      %dma_start3A_280 = tpu.memref_slice %arg18[%add3A_278, %dma_start3A_279] : memref<125x80xi32, #tpu.memory_space<vmem>> -> memref<1x80xi32, #tpu.memory_space<vmem>>
      %dma_start3A_281 = tpu.memref_squeeze %dma_start3A_280 : memref<1x80xi32, #tpu.memory_space<vmem>> -> memref<80xi32, #tpu.memory_space<vmem>>
      %dma_start3A_282 = arith.constant 0 : i32
      %dma_start3A_283 = arith.constant 0 : i32
      %dma_start3A_284 = tpu.memref_slice %arg32[%dma_start3A_282, %dma_start3A_283] : memref<10240x16xf32, #tpu.memory_space<vmem_shared>> -> memref<10240x16xf32, #tpu.memory_space<vmem_shared>>
      tpu.enqueue_indirect_dma source(%arg20 : memref<80x16xf32, #tpu.memory_space<vmem>>) target(%dma_start3A_284 : memref<10240x16xf32, #tpu.memory_space<vmem_shared>>) offsets(%dma_start3A_281 : memref<80xi32, #tpu.memory_space<vmem>>) semaphore(%arg21 : memref<!tpu.dma_semaphore, #tpu.memory_space<semaphore_mem>>) {add = true}
      %mul3A_285 = arith.constant 25 : i32
      %mul3A_286 = arith.muli %scan3A_104, %mul3A_285 : i32
      %add3A_287 = arith.constant 18 : i32
      %add3A_288 = arith.addi %mul3A_286, %add3A_287 : i32
      %dma_start3A_289 = arith.constant 0 : i32
      %dma_start3A_290 = tpu.memref_slice %arg18[%add3A_288, %dma_start3A_289] : memref<125x80xi32, #tpu.memory_space<vmem>> -> memref<1x80xi32, #tpu.memory_space<vmem>>
      %dma_start3A_291 = tpu.memref_squeeze %dma_start3A_290 : memref<1x80xi32, #tpu.memory_space<vmem>> -> memref<80xi32, #tpu.memory_space<vmem>>
      %dma_start3A_292 = arith.constant 0 : i32
      %dma_start3A_293 = arith.constant 0 : i32
      %dma_start3A_294 = tpu.memref_slice %arg32[%dma_start3A_292, %dma_start3A_293] : memref<10240x16xf32, #tpu.memory_space<vmem_shared>> -> memref<10240x16xf32, #tpu.memory_space<vmem_shared>>
      tpu.enqueue_indirect_dma source(%arg20 : memref<80x16xf32, #tpu.memory_space<vmem>>) target(%dma_start3A_294 : memref<10240x16xf32, #tpu.memory_space<vmem_shared>>) offsets(%dma_start3A_291 : memref<80xi32, #tpu.memory_space<vmem>>) semaphore(%arg21 : memref<!tpu.dma_semaphore, #tpu.memory_space<semaphore_mem>>) {add = true}
      %mul3A_295 = arith.constant 25 : i32
      %mul3A_296 = arith.muli %scan3A_104, %mul3A_295 : i32
      %add3A_297 = arith.constant 19 : i32
      %add3A_298 = arith.addi %mul3A_296, %add3A_297 : i32
      %dma_start3A_299 = arith.constant 0 : i32
      %dma_start3A_300 = tpu.memref_slice %arg18[%add3A_298, %dma_start3A_299] : memref<125x80xi32, #tpu.memory_space<vmem>> -> memref<1x80xi32, #tpu.memory_space<vmem>>
      %dma_start3A_301 = tpu.memref_squeeze %dma_start3A_300 : memref<1x80xi32, #tpu.memory_space<vmem>> -> memref<80xi32, #tpu.memory_space<vmem>>
      %dma_start3A_302 = arith.constant 0 : i32
      %dma_start3A_303 = arith.constant 0 : i32
      %dma_start3A_304 = tpu.memref_slice %arg32[%dma_start3A_302, %dma_start3A_303] : memref<10240x16xf32, #tpu.memory_space<vmem_shared>> -> memref<10240x16xf32, #tpu.memory_space<vmem_shared>>
      tpu.enqueue_indirect_dma source(%arg20 : memref<80x16xf32, #tpu.memory_space<vmem>>) target(%dma_start3A_304 : memref<10240x16xf32, #tpu.memory_space<vmem_shared>>) offsets(%dma_start3A_301 : memref<80xi32, #tpu.memory_space<vmem>>) semaphore(%arg21 : memref<!tpu.dma_semaphore, #tpu.memory_space<semaphore_mem>>) {add = true}
      %mul3A_305 = arith.constant 25 : i32
      %mul3A_306 = arith.muli %scan3A_104, %mul3A_305 : i32
      %add3A_307 = arith.constant 20 : i32
      %add3A_308 = arith.addi %mul3A_306, %add3A_307 : i32
      %dma_start3A_309 = arith.constant 0 : i32
      %dma_start3A_310 = tpu.memref_slice %arg18[%add3A_308, %dma_start3A_309] : memref<125x80xi32, #tpu.memory_space<vmem>> -> memref<1x80xi32, #tpu.memory_space<vmem>>
      %dma_start3A_311 = tpu.memref_squeeze %dma_start3A_310 : memref<1x80xi32, #tpu.memory_space<vmem>> -> memref<80xi32, #tpu.memory_space<vmem>>
      %dma_start3A_312 = arith.constant 0 : i32
      %dma_start3A_313 = arith.constant 0 : i32
      %dma_start3A_314 = tpu.memref_slice %arg32[%dma_start3A_312, %dma_start3A_313] : memref<10240x16xf32, #tpu.memory_space<vmem_shared>> -> memref<10240x16xf32, #tpu.memory_space<vmem_shared>>
      tpu.enqueue_indirect_dma source(%arg20 : memref<80x16xf32, #tpu.memory_space<vmem>>) target(%dma_start3A_314 : memref<10240x16xf32, #tpu.memory_space<vmem_shared>>) offsets(%dma_start3A_311 : memref<80xi32, #tpu.memory_space<vmem>>) semaphore(%arg21 : memref<!tpu.dma_semaphore, #tpu.memory_space<semaphore_mem>>) {add = true}
      %mul3A_315 = arith.constant 25 : i32
      %mul3A_316 = arith.muli %scan3A_104, %mul3A_315 : i32
      %add3A_317 = arith.constant 21 : i32
      %add3A_318 = arith.addi %mul3A_316, %add3A_317 : i32
      %dma_start3A_319 = arith.constant 0 : i32
      %dma_start3A_320 = tpu.memref_slice %arg18[%add3A_318, %dma_start3A_319] : memref<125x80xi32, #tpu.memory_space<vmem>> -> memref<1x80xi32, #tpu.memory_space<vmem>>
      %dma_start3A_321 = tpu.memref_squeeze %dma_start3A_320 : memref<1x80xi32, #tpu.memory_space<vmem>> -> memref<80xi32, #tpu.memory_space<vmem>>
      %dma_start3A_322 = arith.constant 0 : i32
      %dma_start3A_323 = arith.constant 0 : i32
      %dma_start3A_324 = tpu.memref_slice %arg32[%dma_start3A_322, %dma_start3A_323] : memref<10240x16xf32, #tpu.memory_space<vmem_shared>> -> memref<10240x16xf32, #tpu.memory_space<vmem_shared>>
      tpu.enqueue_indirect_dma source(%arg20 : memref<80x16xf32, #tpu.memory_space<vmem>>) target(%dma_start3A_324 : memref<10240x16xf32, #tpu.memory_space<vmem_shared>>) offsets(%dma_start3A_321 : memref<80xi32, #tpu.memory_space<vmem>>) semaphore(%arg21 : memref<!tpu.dma_semaphore, #tpu.memory_space<semaphore_mem>>) {add = true}
      %mul3A_325 = arith.constant 25 : i32
      %mul3A_326 = arith.muli %scan3A_104, %mul3A_325 : i32
      %add3A_327 = arith.constant 22 : i32
      %add3A_328 = arith.addi %mul3A_326, %add3A_327 : i32
      %dma_start3A_329 = arith.constant 0 : i32
      %dma_start3A_330 = tpu.memref_slice %arg18[%add3A_328, %dma_start3A_329] : memref<125x80xi32, #tpu.memory_space<vmem>> -> memref<1x80xi32, #tpu.memory_space<vmem>>
      %dma_start3A_331 = tpu.memref_squeeze %dma_start3A_330 : memref<1x80xi32, #tpu.memory_space<vmem>> -> memref<80xi32, #tpu.memory_space<vmem>>
      %dma_start3A_332 = arith.constant 0 : i32
      %dma_start3A_333 = arith.constant 0 : i32
      %dma_start3A_334 = tpu.memref_slice %arg32[%dma_start3A_332, %dma_start3A_333] : memref<10240x16xf32, #tpu.memory_space<vmem_shared>> -> memref<10240x16xf32, #tpu.memory_space<vmem_shared>>
      tpu.enqueue_indirect_dma source(%arg20 : memref<80x16xf32, #tpu.memory_space<vmem>>) target(%dma_start3A_334 : memref<10240x16xf32, #tpu.memory_space<vmem_shared>>) offsets(%dma_start3A_331 : memref<80xi32, #tpu.memory_space<vmem>>) semaphore(%arg21 : memref<!tpu.dma_semaphore, #tpu.memory_space<semaphore_mem>>) {add = true}
      %mul3A_335 = arith.constant 25 : i32
      %mul3A_336 = arith.muli %scan3A_104, %mul3A_335 : i32
      %add3A_337 = arith.constant 23 : i32
      %add3A_338 = arith.addi %mul3A_336, %add3A_337 : i32
      %dma_start3A_339 = arith.constant 0 : i32
      %dma_start3A_340 = tpu.memref_slice %arg18[%add3A_338, %dma_start3A_339] : memref<125x80xi32, #tpu.memory_space<vmem>> -> memref<1x80xi32, #tpu.memory_space<vmem>>
      %dma_start3A_341 = tpu.memref_squeeze %dma_start3A_340 : memref<1x80xi32, #tpu.memory_space<vmem>> -> memref<80xi32, #tpu.memory_space<vmem>>
      %dma_start3A_342 = arith.constant 0 : i32
      %dma_start3A_343 = arith.constant 0 : i32
      %dma_start3A_344 = tpu.memref_slice %arg32[%dma_start3A_342, %dma_start3A_343] : memref<10240x16xf32, #tpu.memory_space<vmem_shared>> -> memref<10240x16xf32, #tpu.memory_space<vmem_shared>>
      tpu.enqueue_indirect_dma source(%arg20 : memref<80x16xf32, #tpu.memory_space<vmem>>) target(%dma_start3A_344 : memref<10240x16xf32, #tpu.memory_space<vmem_shared>>) offsets(%dma_start3A_341 : memref<80xi32, #tpu.memory_space<vmem>>) semaphore(%arg21 : memref<!tpu.dma_semaphore, #tpu.memory_space<semaphore_mem>>) {add = true}
      %mul3A_345 = arith.constant 25 : i32
      %mul3A_346 = arith.muli %scan3A_104, %mul3A_345 : i32
      %add3A_347 = arith.constant 24 : i32
      %add3A_348 = arith.addi %mul3A_346, %add3A_347 : i32
      %dma_start3A_349 = arith.constant 0 : i32
      %dma_start3A_350 = tpu.memref_slice %arg18[%add3A_348, %dma_start3A_349] : memref<125x80xi32, #tpu.memory_space<vmem>> -> memref<1x80xi32, #tpu.memory_space<vmem>>
      %dma_start3A_351 = tpu.memref_squeeze %dma_start3A_350 : memref<1x80xi32, #tpu.memory_space<vmem>> -> memref<80xi32, #tpu.memory_space<vmem>>
      %dma_start3A_352 = arith.constant 0 : i32
      %dma_start3A_353 = arith.constant 0 : i32
      %dma_start3A_354 = tpu.memref_slice %arg32[%dma_start3A_352, %dma_start3A_353] : memref<10240x16xf32, #tpu.memory_space<vmem_shared>> -> memref<10240x16xf32, #tpu.memory_space<vmem_shared>>
      tpu.enqueue_indirect_dma source(%arg20 : memref<80x16xf32, #tpu.memory_space<vmem>>) target(%dma_start3A_354 : memref<10240x16xf32, #tpu.memory_space<vmem_shared>>) offsets(%dma_start3A_351 : memref<80xi32, #tpu.memory_space<vmem>>) semaphore(%arg21 : memref<!tpu.dma_semaphore, #tpu.memory_space<semaphore_mem>>) {add = true}
      %mul3A_355 = arith.constant 25 : i32
      %mul3A_356 = arith.muli %scan3A_104, %mul3A_355 : i32
      %add3A_357 = arith.constant 0 : i32
      %add3A_358 = arith.addi %mul3A_356, %add3A_357 : i32
      %dma_wait3A_359 = arith.constant 0 : i32
      %dma_wait3A_360 = tpu.memref_slice %arg18[%add3A_358, %dma_wait3A_359] : memref<125x80xi32, #tpu.memory_space<vmem>> -> memref<1x80xi32, #tpu.memory_space<vmem>>
      %dma_wait3A_361 = tpu.memref_squeeze %dma_wait3A_360 : memref<1x80xi32, #tpu.memory_space<vmem>> -> memref<80xi32, #tpu.memory_space<vmem>>
      %dma_wait3A_362 = arith.constant 0 : i32
      %dma_wait3A_363 = arith.constant 0 : i32
      %dma_wait3A_364 = tpu.memref_slice %arg32[%dma_wait3A_362, %dma_wait3A_363] : memref<10240x16xf32, #tpu.memory_space<vmem_shared>> -> memref<10240x16xf32, #tpu.memory_space<vmem_shared>>
      tpu.wait_indirect_dma semaphore(%arg21 : memref<!tpu.dma_semaphore, #tpu.memory_space<semaphore_mem>>) src(%arg20 : memref<80x16xf32, #tpu.memory_space<vmem>>) dst(%dma_wait3A_364 : memref<10240x16xf32, #tpu.memory_space<vmem_shared>>)
      %mul3A_365 = arith.constant 25 : i32
      %mul3A_366 = arith.muli %scan3A_104, %mul3A_365 : i32
      %add3A_367 = arith.constant 1 : i32
      %add3A_368 = arith.addi %mul3A_366, %add3A_367 : i32
      %dma_wait3A_369 = arith.constant 0 : i32
      %dma_wait3A_370 = tpu.memref_slice %arg18[%add3A_368, %dma_wait3A_369] : memref<125x80xi32, #tpu.memory_space<vmem>> -> memref<1x80xi32, #tpu.memory_space<vmem>>
      %dma_wait3A_371 = tpu.memref_squeeze %dma_wait3A_370 : memref<1x80xi32, #tpu.memory_space<vmem>> -> memref<80xi32, #tpu.memory_space<vmem>>
      %dma_wait3A_372 = arith.constant 0 : i32
      %dma_wait3A_373 = arith.constant 0 : i32
      %dma_wait3A_374 = tpu.memref_slice %arg32[%dma_wait3A_372, %dma_wait3A_373] : memref<10240x16xf32, #tpu.memory_space<vmem_shared>> -> memref<10240x16xf32, #tpu.memory_space<vmem_shared>>
      tpu.wait_indirect_dma semaphore(%arg21 : memref<!tpu.dma_semaphore, #tpu.memory_space<semaphore_mem>>) src(%arg20 : memref<80x16xf32, #tpu.memory_space<vmem>>) dst(%dma_wait3A_374 : memref<10240x16xf32, #tpu.memory_space<vmem_shared>>)
      %mul3A_375 = arith.constant 25 : i32
      %mul3A_376 = arith.muli %scan3A_104, %mul3A_375 : i32
      %add3A_377 = arith.constant 2 : i32
      %add3A_378 = arith.addi %mul3A_376, %add3A_377 : i32
      %dma_wait3A_379 = arith.constant 0 : i32
      %dma_wait3A_380 = tpu.memref_slice %arg18[%add3A_378, %dma_wait3A_379] : memref<125x80xi32, #tpu.memory_space<vmem>> -> memref<1x80xi32, #tpu.memory_space<vmem>>
      %dma_wait3A_381 = tpu.memref_squeeze %dma_wait3A_380 : memref<1x80xi32, #tpu.memory_space<vmem>> -> memref<80xi32, #tpu.memory_space<vmem>>
      %dma_wait3A_382 = arith.constant 0 : i32
      %dma_wait3A_383 = arith.constant 0 : i32
      %dma_wait3A_384 = tpu.memref_slice %arg32[%dma_wait3A_382, %dma_wait3A_383] : memref<10240x16xf32, #tpu.memory_space<vmem_shared>> -> memref<10240x16xf32, #tpu.memory_space<vmem_shared>>
      tpu.wait_indirect_dma semaphore(%arg21 : memref<!tpu.dma_semaphore, #tpu.memory_space<semaphore_mem>>) src(%arg20 : memref<80x16xf32, #tpu.memory_space<vmem>>) dst(%dma_wait3A_384 : memref<10240x16xf32, #tpu.memory_space<vmem_shared>>)
      %mul3A_385 = arith.constant 25 : i32
      %mul3A_386 = arith.muli %scan3A_104, %mul3A_385 : i32
      %add3A_387 = arith.constant 3 : i32
      %add3A_388 = arith.addi %mul3A_386, %add3A_387 : i32
      %dma_wait3A_389 = arith.constant 0 : i32
      %dma_wait3A_390 = tpu.memref_slice %arg18[%add3A_388, %dma_wait3A_389] : memref<125x80xi32, #tpu.memory_space<vmem>> -> memref<1x80xi32, #tpu.memory_space<vmem>>
      %dma_wait3A_391 = tpu.memref_squeeze %dma_wait3A_390 : memref<1x80xi32, #tpu.memory_space<vmem>> -> memref<80xi32, #tpu.memory_space<vmem>>
      %dma_wait3A_392 = arith.constant 0 : i32
      %dma_wait3A_393 = arith.constant 0 : i32
      %dma_wait3A_394 = tpu.memref_slice %arg32[%dma_wait3A_392, %dma_wait3A_393] : memref<10240x16xf32, #tpu.memory_space<vmem_shared>> -> memref<10240x16xf32, #tpu.memory_space<vmem_shared>>
      tpu.wait_indirect_dma semaphore(%arg21 : memref<!tpu.dma_semaphore, #tpu.memory_space<semaphore_mem>>) src(%arg20 : memref<80x16xf32, #tpu.memory_space<vmem>>) dst(%dma_wait3A_394 : memref<10240x16xf32, #tpu.memory_space<vmem_shared>>)
      %mul3A_395 = arith.constant 25 : i32
      %mul3A_396 = arith.muli %scan3A_104, %mul3A_395 : i32
      %add3A_397 = arith.constant 4 : i32
      %add3A_398 = arith.addi %mul3A_396, %add3A_397 : i32
      %dma_wait3A_399 = arith.constant 0 : i32
      %dma_wait3A_400 = tpu.memref_slice %arg18[%add3A_398, %dma_wait3A_399] : memref<125x80xi32, #tpu.memory_space<vmem>> -> memref<1x80xi32, #tpu.memory_space<vmem>>
      %dma_wait3A_401 = tpu.memref_squeeze %dma_wait3A_400 : memref<1x80xi32, #tpu.memory_space<vmem>> -> memref<80xi32, #tpu.memory_space<vmem>>
      %dma_wait3A_402 = arith.constant 0 : i32
      %dma_wait3A_403 = arith.constant 0 : i32
      %dma_wait3A_404 = tpu.memref_slice %arg32[%dma_wait3A_402, %dma_wait3A_403] : memref<10240x16xf32, #tpu.memory_space<vmem_shared>> -> memref<10240x16xf32, #tpu.memory_space<vmem_shared>>
      tpu.wait_indirect_dma semaphore(%arg21 : memref<!tpu.dma_semaphore, #tpu.memory_space<semaphore_mem>>) src(%arg20 : memref<80x16xf32, #tpu.memory_space<vmem>>) dst(%dma_wait3A_404 : memref<10240x16xf32, #tpu.memory_space<vmem_shared>>)
      %mul3A_405 = arith.constant 25 : i32
      %mul3A_406 = arith.muli %scan3A_104, %mul3A_405 : i32
      %add3A_407 = arith.constant 5 : i32
      %add3A_408 = arith.addi %mul3A_406, %add3A_407 : i32
      %dma_wait3A_409 = arith.constant 0 : i32
      %dma_wait3A_410 = tpu.memref_slice %arg18[%add3A_408, %dma_wait3A_409] : memref<125x80xi32, #tpu.memory_space<vmem>> -> memref<1x80xi32, #tpu.memory_space<vmem>>
      %dma_wait3A_411 = tpu.memref_squeeze %dma_wait3A_410 : memref<1x80xi32, #tpu.memory_space<vmem>> -> memref<80xi32, #tpu.memory_space<vmem>>
      %dma_wait3A_412 = arith.constant 0 : i32
      %dma_wait3A_413 = arith.constant 0 : i32
      %dma_wait3A_414 = tpu.memref_slice %arg32[%dma_wait3A_412, %dma_wait3A_413] : memref<10240x16xf32, #tpu.memory_space<vmem_shared>> -> memref<10240x16xf32, #tpu.memory_space<vmem_shared>>
      tpu.wait_indirect_dma semaphore(%arg21 : memref<!tpu.dma_semaphore, #tpu.memory_space<semaphore_mem>>) src(%arg20 : memref<80x16xf32, #tpu.memory_space<vmem>>) dst(%dma_wait3A_414 : memref<10240x16xf32, #tpu.memory_space<vmem_shared>>)
      %mul3A_415 = arith.constant 25 : i32
      %mul3A_416 = arith.muli %scan3A_104, %mul3A_415 : i32
      %add3A_417 = arith.constant 6 : i32
      %add3A_418 = arith.addi %mul3A_416, %add3A_417 : i32
      %dma_wait3A_419 = arith.constant 0 : i32
      %dma_wait3A_420 = tpu.memref_slice %arg18[%add3A_418, %dma_wait3A_419] : memref<125x80xi32, #tpu.memory_space<vmem>> -> memref<1x80xi32, #tpu.memory_space<vmem>>
      %dma_wait3A_421 = tpu.memref_squeeze %dma_wait3A_420 : memref<1x80xi32, #tpu.memory_space<vmem>> -> memref<80xi32, #tpu.memory_space<vmem>>
      %dma_wait3A_422 = arith.constant 0 : i32
      %dma_wait3A_423 = arith.constant 0 : i32
      %dma_wait3A_424 = tpu.memref_slice %arg32[%dma_wait3A_422, %dma_wait3A_423] : memref<10240x16xf32, #tpu.memory_space<vmem_shared>> -> memref<10240x16xf32, #tpu.memory_space<vmem_shared>>
      tpu.wait_indirect_dma semaphore(%arg21 : memref<!tpu.dma_semaphore, #tpu.memory_space<semaphore_mem>>) src(%arg20 : memref<80x16xf32, #tpu.memory_space<vmem>>) dst(%dma_wait3A_424 : memref<10240x16xf32, #tpu.memory_space<vmem_shared>>)
      %mul3A_425 = arith.constant 25 : i32
      %mul3A_426 = arith.muli %scan3A_104, %mul3A_425 : i32
      %add3A_427 = arith.constant 7 : i32
      %add3A_428 = arith.addi %mul3A_426, %add3A_427 : i32
      %dma_wait3A_429 = arith.constant 0 : i32
      %dma_wait3A_430 = tpu.memref_slice %arg18[%add3A_428, %dma_wait3A_429] : memref<125x80xi32, #tpu.memory_space<vmem>> -> memref<1x80xi32, #tpu.memory_space<vmem>>
      %dma_wait3A_431 = tpu.memref_squeeze %dma_wait3A_430 : memref<1x80xi32, #tpu.memory_space<vmem>> -> memref<80xi32, #tpu.memory_space<vmem>>
      %dma_wait3A_432 = arith.constant 0 : i32
      %dma_wait3A_433 = arith.constant 0 : i32
      %dma_wait3A_434 = tpu.memref_slice %arg32[%dma_wait3A_432, %dma_wait3A_433] : memref<10240x16xf32, #tpu.memory_space<vmem_shared>> -> memref<10240x16xf32, #tpu.memory_space<vmem_shared>>
      tpu.wait_indirect_dma semaphore(%arg21 : memref<!tpu.dma_semaphore, #tpu.memory_space<semaphore_mem>>) src(%arg20 : memref<80x16xf32, #tpu.memory_space<vmem>>) dst(%dma_wait3A_434 : memref<10240x16xf32, #tpu.memory_space<vmem_shared>>)
      %mul3A_435 = arith.constant 25 : i32
      %mul3A_436 = arith.muli %scan3A_104, %mul3A_435 : i32
      %add3A_437 = arith.constant 8 : i32
      %add3A_438 = arith.addi %mul3A_436, %add3A_437 : i32
      %dma_wait3A_439 = arith.constant 0 : i32
      %dma_wait3A_440 = tpu.memref_slice %arg18[%add3A_438, %dma_wait3A_439] : memref<125x80xi32, #tpu.memory_space<vmem>> -> memref<1x80xi32, #tpu.memory_space<vmem>>
      %dma_wait3A_441 = tpu.memref_squeeze %dma_wait3A_440 : memref<1x80xi32, #tpu.memory_space<vmem>> -> memref<80xi32, #tpu.memory_space<vmem>>
      %dma_wait3A_442 = arith.constant 0 : i32
      %dma_wait3A_443 = arith.constant 0 : i32
      %dma_wait3A_444 = tpu.memref_slice %arg32[%dma_wait3A_442, %dma_wait3A_443] : memref<10240x16xf32, #tpu.memory_space<vmem_shared>> -> memref<10240x16xf32, #tpu.memory_space<vmem_shared>>
      tpu.wait_indirect_dma semaphore(%arg21 : memref<!tpu.dma_semaphore, #tpu.memory_space<semaphore_mem>>) src(%arg20 : memref<80x16xf32, #tpu.memory_space<vmem>>) dst(%dma_wait3A_444 : memref<10240x16xf32, #tpu.memory_space<vmem_shared>>)
      %mul3A_445 = arith.constant 25 : i32
      %mul3A_446 = arith.muli %scan3A_104, %mul3A_445 : i32
      %add3A_447 = arith.constant 9 : i32
      %add3A_448 = arith.addi %mul3A_446, %add3A_447 : i32
      %dma_wait3A_449 = arith.constant 0 : i32
      %dma_wait3A_450 = tpu.memref_slice %arg18[%add3A_448, %dma_wait3A_449] : memref<125x80xi32, #tpu.memory_space<vmem>> -> memref<1x80xi32, #tpu.memory_space<vmem>>
      %dma_wait3A_451 = tpu.memref_squeeze %dma_wait3A_450 : memref<1x80xi32, #tpu.memory_space<vmem>> -> memref<80xi32, #tpu.memory_space<vmem>>
      %dma_wait3A_452 = arith.constant 0 : i32
      %dma_wait3A_453 = arith.constant 0 : i32
      %dma_wait3A_454 = tpu.memref_slice %arg32[%dma_wait3A_452, %dma_wait3A_453] : memref<10240x16xf32, #tpu.memory_space<vmem_shared>> -> memref<10240x16xf32, #tpu.memory_space<vmem_shared>>
      tpu.wait_indirect_dma semaphore(%arg21 : memref<!tpu.dma_semaphore, #tpu.memory_space<semaphore_mem>>) src(%arg20 : memref<80x16xf32, #tpu.memory_space<vmem>>) dst(%dma_wait3A_454 : memref<10240x16xf32, #tpu.memory_space<vmem_shared>>)
      %mul3A_455 = arith.constant 25 : i32
      %mul3A_456 = arith.muli %scan3A_104, %mul3A_455 : i32
      %add3A_457 = arith.constant 10 : i32
      %add3A_458 = arith.addi %mul3A_456, %add3A_457 : i32
      %dma_wait3A_459 = arith.constant 0 : i32
      %dma_wait3A_460 = tpu.memref_slice %arg18[%add3A_458, %dma_wait3A_459] : memref<125x80xi32, #tpu.memory_space<vmem>> -> memref<1x80xi32, #tpu.memory_space<vmem>>
      %dma_wait3A_461 = tpu.memref_squeeze %dma_wait3A_460 : memref<1x80xi32, #tpu.memory_space<vmem>> -> memref<80xi32, #tpu.memory_space<vmem>>
      %dma_wait3A_462 = arith.constant 0 : i32
      %dma_wait3A_463 = arith.constant 0 : i32
      %dma_wait3A_464 = tpu.memref_slice %arg32[%dma_wait3A_462, %dma_wait3A_463] : memref<10240x16xf32, #tpu.memory_space<vmem_shared>> -> memref<10240x16xf32, #tpu.memory_space<vmem_shared>>
      tpu.wait_indirect_dma semaphore(%arg21 : memref<!tpu.dma_semaphore, #tpu.memory_space<semaphore_mem>>) src(%arg20 : memref<80x16xf32, #tpu.memory_space<vmem>>) dst(%dma_wait3A_464 : memref<10240x16xf32, #tpu.memory_space<vmem_shared>>)
      %mul3A_465 = arith.constant 25 : i32
      %mul3A_466 = arith.muli %scan3A_104, %mul3A_465 : i32
      %add3A_467 = arith.constant 11 : i32
      %add3A_468 = arith.addi %mul3A_466, %add3A_467 : i32
      %dma_wait3A_469 = arith.constant 0 : i32
      %dma_wait3A_470 = tpu.memref_slice %arg18[%add3A_468, %dma_wait3A_469] : memref<125x80xi32, #tpu.memory_space<vmem>> -> memref<1x80xi32, #tpu.memory_space<vmem>>
      %dma_wait3A_471 = tpu.memref_squeeze %dma_wait3A_470 : memref<1x80xi32, #tpu.memory_space<vmem>> -> memref<80xi32, #tpu.memory_space<vmem>>
      %dma_wait3A_472 = arith.constant 0 : i32
      %dma_wait3A_473 = arith.constant 0 : i32
      %dma_wait3A_474 = tpu.memref_slice %arg32[%dma_wait3A_472, %dma_wait3A_473] : memref<10240x16xf32, #tpu.memory_space<vmem_shared>> -> memref<10240x16xf32, #tpu.memory_space<vmem_shared>>
      tpu.wait_indirect_dma semaphore(%arg21 : memref<!tpu.dma_semaphore, #tpu.memory_space<semaphore_mem>>) src(%arg20 : memref<80x16xf32, #tpu.memory_space<vmem>>) dst(%dma_wait3A_474 : memref<10240x16xf32, #tpu.memory_space<vmem_shared>>)
      %mul3A_475 = arith.constant 25 : i32
      %mul3A_476 = arith.muli %scan3A_104, %mul3A_475 : i32
      %add3A_477 = arith.constant 12 : i32
      %add3A_478 = arith.addi %mul3A_476, %add3A_477 : i32
      %dma_wait3A_479 = arith.constant 0 : i32
      %dma_wait3A_480 = tpu.memref_slice %arg18[%add3A_478, %dma_wait3A_479] : memref<125x80xi32, #tpu.memory_space<vmem>> -> memref<1x80xi32, #tpu.memory_space<vmem>>
      %dma_wait3A_481 = tpu.memref_squeeze %dma_wait3A_480 : memref<1x80xi32, #tpu.memory_space<vmem>> -> memref<80xi32, #tpu.memory_space<vmem>>
      %dma_wait3A_482 = arith.constant 0 : i32
      %dma_wait3A_483 = arith.constant 0 : i32
      %dma_wait3A_484 = tpu.memref_slice %arg32[%dma_wait3A_482, %dma_wait3A_483] : memref<10240x16xf32, #tpu.memory_space<vmem_shared>> -> memref<10240x16xf32, #tpu.memory_space<vmem_shared>>
      tpu.wait_indirect_dma semaphore(%arg21 : memref<!tpu.dma_semaphore, #tpu.memory_space<semaphore_mem>>) src(%arg20 : memref<80x16xf32, #tpu.memory_space<vmem>>) dst(%dma_wait3A_484 : memref<10240x16xf32, #tpu.memory_space<vmem_shared>>)
      %mul3A_485 = arith.constant 25 : i32
      %mul3A_486 = arith.muli %scan3A_104, %mul3A_485 : i32
      %add3A_487 = arith.constant 13 : i32
      %add3A_488 = arith.addi %mul3A_486, %add3A_487 : i32
      %dma_wait3A_489 = arith.constant 0 : i32
      %dma_wait3A_490 = tpu.memref_slice %arg18[%add3A_488, %dma_wait3A_489] : memref<125x80xi32, #tpu.memory_space<vmem>> -> memref<1x80xi32, #tpu.memory_space<vmem>>
      %dma_wait3A_491 = tpu.memref_squeeze %dma_wait3A_490 : memref<1x80xi32, #tpu.memory_space<vmem>> -> memref<80xi32, #tpu.memory_space<vmem>>
      %dma_wait3A_492 = arith.constant 0 : i32
      %dma_wait3A_493 = arith.constant 0 : i32
      %dma_wait3A_494 = tpu.memref_slice %arg32[%dma_wait3A_492, %dma_wait3A_493] : memref<10240x16xf32, #tpu.memory_space<vmem_shared>> -> memref<10240x16xf32, #tpu.memory_space<vmem_shared>>
      tpu.wait_indirect_dma semaphore(%arg21 : memref<!tpu.dma_semaphore, #tpu.memory_space<semaphore_mem>>) src(%arg20 : memref<80x16xf32, #tpu.memory_space<vmem>>) dst(%dma_wait3A_494 : memref<10240x16xf32, #tpu.memory_space<vmem_shared>>)
      %mul3A_495 = arith.constant 25 : i32
      %mul3A_496 = arith.muli %scan3A_104, %mul3A_495 : i32
      %add3A_497 = arith.constant 14 : i32
      %add3A_498 = arith.addi %mul3A_496, %add3A_497 : i32
      %dma_wait3A_499 = arith.constant 0 : i32
      %dma_wait3A_500 = tpu.memref_slice %arg18[%add3A_498, %dma_wait3A_499] : memref<125x80xi32, #tpu.memory_space<vmem>> -> memref<1x80xi32, #tpu.memory_space<vmem>>
      %dma_wait3A_501 = tpu.memref_squeeze %dma_wait3A_500 : memref<1x80xi32, #tpu.memory_space<vmem>> -> memref<80xi32, #tpu.memory_space<vmem>>
      %dma_wait3A_502 = arith.constant 0 : i32
      %dma_wait3A_503 = arith.constant 0 : i32
      %dma_wait3A_504 = tpu.memref_slice %arg32[%dma_wait3A_502, %dma_wait3A_503] : memref<10240x16xf32, #tpu.memory_space<vmem_shared>> -> memref<10240x16xf32, #tpu.memory_space<vmem_shared>>
      tpu.wait_indirect_dma semaphore(%arg21 : memref<!tpu.dma_semaphore, #tpu.memory_space<semaphore_mem>>) src(%arg20 : memref<80x16xf32, #tpu.memory_space<vmem>>) dst(%dma_wait3A_504 : memref<10240x16xf32, #tpu.memory_space<vmem_shared>>)
      %mul3A_505 = arith.constant 25 : i32
      %mul3A_506 = arith.muli %scan3A_104, %mul3A_505 : i32
      %add3A_507 = arith.constant 15 : i32
      %add3A_508 = arith.addi %mul3A_506, %add3A_507 : i32
      %dma_wait3A_509 = arith.constant 0 : i32
      %dma_wait3A_510 = tpu.memref_slice %arg18[%add3A_508, %dma_wait3A_509] : memref<125x80xi32, #tpu.memory_space<vmem>> -> memref<1x80xi32, #tpu.memory_space<vmem>>
      %dma_wait3A_511 = tpu.memref_squeeze %dma_wait3A_510 : memref<1x80xi32, #tpu.memory_space<vmem>> -> memref<80xi32, #tpu.memory_space<vmem>>
      %dma_wait3A_512 = arith.constant 0 : i32
      %dma_wait3A_513 = arith.constant 0 : i32
      %dma_wait3A_514 = tpu.memref_slice %arg32[%dma_wait3A_512, %dma_wait3A_513] : memref<10240x16xf32, #tpu.memory_space<vmem_shared>> -> memref<10240x16xf32, #tpu.memory_space<vmem_shared>>
      tpu.wait_indirect_dma semaphore(%arg21 : memref<!tpu.dma_semaphore, #tpu.memory_space<semaphore_mem>>) src(%arg20 : memref<80x16xf32, #tpu.memory_space<vmem>>) dst(%dma_wait3A_514 : memref<10240x16xf32, #tpu.memory_space<vmem_shared>>)
      %mul3A_515 = arith.constant 25 : i32
      %mul3A_516 = arith.muli %scan3A_104, %mul3A_515 : i32
      %add3A_517 = arith.constant 16 : i32
      %add3A_518 = arith.addi %mul3A_516, %add3A_517 : i32
      %dma_wait3A_519 = arith.constant 0 : i32
      %dma_wait3A_520 = tpu.memref_slice %arg18[%add3A_518, %dma_wait3A_519] : memref<125x80xi32, #tpu.memory_space<vmem>> -> memref<1x80xi32, #tpu.memory_space<vmem>>
      %dma_wait3A_521 = tpu.memref_squeeze %dma_wait3A_520 : memref<1x80xi32, #tpu.memory_space<vmem>> -> memref<80xi32, #tpu.memory_space<vmem>>
      %dma_wait3A_522 = arith.constant 0 : i32
      %dma_wait3A_523 = arith.constant 0 : i32
      %dma_wait3A_524 = tpu.memref_slice %arg32[%dma_wait3A_522, %dma_wait3A_523] : memref<10240x16xf32, #tpu.memory_space<vmem_shared>> -> memref<10240x16xf32, #tpu.memory_space<vmem_shared>>
      tpu.wait_indirect_dma semaphore(%arg21 : memref<!tpu.dma_semaphore, #tpu.memory_space<semaphore_mem>>) src(%arg20 : memref<80x16xf32, #tpu.memory_space<vmem>>) dst(%dma_wait3A_524 : memref<10240x16xf32, #tpu.memory_space<vmem_shared>>)
      %mul3A_525 = arith.constant 25 : i32
      %mul3A_526 = arith.muli %scan3A_104, %mul3A_525 : i32
      %add3A_527 = arith.constant 17 : i32
      %add3A_528 = arith.addi %mul3A_526, %add3A_527 : i32
      %dma_wait3A_529 = arith.constant 0 : i32
      %dma_wait3A_530 = tpu.memref_slice %arg18[%add3A_528, %dma_wait3A_529] : memref<125x80xi32, #tpu.memory_space<vmem>> -> memref<1x80xi32, #tpu.memory_space<vmem>>
      %dma_wait3A_531 = tpu.memref_squeeze %dma_wait3A_530 : memref<1x80xi32, #tpu.memory_space<vmem>> -> memref<80xi32, #tpu.memory_space<vmem>>
      %dma_wait3A_532 = arith.constant 0 : i32
      %dma_wait3A_533 = arith.constant 0 : i32
      %dma_wait3A_534 = tpu.memref_slice %arg32[%dma_wait3A_532, %dma_wait3A_533] : memref<10240x16xf32, #tpu.memory_space<vmem_shared>> -> memref<10240x16xf32, #tpu.memory_space<vmem_shared>>
      tpu.wait_indirect_dma semaphore(%arg21 : memref<!tpu.dma_semaphore, #tpu.memory_space<semaphore_mem>>) src(%arg20 : memref<80x16xf32, #tpu.memory_space<vmem>>) dst(%dma_wait3A_534 : memref<10240x16xf32, #tpu.memory_space<vmem_shared>>)
      %mul3A_535 = arith.constant 25 : i32
      %mul3A_536 = arith.muli %scan3A_104, %mul3A_535 : i32
      %add3A_537 = arith.constant 18 : i32
      %add3A_538 = arith.addi %mul3A_536, %add3A_537 : i32
      %dma_wait3A_539 = arith.constant 0 : i32
      %dma_wait3A_540 = tpu.memref_slice %arg18[%add3A_538, %dma_wait3A_539] : memref<125x80xi32, #tpu.memory_space<vmem>> -> memref<1x80xi32, #tpu.memory_space<vmem>>
      %dma_wait3A_541 = tpu.memref_squeeze %dma_wait3A_540 : memref<1x80xi32, #tpu.memory_space<vmem>> -> memref<80xi32, #tpu.memory_space<vmem>>
      %dma_wait3A_542 = arith.constant 0 : i32
      %dma_wait3A_543 = arith.constant 0 : i32
      %dma_wait3A_544 = tpu.memref_slice %arg32[%dma_wait3A_542, %dma_wait3A_543] : memref<10240x16xf32, #tpu.memory_space<vmem_shared>> -> memref<10240x16xf32, #tpu.memory_space<vmem_shared>>
      tpu.wait_indirect_dma semaphore(%arg21 : memref<!tpu.dma_semaphore, #tpu.memory_space<semaphore_mem>>) src(%arg20 : memref<80x16xf32, #tpu.memory_space<vmem>>) dst(%dma_wait3A_544 : memref<10240x16xf32, #tpu.memory_space<vmem_shared>>)
      %mul3A_545 = arith.constant 25 : i32
      %mul3A_546 = arith.muli %scan3A_104, %mul3A_545 : i32
      %add3A_547 = arith.constant 19 : i32
      %add3A_548 = arith.addi %mul3A_546, %add3A_547 : i32
      %dma_wait3A_549 = arith.constant 0 : i32
      %dma_wait3A_550 = tpu.memref_slice %arg18[%add3A_548, %dma_wait3A_549] : memref<125x80xi32, #tpu.memory_space<vmem>> -> memref<1x80xi32, #tpu.memory_space<vmem>>
      %dma_wait3A_551 = tpu.memref_squeeze %dma_wait3A_550 : memref<1x80xi32, #tpu.memory_space<vmem>> -> memref<80xi32, #tpu.memory_space<vmem>>
      %dma_wait3A_552 = arith.constant 0 : i32
      %dma_wait3A_553 = arith.constant 0 : i32
      %dma_wait3A_554 = tpu.memref_slice %arg32[%dma_wait3A_552, %dma_wait3A_553] : memref<10240x16xf32, #tpu.memory_space<vmem_shared>> -> memref<10240x16xf32, #tpu.memory_space<vmem_shared>>
      tpu.wait_indirect_dma semaphore(%arg21 : memref<!tpu.dma_semaphore, #tpu.memory_space<semaphore_mem>>) src(%arg20 : memref<80x16xf32, #tpu.memory_space<vmem>>) dst(%dma_wait3A_554 : memref<10240x16xf32, #tpu.memory_space<vmem_shared>>)
      %mul3A_555 = arith.constant 25 : i32
      %mul3A_556 = arith.muli %scan3A_104, %mul3A_555 : i32
      %add3A_557 = arith.constant 20 : i32
      %add3A_558 = arith.addi %mul3A_556, %add3A_557 : i32
      %dma_wait3A_559 = arith.constant 0 : i32
      %dma_wait3A_560 = tpu.memref_slice %arg18[%add3A_558, %dma_wait3A_559] : memref<125x80xi32, #tpu.memory_space<vmem>> -> memref<1x80xi32, #tpu.memory_space<vmem>>
      %dma_wait3A_561 = tpu.memref_squeeze %dma_wait3A_560 : memref<1x80xi32, #tpu.memory_space<vmem>> -> memref<80xi32, #tpu.memory_space<vmem>>
      %dma_wait3A_562 = arith.constant 0 : i32
      %dma_wait3A_563 = arith.constant 0 : i32
      %dma_wait3A_564 = tpu.memref_slice %arg32[%dma_wait3A_562, %dma_wait3A_563] : memref<10240x16xf32, #tpu.memory_space<vmem_shared>> -> memref<10240x16xf32, #tpu.memory_space<vmem_shared>>
      tpu.wait_indirect_dma semaphore(%arg21 : memref<!tpu.dma_semaphore, #tpu.memory_space<semaphore_mem>>) src(%arg20 : memref<80x16xf32, #tpu.memory_space<vmem>>) dst(%dma_wait3A_564 : memref<10240x16xf32, #tpu.memory_space<vmem_shared>>)
      %mul3A_565 = arith.constant 25 : i32
      %mul3A_566 = arith.muli %scan3A_104, %mul3A_565 : i32
      %add3A_567 = arith.constant 21 : i32
      %add3A_568 = arith.addi %mul3A_566, %add3A_567 : i32
      %dma_wait3A_569 = arith.constant 0 : i32
      %dma_wait3A_570 = tpu.memref_slice %arg18[%add3A_568, %dma_wait3A_569] : memref<125x80xi32, #tpu.memory_space<vmem>> -> memref<1x80xi32, #tpu.memory_space<vmem>>
      %dma_wait3A_571 = tpu.memref_squeeze %dma_wait3A_570 : memref<1x80xi32, #tpu.memory_space<vmem>> -> memref<80xi32, #tpu.memory_space<vmem>>
      %dma_wait3A_572 = arith.constant 0 : i32
      %dma_wait3A_573 = arith.constant 0 : i32
      %dma_wait3A_574 = tpu.memref_slice %arg32[%dma_wait3A_572, %dma_wait3A_573] : memref<10240x16xf32, #tpu.memory_space<vmem_shared>> -> memref<10240x16xf32, #tpu.memory_space<vmem_shared>>
      tpu.wait_indirect_dma semaphore(%arg21 : memref<!tpu.dma_semaphore, #tpu.memory_space<semaphore_mem>>) src(%arg20 : memref<80x16xf32, #tpu.memory_space<vmem>>) dst(%dma_wait3A_574 : memref<10240x16xf32, #tpu.memory_space<vmem_shared>>)
      %mul3A_575 = arith.constant 25 : i32
      %mul3A_576 = arith.muli %scan3A_104, %mul3A_575 : i32
      %add3A_577 = arith.constant 22 : i32
      %add3A_578 = arith.addi %mul3A_576, %add3A_577 : i32
      %dma_wait3A_579 = arith.constant 0 : i32
      %dma_wait3A_580 = tpu.memref_slice %arg18[%add3A_578, %dma_wait3A_579] : memref<125x80xi32, #tpu.memory_space<vmem>> -> memref<1x80xi32, #tpu.memory_space<vmem>>
      %dma_wait3A_581 = tpu.memref_squeeze %dma_wait3A_580 : memref<1x80xi32, #tpu.memory_space<vmem>> -> memref<80xi32, #tpu.memory_space<vmem>>
      %dma_wait3A_582 = arith.constant 0 : i32
      %dma_wait3A_583 = arith.constant 0 : i32
      %dma_wait3A_584 = tpu.memref_slice %arg32[%dma_wait3A_582, %dma_wait3A_583] : memref<10240x16xf32, #tpu.memory_space<vmem_shared>> -> memref<10240x16xf32, #tpu.memory_space<vmem_shared>>
      tpu.wait_indirect_dma semaphore(%arg21 : memref<!tpu.dma_semaphore, #tpu.memory_space<semaphore_mem>>) src(%arg20 : memref<80x16xf32, #tpu.memory_space<vmem>>) dst(%dma_wait3A_584 : memref<10240x16xf32, #tpu.memory_space<vmem_shared>>)
      %mul3A_585 = arith.constant 25 : i32
      %mul3A_586 = arith.muli %scan3A_104, %mul3A_585 : i32
      %add3A_587 = arith.constant 23 : i32
      %add3A_588 = arith.addi %mul3A_586, %add3A_587 : i32
      %dma_wait3A_589 = arith.constant 0 : i32
      %dma_wait3A_590 = tpu.memref_slice %arg18[%add3A_588, %dma_wait3A_589] : memref<125x80xi32, #tpu.memory_space<vmem>> -> memref<1x80xi32, #tpu.memory_space<vmem>>
      %dma_wait3A_591 = tpu.memref_squeeze %dma_wait3A_590 : memref<1x80xi32, #tpu.memory_space<vmem>> -> memref<80xi32, #tpu.memory_space<vmem>>
      %dma_wait3A_592 = arith.constant 0 : i32
      %dma_wait3A_593 = arith.constant 0 : i32
      %dma_wait3A_594 = tpu.memref_slice %arg32[%dma_wait3A_592, %dma_wait3A_593] : memref<10240x16xf32, #tpu.memory_space<vmem_shared>> -> memref<10240x16xf32, #tpu.memory_space<vmem_shared>>
      tpu.wait_indirect_dma semaphore(%arg21 : memref<!tpu.dma_semaphore, #tpu.memory_space<semaphore_mem>>) src(%arg20 : memref<80x16xf32, #tpu.memory_space<vmem>>) dst(%dma_wait3A_594 : memref<10240x16xf32, #tpu.memory_space<vmem_shared>>)
      %mul3A_595 = arith.constant 25 : i32
      %mul3A_596 = arith.muli %scan3A_104, %mul3A_595 : i32
      %add3A_597 = arith.constant 24 : i32
      %add3A_598 = arith.addi %mul3A_596, %add3A_597 : i32
      %dma_wait3A_599 = arith.constant 0 : i32
      %dma_wait3A_600 = tpu.memref_slice %arg18[%add3A_598, %dma_wait3A_599] : memref<125x80xi32, #tpu.memory_space<vmem>> -> memref<1x80xi32, #tpu.memory_space<vmem>>
      %dma_wait3A_601 = tpu.memref_squeeze %dma_wait3A_600 : memref<1x80xi32, #tpu.memory_space<vmem>> -> memref<80xi32, #tpu.memory_space<vmem>>
      %dma_wait3A_602 = arith.constant 0 : i32
      %dma_wait3A_603 = arith.constant 0 : i32
      %dma_wait3A_604 = tpu.memref_slice %arg32[%dma_wait3A_602, %dma_wait3A_603] : memref<10240x16xf32, #tpu.memory_space<vmem_shared>> -> memref<10240x16xf32, #tpu.memory_space<vmem_shared>>
      tpu.wait_indirect_dma semaphore(%arg21 : memref<!tpu.dma_semaphore, #tpu.memory_space<semaphore_mem>>) src(%arg20 : memref<80x16xf32, #tpu.memory_space<vmem>>) dst(%dma_wait3A_604 : memref<10240x16xf32, #tpu.memory_space<vmem_shared>>)
    }
    %scan3A_23 = arith.constant 5 : i32
    %scan3A_24 = arith.constant 0 : i32
    %scan3A_25 = arith.constant 0 : i32
    %scan3A_26 = arith.constant 125 : i32
    %scan3A_27 = arith.addi %scan3A_25, %scan3A_26 : i32
    %scan3A_28 = arith.constant 1 : i32
    scf.for %scan3A_104 = %scan3A_25 to %scan3A_27 step %scan3A_28  : i32 {
      %iota3A = tpu.iota {dimensions = array<i32: 0>} : vector<16xi32>
      %mul3A_105 = arith.constant 80 : i32
      %mul3A_106 = arith.muli %scan3A_104, %mul3A_105 : i32
      %add3A_107 = arith.constant 0 : i32
      %add3A_108 = arith.addi %mul3A_106, %add3A_107 : i32
      %add3A_109 = vector.broadcast %add3A_108 : i32 to vector<16xi32>
      %add3A_110 = arith.addi %iota3A, %add3A_109 : vector<16xi32>
      %shift_right_logical3A = arith.constant 1 : i32
      %shift_right_logical3A_111 = vector.broadcast %shift_right_logical3A : i32 to vector<16xi32>
      %shift_right_logical3A_112 = arith.shrui %add3A_110, %shift_right_logical3A_111 : vector<16xi32>
      %and3A = arith.constant 1 : i32
      %and3A_113 = vector.broadcast %and3A : i32 to vector<16xi32>
      %and3A_114 = arith.andi %add3A_110, %and3A_113 : vector<16xi32>
      %gather3A = tpu.vector_load_idx %arg9[%shift_right_logical3A_112] : memref<5000xi32, #tpu.memory_space<vmem>>[vector<16xi32>], vector<16xi32>,
      %gather3A_115 = tpu.vector_load_idx %arg10[%shift_right_logical3A_112] : memref<5000xi32, #tpu.memory_space<vmem>>[vector<16xi32>], vector<16xi32>,
      %eq3A = arith.constant 1 : i32
      %eq3A_116 = vector.broadcast %eq3A : i32 to vector<16xi32>
      %eq3A_117 = arith.cmpi eq, %and3A_114, %eq3A_116 : vector<16xi32>
      %mul3A_118 = arith.constant 2 : i32
      %mul3A_119 = vector.broadcast %mul3A_118 : i32 to vector<16xi32>
      %mul3A_120 = arith.muli %mul3A_119, %gather3A_115 : vector<16xi32>
      %add3A_121 = arith.constant 1 : i32
      %add3A_122 = vector.broadcast %add3A_121 : i32 to vector<16xi32>
      %add3A_123 = arith.addi %mul3A_120, %add3A_122 : vector<16xi32>
      %mul3A_124 = arith.constant 2 : i32
      %mul3A_125 = vector.broadcast %mul3A_124 : i32 to vector<16xi32>
      %mul3A_126 = arith.muli %mul3A_125, %gather3A : vector<16xi32>
      %select_n3A = arith.select %eq3A_117, %add3A_123, %mul3A_126 : vector<16xi1>, vector<16xi32>
      %swap3A = arith.index_cast %scan3A_104 : i32 to index
      %swap3A_127 = arith.constant 0 : index
      %swap3A_128 = tpu.vector_load %arg12[%swap3A, %swap3A_127] {strides = array<i32>} : memref<125x80xi32, #tpu.memory_space<vmem>>, vector<16xi32>,
      tpu.vector_store %arg12[%swap3A, %swap3A_127], %select_n3A {strides = array<i32>} : memref<125x80xi32, #tpu.memory_space<vmem>>, vector<16xi32>,
      %iota3A_129 = tpu.iota {dimensions = array<i32: 0>} : vector<16xi32>
      %mul3A_130 = arith.constant 80 : i32
      %mul3A_131 = arith.muli %scan3A_104, %mul3A_130 : i32
      %add3A_132 = arith.constant 16 : i32
      %add3A_133 = arith.addi %mul3A_131, %add3A_132 : i32
      %add3A_134 = vector.broadcast %add3A_133 : i32 to vector<16xi32>
      %add3A_135 = arith.addi %iota3A_129, %add3A_134 : vector<16xi32>
      %shift_right_logical3A_136 = arith.constant 1 : i32
      %shift_right_logical3A_137 = vector.broadcast %shift_right_logical3A_136 : i32 to vector<16xi32>
      %shift_right_logical3A_138 = arith.shrui %add3A_135, %shift_right_logical3A_137 : vector<16xi32>
      %and3A_139 = arith.constant 1 : i32
      %and3A_140 = vector.broadcast %and3A_139 : i32 to vector<16xi32>
      %and3A_141 = arith.andi %add3A_135, %and3A_140 : vector<16xi32>
      %gather3A_142 = tpu.vector_load_idx %arg9[%shift_right_logical3A_138] : memref<5000xi32, #tpu.memory_space<vmem>>[vector<16xi32>], vector<16xi32>,
      %gather3A_143 = tpu.vector_load_idx %arg10[%shift_right_logical3A_138] : memref<5000xi32, #tpu.memory_space<vmem>>[vector<16xi32>], vector<16xi32>,
      %eq3A_144 = arith.constant 1 : i32
      %eq3A_145 = vector.broadcast %eq3A_144 : i32 to vector<16xi32>
      %eq3A_146 = arith.cmpi eq, %and3A_141, %eq3A_145 : vector<16xi32>
      %mul3A_147 = arith.constant 2 : i32
      %mul3A_148 = vector.broadcast %mul3A_147 : i32 to vector<16xi32>
      %mul3A_149 = arith.muli %mul3A_148, %gather3A_143 : vector<16xi32>
      %add3A_150 = arith.constant 1 : i32
      %add3A_151 = vector.broadcast %add3A_150 : i32 to vector<16xi32>
      %add3A_152 = arith.addi %mul3A_149, %add3A_151 : vector<16xi32>
      %mul3A_153 = arith.constant 2 : i32
      %mul3A_154 = vector.broadcast %mul3A_153 : i32 to vector<16xi32>
      %mul3A_155 = arith.muli %mul3A_154, %gather3A_142 : vector<16xi32>
      %select_n3A_156 = arith.select %eq3A_146, %add3A_152, %mul3A_155 : vector<16xi1>, vector<16xi32>
      %swap3A_157 = arith.index_cast %scan3A_104 : i32 to index
      %swap3A_158 = arith.constant 16 : index
      %swap3A_159 = tpu.vector_load %arg12[%swap3A_157, %swap3A_158] {strides = array<i32>} : memref<125x80xi32, #tpu.memory_space<vmem>>, vector<16xi32>,
      tpu.vector_store %arg12[%swap3A_157, %swap3A_158], %select_n3A_156 {strides = array<i32>} : memref<125x80xi32, #tpu.memory_space<vmem>>, vector<16xi32>,
      %iota3A_160 = tpu.iota {dimensions = array<i32: 0>} : vector<16xi32>
      %mul3A_161 = arith.constant 80 : i32
      %mul3A_162 = arith.muli %scan3A_104, %mul3A_161 : i32
      %add3A_163 = arith.constant 32 : i32
      %add3A_164 = arith.addi %mul3A_162, %add3A_163 : i32
      %add3A_165 = vector.broadcast %add3A_164 : i32 to vector<16xi32>
      %add3A_166 = arith.addi %iota3A_160, %add3A_165 : vector<16xi32>
      %shift_right_logical3A_167 = arith.constant 1 : i32
      %shift_right_logical3A_168 = vector.broadcast %shift_right_logical3A_167 : i32 to vector<16xi32>
      %shift_right_logical3A_169 = arith.shrui %add3A_166, %shift_right_logical3A_168 : vector<16xi32>
      %and3A_170 = arith.constant 1 : i32
      %and3A_171 = vector.broadcast %and3A_170 : i32 to vector<16xi32>
      %and3A_172 = arith.andi %add3A_166, %and3A_171 : vector<16xi32>
      %gather3A_173 = tpu.vector_load_idx %arg9[%shift_right_logical3A_169] : memref<5000xi32, #tpu.memory_space<vmem>>[vector<16xi32>], vector<16xi32>,
      %gather3A_174 = tpu.vector_load_idx %arg10[%shift_right_logical3A_169] : memref<5000xi32, #tpu.memory_space<vmem>>[vector<16xi32>], vector<16xi32>,
      %eq3A_175 = arith.constant 1 : i32
      %eq3A_176 = vector.broadcast %eq3A_175 : i32 to vector<16xi32>
      %eq3A_177 = arith.cmpi eq, %and3A_172, %eq3A_176 : vector<16xi32>
      %mul3A_178 = arith.constant 2 : i32
      %mul3A_179 = vector.broadcast %mul3A_178 : i32 to vector<16xi32>
      %mul3A_180 = arith.muli %mul3A_179, %gather3A_174 : vector<16xi32>
      %add3A_181 = arith.constant 1 : i32
      %add3A_182 = vector.broadcast %add3A_181 : i32 to vector<16xi32>
      %add3A_183 = arith.addi %mul3A_180, %add3A_182 : vector<16xi32>
      %mul3A_184 = arith.constant 2 : i32
      %mul3A_185 = vector.broadcast %mul3A_184 : i32 to vector<16xi32>
      %mul3A_186 = arith.muli %mul3A_185, %gather3A_173 : vector<16xi32>
      %select_n3A_187 = arith.select %eq3A_177, %add3A_183, %mul3A_186 : vector<16xi1>, vector<16xi32>
      %swap3A_188 = arith.index_cast %scan3A_104 : i32 to index
      %swap3A_189 = arith.constant 32 : index
      %swap3A_190 = tpu.vector_load %arg12[%swap3A_188, %swap3A_189] {strides = array<i32>} : memref<125x80xi32, #tpu.memory_space<vmem>>, vector<16xi32>,
      tpu.vector_store %arg12[%swap3A_188, %swap3A_189], %select_n3A_187 {strides = array<i32>} : memref<125x80xi32, #tpu.memory_space<vmem>>, vector<16xi32>,
      %iota3A_191 = tpu.iota {dimensions = array<i32: 0>} : vector<16xi32>
      %mul3A_192 = arith.constant 80 : i32
      %mul3A_193 = arith.muli %scan3A_104, %mul3A_192 : i32
      %add3A_194 = arith.constant 48 : i32
      %add3A_195 = arith.addi %mul3A_193, %add3A_194 : i32
      %add3A_196 = vector.broadcast %add3A_195 : i32 to vector<16xi32>
      %add3A_197 = arith.addi %iota3A_191, %add3A_196 : vector<16xi32>
      %shift_right_logical3A_198 = arith.constant 1 : i32
      %shift_right_logical3A_199 = vector.broadcast %shift_right_logical3A_198 : i32 to vector<16xi32>
      %shift_right_logical3A_200 = arith.shrui %add3A_197, %shift_right_logical3A_199 : vector<16xi32>
      %and3A_201 = arith.constant 1 : i32
      %and3A_202 = vector.broadcast %and3A_201 : i32 to vector<16xi32>
      %and3A_203 = arith.andi %add3A_197, %and3A_202 : vector<16xi32>
      %gather3A_204 = tpu.vector_load_idx %arg9[%shift_right_logical3A_200] : memref<5000xi32, #tpu.memory_space<vmem>>[vector<16xi32>], vector<16xi32>,
      %gather3A_205 = tpu.vector_load_idx %arg10[%shift_right_logical3A_200] : memref<5000xi32, #tpu.memory_space<vmem>>[vector<16xi32>], vector<16xi32>,
      %eq3A_206 = arith.constant 1 : i32
      %eq3A_207 = vector.broadcast %eq3A_206 : i32 to vector<16xi32>
      %eq3A_208 = arith.cmpi eq, %and3A_203, %eq3A_207 : vector<16xi32>
      %mul3A_209 = arith.constant 2 : i32
      %mul3A_210 = vector.broadcast %mul3A_209 : i32 to vector<16xi32>
      %mul3A_211 = arith.muli %mul3A_210, %gather3A_205 : vector<16xi32>
      %add3A_212 = arith.constant 1 : i32
      %add3A_213 = vector.broadcast %add3A_212 : i32 to vector<16xi32>
      %add3A_214 = arith.addi %mul3A_211, %add3A_213 : vector<16xi32>
      %mul3A_215 = arith.constant 2 : i32
      %mul3A_216 = vector.broadcast %mul3A_215 : i32 to vector<16xi32>
      %mul3A_217 = arith.muli %mul3A_216, %gather3A_204 : vector<16xi32>
      %select_n3A_218 = arith.select %eq3A_208, %add3A_214, %mul3A_217 : vector<16xi1>, vector<16xi32>
      %swap3A_219 = arith.index_cast %scan3A_104 : i32 to index
      %swap3A_220 = arith.constant 48 : index
      %swap3A_221 = tpu.vector_load %arg12[%swap3A_219, %swap3A_220] {strides = array<i32>} : memref<125x80xi32, #tpu.memory_space<vmem>>, vector<16xi32>,
      tpu.vector_store %arg12[%swap3A_219, %swap3A_220], %select_n3A_218 {strides = array<i32>} : memref<125x80xi32, #tpu.memory_space<vmem>>, vector<16xi32>,
      %iota3A_222 = tpu.iota {dimensions = array<i32: 0>} : vector<16xi32>
      %mul3A_223 = arith.constant 80 : i32
      %mul3A_224 = arith.muli %scan3A_104, %mul3A_223 : i32
      %add3A_225 = arith.constant 64 : i32
      %add3A_226 = arith.addi %mul3A_224, %add3A_225 : i32
      %add3A_227 = vector.broadcast %add3A_226 : i32 to vector<16xi32>
      %add3A_228 = arith.addi %iota3A_222, %add3A_227 : vector<16xi32>
      %shift_right_logical3A_229 = arith.constant 1 : i32
      %shift_right_logical3A_230 = vector.broadcast %shift_right_logical3A_229 : i32 to vector<16xi32>
      %shift_right_logical3A_231 = arith.shrui %add3A_228, %shift_right_logical3A_230 : vector<16xi32>
      %and3A_232 = arith.constant 1 : i32
      %and3A_233 = vector.broadcast %and3A_232 : i32 to vector<16xi32>
      %and3A_234 = arith.andi %add3A_228, %and3A_233 : vector<16xi32>
      %gather3A_235 = tpu.vector_load_idx %arg9[%shift_right_logical3A_231] : memref<5000xi32, #tpu.memory_space<vmem>>[vector<16xi32>], vector<16xi32>,
      %gather3A_236 = tpu.vector_load_idx %arg10[%shift_right_logical3A_231] : memref<5000xi32, #tpu.memory_space<vmem>>[vector<16xi32>], vector<16xi32>,
      %eq3A_237 = arith.constant 1 : i32
      %eq3A_238 = vector.broadcast %eq3A_237 : i32 to vector<16xi32>
      %eq3A_239 = arith.cmpi eq, %and3A_234, %eq3A_238 : vector<16xi32>
      %mul3A_240 = arith.constant 2 : i32
      %mul3A_241 = vector.broadcast %mul3A_240 : i32 to vector<16xi32>
      %mul3A_242 = arith.muli %mul3A_241, %gather3A_236 : vector<16xi32>
      %add3A_243 = arith.constant 1 : i32
      %add3A_244 = vector.broadcast %add3A_243 : i32 to vector<16xi32>
      %add3A_245 = arith.addi %mul3A_242, %add3A_244 : vector<16xi32>
      %mul3A_246 = arith.constant 2 : i32
      %mul3A_247 = vector.broadcast %mul3A_246 : i32 to vector<16xi32>
      %mul3A_248 = arith.muli %mul3A_247, %gather3A_235 : vector<16xi32>
      %select_n3A_249 = arith.select %eq3A_239, %add3A_245, %mul3A_248 : vector<16xi1>, vector<16xi32>
      %swap3A_250 = arith.index_cast %scan3A_104 : i32 to index
      %swap3A_251 = arith.constant 64 : index
      %swap3A_252 = tpu.vector_load %arg12[%swap3A_250, %swap3A_251] {strides = array<i32>} : memref<125x80xi32, #tpu.memory_space<vmem>>, vector<16xi32>,
      tpu.vector_store %arg12[%swap3A_250, %swap3A_251], %select_n3A_249 {strides = array<i32>} : memref<125x80xi32, #tpu.memory_space<vmem>>, vector<16xi32>,
    }
    %scan3A_29 = arith.constant 125 : i32
    %dma_start3A = arith.constant 0 : i32
    %dma_start3A_30 = arith.constant 0 : i32
    %dma_start3A_31 = tpu.memref_slice %arg12[%dma_start3A, %dma_start3A_30] : memref<125x80xi32, #tpu.memory_space<vmem>> -> memref<1x80xi32, #tpu.memory_space<vmem>>
    %dma_start3A_32 = tpu.memref_squeeze %dma_start3A_31 : memref<1x80xi32, #tpu.memory_space<vmem>> -> memref<80xi32, #tpu.memory_space<vmem>>
    %dma_start3A_33 = arith.constant 0 : i32
    %dma_start3A_34 = arith.constant 0 : i32
    %dma_start3A_35 = tpu.memref_slice %arg2[%dma_start3A_33, %dma_start3A_34] : memref<20000x64xf32, #tpu.memory_space<hbm>> -> memref<20000x64xf32, #tpu.memory_space<hbm>>
    tpu.enqueue_indirect_dma source(%dma_start3A_35 : memref<20000x64xf32, #tpu.memory_space<hbm>>) target(%arg13 : memref<80x64xf32, #tpu.memory_space<vmem>>) offsets(%dma_start3A_32 : memref<80xi32, #tpu.memory_space<vmem>>) semaphore(%arg22 : memref<!tpu.dma_semaphore, #tpu.memory_space<semaphore_mem>>)
    %dma_start3A_36 = arith.constant 1 : i32
    %dma_start3A_37 = arith.constant 0 : i32
    %dma_start3A_38 = tpu.memref_slice %arg12[%dma_start3A_36, %dma_start3A_37] : memref<125x80xi32, #tpu.memory_space<vmem>> -> memref<1x80xi32, #tpu.memory_space<vmem>>
    %dma_start3A_39 = tpu.memref_squeeze %dma_start3A_38 : memref<1x80xi32, #tpu.memory_space<vmem>> -> memref<80xi32, #tpu.memory_space<vmem>>
    %dma_start3A_40 = arith.constant 0 : i32
    %dma_start3A_41 = arith.constant 0 : i32
    %dma_start3A_42 = tpu.memref_slice %arg2[%dma_start3A_40, %dma_start3A_41] : memref<20000x64xf32, #tpu.memory_space<hbm>> -> memref<20000x64xf32, #tpu.memory_space<hbm>>
    tpu.enqueue_indirect_dma source(%dma_start3A_42 : memref<20000x64xf32, #tpu.memory_space<hbm>>) target(%arg14 : memref<80x64xf32, #tpu.memory_space<vmem>>) offsets(%dma_start3A_39 : memref<80xi32, #tpu.memory_space<vmem>>) semaphore(%arg23 : memref<!tpu.dma_semaphore, #tpu.memory_space<semaphore_mem>>)
    %dma_start3A_43 = arith.constant 2 : i32
    %dma_start3A_44 = arith.constant 0 : i32
    %dma_start3A_45 = tpu.memref_slice %arg12[%dma_start3A_43, %dma_start3A_44] : memref<125x80xi32, #tpu.memory_space<vmem>> -> memref<1x80xi32, #tpu.memory_space<vmem>>
    %dma_start3A_46 = tpu.memref_squeeze %dma_start3A_45 : memref<1x80xi32, #tpu.memory_space<vmem>> -> memref<80xi32, #tpu.memory_space<vmem>>
    %dma_start3A_47 = arith.constant 0 : i32
    %dma_start3A_48 = arith.constant 0 : i32
    %dma_start3A_49 = tpu.memref_slice %arg2[%dma_start3A_47, %dma_start3A_48] : memref<20000x64xf32, #tpu.memory_space<hbm>> -> memref<20000x64xf32, #tpu.memory_space<hbm>>
    tpu.enqueue_indirect_dma source(%dma_start3A_49 : memref<20000x64xf32, #tpu.memory_space<hbm>>) target(%arg15 : memref<80x64xf32, #tpu.memory_space<vmem>>) offsets(%dma_start3A_46 : memref<80xi32, #tpu.memory_space<vmem>>) semaphore(%arg24 : memref<!tpu.dma_semaphore, #tpu.memory_space<semaphore_mem>>)
    %dma_start3A_50 = arith.constant 3 : i32
    %dma_start3A_51 = arith.constant 0 : i32
    %dma_start3A_52 = tpu.memref_slice %arg12[%dma_start3A_50, %dma_start3A_51] : memref<125x80xi32, #tpu.memory_space<vmem>> -> memref<1x80xi32, #tpu.memory_space<vmem>>
    %dma_start3A_53 = tpu.memref_squeeze %dma_start3A_52 : memref<1x80xi32, #tpu.memory_space<vmem>> -> memref<80xi32, #tpu.memory_space<vmem>>
    %dma_start3A_54 = arith.constant 0 : i32
    %dma_start3A_55 = arith.constant 0 : i32
    %dma_start3A_56 = tpu.memref_slice %arg2[%dma_start3A_54, %dma_start3A_55] : memref<20000x64xf32, #tpu.memory_space<hbm>> -> memref<20000x64xf32, #tpu.memory_space<hbm>>
    tpu.enqueue_indirect_dma source(%dma_start3A_56 : memref<20000x64xf32, #tpu.memory_space<hbm>>) target(%arg16 : memref<80x64xf32, #tpu.memory_space<vmem>>) offsets(%dma_start3A_53 : memref<80xi32, #tpu.memory_space<vmem>>) semaphore(%arg25 : memref<!tpu.dma_semaphore, #tpu.memory_space<semaphore_mem>>)
    %dma_start3A_57 = arith.constant 4 : i32
    %dma_start3A_58 = arith.constant 0 : i32
    %dma_start3A_59 = tpu.memref_slice %arg12[%dma_start3A_57, %dma_start3A_58] : memref<125x80xi32, #tpu.memory_space<vmem>> -> memref<1x80xi32, #tpu.memory_space<vmem>>
    %dma_start3A_60 = tpu.memref_squeeze %dma_start3A_59 : memref<1x80xi32, #tpu.memory_space<vmem>> -> memref<80xi32, #tpu.memory_space<vmem>>
    %dma_start3A_61 = arith.constant 0 : i32
    %dma_start3A_62 = arith.constant 0 : i32
    %dma_start3A_63 = tpu.memref_slice %arg2[%dma_start3A_61, %dma_start3A_62] : memref<20000x64xf32, #tpu.memory_space<hbm>> -> memref<20000x64xf32, #tpu.memory_space<hbm>>
    tpu.enqueue_indirect_dma source(%dma_start3A_63 : memref<20000x64xf32, #tpu.memory_space<hbm>>) target(%arg17 : memref<80x64xf32, #tpu.memory_space<vmem>>) offsets(%dma_start3A_60 : memref<80xi32, #tpu.memory_space<vmem>>) semaphore(%arg26 : memref<!tpu.dma_semaphore, #tpu.memory_space<semaphore_mem>>)
    %scan3A_64 = arith.constant 0 : i32
    %scan3A_65 = arith.constant 0 : i32
    %scan3A_66 = arith.constant 25 : i32
    %scan3A_67 = arith.addi %scan3A_65, %scan3A_66 : i32
    %scan3A_68 = arith.constant 1 : i32
    scf.for %scan3A_104 = %scan3A_65 to %scan3A_67 step %scan3A_68  : i32 {
      %mul3A_105 = arith.constant 5 : i32
      %mul3A_106 = arith.muli %scan3A_104, %mul3A_105 : i32
      %add3A_107 = arith.constant 0 : i32
      %add3A_108 = arith.addi %mul3A_106, %add3A_107 : i32
      %dma_wait3A_109 = arith.constant 0 : i32
      %dma_wait3A_110 = tpu.memref_slice %arg12[%add3A_108, %dma_wait3A_109] : memref<125x80xi32, #tpu.memory_space<vmem>> -> memref<1x80xi32, #tpu.memory_space<vmem>>
      %dma_wait3A_111 = tpu.memref_squeeze %dma_wait3A_110 : memref<1x80xi32, #tpu.memory_space<vmem>> -> memref<80xi32, #tpu.memory_space<vmem>>
      %dma_wait3A_112 = arith.constant 0 : i32
      %dma_wait3A_113 = arith.constant 0 : i32
      %dma_wait3A_114 = tpu.memref_slice %arg2[%dma_wait3A_112, %dma_wait3A_113] : memref<20000x64xf32, #tpu.memory_space<hbm>> -> memref<20000x64xf32, #tpu.memory_space<hbm>>
      tpu.wait_indirect_dma semaphore(%arg22 : memref<!tpu.dma_semaphore, #tpu.memory_space<semaphore_mem>>) src(%dma_wait3A_114 : memref<20000x64xf32, #tpu.memory_space<hbm>>) dst(%arg13 : memref<80x64xf32, #tpu.memory_space<vmem>>)
      %add3A_115 = arith.constant 0 : i32
      %add3A_116 = arith.addi %mul3A_106, %add3A_115 : i32
      %mul3A_117 = arith.constant 80 : i32
      %mul3A_118 = arith.muli %add3A_116, %mul3A_117 : i32
      %add3A_119 = arith.addi %mul3A_8, %mul3A_118 : i32
      %dma_start3A_120 = arith.constant 0 : i32
      %dma_start3A_121 = tpu.memref_slice %arg7[%add3A_119, %dma_start3A_120] : memref<320000x64xf32, #tpu.memory_space<hbm>> -> memref<80x64xf32, #tpu.memory_space<hbm>>
      %dma_start3A_122 = arith.constant 0 : i32
      %dma_start3A_123 = tpu.memref_slice %arg7[%add3A_119, %dma_start3A_122] : memref<320000x64xf32, #tpu.memory_space<hbm>> -> memref<80x64xf32, #tpu.memory_space<hbm>>
      tpu.enqueue_dma source(%arg13 : memref<80x64xf32, #tpu.memory_space<vmem>>) target(%dma_start3A_123 : memref<80x64xf32, #tpu.memory_space<hbm>>) target_semaphore(%arg27 : memref<!tpu.dma_semaphore, #tpu.memory_space<semaphore_mem>>)
      %add3A_124 = arith.constant 1 : i32
      %add3A_125 = arith.addi %mul3A_106, %add3A_124 : i32
      %dma_wait3A_126 = arith.constant 0 : i32
      %dma_wait3A_127 = tpu.memref_slice %arg12[%add3A_125, %dma_wait3A_126] : memref<125x80xi32, #tpu.memory_space<vmem>> -> memref<1x80xi32, #tpu.memory_space<vmem>>
      %dma_wait3A_128 = tpu.memref_squeeze %dma_wait3A_127 : memref<1x80xi32, #tpu.memory_space<vmem>> -> memref<80xi32, #tpu.memory_space<vmem>>
      %dma_wait3A_129 = arith.constant 0 : i32
      %dma_wait3A_130 = arith.constant 0 : i32
      %dma_wait3A_131 = tpu.memref_slice %arg2[%dma_wait3A_129, %dma_wait3A_130] : memref<20000x64xf32, #tpu.memory_space<hbm>> -> memref<20000x64xf32, #tpu.memory_space<hbm>>
      tpu.wait_indirect_dma semaphore(%arg23 : memref<!tpu.dma_semaphore, #tpu.memory_space<semaphore_mem>>) src(%dma_wait3A_131 : memref<20000x64xf32, #tpu.memory_space<hbm>>) dst(%arg14 : memref<80x64xf32, #tpu.memory_space<vmem>>)
      %add3A_132 = arith.constant 1 : i32
      %add3A_133 = arith.addi %mul3A_106, %add3A_132 : i32
      %mul3A_134 = arith.constant 80 : i32
      %mul3A_135 = arith.muli %add3A_133, %mul3A_134 : i32
      %add3A_136 = arith.addi %mul3A_8, %mul3A_135 : i32
      %dma_start3A_137 = arith.constant 0 : i32
      %dma_start3A_138 = tpu.memref_slice %arg7[%add3A_136, %dma_start3A_137] : memref<320000x64xf32, #tpu.memory_space<hbm>> -> memref<80x64xf32, #tpu.memory_space<hbm>>
      %dma_start3A_139 = arith.constant 0 : i32
      %dma_start3A_140 = tpu.memref_slice %arg7[%add3A_136, %dma_start3A_139] : memref<320000x64xf32, #tpu.memory_space<hbm>> -> memref<80x64xf32, #tpu.memory_space<hbm>>
      tpu.enqueue_dma source(%arg14 : memref<80x64xf32, #tpu.memory_space<vmem>>) target(%dma_start3A_140 : memref<80x64xf32, #tpu.memory_space<hbm>>) target_semaphore(%arg28 : memref<!tpu.dma_semaphore, #tpu.memory_space<semaphore_mem>>)
      %add3A_141 = arith.constant 2 : i32
      %add3A_142 = arith.addi %mul3A_106, %add3A_141 : i32
      %dma_wait3A_143 = arith.constant 0 : i32
      %dma_wait3A_144 = tpu.memref_slice %arg12[%add3A_142, %dma_wait3A_143] : memref<125x80xi32, #tpu.memory_space<vmem>> -> memref<1x80xi32, #tpu.memory_space<vmem>>
      %dma_wait3A_145 = tpu.memref_squeeze %dma_wait3A_144 : memref<1x80xi32, #tpu.memory_space<vmem>> -> memref<80xi32, #tpu.memory_space<vmem>>
      %dma_wait3A_146 = arith.constant 0 : i32
      %dma_wait3A_147 = arith.constant 0 : i32
      %dma_wait3A_148 = tpu.memref_slice %arg2[%dma_wait3A_146, %dma_wait3A_147] : memref<20000x64xf32, #tpu.memory_space<hbm>> -> memref<20000x64xf32, #tpu.memory_space<hbm>>
      tpu.wait_indirect_dma semaphore(%arg24 : memref<!tpu.dma_semaphore, #tpu.memory_space<semaphore_mem>>) src(%dma_wait3A_148 : memref<20000x64xf32, #tpu.memory_space<hbm>>) dst(%arg15 : memref<80x64xf32, #tpu.memory_space<vmem>>)
      %add3A_149 = arith.constant 2 : i32
      %add3A_150 = arith.addi %mul3A_106, %add3A_149 : i32
      %mul3A_151 = arith.constant 80 : i32
      %mul3A_152 = arith.muli %add3A_150, %mul3A_151 : i32
      %add3A_153 = arith.addi %mul3A_8, %mul3A_152 : i32
      %dma_start3A_154 = arith.constant 0 : i32
      %dma_start3A_155 = tpu.memref_slice %arg7[%add3A_153, %dma_start3A_154] : memref<320000x64xf32, #tpu.memory_space<hbm>> -> memref<80x64xf32, #tpu.memory_space<hbm>>
      %dma_start3A_156 = arith.constant 0 : i32
      %dma_start3A_157 = tpu.memref_slice %arg7[%add3A_153, %dma_start3A_156] : memref<320000x64xf32, #tpu.memory_space<hbm>> -> memref<80x64xf32, #tpu.memory_space<hbm>>
      tpu.enqueue_dma source(%arg15 : memref<80x64xf32, #tpu.memory_space<vmem>>) target(%dma_start3A_157 : memref<80x64xf32, #tpu.memory_space<hbm>>) target_semaphore(%arg29 : memref<!tpu.dma_semaphore, #tpu.memory_space<semaphore_mem>>)
      %add3A_158 = arith.constant 3 : i32
      %add3A_159 = arith.addi %mul3A_106, %add3A_158 : i32
      %dma_wait3A_160 = arith.constant 0 : i32
      %dma_wait3A_161 = tpu.memref_slice %arg12[%add3A_159, %dma_wait3A_160] : memref<125x80xi32, #tpu.memory_space<vmem>> -> memref<1x80xi32, #tpu.memory_space<vmem>>
      %dma_wait3A_162 = tpu.memref_squeeze %dma_wait3A_161 : memref<1x80xi32, #tpu.memory_space<vmem>> -> memref<80xi32, #tpu.memory_space<vmem>>
      %dma_wait3A_163 = arith.constant 0 : i32
      %dma_wait3A_164 = arith.constant 0 : i32
      %dma_wait3A_165 = tpu.memref_slice %arg2[%dma_wait3A_163, %dma_wait3A_164] : memref<20000x64xf32, #tpu.memory_space<hbm>> -> memref<20000x64xf32, #tpu.memory_space<hbm>>
      tpu.wait_indirect_dma semaphore(%arg25 : memref<!tpu.dma_semaphore, #tpu.memory_space<semaphore_mem>>) src(%dma_wait3A_165 : memref<20000x64xf32, #tpu.memory_space<hbm>>) dst(%arg16 : memref<80x64xf32, #tpu.memory_space<vmem>>)
      %add3A_166 = arith.constant 3 : i32
      %add3A_167 = arith.addi %mul3A_106, %add3A_166 : i32
      %mul3A_168 = arith.constant 80 : i32
      %mul3A_169 = arith.muli %add3A_167, %mul3A_168 : i32
      %add3A_170 = arith.addi %mul3A_8, %mul3A_169 : i32
      %dma_start3A_171 = arith.constant 0 : i32
      %dma_start3A_172 = tpu.memref_slice %arg7[%add3A_170, %dma_start3A_171] : memref<320000x64xf32, #tpu.memory_space<hbm>> -> memref<80x64xf32, #tpu.memory_space<hbm>>
      %dma_start3A_173 = arith.constant 0 : i32
      %dma_start3A_174 = tpu.memref_slice %arg7[%add3A_170, %dma_start3A_173] : memref<320000x64xf32, #tpu.memory_space<hbm>> -> memref<80x64xf32, #tpu.memory_space<hbm>>
      tpu.enqueue_dma source(%arg16 : memref<80x64xf32, #tpu.memory_space<vmem>>) target(%dma_start3A_174 : memref<80x64xf32, #tpu.memory_space<hbm>>) target_semaphore(%arg30 : memref<!tpu.dma_semaphore, #tpu.memory_space<semaphore_mem>>)
      %add3A_175 = arith.constant 4 : i32
      %add3A_176 = arith.addi %mul3A_106, %add3A_175 : i32
      %dma_wait3A_177 = arith.constant 0 : i32
      %dma_wait3A_178 = tpu.memref_slice %arg12[%add3A_176, %dma_wait3A_177] : memref<125x80xi32, #tpu.memory_space<vmem>> -> memref<1x80xi32, #tpu.memory_space<vmem>>
      %dma_wait3A_179 = tpu.memref_squeeze %dma_wait3A_178 : memref<1x80xi32, #tpu.memory_space<vmem>> -> memref<80xi32, #tpu.memory_space<vmem>>
      %dma_wait3A_180 = arith.constant 0 : i32
      %dma_wait3A_181 = arith.constant 0 : i32
      %dma_wait3A_182 = tpu.memref_slice %arg2[%dma_wait3A_180, %dma_wait3A_181] : memref<20000x64xf32, #tpu.memory_space<hbm>> -> memref<20000x64xf32, #tpu.memory_space<hbm>>
      tpu.wait_indirect_dma semaphore(%arg26 : memref<!tpu.dma_semaphore, #tpu.memory_space<semaphore_mem>>) src(%dma_wait3A_182 : memref<20000x64xf32, #tpu.memory_space<hbm>>) dst(%arg17 : memref<80x64xf32, #tpu.memory_space<vmem>>)
      %add3A_183 = arith.constant 4 : i32
      %add3A_184 = arith.addi %mul3A_106, %add3A_183 : i32
      %mul3A_185 = arith.constant 80 : i32
      %mul3A_186 = arith.muli %add3A_184, %mul3A_185 : i32
      %add3A_187 = arith.addi %mul3A_8, %mul3A_186 : i32
      %dma_start3A_188 = arith.constant 0 : i32
      %dma_start3A_189 = tpu.memref_slice %arg7[%add3A_187, %dma_start3A_188] : memref<320000x64xf32, #tpu.memory_space<hbm>> -> memref<80x64xf32, #tpu.memory_space<hbm>>
      %dma_start3A_190 = arith.constant 0 : i32
      %dma_start3A_191 = tpu.memref_slice %arg7[%add3A_187, %dma_start3A_190] : memref<320000x64xf32, #tpu.memory_space<hbm>> -> memref<80x64xf32, #tpu.memory_space<hbm>>
      tpu.enqueue_dma source(%arg17 : memref<80x64xf32, #tpu.memory_space<vmem>>) target(%dma_start3A_191 : memref<80x64xf32, #tpu.memory_space<hbm>>) target_semaphore(%arg31 : memref<!tpu.dma_semaphore, #tpu.memory_space<semaphore_mem>>)
      %lt3A = arith.constant 24 : i32
      %lt3A_192 = arith.cmpi slt, %scan3A_104, %lt3A : i32
      %convert_element_type3A = arith.extui %lt3A_192 : i1 to i32
      %cond3A = arith.constant 0 : i32
      %cond3A_193 = arith.cmpi ne, %convert_element_type3A, %cond3A : i32
      scf.if %cond3A_193 {
        %add3A_214 = arith.constant 0 : i32
        %add3A_215 = arith.addi %mul3A_106, %add3A_214 : i32
        %mul3A_216 = arith.constant 80 : i32
        %mul3A_217 = arith.muli %add3A_215, %mul3A_216 : i32
        %add3A_218 = arith.addi %mul3A_8, %mul3A_217 : i32
        %dma_wait3A_219 = arith.constant 0 : i32
        %dma_wait3A_220 = tpu.memref_slice %arg7[%add3A_218, %dma_wait3A_219] : memref<320000x64xf32, #tpu.memory_space<hbm>> -> memref<80x64xf32, #tpu.memory_space<hbm>>
        %dma_wait3A_221 = arith.constant 0 : i32
        %dma_wait3A_222 = tpu.memref_slice %arg7[%add3A_218, %dma_wait3A_221] : memref<320000x64xf32, #tpu.memory_space<hbm>> -> memref<80x64xf32, #tpu.memory_space<hbm>>
        tpu.wait_dma2 semaphore(%arg27 : memref<!tpu.dma_semaphore, #tpu.memory_space<semaphore_mem>>) src(%arg13 : memref<80x64xf32, #tpu.memory_space<vmem>>) dst(%dma_wait3A_222 : memref<80x64xf32, #tpu.memory_space<hbm>>)
        %add3A_223 = arith.constant 5 : i32
        %add3A_224 = arith.addi %mul3A_106, %add3A_223 : i32
        %add3A_225 = arith.constant 0 : i32
        %add3A_226 = arith.addi %add3A_224, %add3A_225 : i32
        %dma_start3A_227 = arith.constant 0 : i32
        %dma_start3A_228 = tpu.memref_slice %arg12[%add3A_226, %dma_start3A_227] : memref<125x80xi32, #tpu.memory_space<vmem>> -> memref<1x80xi32, #tpu.memory_space<vmem>>
        %dma_start3A_229 = tpu.memref_squeeze %dma_start3A_228 : memref<1x80xi32, #tpu.memory_space<vmem>> -> memref<80xi32, #tpu.memory_space<vmem>>
        %dma_start3A_230 = arith.constant 0 : i32
        %dma_start3A_231 = arith.constant 0 : i32
        %dma_start3A_232 = tpu.memref_slice %arg2[%dma_start3A_230, %dma_start3A_231] : memref<20000x64xf32, #tpu.memory_space<hbm>> -> memref<20000x64xf32, #tpu.memory_space<hbm>>
        tpu.enqueue_indirect_dma source(%dma_start3A_232 : memref<20000x64xf32, #tpu.memory_space<hbm>>) target(%arg13 : memref<80x64xf32, #tpu.memory_space<vmem>>) offsets(%dma_start3A_229 : memref<80xi32, #tpu.memory_space<vmem>>) semaphore(%arg22 : memref<!tpu.dma_semaphore, #tpu.memory_space<semaphore_mem>>)
      } else {
      }
      %lt3A_194 = arith.constant 24 : i32
      %lt3A_195 = arith.cmpi slt, %scan3A_104, %lt3A_194 : i32
      %convert_element_type3A_196 = arith.extui %lt3A_195 : i1 to i32
      %cond3A_197 = arith.constant 0 : i32
      %cond3A_198 = arith.cmpi ne, %convert_element_type3A_196, %cond3A_197 : i32
      scf.if %cond3A_198 {
        %add3A_214 = arith.constant 1 : i32
        %add3A_215 = arith.addi %mul3A_106, %add3A_214 : i32
        %mul3A_216 = arith.constant 80 : i32
        %mul3A_217 = arith.muli %add3A_215, %mul3A_216 : i32
        %add3A_218 = arith.addi %mul3A_8, %mul3A_217 : i32
        %dma_wait3A_219 = arith.constant 0 : i32
        %dma_wait3A_220 = tpu.memref_slice %arg7[%add3A_218, %dma_wait3A_219] : memref<320000x64xf32, #tpu.memory_space<hbm>> -> memref<80x64xf32, #tpu.memory_space<hbm>>
        %dma_wait3A_221 = arith.constant 0 : i32
        %dma_wait3A_222 = tpu.memref_slice %arg7[%add3A_218, %dma_wait3A_221] : memref<320000x64xf32, #tpu.memory_space<hbm>> -> memref<80x64xf32, #tpu.memory_space<hbm>>
        tpu.wait_dma2 semaphore(%arg28 : memref<!tpu.dma_semaphore, #tpu.memory_space<semaphore_mem>>) src(%arg14 : memref<80x64xf32, #tpu.memory_space<vmem>>) dst(%dma_wait3A_222 : memref<80x64xf32, #tpu.memory_space<hbm>>)
        %add3A_223 = arith.constant 5 : i32
        %add3A_224 = arith.addi %mul3A_106, %add3A_223 : i32
        %add3A_225 = arith.constant 1 : i32
        %add3A_226 = arith.addi %add3A_224, %add3A_225 : i32
        %dma_start3A_227 = arith.constant 0 : i32
        %dma_start3A_228 = tpu.memref_slice %arg12[%add3A_226, %dma_start3A_227] : memref<125x80xi32, #tpu.memory_space<vmem>> -> memref<1x80xi32, #tpu.memory_space<vmem>>
        %dma_start3A_229 = tpu.memref_squeeze %dma_start3A_228 : memref<1x80xi32, #tpu.memory_space<vmem>> -> memref<80xi32, #tpu.memory_space<vmem>>
        %dma_start3A_230 = arith.constant 0 : i32
        %dma_start3A_231 = arith.constant 0 : i32
        %dma_start3A_232 = tpu.memref_slice %arg2[%dma_start3A_230, %dma_start3A_231] : memref<20000x64xf32, #tpu.memory_space<hbm>> -> memref<20000x64xf32, #tpu.memory_space<hbm>>
        tpu.enqueue_indirect_dma source(%dma_start3A_232 : memref<20000x64xf32, #tpu.memory_space<hbm>>) target(%arg14 : memref<80x64xf32, #tpu.memory_space<vmem>>) offsets(%dma_start3A_229 : memref<80xi32, #tpu.memory_space<vmem>>) semaphore(%arg23 : memref<!tpu.dma_semaphore, #tpu.memory_space<semaphore_mem>>)
      } else {
      }
      %lt3A_199 = arith.constant 24 : i32
      %lt3A_200 = arith.cmpi slt, %scan3A_104, %lt3A_199 : i32
      %convert_element_type3A_201 = arith.extui %lt3A_200 : i1 to i32
      %cond3A_202 = arith.constant 0 : i32
      %cond3A_203 = arith.cmpi ne, %convert_element_type3A_201, %cond3A_202 : i32
      scf.if %cond3A_203 {
        %add3A_214 = arith.constant 2 : i32
        %add3A_215 = arith.addi %mul3A_106, %add3A_214 : i32
        %mul3A_216 = arith.constant 80 : i32
        %mul3A_217 = arith.muli %add3A_215, %mul3A_216 : i32
        %add3A_218 = arith.addi %mul3A_8, %mul3A_217 : i32
        %dma_wait3A_219 = arith.constant 0 : i32
        %dma_wait3A_220 = tpu.memref_slice %arg7[%add3A_218, %dma_wait3A_219] : memref<320000x64xf32, #tpu.memory_space<hbm>> -> memref<80x64xf32, #tpu.memory_space<hbm>>
        %dma_wait3A_221 = arith.constant 0 : i32
        %dma_wait3A_222 = tpu.memref_slice %arg7[%add3A_218, %dma_wait3A_221] : memref<320000x64xf32, #tpu.memory_space<hbm>> -> memref<80x64xf32, #tpu.memory_space<hbm>>
        tpu.wait_dma2 semaphore(%arg29 : memref<!tpu.dma_semaphore, #tpu.memory_space<semaphore_mem>>) src(%arg15 : memref<80x64xf32, #tpu.memory_space<vmem>>) dst(%dma_wait3A_222 : memref<80x64xf32, #tpu.memory_space<hbm>>)
        %add3A_223 = arith.constant 5 : i32
        %add3A_224 = arith.addi %mul3A_106, %add3A_223 : i32
        %add3A_225 = arith.constant 2 : i32
        %add3A_226 = arith.addi %add3A_224, %add3A_225 : i32
        %dma_start3A_227 = arith.constant 0 : i32
        %dma_start3A_228 = tpu.memref_slice %arg12[%add3A_226, %dma_start3A_227] : memref<125x80xi32, #tpu.memory_space<vmem>> -> memref<1x80xi32, #tpu.memory_space<vmem>>
        %dma_start3A_229 = tpu.memref_squeeze %dma_start3A_228 : memref<1x80xi32, #tpu.memory_space<vmem>> -> memref<80xi32, #tpu.memory_space<vmem>>
        %dma_start3A_230 = arith.constant 0 : i32
        %dma_start3A_231 = arith.constant 0 : i32
        %dma_start3A_232 = tpu.memref_slice %arg2[%dma_start3A_230, %dma_start3A_231] : memref<20000x64xf32, #tpu.memory_space<hbm>> -> memref<20000x64xf32, #tpu.memory_space<hbm>>
        tpu.enqueue_indirect_dma source(%dma_start3A_232 : memref<20000x64xf32, #tpu.memory_space<hbm>>) target(%arg15 : memref<80x64xf32, #tpu.memory_space<vmem>>) offsets(%dma_start3A_229 : memref<80xi32, #tpu.memory_space<vmem>>) semaphore(%arg24 : memref<!tpu.dma_semaphore, #tpu.memory_space<semaphore_mem>>)
      } else {
      }
      %lt3A_204 = arith.constant 24 : i32
      %lt3A_205 = arith.cmpi slt, %scan3A_104, %lt3A_204 : i32
      %convert_element_type3A_206 = arith.extui %lt3A_205 : i1 to i32
      %cond3A_207 = arith.constant 0 : i32
      %cond3A_208 = arith.cmpi ne, %convert_element_type3A_206, %cond3A_207 : i32
      scf.if %cond3A_208 {
        %add3A_214 = arith.constant 3 : i32
        %add3A_215 = arith.addi %mul3A_106, %add3A_214 : i32
        %mul3A_216 = arith.constant 80 : i32
        %mul3A_217 = arith.muli %add3A_215, %mul3A_216 : i32
        %add3A_218 = arith.addi %mul3A_8, %mul3A_217 : i32
        %dma_wait3A_219 = arith.constant 0 : i32
        %dma_wait3A_220 = tpu.memref_slice %arg7[%add3A_218, %dma_wait3A_219] : memref<320000x64xf32, #tpu.memory_space<hbm>> -> memref<80x64xf32, #tpu.memory_space<hbm>>
        %dma_wait3A_221 = arith.constant 0 : i32
        %dma_wait3A_222 = tpu.memref_slice %arg7[%add3A_218, %dma_wait3A_221] : memref<320000x64xf32, #tpu.memory_space<hbm>> -> memref<80x64xf32, #tpu.memory_space<hbm>>
        tpu.wait_dma2 semaphore(%arg30 : memref<!tpu.dma_semaphore, #tpu.memory_space<semaphore_mem>>) src(%arg16 : memref<80x64xf32, #tpu.memory_space<vmem>>) dst(%dma_wait3A_222 : memref<80x64xf32, #tpu.memory_space<hbm>>)
        %add3A_223 = arith.constant 5 : i32
        %add3A_224 = arith.addi %mul3A_106, %add3A_223 : i32
        %add3A_225 = arith.constant 3 : i32
        %add3A_226 = arith.addi %add3A_224, %add3A_225 : i32
        %dma_start3A_227 = arith.constant 0 : i32
        %dma_start3A_228 = tpu.memref_slice %arg12[%add3A_226, %dma_start3A_227] : memref<125x80xi32, #tpu.memory_space<vmem>> -> memref<1x80xi32, #tpu.memory_space<vmem>>
        %dma_start3A_229 = tpu.memref_squeeze %dma_start3A_228 : memref<1x80xi32, #tpu.memory_space<vmem>> -> memref<80xi32, #tpu.memory_space<vmem>>
        %dma_start3A_230 = arith.constant 0 : i32
        %dma_start3A_231 = arith.constant 0 : i32
        %dma_start3A_232 = tpu.memref_slice %arg2[%dma_start3A_230, %dma_start3A_231] : memref<20000x64xf32, #tpu.memory_space<hbm>> -> memref<20000x64xf32, #tpu.memory_space<hbm>>
        tpu.enqueue_indirect_dma source(%dma_start3A_232 : memref<20000x64xf32, #tpu.memory_space<hbm>>) target(%arg16 : memref<80x64xf32, #tpu.memory_space<vmem>>) offsets(%dma_start3A_229 : memref<80xi32, #tpu.memory_space<vmem>>) semaphore(%arg25 : memref<!tpu.dma_semaphore, #tpu.memory_space<semaphore_mem>>)
      } else {
      }
      %lt3A_209 = arith.constant 24 : i32
      %lt3A_210 = arith.cmpi slt, %scan3A_104, %lt3A_209 : i32
      %convert_element_type3A_211 = arith.extui %lt3A_210 : i1 to i32
      %cond3A_212 = arith.constant 0 : i32
      %cond3A_213 = arith.cmpi ne, %convert_element_type3A_211, %cond3A_212 : i32
      scf.if %cond3A_213 {
        %add3A_214 = arith.constant 4 : i32
        %add3A_215 = arith.addi %mul3A_106, %add3A_214 : i32
        %mul3A_216 = arith.constant 80 : i32
        %mul3A_217 = arith.muli %add3A_215, %mul3A_216 : i32
        %add3A_218 = arith.addi %mul3A_8, %mul3A_217 : i32
        %dma_wait3A_219 = arith.constant 0 : i32
        %dma_wait3A_220 = tpu.memref_slice %arg7[%add3A_218, %dma_wait3A_219] : memref<320000x64xf32, #tpu.memory_space<hbm>> -> memref<80x64xf32, #tpu.memory_space<hbm>>
        %dma_wait3A_221 = arith.constant 0 : i32
        %dma_wait3A_222 = tpu.memref_slice %arg7[%add3A_218, %dma_wait3A_221] : memref<320000x64xf32, #tpu.memory_space<hbm>> -> memref<80x64xf32, #tpu.memory_space<hbm>>
        tpu.wait_dma2 semaphore(%arg31 : memref<!tpu.dma_semaphore, #tpu.memory_space<semaphore_mem>>) src(%arg17 : memref<80x64xf32, #tpu.memory_space<vmem>>) dst(%dma_wait3A_222 : memref<80x64xf32, #tpu.memory_space<hbm>>)
        %add3A_223 = arith.constant 5 : i32
        %add3A_224 = arith.addi %mul3A_106, %add3A_223 : i32
        %add3A_225 = arith.constant 4 : i32
        %add3A_226 = arith.addi %add3A_224, %add3A_225 : i32
        %dma_start3A_227 = arith.constant 0 : i32
        %dma_start3A_228 = tpu.memref_slice %arg12[%add3A_226, %dma_start3A_227] : memref<125x80xi32, #tpu.memory_space<vmem>> -> memref<1x80xi32, #tpu.memory_space<vmem>>
        %dma_start3A_229 = tpu.memref_squeeze %dma_start3A_228 : memref<1x80xi32, #tpu.memory_space<vmem>> -> memref<80xi32, #tpu.memory_space<vmem>>
        %dma_start3A_230 = arith.constant 0 : i32
        %dma_start3A_231 = arith.constant 0 : i32
        %dma_start3A_232 = tpu.memref_slice %arg2[%dma_start3A_230, %dma_start3A_231] : memref<20000x64xf32, #tpu.memory_space<hbm>> -> memref<20000x64xf32, #tpu.memory_space<hbm>>
        tpu.enqueue_indirect_dma source(%dma_start3A_232 : memref<20000x64xf32, #tpu.memory_space<hbm>>) target(%arg17 : memref<80x64xf32, #tpu.memory_space<vmem>>) offsets(%dma_start3A_229 : memref<80xi32, #tpu.memory_space<vmem>>) semaphore(%arg26 : memref<!tpu.dma_semaphore, #tpu.memory_space<semaphore_mem>>)
      } else {
      }
    }
    %scan3A_69 = arith.constant 25 : i32
    %add3A_70 = arith.constant 9600 : i32
    %add3A_71 = arith.addi %mul3A_8, %add3A_70 : i32
    %dma_wait3A = arith.constant 0 : i32
    %dma_wait3A_72 = tpu.memref_slice %arg7[%add3A_71, %dma_wait3A] : memref<320000x64xf32, #tpu.memory_space<hbm>> -> memref<80x64xf32, #tpu.memory_space<hbm>>
    %dma_wait3A_73 = arith.constant 0 : i32
    %dma_wait3A_74 = tpu.memref_slice %arg7[%add3A_71, %dma_wait3A_73] : memref<320000x64xf32, #tpu.memory_space<hbm>> -> memref<80x64xf32, #tpu.memory_space<hbm>>
    tpu.wait_dma2 semaphore(%arg27 : memref<!tpu.dma_semaphore, #tpu.memory_space<semaphore_mem>>) src(%arg13 : memref<80x64xf32, #tpu.memory_space<vmem>>) dst(%dma_wait3A_74 : memref<80x64xf32, #tpu.memory_space<hbm>>)
    %add3A_75 = arith.constant 9680 : i32
    %add3A_76 = arith.addi %mul3A_8, %add3A_75 : i32
    %dma_wait3A_77 = arith.constant 0 : i32
    %dma_wait3A_78 = tpu.memref_slice %arg7[%add3A_76, %dma_wait3A_77] : memref<320000x64xf32, #tpu.memory_space<hbm>> -> memref<80x64xf32, #tpu.memory_space<hbm>>
    %dma_wait3A_79 = arith.constant 0 : i32
    %dma_wait3A_80 = tpu.memref_slice %arg7[%add3A_76, %dma_wait3A_79] : memref<320000x64xf32, #tpu.memory_space<hbm>> -> memref<80x64xf32, #tpu.memory_space<hbm>>
    tpu.wait_dma2 semaphore(%arg28 : memref<!tpu.dma_semaphore, #tpu.memory_space<semaphore_mem>>) src(%arg14 : memref<80x64xf32, #tpu.memory_space<vmem>>) dst(%dma_wait3A_80 : memref<80x64xf32, #tpu.memory_space<hbm>>)
    %add3A_81 = arith.constant 9760 : i32
    %add3A_82 = arith.addi %mul3A_8, %add3A_81 : i32
    %dma_wait3A_83 = arith.constant 0 : i32
    %dma_wait3A_84 = tpu.memref_slice %arg7[%add3A_82, %dma_wait3A_83] : memref<320000x64xf32, #tpu.memory_space<hbm>> -> memref<80x64xf32, #tpu.memory_space<hbm>>
    %dma_wait3A_85 = arith.constant 0 : i32
    %dma_wait3A_86 = tpu.memref_slice %arg7[%add3A_82, %dma_wait3A_85] : memref<320000x64xf32, #tpu.memory_space<hbm>> -> memref<80x64xf32, #tpu.memory_space<hbm>>
    tpu.wait_dma2 semaphore(%arg29 : memref<!tpu.dma_semaphore, #tpu.memory_space<semaphore_mem>>) src(%arg15 : memref<80x64xf32, #tpu.memory_space<vmem>>) dst(%dma_wait3A_86 : memref<80x64xf32, #tpu.memory_space<hbm>>)
    %add3A_87 = arith.constant 9840 : i32
    %add3A_88 = arith.addi %mul3A_8, %add3A_87 : i32
    %dma_wait3A_89 = arith.constant 0 : i32
    %dma_wait3A_90 = tpu.memref_slice %arg7[%add3A_88, %dma_wait3A_89] : memref<320000x64xf32, #tpu.memory_space<hbm>> -> memref<80x64xf32, #tpu.memory_space<hbm>>
    %dma_wait3A_91 = arith.constant 0 : i32
    %dma_wait3A_92 = tpu.memref_slice %arg7[%add3A_88, %dma_wait3A_91] : memref<320000x64xf32, #tpu.memory_space<hbm>> -> memref<80x64xf32, #tpu.memory_space<hbm>>
    tpu.wait_dma2 semaphore(%arg30 : memref<!tpu.dma_semaphore, #tpu.memory_space<semaphore_mem>>) src(%arg16 : memref<80x64xf32, #tpu.memory_space<vmem>>) dst(%dma_wait3A_92 : memref<80x64xf32, #tpu.memory_space<hbm>>)
    %add3A_93 = arith.constant 9920 : i32
    %add3A_94 = arith.addi %mul3A_8, %add3A_93 : i32
    %dma_wait3A_95 = arith.constant 0 : i32
    %dma_wait3A_96 = tpu.memref_slice %arg7[%add3A_94, %dma_wait3A_95] : memref<320000x64xf32, #tpu.memory_space<hbm>> -> memref<80x64xf32, #tpu.memory_space<hbm>>
    %dma_wait3A_97 = arith.constant 0 : i32
    %dma_wait3A_98 = tpu.memref_slice %arg7[%add3A_94, %dma_wait3A_97] : memref<320000x64xf32, #tpu.memory_space<hbm>> -> memref<80x64xf32, #tpu.memory_space<hbm>>
    tpu.wait_dma2 semaphore(%arg31 : memref<!tpu.dma_semaphore, #tpu.memory_space<semaphore_mem>>) src(%arg17 : memref<80x64xf32, #tpu.memory_space<vmem>>) dst(%dma_wait3A_98 : memref<80x64xf32, #tpu.memory_space<hbm>>)
    %barrier3A_99 = arith.constant 0 : index
    tpu.barrier barrier_id(%barrier3A_99)
    %mul3A_100 = arith.constant 640 : i32
    %mul3A_101 = arith.muli %arg1, %mul3A_100 : i32
    "tpu.region"() ({
      %run_scoped3A = tpu.sem_alloc : memref<!tpu.dma_semaphore, #tpu.memory_space<semaphore_mem>>
      %dma_start3A_104 = arith.constant 0 : i32
      %dma_start3A_105 = tpu.memref_slice %arg32[%mul3A_101, %dma_start3A_104] : memref<10240x16xf32, #tpu.memory_space<vmem_shared>> -> memref<640x16xf32, #tpu.memory_space<vmem_shared>>
      %dma_start3A_106 = arith.constant 0 : i32
      %dma_start3A_107 = tpu.memref_slice %arg32[%mul3A_101, %dma_start3A_106] : memref<10240x16xf32, #tpu.memory_space<vmem_shared>> -> memref<640x16xf32, #tpu.memory_space<vmem_shared>>
      tpu.enqueue_dma source(%dma_start3A_107 : memref<640x16xf32, #tpu.memory_space<vmem_shared>>) target(%arg19 : memref<640x16xf32, #tpu.memory_space<vmem>>) target_semaphore(%run_scoped3A : memref<!tpu.dma_semaphore, #tpu.memory_space<semaphore_mem>>)
      %dma_wait3A_108 = arith.constant 0 : i32
      %dma_wait3A_109 = tpu.memref_slice %arg32[%mul3A_101, %dma_wait3A_108] : memref<10240x16xf32, #tpu.memory_space<vmem_shared>> -> memref<640x16xf32, #tpu.memory_space<vmem_shared>>
      %dma_wait3A_110 = arith.constant 0 : i32
      %dma_wait3A_111 = tpu.memref_slice %arg32[%mul3A_101, %dma_wait3A_110] : memref<10240x16xf32, #tpu.memory_space<vmem_shared>> -> memref<640x16xf32, #tpu.memory_space<vmem_shared>>
      tpu.wait_dma2 semaphore(%run_scoped3A : memref<!tpu.dma_semaphore, #tpu.memory_space<semaphore_mem>>) src(%dma_wait3A_111 : memref<640x16xf32, #tpu.memory_space<vmem_shared>>) dst(%arg19 : memref<640x16xf32, #tpu.memory_space<vmem>>)
      tpu.yield
    }) : () -> ()
    %mul3A_102 = arith.constant 640 : i32
    %mul3A_103 = arith.muli %arg1, %mul3A_102 : i32
    "tpu.region"() ({
      %run_scoped3A = tpu.sem_alloc : memref<!tpu.dma_semaphore, #tpu.memory_space<semaphore_mem>>
      %dma_start3A_104 = arith.constant 0 : i32
      %dma_start3A_105 = arith.constant 0 : i32
      %dma_start3A_106 = tpu.memref_slice %arg8[%arg0, %dma_start3A_104, %dma_start3A_105] : memref<2x10240x16xf32, #tpu.memory_space<hbm>> -> memref<1x10240x16xf32, #tpu.memory_space<hbm>>
      %dma_start3A_107 = tpu.memref_squeeze %dma_start3A_106 : memref<1x10240x16xf32, #tpu.memory_space<hbm>> -> memref<10240x16xf32, #tpu.memory_space<hbm>>
      %dma_start3A_108 = arith.constant 0 : i32
      %dma_start3A_109 = tpu.memref_slice %dma_start3A_107[%mul3A_103, %dma_start3A_108] : memref<10240x16xf32, #tpu.memory_space<hbm>> -> memref<640x16xf32, #tpu.memory_space<hbm>>
      %dma_start3A_110 = arith.constant 0 : i32
      %dma_start3A_111 = arith.constant 0 : i32
      %dma_start3A_112 = tpu.memref_slice %arg8[%arg0, %dma_start3A_110, %dma_start3A_111] : memref<2x10240x16xf32, #tpu.memory_space<hbm>> -> memref<1x10240x16xf32, #tpu.memory_space<hbm>>
      %dma_start3A_113 = tpu.memref_squeeze %dma_start3A_112 : memref<1x10240x16xf32, #tpu.memory_space<hbm>> -> memref<10240x16xf32, #tpu.memory_space<hbm>>
      %dma_start3A_114 = arith.constant 0 : i32
      %dma_start3A_115 = tpu.memref_slice %dma_start3A_113[%mul3A_103, %dma_start3A_114] : memref<10240x16xf32, #tpu.memory_space<hbm>> -> memref<640x16xf32, #tpu.memory_space<hbm>>
      tpu.enqueue_dma source(%arg19 : memref<640x16xf32, #tpu.memory_space<vmem>>) target(%dma_start3A_115 : memref<640x16xf32, #tpu.memory_space<hbm>>) target_semaphore(%run_scoped3A : memref<!tpu.dma_semaphore, #tpu.memory_space<semaphore_mem>>)
      %dma_wait3A_116 = arith.constant 0 : i32
      %dma_wait3A_117 = arith.constant 0 : i32
      %dma_wait3A_118 = tpu.memref_slice %arg8[%arg0, %dma_wait3A_116, %dma_wait3A_117] : memref<2x10240x16xf32, #tpu.memory_space<hbm>> -> memref<1x10240x16xf32, #tpu.memory_space<hbm>>
      %dma_wait3A_119 = tpu.memref_squeeze %dma_wait3A_118 : memref<1x10240x16xf32, #tpu.memory_space<hbm>> -> memref<10240x16xf32, #tpu.memory_space<hbm>>
      %dma_wait3A_120 = arith.constant 0 : i32
      %dma_wait3A_121 = tpu.memref_slice %dma_wait3A_119[%mul3A_103, %dma_wait3A_120] : memref<10240x16xf32, #tpu.memory_space<hbm>> -> memref<640x16xf32, #tpu.memory_space<hbm>>
      %dma_wait3A_122 = arith.constant 0 : i32
      %dma_wait3A_123 = arith.constant 0 : i32
      %dma_wait3A_124 = tpu.memref_slice %arg8[%arg0, %dma_wait3A_122, %dma_wait3A_123] : memref<2x10240x16xf32, #tpu.memory_space<hbm>> -> memref<1x10240x16xf32, #tpu.memory_space<hbm>>
      %dma_wait3A_125 = tpu.memref_squeeze %dma_wait3A_124 : memref<1x10240x16xf32, #tpu.memory_space<hbm>> -> memref<10240x16xf32, #tpu.memory_space<hbm>>
      %dma_wait3A_126 = arith.constant 0 : i32
      %dma_wait3A_127 = tpu.memref_slice %dma_wait3A_125[%mul3A_103, %dma_wait3A_126] : memref<10240x16xf32, #tpu.memory_space<hbm>> -> memref<640x16xf32, #tpu.memory_space<hbm>>
      tpu.wait_dma2 semaphore(%run_scoped3A : memref<!tpu.dma_semaphore, #tpu.memory_space<semaphore_mem>>) src(%arg19 : memref<640x16xf32, #tpu.memory_space<vmem>>) dst(%dma_wait3A_127 : memref<640x16xf32, #tpu.memory_space<hbm>>)
      tpu.yield
    }) : () -> ()
    return
  }
}

#map = affine_map<(d0, d1) -> (0, 0)>
#map1 = affine_map<(d0, d1) -> (0)>
#map2 = affine_map<(d0, d1) -> (0, 0, 0)>
module attributes {stable_mosaic.version = 14 : i64} {
  func.func @_scatter_body(%arg0: i32, %arg1: i32, %arg2: memref<160000x64xf32, #tpu.memory_space<hbm>>, %arg3: memref<160000x64xf32, #tpu.memory_space<hbm>>, %arg4: memref<326400xi32, #tpu.memory_space<hbm>>, %arg5: memref<640x64xf32, #tpu.memory_space<hbm>>, %arg6: memref<2x10240x64xf32, #tpu.memory_space<hbm>>, %arg7: memref<19200xi32, #tpu.memory_space<vmem>>, %arg8: memref<80xi32, #tpu.memory_space<vmem>>, %arg9: memref<80xi32, #tpu.memory_space<vmem>>, %arg10: memref<80xi32, #tpu.memory_space<vmem>>, %arg11: memref<80xi32, #tpu.memory_space<vmem>>, %arg12: memref<80xi32, #tpu.memory_space<vmem>>, %arg13: memref<80x64xf32, #tpu.memory_space<vmem>>, %arg14: memref<80x64xf32, #tpu.memory_space<vmem>>, %arg15: memref<80x64xf32, #tpu.memory_space<vmem>>, %arg16: memref<80x64xf32, #tpu.memory_space<vmem>>, %arg17: memref<80x64xf32, #tpu.memory_space<vmem>>, %arg18: memref<640x64xf32, #tpu.memory_space<vmem>>, %arg19: memref<!tpu.dma_semaphore, #tpu.memory_space<semaphore_mem>>, %arg20: memref<!tpu.dma_semaphore, #tpu.memory_space<semaphore_mem>>, %arg21: memref<!tpu.dma_semaphore, #tpu.memory_space<semaphore_mem>>, %arg22: memref<!tpu.dma_semaphore, #tpu.memory_space<semaphore_mem>>, %arg23: memref<!tpu.dma_semaphore, #tpu.memory_space<semaphore_mem>>, %arg24: memref<!tpu.dma_semaphore, #tpu.memory_space<semaphore_mem>>, %arg25: memref<!tpu.dma_semaphore, #tpu.memory_space<semaphore_mem>>, %arg26: memref<!tpu.dma_semaphore, #tpu.memory_space<semaphore_mem>>, %arg27: memref<!tpu.dma_semaphore, #tpu.memory_space<semaphore_mem>>, %arg28: memref<!tpu.dma_semaphore, #tpu.memory_space<semaphore_mem>>, %arg29: memref<10240x64xf32, #tpu.memory_space<vmem_shared>>) attributes {dimension_semantics = [#tpu.dimension_semantics<core_parallel>, #tpu.dimension_semantics<subcore_parallel>], iteration_bounds = array<i64: 2, 16>, scalar_prefetch = 0 : i64, scratch_operands = 23 : i64, tpu.core_type = #tpu.core_type<sc_vector_subcore>, window_params = [{transform_indices = #map}, {transform_indices = #map}, {transform_indices = #map1}, {transform_indices = #map}, {transform_indices = #map2}]} {
    %eq3A = arith.constant 0 : i32
    %eq3A_0 = arith.cmpi eq, %arg0, %eq3A : i32
    %convert_element_type3A = arith.extui %eq3A_0 : i1 to i32
    %cond3A = arith.constant 0 : i32
    %cond3A_1 = arith.cmpi ne, %convert_element_type3A, %cond3A : i32
    scf.if %cond3A_1 {
      %mul3A = arith.constant 10000 : i32
      %mul3A_7 = arith.muli %arg1, %mul3A : i32
      %add3A = arith.constant 0 : i32
      %add3A_8 = arith.addi %add3A, %mul3A_7 : i32
      %mul3A_9 = arith.constant 10000 : i32
      %mul3A_10 = arith.muli %arg1, %mul3A_9 : i32
      %rem3A = arith.constant 6400 : i32
      %rem3A_11 = arith.remsi %add3A_8, %rem3A : i32
      %sub3A = arith.subi %add3A_8, %rem3A_11 : i32
      "tpu.region"() ({
        %run_scoped3A = tpu.sem_alloc : memref<!tpu.dma_semaphore, #tpu.memory_space<semaphore_mem>>
        tpu.enqueue_dma source(%arg5 : memref<640x64xf32, #tpu.memory_space<hbm>>) target(%arg18 : memref<640x64xf32, #tpu.memory_space<vmem>>) target_semaphore(%run_scoped3A : memref<!tpu.dma_semaphore, #tpu.memory_space<semaphore_mem>>)
        tpu.wait_dma2 semaphore(%run_scoped3A : memref<!tpu.dma_semaphore, #tpu.memory_space<semaphore_mem>>) src(%arg5 : memref<640x64xf32, #tpu.memory_space<hbm>>) dst(%arg18 : memref<640x64xf32, #tpu.memory_space<vmem>>)
        tpu.yield
      }) : () -> ()
      %mul3A_12 = arith.constant 640 : i32
      %mul3A_13 = arith.muli %arg1, %mul3A_12 : i32
      "tpu.region"() ({
        %run_scoped3A = tpu.sem_alloc : memref<!tpu.dma_semaphore, #tpu.memory_space<semaphore_mem>>
        %dma_start3A_67 = arith.constant 0 : i32
        %dma_start3A_68 = tpu.memref_slice %arg29[%mul3A_13, %dma_start3A_67] : memref<10240x64xf32, #tpu.memory_space<vmem_shared>> -> memref<640x64xf32, #tpu.memory_space<vmem_shared>>
        %dma_start3A_69 = arith.constant 0 : i32
        %dma_start3A_70 = tpu.memref_slice %arg29[%mul3A_13, %dma_start3A_69] : memref<10240x64xf32, #tpu.memory_space<vmem_shared>> -> memref<640x64xf32, #tpu.memory_space<vmem_shared>>
        tpu.enqueue_dma source(%arg18 : memref<640x64xf32, #tpu.memory_space<vmem>>) target(%dma_start3A_70 : memref<640x64xf32, #tpu.memory_space<vmem_shared>>) target_semaphore(%run_scoped3A : memref<!tpu.dma_semaphore, #tpu.memory_space<semaphore_mem>>)
        %dma_wait3A_71 = arith.constant 0 : i32
        %dma_wait3A_72 = tpu.memref_slice %arg29[%mul3A_13, %dma_wait3A_71] : memref<10240x64xf32, #tpu.memory_space<vmem_shared>> -> memref<640x64xf32, #tpu.memory_space<vmem_shared>>
        %dma_wait3A_73 = arith.constant 0 : i32
        %dma_wait3A_74 = tpu.memref_slice %arg29[%mul3A_13, %dma_wait3A_73] : memref<10240x64xf32, #tpu.memory_space<vmem_shared>> -> memref<640x64xf32, #tpu.memory_space<vmem_shared>>
        tpu.wait_dma2 semaphore(%run_scoped3A : memref<!tpu.dma_semaphore, #tpu.memory_space<semaphore_mem>>) src(%arg18 : memref<640x64xf32, #tpu.memory_space<vmem>>) dst(%dma_wait3A_74 : memref<640x64xf32, #tpu.memory_space<vmem_shared>>)
        tpu.yield
      }) : () -> ()
      "tpu.region"() ({
        %run_scoped3A = tpu.sem_alloc : memref<!tpu.dma_semaphore, #tpu.memory_space<semaphore_mem>>
        %dma_start3A_67 = tpu.memref_slice %arg4[%sub3A] : memref<326400xi32, #tpu.memory_space<hbm>> -> memref<19200xi32, #tpu.memory_space<hbm>>
        %dma_start3A_68 = tpu.memref_slice %arg4[%sub3A] : memref<326400xi32, #tpu.memory_space<hbm>> -> memref<19200xi32, #tpu.memory_space<hbm>>
        tpu.enqueue_dma source(%dma_start3A_68 : memref<19200xi32, #tpu.memory_space<hbm>>) target(%arg7 : memref<19200xi32, #tpu.memory_space<vmem>>) target_semaphore(%run_scoped3A : memref<!tpu.dma_semaphore, #tpu.memory_space<semaphore_mem>>)
        %dma_wait3A_69 = tpu.memref_slice %arg4[%sub3A] : memref<326400xi32, #tpu.memory_space<hbm>> -> memref<19200xi32, #tpu.memory_space<hbm>>
        %dma_wait3A_70 = tpu.memref_slice %arg4[%sub3A] : memref<326400xi32, #tpu.memory_space<hbm>> -> memref<19200xi32, #tpu.memory_space<hbm>>
        tpu.wait_dma2 semaphore(%run_scoped3A : memref<!tpu.dma_semaphore, #tpu.memory_space<semaphore_mem>>) src(%dma_wait3A_70 : memref<19200xi32, #tpu.memory_space<hbm>>) dst(%arg7 : memref<19200xi32, #tpu.memory_space<vmem>>)
        tpu.yield
      }) : () -> ()
      %barrier3A = arith.constant 0 : index
      tpu.barrier barrier_id(%barrier3A)
      %add3A_14 = arith.constant 0 : i32
      %add3A_15 = arith.addi %mul3A_10, %add3A_14 : i32
      %dma_start3A = arith.constant 0 : i32
      %dma_start3A_16 = tpu.memref_slice %arg2[%add3A_15, %dma_start3A] : memref<160000x64xf32, #tpu.memory_space<hbm>> -> memref<80x64xf32, #tpu.memory_space<hbm>>
      %dma_start3A_17 = arith.constant 0 : i32
      %dma_start3A_18 = tpu.memref_slice %arg2[%add3A_15, %dma_start3A_17] : memref<160000x64xf32, #tpu.memory_space<hbm>> -> memref<80x64xf32, #tpu.memory_space<hbm>>
      tpu.enqueue_dma source(%dma_start3A_18 : memref<80x64xf32, #tpu.memory_space<hbm>>) target(%arg13 : memref<80x64xf32, #tpu.memory_space<vmem>>) target_semaphore(%arg19 : memref<!tpu.dma_semaphore, #tpu.memory_space<semaphore_mem>>)
      %add3A_19 = arith.constant 80 : i32
      %add3A_20 = arith.addi %mul3A_10, %add3A_19 : i32
      %dma_start3A_21 = arith.constant 0 : i32
      %dma_start3A_22 = tpu.memref_slice %arg2[%add3A_20, %dma_start3A_21] : memref<160000x64xf32, #tpu.memory_space<hbm>> -> memref<80x64xf32, #tpu.memory_space<hbm>>
      %dma_start3A_23 = arith.constant 0 : i32
      %dma_start3A_24 = tpu.memref_slice %arg2[%add3A_20, %dma_start3A_23] : memref<160000x64xf32, #tpu.memory_space<hbm>> -> memref<80x64xf32, #tpu.memory_space<hbm>>
      tpu.enqueue_dma source(%dma_start3A_24 : memref<80x64xf32, #tpu.memory_space<hbm>>) target(%arg14 : memref<80x64xf32, #tpu.memory_space<vmem>>) target_semaphore(%arg20 : memref<!tpu.dma_semaphore, #tpu.memory_space<semaphore_mem>>)
      %add3A_25 = arith.constant 160 : i32
      %add3A_26 = arith.addi %mul3A_10, %add3A_25 : i32
      %dma_start3A_27 = arith.constant 0 : i32
      %dma_start3A_28 = tpu.memref_slice %arg2[%add3A_26, %dma_start3A_27] : memref<160000x64xf32, #tpu.memory_space<hbm>> -> memref<80x64xf32, #tpu.memory_space<hbm>>
      %dma_start3A_29 = arith.constant 0 : i32
      %dma_start3A_30 = tpu.memref_slice %arg2[%add3A_26, %dma_start3A_29] : memref<160000x64xf32, #tpu.memory_space<hbm>> -> memref<80x64xf32, #tpu.memory_space<hbm>>
      tpu.enqueue_dma source(%dma_start3A_30 : memref<80x64xf32, #tpu.memory_space<hbm>>) target(%arg15 : memref<80x64xf32, #tpu.memory_space<vmem>>) target_semaphore(%arg21 : memref<!tpu.dma_semaphore, #tpu.memory_space<semaphore_mem>>)
      %add3A_31 = arith.constant 240 : i32
      %add3A_32 = arith.addi %mul3A_10, %add3A_31 : i32
      %dma_start3A_33 = arith.constant 0 : i32
      %dma_start3A_34 = tpu.memref_slice %arg2[%add3A_32, %dma_start3A_33] : memref<160000x64xf32, #tpu.memory_space<hbm>> -> memref<80x64xf32, #tpu.memory_space<hbm>>
      %dma_start3A_35 = arith.constant 0 : i32
      %dma_start3A_36 = tpu.memref_slice %arg2[%add3A_32, %dma_start3A_35] : memref<160000x64xf32, #tpu.memory_space<hbm>> -> memref<80x64xf32, #tpu.memory_space<hbm>>
      tpu.enqueue_dma source(%dma_start3A_36 : memref<80x64xf32, #tpu.memory_space<hbm>>) target(%arg16 : memref<80x64xf32, #tpu.memory_space<vmem>>) target_semaphore(%arg22 : memref<!tpu.dma_semaphore, #tpu.memory_space<semaphore_mem>>)
      %add3A_37 = arith.constant 320 : i32
      %add3A_38 = arith.addi %mul3A_10, %add3A_37 : i32
      %dma_start3A_39 = arith.constant 0 : i32
      %dma_start3A_40 = tpu.memref_slice %arg2[%add3A_38, %dma_start3A_39] : memref<160000x64xf32, #tpu.memory_space<hbm>> -> memref<80x64xf32, #tpu.memory_space<hbm>>
      %dma_start3A_41 = arith.constant 0 : i32
      %dma_start3A_42 = tpu.memref_slice %arg2[%add3A_38, %dma_start3A_41] : memref<160000x64xf32, #tpu.memory_space<hbm>> -> memref<80x64xf32, #tpu.memory_space<hbm>>
      tpu.enqueue_dma source(%dma_start3A_42 : memref<80x64xf32, #tpu.memory_space<hbm>>) target(%arg17 : memref<80x64xf32, #tpu.memory_space<vmem>>) target_semaphore(%arg23 : memref<!tpu.dma_semaphore, #tpu.memory_space<semaphore_mem>>)
      %scan3A = arith.constant 0 : i32
      %scan3A_43 = arith.constant 0 : i32
      %scan3A_44 = arith.constant 25 : i32
      %scan3A_45 = arith.addi %scan3A_43, %scan3A_44 : i32
      %scan3A_46 = arith.constant 1 : i32
      scf.for %scan3A_67 = %scan3A_43 to %scan3A_45 step %scan3A_46  : i32 {
        %mul3A_68 = arith.constant 5 : i32
        %mul3A_69 = arith.muli %scan3A_67, %mul3A_68 : i32
        %add3A_70 = arith.constant 0 : i32
        %add3A_71 = arith.addi %mul3A_69, %add3A_70 : i32
        %mul3A_72 = arith.constant 80 : i32
        %mul3A_73 = arith.muli %add3A_71, %mul3A_72 : i32
        %add3A_74 = arith.addi %mul3A_10, %mul3A_73 : i32
        %dma_wait3A_75 = arith.constant 0 : i32
        %dma_wait3A_76 = tpu.memref_slice %arg2[%add3A_74, %dma_wait3A_75] : memref<160000x64xf32, #tpu.memory_space<hbm>> -> memref<80x64xf32, #tpu.memory_space<hbm>>
        %dma_wait3A_77 = arith.constant 0 : i32
        %dma_wait3A_78 = tpu.memref_slice %arg2[%add3A_74, %dma_wait3A_77] : memref<160000x64xf32, #tpu.memory_space<hbm>> -> memref<80x64xf32, #tpu.memory_space<hbm>>
        tpu.wait_dma2 semaphore(%arg19 : memref<!tpu.dma_semaphore, #tpu.memory_space<semaphore_mem>>) src(%dma_wait3A_78 : memref<80x64xf32, #tpu.memory_space<hbm>>) dst(%arg13 : memref<80x64xf32, #tpu.memory_space<vmem>>)
        %add3A_79 = arith.constant 0 : i32
        %add3A_80 = arith.addi %mul3A_69, %add3A_79 : i32
        %mul3A_81 = arith.constant 80 : i32
        %mul3A_82 = arith.muli %add3A_80, %mul3A_81 : i32
        %add3A_83 = arith.addi %add3A_8, %mul3A_82 : i32
        %rem3A_84 = arith.constant 6400 : i32
        %rem3A_85 = arith.remsi %add3A_83, %rem3A_84 : i32
        %sub3A_86 = arith.subi %add3A_83, %rem3A_85 : i32
        %shift_right_logical3A = arith.constant 1 : i32
        %shift_right_logical3A_87 = arith.shrui %rem3A_85, %shift_right_logical3A : i32
        %add3A_88 = arith.addi %sub3A_86, %shift_right_logical3A_87 : i32
        %sub3A_89 = arith.subi %add3A_88, %sub3A : i32
        %iota3A = tpu.iota {dimensions = array<i32: 0>} : vector<16xi32>
        %add3A_90 = arith.constant 0 : i32
        %add3A_91 = vector.broadcast %add3A_90 : i32 to vector<16xi32>
        %add3A_92 = arith.addi %iota3A, %add3A_91 : vector<16xi32>
        %and3A = arith.constant 1 : i32
        %and3A_93 = vector.broadcast %and3A : i32 to vector<16xi32>
        %and3A_94 = arith.andi %add3A_92, %and3A_93 : vector<16xi32>
        %mul3A_95 = arith.constant 3200 : i32
        %mul3A_96 = vector.broadcast %mul3A_95 : i32 to vector<16xi32>
        %mul3A_97 = arith.muli %and3A_94, %mul3A_96 : vector<16xi32>
        %add3A_98 = vector.broadcast %sub3A_89 : i32 to vector<16xi32>
        %add3A_99 = arith.addi %add3A_98, %mul3A_97 : vector<16xi32>
        %shift_right_logical3A_100 = arith.constant 1 : i32
        %shift_right_logical3A_101 = vector.broadcast %shift_right_logical3A_100 : i32 to vector<16xi32>
        %shift_right_logical3A_102 = arith.shrui %add3A_92, %shift_right_logical3A_101 : vector<16xi32>
        %add3A_103 = arith.addi %add3A_99, %shift_right_logical3A_102 : vector<16xi32>
        %gather3A = tpu.vector_load_idx %arg7[%add3A_103] : memref<19200xi32, #tpu.memory_space<vmem>>[vector<16xi32>], vector<16xi32>,
        %swap3A = arith.constant 0 : index
        %swap3A_104 = tpu.vector_load %arg8[%swap3A] {strides = array<i32>} : memref<80xi32, #tpu.memory_space<vmem>>, vector<16xi32>,
        tpu.vector_store %arg8[%swap3A], %gather3A {strides = array<i32>} : memref<80xi32, #tpu.memory_space<vmem>>, vector<16xi32>,
        %iota3A_105 = tpu.iota {dimensions = array<i32: 0>} : vector<16xi32>
        %add3A_106 = arith.constant 16 : i32
        %add3A_107 = vector.broadcast %add3A_106 : i32 to vector<16xi32>
        %add3A_108 = arith.addi %iota3A_105, %add3A_107 : vector<16xi32>
        %and3A_109 = arith.constant 1 : i32
        %and3A_110 = vector.broadcast %and3A_109 : i32 to vector<16xi32>
        %and3A_111 = arith.andi %add3A_108, %and3A_110 : vector<16xi32>
        %mul3A_112 = arith.constant 3200 : i32
        %mul3A_113 = vector.broadcast %mul3A_112 : i32 to vector<16xi32>
        %mul3A_114 = arith.muli %and3A_111, %mul3A_113 : vector<16xi32>
        %add3A_115 = vector.broadcast %sub3A_89 : i32 to vector<16xi32>
        %add3A_116 = arith.addi %add3A_115, %mul3A_114 : vector<16xi32>
        %shift_right_logical3A_117 = arith.constant 1 : i32
        %shift_right_logical3A_118 = vector.broadcast %shift_right_logical3A_117 : i32 to vector<16xi32>
        %shift_right_logical3A_119 = arith.shrui %add3A_108, %shift_right_logical3A_118 : vector<16xi32>
        %add3A_120 = arith.addi %add3A_116, %shift_right_logical3A_119 : vector<16xi32>
        %gather3A_121 = tpu.vector_load_idx %arg7[%add3A_120] : memref<19200xi32, #tpu.memory_space<vmem>>[vector<16xi32>], vector<16xi32>,
        %swap3A_122 = arith.constant 16 : index
        %swap3A_123 = tpu.vector_load %arg8[%swap3A_122] {strides = array<i32>} : memref<80xi32, #tpu.memory_space<vmem>>, vector<16xi32>,
        tpu.vector_store %arg8[%swap3A_122], %gather3A_121 {strides = array<i32>} : memref<80xi32, #tpu.memory_space<vmem>>, vector<16xi32>,
        %iota3A_124 = tpu.iota {dimensions = array<i32: 0>} : vector<16xi32>
        %add3A_125 = arith.constant 32 : i32
        %add3A_126 = vector.broadcast %add3A_125 : i32 to vector<16xi32>
        %add3A_127 = arith.addi %iota3A_124, %add3A_126 : vector<16xi32>
        %and3A_128 = arith.constant 1 : i32
        %and3A_129 = vector.broadcast %and3A_128 : i32 to vector<16xi32>
        %and3A_130 = arith.andi %add3A_127, %and3A_129 : vector<16xi32>
        %mul3A_131 = arith.constant 3200 : i32
        %mul3A_132 = vector.broadcast %mul3A_131 : i32 to vector<16xi32>
        %mul3A_133 = arith.muli %and3A_130, %mul3A_132 : vector<16xi32>
        %add3A_134 = vector.broadcast %sub3A_89 : i32 to vector<16xi32>
        %add3A_135 = arith.addi %add3A_134, %mul3A_133 : vector<16xi32>
        %shift_right_logical3A_136 = arith.constant 1 : i32
        %shift_right_logical3A_137 = vector.broadcast %shift_right_logical3A_136 : i32 to vector<16xi32>
        %shift_right_logical3A_138 = arith.shrui %add3A_127, %shift_right_logical3A_137 : vector<16xi32>
        %add3A_139 = arith.addi %add3A_135, %shift_right_logical3A_138 : vector<16xi32>
        %gather3A_140 = tpu.vector_load_idx %arg7[%add3A_139] : memref<19200xi32, #tpu.memory_space<vmem>>[vector<16xi32>], vector<16xi32>,
        %swap3A_141 = arith.constant 32 : index
        %swap3A_142 = tpu.vector_load %arg8[%swap3A_141] {strides = array<i32>} : memref<80xi32, #tpu.memory_space<vmem>>, vector<16xi32>,
        tpu.vector_store %arg8[%swap3A_141], %gather3A_140 {strides = array<i32>} : memref<80xi32, #tpu.memory_space<vmem>>, vector<16xi32>,
        %iota3A_143 = tpu.iota {dimensions = array<i32: 0>} : vector<16xi32>
        %add3A_144 = arith.constant 48 : i32
        %add3A_145 = vector.broadcast %add3A_144 : i32 to vector<16xi32>
        %add3A_146 = arith.addi %iota3A_143, %add3A_145 : vector<16xi32>
        %and3A_147 = arith.constant 1 : i32
        %and3A_148 = vector.broadcast %and3A_147 : i32 to vector<16xi32>
        %and3A_149 = arith.andi %add3A_146, %and3A_148 : vector<16xi32>
        %mul3A_150 = arith.constant 3200 : i32
        %mul3A_151 = vector.broadcast %mul3A_150 : i32 to vector<16xi32>
        %mul3A_152 = arith.muli %and3A_149, %mul3A_151 : vector<16xi32>
        %add3A_153 = vector.broadcast %sub3A_89 : i32 to vector<16xi32>
        %add3A_154 = arith.addi %add3A_153, %mul3A_152 : vector<16xi32>
        %shift_right_logical3A_155 = arith.constant 1 : i32
        %shift_right_logical3A_156 = vector.broadcast %shift_right_logical3A_155 : i32 to vector<16xi32>
        %shift_right_logical3A_157 = arith.shrui %add3A_146, %shift_right_logical3A_156 : vector<16xi32>
        %add3A_158 = arith.addi %add3A_154, %shift_right_logical3A_157 : vector<16xi32>
        %gather3A_159 = tpu.vector_load_idx %arg7[%add3A_158] : memref<19200xi32, #tpu.memory_space<vmem>>[vector<16xi32>], vector<16xi32>,
        %swap3A_160 = arith.constant 48 : index
        %swap3A_161 = tpu.vector_load %arg8[%swap3A_160] {strides = array<i32>} : memref<80xi32, #tpu.memory_space<vmem>>, vector<16xi32>,
        tpu.vector_store %arg8[%swap3A_160], %gather3A_159 {strides = array<i32>} : memref<80xi32, #tpu.memory_space<vmem>>, vector<16xi32>,
        %iota3A_162 = tpu.iota {dimensions = array<i32: 0>} : vector<16xi32>
        %add3A_163 = arith.constant 64 : i32
        %add3A_164 = vector.broadcast %add3A_163 : i32 to vector<16xi32>
        %add3A_165 = arith.addi %iota3A_162, %add3A_164 : vector<16xi32>
        %and3A_166 = arith.constant 1 : i32
        %and3A_167 = vector.broadcast %and3A_166 : i32 to vector<16xi32>
        %and3A_168 = arith.andi %add3A_165, %and3A_167 : vector<16xi32>
        %mul3A_169 = arith.constant 3200 : i32
        %mul3A_170 = vector.broadcast %mul3A_169 : i32 to vector<16xi32>
        %mul3A_171 = arith.muli %and3A_168, %mul3A_170 : vector<16xi32>
        %add3A_172 = vector.broadcast %sub3A_89 : i32 to vector<16xi32>
        %add3A_173 = arith.addi %add3A_172, %mul3A_171 : vector<16xi32>
        %shift_right_logical3A_174 = arith.constant 1 : i32
        %shift_right_logical3A_175 = vector.broadcast %shift_right_logical3A_174 : i32 to vector<16xi32>
        %shift_right_logical3A_176 = arith.shrui %add3A_165, %shift_right_logical3A_175 : vector<16xi32>
        %add3A_177 = arith.addi %add3A_173, %shift_right_logical3A_176 : vector<16xi32>
        %gather3A_178 = tpu.vector_load_idx %arg7[%add3A_177] : memref<19200xi32, #tpu.memory_space<vmem>>[vector<16xi32>], vector<16xi32>,
        %swap3A_179 = arith.constant 64 : index
        %swap3A_180 = tpu.vector_load %arg8[%swap3A_179] {strides = array<i32>} : memref<80xi32, #tpu.memory_space<vmem>>, vector<16xi32>,
        tpu.vector_store %arg8[%swap3A_179], %gather3A_178 {strides = array<i32>} : memref<80xi32, #tpu.memory_space<vmem>>, vector<16xi32>,
        %dma_start3A_181 = arith.constant 0 : i32
        %dma_start3A_182 = arith.constant 0 : i32
        %dma_start3A_183 = tpu.memref_slice %arg29[%dma_start3A_181, %dma_start3A_182] : memref<10240x64xf32, #tpu.memory_space<vmem_shared>> -> memref<10240x64xf32, #tpu.memory_space<vmem_shared>>
        tpu.enqueue_indirect_dma source(%arg13 : memref<80x64xf32, #tpu.memory_space<vmem>>) target(%dma_start3A_183 : memref<10240x64xf32, #tpu.memory_space<vmem_shared>>) offsets(%arg8 : memref<80xi32, #tpu.memory_space<vmem>>) semaphore(%arg24 : memref<!tpu.dma_semaphore, #tpu.memory_space<semaphore_mem>>) {add = true}
        %add3A_184 = arith.constant 1 : i32
        %add3A_185 = arith.addi %mul3A_69, %add3A_184 : i32
        %mul3A_186 = arith.constant 80 : i32
        %mul3A_187 = arith.muli %add3A_185, %mul3A_186 : i32
        %add3A_188 = arith.addi %mul3A_10, %mul3A_187 : i32
        %dma_wait3A_189 = arith.constant 0 : i32
        %dma_wait3A_190 = tpu.memref_slice %arg2[%add3A_188, %dma_wait3A_189] : memref<160000x64xf32, #tpu.memory_space<hbm>> -> memref<80x64xf32, #tpu.memory_space<hbm>>
        %dma_wait3A_191 = arith.constant 0 : i32
        %dma_wait3A_192 = tpu.memref_slice %arg2[%add3A_188, %dma_wait3A_191] : memref<160000x64xf32, #tpu.memory_space<hbm>> -> memref<80x64xf32, #tpu.memory_space<hbm>>
        tpu.wait_dma2 semaphore(%arg20 : memref<!tpu.dma_semaphore, #tpu.memory_space<semaphore_mem>>) src(%dma_wait3A_192 : memref<80x64xf32, #tpu.memory_space<hbm>>) dst(%arg14 : memref<80x64xf32, #tpu.memory_space<vmem>>)
        %add3A_193 = arith.constant 1 : i32
        %add3A_194 = arith.addi %mul3A_69, %add3A_193 : i32
        %mul3A_195 = arith.constant 80 : i32
        %mul3A_196 = arith.muli %add3A_194, %mul3A_195 : i32
        %add3A_197 = arith.addi %add3A_8, %mul3A_196 : i32
        %rem3A_198 = arith.constant 6400 : i32
        %rem3A_199 = arith.remsi %add3A_197, %rem3A_198 : i32
        %sub3A_200 = arith.subi %add3A_197, %rem3A_199 : i32
        %shift_right_logical3A_201 = arith.constant 1 : i32
        %shift_right_logical3A_202 = arith.shrui %rem3A_199, %shift_right_logical3A_201 : i32
        %add3A_203 = arith.addi %sub3A_200, %shift_right_logical3A_202 : i32
        %sub3A_204 = arith.subi %add3A_203, %sub3A : i32
        %iota3A_205 = tpu.iota {dimensions = array<i32: 0>} : vector<16xi32>
        %add3A_206 = arith.constant 0 : i32
        %add3A_207 = vector.broadcast %add3A_206 : i32 to vector<16xi32>
        %add3A_208 = arith.addi %iota3A_205, %add3A_207 : vector<16xi32>
        %and3A_209 = arith.constant 1 : i32
        %and3A_210 = vector.broadcast %and3A_209 : i32 to vector<16xi32>
        %and3A_211 = arith.andi %add3A_208, %and3A_210 : vector<16xi32>
        %mul3A_212 = arith.constant 3200 : i32
        %mul3A_213 = vector.broadcast %mul3A_212 : i32 to vector<16xi32>
        %mul3A_214 = arith.muli %and3A_211, %mul3A_213 : vector<16xi32>
        %add3A_215 = vector.broadcast %sub3A_204 : i32 to vector<16xi32>
        %add3A_216 = arith.addi %add3A_215, %mul3A_214 : vector<16xi32>
        %shift_right_logical3A_217 = arith.constant 1 : i32
        %shift_right_logical3A_218 = vector.broadcast %shift_right_logical3A_217 : i32 to vector<16xi32>
        %shift_right_logical3A_219 = arith.shrui %add3A_208, %shift_right_logical3A_218 : vector<16xi32>
        %add3A_220 = arith.addi %add3A_216, %shift_right_logical3A_219 : vector<16xi32>
        %gather3A_221 = tpu.vector_load_idx %arg7[%add3A_220] : memref<19200xi32, #tpu.memory_space<vmem>>[vector<16xi32>], vector<16xi32>,
        %swap3A_222 = arith.constant 0 : index
        %swap3A_223 = tpu.vector_load %arg9[%swap3A_222] {strides = array<i32>} : memref<80xi32, #tpu.memory_space<vmem>>, vector<16xi32>,
        tpu.vector_store %arg9[%swap3A_222], %gather3A_221 {strides = array<i32>} : memref<80xi32, #tpu.memory_space<vmem>>, vector<16xi32>,
        %iota3A_224 = tpu.iota {dimensions = array<i32: 0>} : vector<16xi32>
        %add3A_225 = arith.constant 16 : i32
        %add3A_226 = vector.broadcast %add3A_225 : i32 to vector<16xi32>
        %add3A_227 = arith.addi %iota3A_224, %add3A_226 : vector<16xi32>
        %and3A_228 = arith.constant 1 : i32
        %and3A_229 = vector.broadcast %and3A_228 : i32 to vector<16xi32>
        %and3A_230 = arith.andi %add3A_227, %and3A_229 : vector<16xi32>
        %mul3A_231 = arith.constant 3200 : i32
        %mul3A_232 = vector.broadcast %mul3A_231 : i32 to vector<16xi32>
        %mul3A_233 = arith.muli %and3A_230, %mul3A_232 : vector<16xi32>
        %add3A_234 = vector.broadcast %sub3A_204 : i32 to vector<16xi32>
        %add3A_235 = arith.addi %add3A_234, %mul3A_233 : vector<16xi32>
        %shift_right_logical3A_236 = arith.constant 1 : i32
        %shift_right_logical3A_237 = vector.broadcast %shift_right_logical3A_236 : i32 to vector<16xi32>
        %shift_right_logical3A_238 = arith.shrui %add3A_227, %shift_right_logical3A_237 : vector<16xi32>
        %add3A_239 = arith.addi %add3A_235, %shift_right_logical3A_238 : vector<16xi32>
        %gather3A_240 = tpu.vector_load_idx %arg7[%add3A_239] : memref<19200xi32, #tpu.memory_space<vmem>>[vector<16xi32>], vector<16xi32>,
        %swap3A_241 = arith.constant 16 : index
        %swap3A_242 = tpu.vector_load %arg9[%swap3A_241] {strides = array<i32>} : memref<80xi32, #tpu.memory_space<vmem>>, vector<16xi32>,
        tpu.vector_store %arg9[%swap3A_241], %gather3A_240 {strides = array<i32>} : memref<80xi32, #tpu.memory_space<vmem>>, vector<16xi32>,
        %iota3A_243 = tpu.iota {dimensions = array<i32: 0>} : vector<16xi32>
        %add3A_244 = arith.constant 32 : i32
        %add3A_245 = vector.broadcast %add3A_244 : i32 to vector<16xi32>
        %add3A_246 = arith.addi %iota3A_243, %add3A_245 : vector<16xi32>
        %and3A_247 = arith.constant 1 : i32
        %and3A_248 = vector.broadcast %and3A_247 : i32 to vector<16xi32>
        %and3A_249 = arith.andi %add3A_246, %and3A_248 : vector<16xi32>
        %mul3A_250 = arith.constant 3200 : i32
        %mul3A_251 = vector.broadcast %mul3A_250 : i32 to vector<16xi32>
        %mul3A_252 = arith.muli %and3A_249, %mul3A_251 : vector<16xi32>
        %add3A_253 = vector.broadcast %sub3A_204 : i32 to vector<16xi32>
        %add3A_254 = arith.addi %add3A_253, %mul3A_252 : vector<16xi32>
        %shift_right_logical3A_255 = arith.constant 1 : i32
        %shift_right_logical3A_256 = vector.broadcast %shift_right_logical3A_255 : i32 to vector<16xi32>
        %shift_right_logical3A_257 = arith.shrui %add3A_246, %shift_right_logical3A_256 : vector<16xi32>
        %add3A_258 = arith.addi %add3A_254, %shift_right_logical3A_257 : vector<16xi32>
        %gather3A_259 = tpu.vector_load_idx %arg7[%add3A_258] : memref<19200xi32, #tpu.memory_space<vmem>>[vector<16xi32>], vector<16xi32>,
        %swap3A_260 = arith.constant 32 : index
        %swap3A_261 = tpu.vector_load %arg9[%swap3A_260] {strides = array<i32>} : memref<80xi32, #tpu.memory_space<vmem>>, vector<16xi32>,
        tpu.vector_store %arg9[%swap3A_260], %gather3A_259 {strides = array<i32>} : memref<80xi32, #tpu.memory_space<vmem>>, vector<16xi32>,
        %iota3A_262 = tpu.iota {dimensions = array<i32: 0>} : vector<16xi32>
        %add3A_263 = arith.constant 48 : i32
        %add3A_264 = vector.broadcast %add3A_263 : i32 to vector<16xi32>
        %add3A_265 = arith.addi %iota3A_262, %add3A_264 : vector<16xi32>
        %and3A_266 = arith.constant 1 : i32
        %and3A_267 = vector.broadcast %and3A_266 : i32 to vector<16xi32>
        %and3A_268 = arith.andi %add3A_265, %and3A_267 : vector<16xi32>
        %mul3A_269 = arith.constant 3200 : i32
        %mul3A_270 = vector.broadcast %mul3A_269 : i32 to vector<16xi32>
        %mul3A_271 = arith.muli %and3A_268, %mul3A_270 : vector<16xi32>
        %add3A_272 = vector.broadcast %sub3A_204 : i32 to vector<16xi32>
        %add3A_273 = arith.addi %add3A_272, %mul3A_271 : vector<16xi32>
        %shift_right_logical3A_274 = arith.constant 1 : i32
        %shift_right_logical3A_275 = vector.broadcast %shift_right_logical3A_274 : i32 to vector<16xi32>
        %shift_right_logical3A_276 = arith.shrui %add3A_265, %shift_right_logical3A_275 : vector<16xi32>
        %add3A_277 = arith.addi %add3A_273, %shift_right_logical3A_276 : vector<16xi32>
        %gather3A_278 = tpu.vector_load_idx %arg7[%add3A_277] : memref<19200xi32, #tpu.memory_space<vmem>>[vector<16xi32>], vector<16xi32>,
        %swap3A_279 = arith.constant 48 : index
        %swap3A_280 = tpu.vector_load %arg9[%swap3A_279] {strides = array<i32>} : memref<80xi32, #tpu.memory_space<vmem>>, vector<16xi32>,
        tpu.vector_store %arg9[%swap3A_279], %gather3A_278 {strides = array<i32>} : memref<80xi32, #tpu.memory_space<vmem>>, vector<16xi32>,
        %iota3A_281 = tpu.iota {dimensions = array<i32: 0>} : vector<16xi32>
        %add3A_282 = arith.constant 64 : i32
        %add3A_283 = vector.broadcast %add3A_282 : i32 to vector<16xi32>
        %add3A_284 = arith.addi %iota3A_281, %add3A_283 : vector<16xi32>
        %and3A_285 = arith.constant 1 : i32
        %and3A_286 = vector.broadcast %and3A_285 : i32 to vector<16xi32>
        %and3A_287 = arith.andi %add3A_284, %and3A_286 : vector<16xi32>
        %mul3A_288 = arith.constant 3200 : i32
        %mul3A_289 = vector.broadcast %mul3A_288 : i32 to vector<16xi32>
        %mul3A_290 = arith.muli %and3A_287, %mul3A_289 : vector<16xi32>
        %add3A_291 = vector.broadcast %sub3A_204 : i32 to vector<16xi32>
        %add3A_292 = arith.addi %add3A_291, %mul3A_290 : vector<16xi32>
        %shift_right_logical3A_293 = arith.constant 1 : i32
        %shift_right_logical3A_294 = vector.broadcast %shift_right_logical3A_293 : i32 to vector<16xi32>
        %shift_right_logical3A_295 = arith.shrui %add3A_284, %shift_right_logical3A_294 : vector<16xi32>
        %add3A_296 = arith.addi %add3A_292, %shift_right_logical3A_295 : vector<16xi32>
        %gather3A_297 = tpu.vector_load_idx %arg7[%add3A_296] : memref<19200xi32, #tpu.memory_space<vmem>>[vector<16xi32>], vector<16xi32>,
        %swap3A_298 = arith.constant 64 : index
        %swap3A_299 = tpu.vector_load %arg9[%swap3A_298] {strides = array<i32>} : memref<80xi32, #tpu.memory_space<vmem>>, vector<16xi32>,
        tpu.vector_store %arg9[%swap3A_298], %gather3A_297 {strides = array<i32>} : memref<80xi32, #tpu.memory_space<vmem>>, vector<16xi32>,
        %dma_start3A_300 = arith.constant 0 : i32
        %dma_start3A_301 = arith.constant 0 : i32
        %dma_start3A_302 = tpu.memref_slice %arg29[%dma_start3A_300, %dma_start3A_301] : memref<10240x64xf32, #tpu.memory_space<vmem_shared>> -> memref<10240x64xf32, #tpu.memory_space<vmem_shared>>
        tpu.enqueue_indirect_dma source(%arg14 : memref<80x64xf32, #tpu.memory_space<vmem>>) target(%dma_start3A_302 : memref<10240x64xf32, #tpu.memory_space<vmem_shared>>) offsets(%arg9 : memref<80xi32, #tpu.memory_space<vmem>>) semaphore(%arg25 : memref<!tpu.dma_semaphore, #tpu.memory_space<semaphore_mem>>) {add = true}
        %add3A_303 = arith.constant 2 : i32
        %add3A_304 = arith.addi %mul3A_69, %add3A_303 : i32
        %mul3A_305 = arith.constant 80 : i32
        %mul3A_306 = arith.muli %add3A_304, %mul3A_305 : i32
        %add3A_307 = arith.addi %mul3A_10, %mul3A_306 : i32
        %dma_wait3A_308 = arith.constant 0 : i32
        %dma_wait3A_309 = tpu.memref_slice %arg2[%add3A_307, %dma_wait3A_308] : memref<160000x64xf32, #tpu.memory_space<hbm>> -> memref<80x64xf32, #tpu.memory_space<hbm>>
        %dma_wait3A_310 = arith.constant 0 : i32
        %dma_wait3A_311 = tpu.memref_slice %arg2[%add3A_307, %dma_wait3A_310] : memref<160000x64xf32, #tpu.memory_space<hbm>> -> memref<80x64xf32, #tpu.memory_space<hbm>>
        tpu.wait_dma2 semaphore(%arg21 : memref<!tpu.dma_semaphore, #tpu.memory_space<semaphore_mem>>) src(%dma_wait3A_311 : memref<80x64xf32, #tpu.memory_space<hbm>>) dst(%arg15 : memref<80x64xf32, #tpu.memory_space<vmem>>)
        %add3A_312 = arith.constant 2 : i32
        %add3A_313 = arith.addi %mul3A_69, %add3A_312 : i32
        %mul3A_314 = arith.constant 80 : i32
        %mul3A_315 = arith.muli %add3A_313, %mul3A_314 : i32
        %add3A_316 = arith.addi %add3A_8, %mul3A_315 : i32
        %rem3A_317 = arith.constant 6400 : i32
        %rem3A_318 = arith.remsi %add3A_316, %rem3A_317 : i32
        %sub3A_319 = arith.subi %add3A_316, %rem3A_318 : i32
        %shift_right_logical3A_320 = arith.constant 1 : i32
        %shift_right_logical3A_321 = arith.shrui %rem3A_318, %shift_right_logical3A_320 : i32
        %add3A_322 = arith.addi %sub3A_319, %shift_right_logical3A_321 : i32
        %sub3A_323 = arith.subi %add3A_322, %sub3A : i32
        %iota3A_324 = tpu.iota {dimensions = array<i32: 0>} : vector<16xi32>
        %add3A_325 = arith.constant 0 : i32
        %add3A_326 = vector.broadcast %add3A_325 : i32 to vector<16xi32>
        %add3A_327 = arith.addi %iota3A_324, %add3A_326 : vector<16xi32>
        %and3A_328 = arith.constant 1 : i32
        %and3A_329 = vector.broadcast %and3A_328 : i32 to vector<16xi32>
        %and3A_330 = arith.andi %add3A_327, %and3A_329 : vector<16xi32>
        %mul3A_331 = arith.constant 3200 : i32
        %mul3A_332 = vector.broadcast %mul3A_331 : i32 to vector<16xi32>
        %mul3A_333 = arith.muli %and3A_330, %mul3A_332 : vector<16xi32>
        %add3A_334 = vector.broadcast %sub3A_323 : i32 to vector<16xi32>
        %add3A_335 = arith.addi %add3A_334, %mul3A_333 : vector<16xi32>
        %shift_right_logical3A_336 = arith.constant 1 : i32
        %shift_right_logical3A_337 = vector.broadcast %shift_right_logical3A_336 : i32 to vector<16xi32>
        %shift_right_logical3A_338 = arith.shrui %add3A_327, %shift_right_logical3A_337 : vector<16xi32>
        %add3A_339 = arith.addi %add3A_335, %shift_right_logical3A_338 : vector<16xi32>
        %gather3A_340 = tpu.vector_load_idx %arg7[%add3A_339] : memref<19200xi32, #tpu.memory_space<vmem>>[vector<16xi32>], vector<16xi32>,
        %swap3A_341 = arith.constant 0 : index
        %swap3A_342 = tpu.vector_load %arg10[%swap3A_341] {strides = array<i32>} : memref<80xi32, #tpu.memory_space<vmem>>, vector<16xi32>,
        tpu.vector_store %arg10[%swap3A_341], %gather3A_340 {strides = array<i32>} : memref<80xi32, #tpu.memory_space<vmem>>, vector<16xi32>,
        %iota3A_343 = tpu.iota {dimensions = array<i32: 0>} : vector<16xi32>
        %add3A_344 = arith.constant 16 : i32
        %add3A_345 = vector.broadcast %add3A_344 : i32 to vector<16xi32>
        %add3A_346 = arith.addi %iota3A_343, %add3A_345 : vector<16xi32>
        %and3A_347 = arith.constant 1 : i32
        %and3A_348 = vector.broadcast %and3A_347 : i32 to vector<16xi32>
        %and3A_349 = arith.andi %add3A_346, %and3A_348 : vector<16xi32>
        %mul3A_350 = arith.constant 3200 : i32
        %mul3A_351 = vector.broadcast %mul3A_350 : i32 to vector<16xi32>
        %mul3A_352 = arith.muli %and3A_349, %mul3A_351 : vector<16xi32>
        %add3A_353 = vector.broadcast %sub3A_323 : i32 to vector<16xi32>
        %add3A_354 = arith.addi %add3A_353, %mul3A_352 : vector<16xi32>
        %shift_right_logical3A_355 = arith.constant 1 : i32
        %shift_right_logical3A_356 = vector.broadcast %shift_right_logical3A_355 : i32 to vector<16xi32>
        %shift_right_logical3A_357 = arith.shrui %add3A_346, %shift_right_logical3A_356 : vector<16xi32>
        %add3A_358 = arith.addi %add3A_354, %shift_right_logical3A_357 : vector<16xi32>
        %gather3A_359 = tpu.vector_load_idx %arg7[%add3A_358] : memref<19200xi32, #tpu.memory_space<vmem>>[vector<16xi32>], vector<16xi32>,
        %swap3A_360 = arith.constant 16 : index
        %swap3A_361 = tpu.vector_load %arg10[%swap3A_360] {strides = array<i32>} : memref<80xi32, #tpu.memory_space<vmem>>, vector<16xi32>,
        tpu.vector_store %arg10[%swap3A_360], %gather3A_359 {strides = array<i32>} : memref<80xi32, #tpu.memory_space<vmem>>, vector<16xi32>,
        %iota3A_362 = tpu.iota {dimensions = array<i32: 0>} : vector<16xi32>
        %add3A_363 = arith.constant 32 : i32
        %add3A_364 = vector.broadcast %add3A_363 : i32 to vector<16xi32>
        %add3A_365 = arith.addi %iota3A_362, %add3A_364 : vector<16xi32>
        %and3A_366 = arith.constant 1 : i32
        %and3A_367 = vector.broadcast %and3A_366 : i32 to vector<16xi32>
        %and3A_368 = arith.andi %add3A_365, %and3A_367 : vector<16xi32>
        %mul3A_369 = arith.constant 3200 : i32
        %mul3A_370 = vector.broadcast %mul3A_369 : i32 to vector<16xi32>
        %mul3A_371 = arith.muli %and3A_368, %mul3A_370 : vector<16xi32>
        %add3A_372 = vector.broadcast %sub3A_323 : i32 to vector<16xi32>
        %add3A_373 = arith.addi %add3A_372, %mul3A_371 : vector<16xi32>
        %shift_right_logical3A_374 = arith.constant 1 : i32
        %shift_right_logical3A_375 = vector.broadcast %shift_right_logical3A_374 : i32 to vector<16xi32>
        %shift_right_logical3A_376 = arith.shrui %add3A_365, %shift_right_logical3A_375 : vector<16xi32>
        %add3A_377 = arith.addi %add3A_373, %shift_right_logical3A_376 : vector<16xi32>
        %gather3A_378 = tpu.vector_load_idx %arg7[%add3A_377] : memref<19200xi32, #tpu.memory_space<vmem>>[vector<16xi32>], vector<16xi32>,
        %swap3A_379 = arith.constant 32 : index
        %swap3A_380 = tpu.vector_load %arg10[%swap3A_379] {strides = array<i32>} : memref<80xi32, #tpu.memory_space<vmem>>, vector<16xi32>,
        tpu.vector_store %arg10[%swap3A_379], %gather3A_378 {strides = array<i32>} : memref<80xi32, #tpu.memory_space<vmem>>, vector<16xi32>,
        %iota3A_381 = tpu.iota {dimensions = array<i32: 0>} : vector<16xi32>
        %add3A_382 = arith.constant 48 : i32
        %add3A_383 = vector.broadcast %add3A_382 : i32 to vector<16xi32>
        %add3A_384 = arith.addi %iota3A_381, %add3A_383 : vector<16xi32>
        %and3A_385 = arith.constant 1 : i32
        %and3A_386 = vector.broadcast %and3A_385 : i32 to vector<16xi32>
        %and3A_387 = arith.andi %add3A_384, %and3A_386 : vector<16xi32>
        %mul3A_388 = arith.constant 3200 : i32
        %mul3A_389 = vector.broadcast %mul3A_388 : i32 to vector<16xi32>
        %mul3A_390 = arith.muli %and3A_387, %mul3A_389 : vector<16xi32>
        %add3A_391 = vector.broadcast %sub3A_323 : i32 to vector<16xi32>
        %add3A_392 = arith.addi %add3A_391, %mul3A_390 : vector<16xi32>
        %shift_right_logical3A_393 = arith.constant 1 : i32
        %shift_right_logical3A_394 = vector.broadcast %shift_right_logical3A_393 : i32 to vector<16xi32>
        %shift_right_logical3A_395 = arith.shrui %add3A_384, %shift_right_logical3A_394 : vector<16xi32>
        %add3A_396 = arith.addi %add3A_392, %shift_right_logical3A_395 : vector<16xi32>
        %gather3A_397 = tpu.vector_load_idx %arg7[%add3A_396] : memref<19200xi32, #tpu.memory_space<vmem>>[vector<16xi32>], vector<16xi32>,
        %swap3A_398 = arith.constant 48 : index
        %swap3A_399 = tpu.vector_load %arg10[%swap3A_398] {strides = array<i32>} : memref<80xi32, #tpu.memory_space<vmem>>, vector<16xi32>,
        tpu.vector_store %arg10[%swap3A_398], %gather3A_397 {strides = array<i32>} : memref<80xi32, #tpu.memory_space<vmem>>, vector<16xi32>,
        %iota3A_400 = tpu.iota {dimensions = array<i32: 0>} : vector<16xi32>
        %add3A_401 = arith.constant 64 : i32
        %add3A_402 = vector.broadcast %add3A_401 : i32 to vector<16xi32>
        %add3A_403 = arith.addi %iota3A_400, %add3A_402 : vector<16xi32>
        %and3A_404 = arith.constant 1 : i32
        %and3A_405 = vector.broadcast %and3A_404 : i32 to vector<16xi32>
        %and3A_406 = arith.andi %add3A_403, %and3A_405 : vector<16xi32>
        %mul3A_407 = arith.constant 3200 : i32
        %mul3A_408 = vector.broadcast %mul3A_407 : i32 to vector<16xi32>
        %mul3A_409 = arith.muli %and3A_406, %mul3A_408 : vector<16xi32>
        %add3A_410 = vector.broadcast %sub3A_323 : i32 to vector<16xi32>
        %add3A_411 = arith.addi %add3A_410, %mul3A_409 : vector<16xi32>
        %shift_right_logical3A_412 = arith.constant 1 : i32
        %shift_right_logical3A_413 = vector.broadcast %shift_right_logical3A_412 : i32 to vector<16xi32>
        %shift_right_logical3A_414 = arith.shrui %add3A_403, %shift_right_logical3A_413 : vector<16xi32>
        %add3A_415 = arith.addi %add3A_411, %shift_right_logical3A_414 : vector<16xi32>
        %gather3A_416 = tpu.vector_load_idx %arg7[%add3A_415] : memref<19200xi32, #tpu.memory_space<vmem>>[vector<16xi32>], vector<16xi32>,
        %swap3A_417 = arith.constant 64 : index
        %swap3A_418 = tpu.vector_load %arg10[%swap3A_417] {strides = array<i32>} : memref<80xi32, #tpu.memory_space<vmem>>, vector<16xi32>,
        tpu.vector_store %arg10[%swap3A_417], %gather3A_416 {strides = array<i32>} : memref<80xi32, #tpu.memory_space<vmem>>, vector<16xi32>,
        %dma_start3A_419 = arith.constant 0 : i32
        %dma_start3A_420 = arith.constant 0 : i32
        %dma_start3A_421 = tpu.memref_slice %arg29[%dma_start3A_419, %dma_start3A_420] : memref<10240x64xf32, #tpu.memory_space<vmem_shared>> -> memref<10240x64xf32, #tpu.memory_space<vmem_shared>>
        tpu.enqueue_indirect_dma source(%arg15 : memref<80x64xf32, #tpu.memory_space<vmem>>) target(%dma_start3A_421 : memref<10240x64xf32, #tpu.memory_space<vmem_shared>>) offsets(%arg10 : memref<80xi32, #tpu.memory_space<vmem>>) semaphore(%arg26 : memref<!tpu.dma_semaphore, #tpu.memory_space<semaphore_mem>>) {add = true}
        %add3A_422 = arith.constant 3 : i32
        %add3A_423 = arith.addi %mul3A_69, %add3A_422 : i32
        %mul3A_424 = arith.constant 80 : i32
        %mul3A_425 = arith.muli %add3A_423, %mul3A_424 : i32
        %add3A_426 = arith.addi %mul3A_10, %mul3A_425 : i32
        %dma_wait3A_427 = arith.constant 0 : i32
        %dma_wait3A_428 = tpu.memref_slice %arg2[%add3A_426, %dma_wait3A_427] : memref<160000x64xf32, #tpu.memory_space<hbm>> -> memref<80x64xf32, #tpu.memory_space<hbm>>
        %dma_wait3A_429 = arith.constant 0 : i32
        %dma_wait3A_430 = tpu.memref_slice %arg2[%add3A_426, %dma_wait3A_429] : memref<160000x64xf32, #tpu.memory_space<hbm>> -> memref<80x64xf32, #tpu.memory_space<hbm>>
        tpu.wait_dma2 semaphore(%arg22 : memref<!tpu.dma_semaphore, #tpu.memory_space<semaphore_mem>>) src(%dma_wait3A_430 : memref<80x64xf32, #tpu.memory_space<hbm>>) dst(%arg16 : memref<80x64xf32, #tpu.memory_space<vmem>>)
        %add3A_431 = arith.constant 3 : i32
        %add3A_432 = arith.addi %mul3A_69, %add3A_431 : i32
        %mul3A_433 = arith.constant 80 : i32
        %mul3A_434 = arith.muli %add3A_432, %mul3A_433 : i32
        %add3A_435 = arith.addi %add3A_8, %mul3A_434 : i32
        %rem3A_436 = arith.constant 6400 : i32
        %rem3A_437 = arith.remsi %add3A_435, %rem3A_436 : i32
        %sub3A_438 = arith.subi %add3A_435, %rem3A_437 : i32
        %shift_right_logical3A_439 = arith.constant 1 : i32
        %shift_right_logical3A_440 = arith.shrui %rem3A_437, %shift_right_logical3A_439 : i32
        %add3A_441 = arith.addi %sub3A_438, %shift_right_logical3A_440 : i32
        %sub3A_442 = arith.subi %add3A_441, %sub3A : i32
        %iota3A_443 = tpu.iota {dimensions = array<i32: 0>} : vector<16xi32>
        %add3A_444 = arith.constant 0 : i32
        %add3A_445 = vector.broadcast %add3A_444 : i32 to vector<16xi32>
        %add3A_446 = arith.addi %iota3A_443, %add3A_445 : vector<16xi32>
        %and3A_447 = arith.constant 1 : i32
        %and3A_448 = vector.broadcast %and3A_447 : i32 to vector<16xi32>
        %and3A_449 = arith.andi %add3A_446, %and3A_448 : vector<16xi32>
        %mul3A_450 = arith.constant 3200 : i32
        %mul3A_451 = vector.broadcast %mul3A_450 : i32 to vector<16xi32>
        %mul3A_452 = arith.muli %and3A_449, %mul3A_451 : vector<16xi32>
        %add3A_453 = vector.broadcast %sub3A_442 : i32 to vector<16xi32>
        %add3A_454 = arith.addi %add3A_453, %mul3A_452 : vector<16xi32>
        %shift_right_logical3A_455 = arith.constant 1 : i32
        %shift_right_logical3A_456 = vector.broadcast %shift_right_logical3A_455 : i32 to vector<16xi32>
        %shift_right_logical3A_457 = arith.shrui %add3A_446, %shift_right_logical3A_456 : vector<16xi32>
        %add3A_458 = arith.addi %add3A_454, %shift_right_logical3A_457 : vector<16xi32>
        %gather3A_459 = tpu.vector_load_idx %arg7[%add3A_458] : memref<19200xi32, #tpu.memory_space<vmem>>[vector<16xi32>], vector<16xi32>,
        %swap3A_460 = arith.constant 0 : index
        %swap3A_461 = tpu.vector_load %arg11[%swap3A_460] {strides = array<i32>} : memref<80xi32, #tpu.memory_space<vmem>>, vector<16xi32>,
        tpu.vector_store %arg11[%swap3A_460], %gather3A_459 {strides = array<i32>} : memref<80xi32, #tpu.memory_space<vmem>>, vector<16xi32>,
        %iota3A_462 = tpu.iota {dimensions = array<i32: 0>} : vector<16xi32>
        %add3A_463 = arith.constant 16 : i32
        %add3A_464 = vector.broadcast %add3A_463 : i32 to vector<16xi32>
        %add3A_465 = arith.addi %iota3A_462, %add3A_464 : vector<16xi32>
        %and3A_466 = arith.constant 1 : i32
        %and3A_467 = vector.broadcast %and3A_466 : i32 to vector<16xi32>
        %and3A_468 = arith.andi %add3A_465, %and3A_467 : vector<16xi32>
        %mul3A_469 = arith.constant 3200 : i32
        %mul3A_470 = vector.broadcast %mul3A_469 : i32 to vector<16xi32>
        %mul3A_471 = arith.muli %and3A_468, %mul3A_470 : vector<16xi32>
        %add3A_472 = vector.broadcast %sub3A_442 : i32 to vector<16xi32>
        %add3A_473 = arith.addi %add3A_472, %mul3A_471 : vector<16xi32>
        %shift_right_logical3A_474 = arith.constant 1 : i32
        %shift_right_logical3A_475 = vector.broadcast %shift_right_logical3A_474 : i32 to vector<16xi32>
        %shift_right_logical3A_476 = arith.shrui %add3A_465, %shift_right_logical3A_475 : vector<16xi32>
        %add3A_477 = arith.addi %add3A_473, %shift_right_logical3A_476 : vector<16xi32>
        %gather3A_478 = tpu.vector_load_idx %arg7[%add3A_477] : memref<19200xi32, #tpu.memory_space<vmem>>[vector<16xi32>], vector<16xi32>,
        %swap3A_479 = arith.constant 16 : index
        %swap3A_480 = tpu.vector_load %arg11[%swap3A_479] {strides = array<i32>} : memref<80xi32, #tpu.memory_space<vmem>>, vector<16xi32>,
        tpu.vector_store %arg11[%swap3A_479], %gather3A_478 {strides = array<i32>} : memref<80xi32, #tpu.memory_space<vmem>>, vector<16xi32>,
        %iota3A_481 = tpu.iota {dimensions = array<i32: 0>} : vector<16xi32>
        %add3A_482 = arith.constant 32 : i32
        %add3A_483 = vector.broadcast %add3A_482 : i32 to vector<16xi32>
        %add3A_484 = arith.addi %iota3A_481, %add3A_483 : vector<16xi32>
        %and3A_485 = arith.constant 1 : i32
        %and3A_486 = vector.broadcast %and3A_485 : i32 to vector<16xi32>
        %and3A_487 = arith.andi %add3A_484, %and3A_486 : vector<16xi32>
        %mul3A_488 = arith.constant 3200 : i32
        %mul3A_489 = vector.broadcast %mul3A_488 : i32 to vector<16xi32>
        %mul3A_490 = arith.muli %and3A_487, %mul3A_489 : vector<16xi32>
        %add3A_491 = vector.broadcast %sub3A_442 : i32 to vector<16xi32>
        %add3A_492 = arith.addi %add3A_491, %mul3A_490 : vector<16xi32>
        %shift_right_logical3A_493 = arith.constant 1 : i32
        %shift_right_logical3A_494 = vector.broadcast %shift_right_logical3A_493 : i32 to vector<16xi32>
        %shift_right_logical3A_495 = arith.shrui %add3A_484, %shift_right_logical3A_494 : vector<16xi32>
        %add3A_496 = arith.addi %add3A_492, %shift_right_logical3A_495 : vector<16xi32>
        %gather3A_497 = tpu.vector_load_idx %arg7[%add3A_496] : memref<19200xi32, #tpu.memory_space<vmem>>[vector<16xi32>], vector<16xi32>,
        %swap3A_498 = arith.constant 32 : index
        %swap3A_499 = tpu.vector_load %arg11[%swap3A_498] {strides = array<i32>} : memref<80xi32, #tpu.memory_space<vmem>>, vector<16xi32>,
        tpu.vector_store %arg11[%swap3A_498], %gather3A_497 {strides = array<i32>} : memref<80xi32, #tpu.memory_space<vmem>>, vector<16xi32>,
        %iota3A_500 = tpu.iota {dimensions = array<i32: 0>} : vector<16xi32>
        %add3A_501 = arith.constant 48 : i32
        %add3A_502 = vector.broadcast %add3A_501 : i32 to vector<16xi32>
        %add3A_503 = arith.addi %iota3A_500, %add3A_502 : vector<16xi32>
        %and3A_504 = arith.constant 1 : i32
        %and3A_505 = vector.broadcast %and3A_504 : i32 to vector<16xi32>
        %and3A_506 = arith.andi %add3A_503, %and3A_505 : vector<16xi32>
        %mul3A_507 = arith.constant 3200 : i32
        %mul3A_508 = vector.broadcast %mul3A_507 : i32 to vector<16xi32>
        %mul3A_509 = arith.muli %and3A_506, %mul3A_508 : vector<16xi32>
        %add3A_510 = vector.broadcast %sub3A_442 : i32 to vector<16xi32>
        %add3A_511 = arith.addi %add3A_510, %mul3A_509 : vector<16xi32>
        %shift_right_logical3A_512 = arith.constant 1 : i32
        %shift_right_logical3A_513 = vector.broadcast %shift_right_logical3A_512 : i32 to vector<16xi32>
        %shift_right_logical3A_514 = arith.shrui %add3A_503, %shift_right_logical3A_513 : vector<16xi32>
        %add3A_515 = arith.addi %add3A_511, %shift_right_logical3A_514 : vector<16xi32>
        %gather3A_516 = tpu.vector_load_idx %arg7[%add3A_515] : memref<19200xi32, #tpu.memory_space<vmem>>[vector<16xi32>], vector<16xi32>,
        %swap3A_517 = arith.constant 48 : index
        %swap3A_518 = tpu.vector_load %arg11[%swap3A_517] {strides = array<i32>} : memref<80xi32, #tpu.memory_space<vmem>>, vector<16xi32>,
        tpu.vector_store %arg11[%swap3A_517], %gather3A_516 {strides = array<i32>} : memref<80xi32, #tpu.memory_space<vmem>>, vector<16xi32>,
        %iota3A_519 = tpu.iota {dimensions = array<i32: 0>} : vector<16xi32>
        %add3A_520 = arith.constant 64 : i32
        %add3A_521 = vector.broadcast %add3A_520 : i32 to vector<16xi32>
        %add3A_522 = arith.addi %iota3A_519, %add3A_521 : vector<16xi32>
        %and3A_523 = arith.constant 1 : i32
        %and3A_524 = vector.broadcast %and3A_523 : i32 to vector<16xi32>
        %and3A_525 = arith.andi %add3A_522, %and3A_524 : vector<16xi32>
        %mul3A_526 = arith.constant 3200 : i32
        %mul3A_527 = vector.broadcast %mul3A_526 : i32 to vector<16xi32>
        %mul3A_528 = arith.muli %and3A_525, %mul3A_527 : vector<16xi32>
        %add3A_529 = vector.broadcast %sub3A_442 : i32 to vector<16xi32>
        %add3A_530 = arith.addi %add3A_529, %mul3A_528 : vector<16xi32>
        %shift_right_logical3A_531 = arith.constant 1 : i32
        %shift_right_logical3A_532 = vector.broadcast %shift_right_logical3A_531 : i32 to vector<16xi32>
        %shift_right_logical3A_533 = arith.shrui %add3A_522, %shift_right_logical3A_532 : vector<16xi32>
        %add3A_534 = arith.addi %add3A_530, %shift_right_logical3A_533 : vector<16xi32>
        %gather3A_535 = tpu.vector_load_idx %arg7[%add3A_534] : memref<19200xi32, #tpu.memory_space<vmem>>[vector<16xi32>], vector<16xi32>,
        %swap3A_536 = arith.constant 64 : index
        %swap3A_537 = tpu.vector_load %arg11[%swap3A_536] {strides = array<i32>} : memref<80xi32, #tpu.memory_space<vmem>>, vector<16xi32>,
        tpu.vector_store %arg11[%swap3A_536], %gather3A_535 {strides = array<i32>} : memref<80xi32, #tpu.memory_space<vmem>>, vector<16xi32>,
        %dma_start3A_538 = arith.constant 0 : i32
        %dma_start3A_539 = arith.constant 0 : i32
        %dma_start3A_540 = tpu.memref_slice %arg29[%dma_start3A_538, %dma_start3A_539] : memref<10240x64xf32, #tpu.memory_space<vmem_shared>> -> memref<10240x64xf32, #tpu.memory_space<vmem_shared>>
        tpu.enqueue_indirect_dma source(%arg16 : memref<80x64xf32, #tpu.memory_space<vmem>>) target(%dma_start3A_540 : memref<10240x64xf32, #tpu.memory_space<vmem_shared>>) offsets(%arg11 : memref<80xi32, #tpu.memory_space<vmem>>) semaphore(%arg27 : memref<!tpu.dma_semaphore, #tpu.memory_space<semaphore_mem>>) {add = true}
        %add3A_541 = arith.constant 4 : i32
        %add3A_542 = arith.addi %mul3A_69, %add3A_541 : i32
        %mul3A_543 = arith.constant 80 : i32
        %mul3A_544 = arith.muli %add3A_542, %mul3A_543 : i32
        %add3A_545 = arith.addi %mul3A_10, %mul3A_544 : i32
        %dma_wait3A_546 = arith.constant 0 : i32
        %dma_wait3A_547 = tpu.memref_slice %arg2[%add3A_545, %dma_wait3A_546] : memref<160000x64xf32, #tpu.memory_space<hbm>> -> memref<80x64xf32, #tpu.memory_space<hbm>>
        %dma_wait3A_548 = arith.constant 0 : i32
        %dma_wait3A_549 = tpu.memref_slice %arg2[%add3A_545, %dma_wait3A_548] : memref<160000x64xf32, #tpu.memory_space<hbm>> -> memref<80x64xf32, #tpu.memory_space<hbm>>
        tpu.wait_dma2 semaphore(%arg23 : memref<!tpu.dma_semaphore, #tpu.memory_space<semaphore_mem>>) src(%dma_wait3A_549 : memref<80x64xf32, #tpu.memory_space<hbm>>) dst(%arg17 : memref<80x64xf32, #tpu.memory_space<vmem>>)
        %add3A_550 = arith.constant 4 : i32
        %add3A_551 = arith.addi %mul3A_69, %add3A_550 : i32
        %mul3A_552 = arith.constant 80 : i32
        %mul3A_553 = arith.muli %add3A_551, %mul3A_552 : i32
        %add3A_554 = arith.addi %add3A_8, %mul3A_553 : i32
        %rem3A_555 = arith.constant 6400 : i32
        %rem3A_556 = arith.remsi %add3A_554, %rem3A_555 : i32
        %sub3A_557 = arith.subi %add3A_554, %rem3A_556 : i32
        %shift_right_logical3A_558 = arith.constant 1 : i32
        %shift_right_logical3A_559 = arith.shrui %rem3A_556, %shift_right_logical3A_558 : i32
        %add3A_560 = arith.addi %sub3A_557, %shift_right_logical3A_559 : i32
        %sub3A_561 = arith.subi %add3A_560, %sub3A : i32
        %iota3A_562 = tpu.iota {dimensions = array<i32: 0>} : vector<16xi32>
        %add3A_563 = arith.constant 0 : i32
        %add3A_564 = vector.broadcast %add3A_563 : i32 to vector<16xi32>
        %add3A_565 = arith.addi %iota3A_562, %add3A_564 : vector<16xi32>
        %and3A_566 = arith.constant 1 : i32
        %and3A_567 = vector.broadcast %and3A_566 : i32 to vector<16xi32>
        %and3A_568 = arith.andi %add3A_565, %and3A_567 : vector<16xi32>
        %mul3A_569 = arith.constant 3200 : i32
        %mul3A_570 = vector.broadcast %mul3A_569 : i32 to vector<16xi32>
        %mul3A_571 = arith.muli %and3A_568, %mul3A_570 : vector<16xi32>
        %add3A_572 = vector.broadcast %sub3A_561 : i32 to vector<16xi32>
        %add3A_573 = arith.addi %add3A_572, %mul3A_571 : vector<16xi32>
        %shift_right_logical3A_574 = arith.constant 1 : i32
        %shift_right_logical3A_575 = vector.broadcast %shift_right_logical3A_574 : i32 to vector<16xi32>
        %shift_right_logical3A_576 = arith.shrui %add3A_565, %shift_right_logical3A_575 : vector<16xi32>
        %add3A_577 = arith.addi %add3A_573, %shift_right_logical3A_576 : vector<16xi32>
        %gather3A_578 = tpu.vector_load_idx %arg7[%add3A_577] : memref<19200xi32, #tpu.memory_space<vmem>>[vector<16xi32>], vector<16xi32>,
        %swap3A_579 = arith.constant 0 : index
        %swap3A_580 = tpu.vector_load %arg12[%swap3A_579] {strides = array<i32>} : memref<80xi32, #tpu.memory_space<vmem>>, vector<16xi32>,
        tpu.vector_store %arg12[%swap3A_579], %gather3A_578 {strides = array<i32>} : memref<80xi32, #tpu.memory_space<vmem>>, vector<16xi32>,
        %iota3A_581 = tpu.iota {dimensions = array<i32: 0>} : vector<16xi32>
        %add3A_582 = arith.constant 16 : i32
        %add3A_583 = vector.broadcast %add3A_582 : i32 to vector<16xi32>
        %add3A_584 = arith.addi %iota3A_581, %add3A_583 : vector<16xi32>
        %and3A_585 = arith.constant 1 : i32
        %and3A_586 = vector.broadcast %and3A_585 : i32 to vector<16xi32>
        %and3A_587 = arith.andi %add3A_584, %and3A_586 : vector<16xi32>
        %mul3A_588 = arith.constant 3200 : i32
        %mul3A_589 = vector.broadcast %mul3A_588 : i32 to vector<16xi32>
        %mul3A_590 = arith.muli %and3A_587, %mul3A_589 : vector<16xi32>
        %add3A_591 = vector.broadcast %sub3A_561 : i32 to vector<16xi32>
        %add3A_592 = arith.addi %add3A_591, %mul3A_590 : vector<16xi32>
        %shift_right_logical3A_593 = arith.constant 1 : i32
        %shift_right_logical3A_594 = vector.broadcast %shift_right_logical3A_593 : i32 to vector<16xi32>
        %shift_right_logical3A_595 = arith.shrui %add3A_584, %shift_right_logical3A_594 : vector<16xi32>
        %add3A_596 = arith.addi %add3A_592, %shift_right_logical3A_595 : vector<16xi32>
        %gather3A_597 = tpu.vector_load_idx %arg7[%add3A_596] : memref<19200xi32, #tpu.memory_space<vmem>>[vector<16xi32>], vector<16xi32>,
        %swap3A_598 = arith.constant 16 : index
        %swap3A_599 = tpu.vector_load %arg12[%swap3A_598] {strides = array<i32>} : memref<80xi32, #tpu.memory_space<vmem>>, vector<16xi32>,
        tpu.vector_store %arg12[%swap3A_598], %gather3A_597 {strides = array<i32>} : memref<80xi32, #tpu.memory_space<vmem>>, vector<16xi32>,
        %iota3A_600 = tpu.iota {dimensions = array<i32: 0>} : vector<16xi32>
        %add3A_601 = arith.constant 32 : i32
        %add3A_602 = vector.broadcast %add3A_601 : i32 to vector<16xi32>
        %add3A_603 = arith.addi %iota3A_600, %add3A_602 : vector<16xi32>
        %and3A_604 = arith.constant 1 : i32
        %and3A_605 = vector.broadcast %and3A_604 : i32 to vector<16xi32>
        %and3A_606 = arith.andi %add3A_603, %and3A_605 : vector<16xi32>
        %mul3A_607 = arith.constant 3200 : i32
        %mul3A_608 = vector.broadcast %mul3A_607 : i32 to vector<16xi32>
        %mul3A_609 = arith.muli %and3A_606, %mul3A_608 : vector<16xi32>
        %add3A_610 = vector.broadcast %sub3A_561 : i32 to vector<16xi32>
        %add3A_611 = arith.addi %add3A_610, %mul3A_609 : vector<16xi32>
        %shift_right_logical3A_612 = arith.constant 1 : i32
        %shift_right_logical3A_613 = vector.broadcast %shift_right_logical3A_612 : i32 to vector<16xi32>
        %shift_right_logical3A_614 = arith.shrui %add3A_603, %shift_right_logical3A_613 : vector<16xi32>
        %add3A_615 = arith.addi %add3A_611, %shift_right_logical3A_614 : vector<16xi32>
        %gather3A_616 = tpu.vector_load_idx %arg7[%add3A_615] : memref<19200xi32, #tpu.memory_space<vmem>>[vector<16xi32>], vector<16xi32>,
        %swap3A_617 = arith.constant 32 : index
        %swap3A_618 = tpu.vector_load %arg12[%swap3A_617] {strides = array<i32>} : memref<80xi32, #tpu.memory_space<vmem>>, vector<16xi32>,
        tpu.vector_store %arg12[%swap3A_617], %gather3A_616 {strides = array<i32>} : memref<80xi32, #tpu.memory_space<vmem>>, vector<16xi32>,
        %iota3A_619 = tpu.iota {dimensions = array<i32: 0>} : vector<16xi32>
        %add3A_620 = arith.constant 48 : i32
        %add3A_621 = vector.broadcast %add3A_620 : i32 to vector<16xi32>
        %add3A_622 = arith.addi %iota3A_619, %add3A_621 : vector<16xi32>
        %and3A_623 = arith.constant 1 : i32
        %and3A_624 = vector.broadcast %and3A_623 : i32 to vector<16xi32>
        %and3A_625 = arith.andi %add3A_622, %and3A_624 : vector<16xi32>
        %mul3A_626 = arith.constant 3200 : i32
        %mul3A_627 = vector.broadcast %mul3A_626 : i32 to vector<16xi32>
        %mul3A_628 = arith.muli %and3A_625, %mul3A_627 : vector<16xi32>
        %add3A_629 = vector.broadcast %sub3A_561 : i32 to vector<16xi32>
        %add3A_630 = arith.addi %add3A_629, %mul3A_628 : vector<16xi32>
        %shift_right_logical3A_631 = arith.constant 1 : i32
        %shift_right_logical3A_632 = vector.broadcast %shift_right_logical3A_631 : i32 to vector<16xi32>
        %shift_right_logical3A_633 = arith.shrui %add3A_622, %shift_right_logical3A_632 : vector<16xi32>
        %add3A_634 = arith.addi %add3A_630, %shift_right_logical3A_633 : vector<16xi32>
        %gather3A_635 = tpu.vector_load_idx %arg7[%add3A_634] : memref<19200xi32, #tpu.memory_space<vmem>>[vector<16xi32>], vector<16xi32>,
        %swap3A_636 = arith.constant 48 : index
        %swap3A_637 = tpu.vector_load %arg12[%swap3A_636] {strides = array<i32>} : memref<80xi32, #tpu.memory_space<vmem>>, vector<16xi32>,
        tpu.vector_store %arg12[%swap3A_636], %gather3A_635 {strides = array<i32>} : memref<80xi32, #tpu.memory_space<vmem>>, vector<16xi32>,
        %iota3A_638 = tpu.iota {dimensions = array<i32: 0>} : vector<16xi32>
        %add3A_639 = arith.constant 64 : i32
        %add3A_640 = vector.broadcast %add3A_639 : i32 to vector<16xi32>
        %add3A_641 = arith.addi %iota3A_638, %add3A_640 : vector<16xi32>
        %and3A_642 = arith.constant 1 : i32
        %and3A_643 = vector.broadcast %and3A_642 : i32 to vector<16xi32>
        %and3A_644 = arith.andi %add3A_641, %and3A_643 : vector<16xi32>
        %mul3A_645 = arith.constant 3200 : i32
        %mul3A_646 = vector.broadcast %mul3A_645 : i32 to vector<16xi32>
        %mul3A_647 = arith.muli %and3A_644, %mul3A_646 : vector<16xi32>
        %add3A_648 = vector.broadcast %sub3A_561 : i32 to vector<16xi32>
        %add3A_649 = arith.addi %add3A_648, %mul3A_647 : vector<16xi32>
        %shift_right_logical3A_650 = arith.constant 1 : i32
        %shift_right_logical3A_651 = vector.broadcast %shift_right_logical3A_650 : i32 to vector<16xi32>
        %shift_right_logical3A_652 = arith.shrui %add3A_641, %shift_right_logical3A_651 : vector<16xi32>
        %add3A_653 = arith.addi %add3A_649, %shift_right_logical3A_652 : vector<16xi32>
        %gather3A_654 = tpu.vector_load_idx %arg7[%add3A_653] : memref<19200xi32, #tpu.memory_space<vmem>>[vector<16xi32>], vector<16xi32>,
        %swap3A_655 = arith.constant 64 : index
        %swap3A_656 = tpu.vector_load %arg12[%swap3A_655] {strides = array<i32>} : memref<80xi32, #tpu.memory_space<vmem>>, vector<16xi32>,
        tpu.vector_store %arg12[%swap3A_655], %gather3A_654 {strides = array<i32>} : memref<80xi32, #tpu.memory_space<vmem>>, vector<16xi32>,
        %dma_start3A_657 = arith.constant 0 : i32
        %dma_start3A_658 = arith.constant 0 : i32
        %dma_start3A_659 = tpu.memref_slice %arg29[%dma_start3A_657, %dma_start3A_658] : memref<10240x64xf32, #tpu.memory_space<vmem_shared>> -> memref<10240x64xf32, #tpu.memory_space<vmem_shared>>
        tpu.enqueue_indirect_dma source(%arg17 : memref<80x64xf32, #tpu.memory_space<vmem>>) target(%dma_start3A_659 : memref<10240x64xf32, #tpu.memory_space<vmem_shared>>) offsets(%arg12 : memref<80xi32, #tpu.memory_space<vmem>>) semaphore(%arg28 : memref<!tpu.dma_semaphore, #tpu.memory_space<semaphore_mem>>) {add = true}
        %lt3A = arith.constant 24 : i32
        %lt3A_660 = arith.cmpi slt, %scan3A_67, %lt3A : i32
        %convert_element_type3A_661 = arith.extui %lt3A_660 : i1 to i32
        %cond3A_662 = arith.constant 0 : i32
        %cond3A_663 = arith.cmpi ne, %convert_element_type3A_661, %cond3A_662 : i32
        scf.if %cond3A_663 {
          %dma_wait3A_684 = arith.constant 0 : i32
          %dma_wait3A_685 = arith.constant 0 : i32
          %dma_wait3A_686 = tpu.memref_slice %arg29[%dma_wait3A_684, %dma_wait3A_685] : memref<10240x64xf32, #tpu.memory_space<vmem_shared>> -> memref<10240x64xf32, #tpu.memory_space<vmem_shared>>
          tpu.wait_indirect_dma semaphore(%arg24 : memref<!tpu.dma_semaphore, #tpu.memory_space<semaphore_mem>>) src(%arg13 : memref<80x64xf32, #tpu.memory_space<vmem>>) dst(%dma_wait3A_686 : memref<10240x64xf32, #tpu.memory_space<vmem_shared>>)
          %add3A_687 = arith.constant 5 : i32
          %add3A_688 = arith.addi %mul3A_69, %add3A_687 : i32
          %add3A_689 = arith.constant 0 : i32
          %add3A_690 = arith.addi %add3A_688, %add3A_689 : i32
          %mul3A_691 = arith.constant 80 : i32
          %mul3A_692 = arith.muli %add3A_690, %mul3A_691 : i32
          %add3A_693 = arith.addi %mul3A_10, %mul3A_692 : i32
          %dma_start3A_694 = arith.constant 0 : i32
          %dma_start3A_695 = tpu.memref_slice %arg2[%add3A_693, %dma_start3A_694] : memref<160000x64xf32, #tpu.memory_space<hbm>> -> memref<80x64xf32, #tpu.memory_space<hbm>>
          %dma_start3A_696 = arith.constant 0 : i32
          %dma_start3A_697 = tpu.memref_slice %arg2[%add3A_693, %dma_start3A_696] : memref<160000x64xf32, #tpu.memory_space<hbm>> -> memref<80x64xf32, #tpu.memory_space<hbm>>
          tpu.enqueue_dma source(%dma_start3A_697 : memref<80x64xf32, #tpu.memory_space<hbm>>) target(%arg13 : memref<80x64xf32, #tpu.memory_space<vmem>>) target_semaphore(%arg19 : memref<!tpu.dma_semaphore, #tpu.memory_space<semaphore_mem>>)
        } else {
        }
        %lt3A_664 = arith.constant 24 : i32
        %lt3A_665 = arith.cmpi slt, %scan3A_67, %lt3A_664 : i32
        %convert_element_type3A_666 = arith.extui %lt3A_665 : i1 to i32
        %cond3A_667 = arith.constant 0 : i32
        %cond3A_668 = arith.cmpi ne, %convert_element_type3A_666, %cond3A_667 : i32
        scf.if %cond3A_668 {
          %dma_wait3A_684 = arith.constant 0 : i32
          %dma_wait3A_685 = arith.constant 0 : i32
          %dma_wait3A_686 = tpu.memref_slice %arg29[%dma_wait3A_684, %dma_wait3A_685] : memref<10240x64xf32, #tpu.memory_space<vmem_shared>> -> memref<10240x64xf32, #tpu.memory_space<vmem_shared>>
          tpu.wait_indirect_dma semaphore(%arg25 : memref<!tpu.dma_semaphore, #tpu.memory_space<semaphore_mem>>) src(%arg14 : memref<80x64xf32, #tpu.memory_space<vmem>>) dst(%dma_wait3A_686 : memref<10240x64xf32, #tpu.memory_space<vmem_shared>>)
          %add3A_687 = arith.constant 5 : i32
          %add3A_688 = arith.addi %mul3A_69, %add3A_687 : i32
          %add3A_689 = arith.constant 1 : i32
          %add3A_690 = arith.addi %add3A_688, %add3A_689 : i32
          %mul3A_691 = arith.constant 80 : i32
          %mul3A_692 = arith.muli %add3A_690, %mul3A_691 : i32
          %add3A_693 = arith.addi %mul3A_10, %mul3A_692 : i32
          %dma_start3A_694 = arith.constant 0 : i32
          %dma_start3A_695 = tpu.memref_slice %arg2[%add3A_693, %dma_start3A_694] : memref<160000x64xf32, #tpu.memory_space<hbm>> -> memref<80x64xf32, #tpu.memory_space<hbm>>
          %dma_start3A_696 = arith.constant 0 : i32
          %dma_start3A_697 = tpu.memref_slice %arg2[%add3A_693, %dma_start3A_696] : memref<160000x64xf32, #tpu.memory_space<hbm>> -> memref<80x64xf32, #tpu.memory_space<hbm>>
          tpu.enqueue_dma source(%dma_start3A_697 : memref<80x64xf32, #tpu.memory_space<hbm>>) target(%arg14 : memref<80x64xf32, #tpu.memory_space<vmem>>) target_semaphore(%arg20 : memref<!tpu.dma_semaphore, #tpu.memory_space<semaphore_mem>>)
        } else {
        }
        %lt3A_669 = arith.constant 24 : i32
        %lt3A_670 = arith.cmpi slt, %scan3A_67, %lt3A_669 : i32
        %convert_element_type3A_671 = arith.extui %lt3A_670 : i1 to i32
        %cond3A_672 = arith.constant 0 : i32
        %cond3A_673 = arith.cmpi ne, %convert_element_type3A_671, %cond3A_672 : i32
        scf.if %cond3A_673 {
          %dma_wait3A_684 = arith.constant 0 : i32
          %dma_wait3A_685 = arith.constant 0 : i32
          %dma_wait3A_686 = tpu.memref_slice %arg29[%dma_wait3A_684, %dma_wait3A_685] : memref<10240x64xf32, #tpu.memory_space<vmem_shared>> -> memref<10240x64xf32, #tpu.memory_space<vmem_shared>>
          tpu.wait_indirect_dma semaphore(%arg26 : memref<!tpu.dma_semaphore, #tpu.memory_space<semaphore_mem>>) src(%arg15 : memref<80x64xf32, #tpu.memory_space<vmem>>) dst(%dma_wait3A_686 : memref<10240x64xf32, #tpu.memory_space<vmem_shared>>)
          %add3A_687 = arith.constant 5 : i32
          %add3A_688 = arith.addi %mul3A_69, %add3A_687 : i32
          %add3A_689 = arith.constant 2 : i32
          %add3A_690 = arith.addi %add3A_688, %add3A_689 : i32
          %mul3A_691 = arith.constant 80 : i32
          %mul3A_692 = arith.muli %add3A_690, %mul3A_691 : i32
          %add3A_693 = arith.addi %mul3A_10, %mul3A_692 : i32
          %dma_start3A_694 = arith.constant 0 : i32
          %dma_start3A_695 = tpu.memref_slice %arg2[%add3A_693, %dma_start3A_694] : memref<160000x64xf32, #tpu.memory_space<hbm>> -> memref<80x64xf32, #tpu.memory_space<hbm>>
          %dma_start3A_696 = arith.constant 0 : i32
          %dma_start3A_697 = tpu.memref_slice %arg2[%add3A_693, %dma_start3A_696] : memref<160000x64xf32, #tpu.memory_space<hbm>> -> memref<80x64xf32, #tpu.memory_space<hbm>>
          tpu.enqueue_dma source(%dma_start3A_697 : memref<80x64xf32, #tpu.memory_space<hbm>>) target(%arg15 : memref<80x64xf32, #tpu.memory_space<vmem>>) target_semaphore(%arg21 : memref<!tpu.dma_semaphore, #tpu.memory_space<semaphore_mem>>)
        } else {
        }
        %lt3A_674 = arith.constant 24 : i32
        %lt3A_675 = arith.cmpi slt, %scan3A_67, %lt3A_674 : i32
        %convert_element_type3A_676 = arith.extui %lt3A_675 : i1 to i32
        %cond3A_677 = arith.constant 0 : i32
        %cond3A_678 = arith.cmpi ne, %convert_element_type3A_676, %cond3A_677 : i32
        scf.if %cond3A_678 {
          %dma_wait3A_684 = arith.constant 0 : i32
          %dma_wait3A_685 = arith.constant 0 : i32
          %dma_wait3A_686 = tpu.memref_slice %arg29[%dma_wait3A_684, %dma_wait3A_685] : memref<10240x64xf32, #tpu.memory_space<vmem_shared>> -> memref<10240x64xf32, #tpu.memory_space<vmem_shared>>
          tpu.wait_indirect_dma semaphore(%arg27 : memref<!tpu.dma_semaphore, #tpu.memory_space<semaphore_mem>>) src(%arg16 : memref<80x64xf32, #tpu.memory_space<vmem>>) dst(%dma_wait3A_686 : memref<10240x64xf32, #tpu.memory_space<vmem_shared>>)
          %add3A_687 = arith.constant 5 : i32
          %add3A_688 = arith.addi %mul3A_69, %add3A_687 : i32
          %add3A_689 = arith.constant 3 : i32
          %add3A_690 = arith.addi %add3A_688, %add3A_689 : i32
          %mul3A_691 = arith.constant 80 : i32
          %mul3A_692 = arith.muli %add3A_690, %mul3A_691 : i32
          %add3A_693 = arith.addi %mul3A_10, %mul3A_692 : i32
          %dma_start3A_694 = arith.constant 0 : i32
          %dma_start3A_695 = tpu.memref_slice %arg2[%add3A_693, %dma_start3A_694] : memref<160000x64xf32, #tpu.memory_space<hbm>> -> memref<80x64xf32, #tpu.memory_space<hbm>>
          %dma_start3A_696 = arith.constant 0 : i32
          %dma_start3A_697 = tpu.memref_slice %arg2[%add3A_693, %dma_start3A_696] : memref<160000x64xf32, #tpu.memory_space<hbm>> -> memref<80x64xf32, #tpu.memory_space<hbm>>
          tpu.enqueue_dma source(%dma_start3A_697 : memref<80x64xf32, #tpu.memory_space<hbm>>) target(%arg16 : memref<80x64xf32, #tpu.memory_space<vmem>>) target_semaphore(%arg22 : memref<!tpu.dma_semaphore, #tpu.memory_space<semaphore_mem>>)
        } else {
        }
        %lt3A_679 = arith.constant 24 : i32
        %lt3A_680 = arith.cmpi slt, %scan3A_67, %lt3A_679 : i32
        %convert_element_type3A_681 = arith.extui %lt3A_680 : i1 to i32
        %cond3A_682 = arith.constant 0 : i32
        %cond3A_683 = arith.cmpi ne, %convert_element_type3A_681, %cond3A_682 : i32
        scf.if %cond3A_683 {
          %dma_wait3A_684 = arith.constant 0 : i32
          %dma_wait3A_685 = arith.constant 0 : i32
          %dma_wait3A_686 = tpu.memref_slice %arg29[%dma_wait3A_684, %dma_wait3A_685] : memref<10240x64xf32, #tpu.memory_space<vmem_shared>> -> memref<10240x64xf32, #tpu.memory_space<vmem_shared>>
          tpu.wait_indirect_dma semaphore(%arg28 : memref<!tpu.dma_semaphore, #tpu.memory_space<semaphore_mem>>) src(%arg17 : memref<80x64xf32, #tpu.memory_space<vmem>>) dst(%dma_wait3A_686 : memref<10240x64xf32, #tpu.memory_space<vmem_shared>>)
          %add3A_687 = arith.constant 5 : i32
          %add3A_688 = arith.addi %mul3A_69, %add3A_687 : i32
          %add3A_689 = arith.constant 4 : i32
          %add3A_690 = arith.addi %add3A_688, %add3A_689 : i32
          %mul3A_691 = arith.constant 80 : i32
          %mul3A_692 = arith.muli %add3A_690, %mul3A_691 : i32
          %add3A_693 = arith.addi %mul3A_10, %mul3A_692 : i32
          %dma_start3A_694 = arith.constant 0 : i32
          %dma_start3A_695 = tpu.memref_slice %arg2[%add3A_693, %dma_start3A_694] : memref<160000x64xf32, #tpu.memory_space<hbm>> -> memref<80x64xf32, #tpu.memory_space<hbm>>
          %dma_start3A_696 = arith.constant 0 : i32
          %dma_start3A_697 = tpu.memref_slice %arg2[%add3A_693, %dma_start3A_696] : memref<160000x64xf32, #tpu.memory_space<hbm>> -> memref<80x64xf32, #tpu.memory_space<hbm>>
          tpu.enqueue_dma source(%dma_start3A_697 : memref<80x64xf32, #tpu.memory_space<hbm>>) target(%arg17 : memref<80x64xf32, #tpu.memory_space<vmem>>) target_semaphore(%arg23 : memref<!tpu.dma_semaphore, #tpu.memory_space<semaphore_mem>>)
        } else {
        }
      }
      %scan3A_47 = arith.constant 25 : i32
      %dma_wait3A = arith.constant 0 : i32
      %dma_wait3A_48 = arith.constant 0 : i32
      %dma_wait3A_49 = tpu.memref_slice %arg29[%dma_wait3A, %dma_wait3A_48] : memref<10240x64xf32, #tpu.memory_space<vmem_shared>> -> memref<10240x64xf32, #tpu.memory_space<vmem_shared>>
      tpu.wait_indirect_dma semaphore(%arg24 : memref<!tpu.dma_semaphore, #tpu.memory_space<semaphore_mem>>) src(%arg13 : memref<80x64xf32, #tpu.memory_space<vmem>>) dst(%dma_wait3A_49 : memref<10240x64xf32, #tpu.memory_space<vmem_shared>>)
      %dma_wait3A_50 = arith.constant 0 : i32
      %dma_wait3A_51 = arith.constant 0 : i32
      %dma_wait3A_52 = tpu.memref_slice %arg29[%dma_wait3A_50, %dma_wait3A_51] : memref<10240x64xf32, #tpu.memory_space<vmem_shared>> -> memref<10240x64xf32, #tpu.memory_space<vmem_shared>>
      tpu.wait_indirect_dma semaphore(%arg25 : memref<!tpu.dma_semaphore, #tpu.memory_space<semaphore_mem>>) src(%arg14 : memref<80x64xf32, #tpu.memory_space<vmem>>) dst(%dma_wait3A_52 : memref<10240x64xf32, #tpu.memory_space<vmem_shared>>)
      %dma_wait3A_53 = arith.constant 0 : i32
      %dma_wait3A_54 = arith.constant 0 : i32
      %dma_wait3A_55 = tpu.memref_slice %arg29[%dma_wait3A_53, %dma_wait3A_54] : memref<10240x64xf32, #tpu.memory_space<vmem_shared>> -> memref<10240x64xf32, #tpu.memory_space<vmem_shared>>
      tpu.wait_indirect_dma semaphore(%arg26 : memref<!tpu.dma_semaphore, #tpu.memory_space<semaphore_mem>>) src(%arg15 : memref<80x64xf32, #tpu.memory_space<vmem>>) dst(%dma_wait3A_55 : memref<10240x64xf32, #tpu.memory_space<vmem_shared>>)
      %dma_wait3A_56 = arith.constant 0 : i32
      %dma_wait3A_57 = arith.constant 0 : i32
      %dma_wait3A_58 = tpu.memref_slice %arg29[%dma_wait3A_56, %dma_wait3A_57] : memref<10240x64xf32, #tpu.memory_space<vmem_shared>> -> memref<10240x64xf32, #tpu.memory_space<vmem_shared>>
      tpu.wait_indirect_dma semaphore(%arg27 : memref<!tpu.dma_semaphore, #tpu.memory_space<semaphore_mem>>) src(%arg16 : memref<80x64xf32, #tpu.memory_space<vmem>>) dst(%dma_wait3A_58 : memref<10240x64xf32, #tpu.memory_space<vmem_shared>>)
      %dma_wait3A_59 = arith.constant 0 : i32
      %dma_wait3A_60 = arith.constant 0 : i32
      %dma_wait3A_61 = tpu.memref_slice %arg29[%dma_wait3A_59, %dma_wait3A_60] : memref<10240x64xf32, #tpu.memory_space<vmem_shared>> -> memref<10240x64xf32, #tpu.memory_space<vmem_shared>>
      tpu.wait_indirect_dma semaphore(%arg28 : memref<!tpu.dma_semaphore, #tpu.memory_space<semaphore_mem>>) src(%arg17 : memref<80x64xf32, #tpu.memory_space<vmem>>) dst(%dma_wait3A_61 : memref<10240x64xf32, #tpu.memory_space<vmem_shared>>)
      %barrier3A_62 = arith.constant 0 : index
      tpu.barrier barrier_id(%barrier3A_62)
      %mul3A_63 = arith.constant 640 : i32
      %mul3A_64 = arith.muli %arg1, %mul3A_63 : i32
      "tpu.region"() ({
        %run_scoped3A = tpu.sem_alloc : memref<!tpu.dma_semaphore, #tpu.memory_space<semaphore_mem>>
        %dma_start3A_67 = arith.constant 0 : i32
        %dma_start3A_68 = tpu.memref_slice %arg29[%mul3A_64, %dma_start3A_67] : memref<10240x64xf32, #tpu.memory_space<vmem_shared>> -> memref<640x64xf32, #tpu.memory_space<vmem_shared>>
        %dma_start3A_69 = arith.constant 0 : i32
        %dma_start3A_70 = tpu.memref_slice %arg29[%mul3A_64, %dma_start3A_69] : memref<10240x64xf32, #tpu.memory_space<vmem_shared>> -> memref<640x64xf32, #tpu.memory_space<vmem_shared>>
        tpu.enqueue_dma source(%dma_start3A_70 : memref<640x64xf32, #tpu.memory_space<vmem_shared>>) target(%arg18 : memref<640x64xf32, #tpu.memory_space<vmem>>) target_semaphore(%run_scoped3A : memref<!tpu.dma_semaphore, #tpu.memory_space<semaphore_mem>>)
        %dma_wait3A_71 = arith.constant 0 : i32
        %dma_wait3A_72 = tpu.memref_slice %arg29[%mul3A_64, %dma_wait3A_71] : memref<10240x64xf32, #tpu.memory_space<vmem_shared>> -> memref<640x64xf32, #tpu.memory_space<vmem_shared>>
        %dma_wait3A_73 = arith.constant 0 : i32
        %dma_wait3A_74 = tpu.memref_slice %arg29[%mul3A_64, %dma_wait3A_73] : memref<10240x64xf32, #tpu.memory_space<vmem_shared>> -> memref<640x64xf32, #tpu.memory_space<vmem_shared>>
        tpu.wait_dma2 semaphore(%run_scoped3A : memref<!tpu.dma_semaphore, #tpu.memory_space<semaphore_mem>>) src(%dma_wait3A_74 : memref<640x64xf32, #tpu.memory_space<vmem_shared>>) dst(%arg18 : memref<640x64xf32, #tpu.memory_space<vmem>>)
        tpu.yield
      }) : () -> ()
      %mul3A_65 = arith.constant 640 : i32
      %mul3A_66 = arith.muli %arg1, %mul3A_65 : i32
      "tpu.region"() ({
        %run_scoped3A = tpu.sem_alloc : memref<!tpu.dma_semaphore, #tpu.memory_space<semaphore_mem>>
        %dma_start3A_67 = arith.constant 0 : i32
        %dma_start3A_68 = arith.constant 0 : i32
        %dma_start3A_69 = tpu.memref_slice %arg6[%arg0, %dma_start3A_67, %dma_start3A_68] : memref<2x10240x64xf32, #tpu.memory_space<hbm>> -> memref<1x10240x64xf32, #tpu.memory_space<hbm>>
        %dma_start3A_70 = tpu.memref_squeeze %dma_start3A_69 : memref<1x10240x64xf32, #tpu.memory_space<hbm>> -> memref<10240x64xf32, #tpu.memory_space<hbm>>
        %dma_start3A_71 = arith.constant 0 : i32
        %dma_start3A_72 = tpu.memref_slice %dma_start3A_70[%mul3A_66, %dma_start3A_71] : memref<10240x64xf32, #tpu.memory_space<hbm>> -> memref<640x64xf32, #tpu.memory_space<hbm>>
        %dma_start3A_73 = arith.constant 0 : i32
        %dma_start3A_74 = arith.constant 0 : i32
        %dma_start3A_75 = tpu.memref_slice %arg6[%arg0, %dma_start3A_73, %dma_start3A_74] : memref<2x10240x64xf32, #tpu.memory_space<hbm>> -> memref<1x10240x64xf32, #tpu.memory_space<hbm>>
        %dma_start3A_76 = tpu.memref_squeeze %dma_start3A_75 : memref<1x10240x64xf32, #tpu.memory_space<hbm>> -> memref<10240x64xf32, #tpu.memory_space<hbm>>
        %dma_start3A_77 = arith.constant 0 : i32
        %dma_start3A_78 = tpu.memref_slice %dma_start3A_76[%mul3A_66, %dma_start3A_77] : memref<10240x64xf32, #tpu.memory_space<hbm>> -> memref<640x64xf32, #tpu.memory_space<hbm>>
        tpu.enqueue_dma source(%arg18 : memref<640x64xf32, #tpu.memory_space<vmem>>) target(%dma_start3A_78 : memref<640x64xf32, #tpu.memory_space<hbm>>) target_semaphore(%run_scoped3A : memref<!tpu.dma_semaphore, #tpu.memory_space<semaphore_mem>>)
        %dma_wait3A_79 = arith.constant 0 : i32
        %dma_wait3A_80 = arith.constant 0 : i32
        %dma_wait3A_81 = tpu.memref_slice %arg6[%arg0, %dma_wait3A_79, %dma_wait3A_80] : memref<2x10240x64xf32, #tpu.memory_space<hbm>> -> memref<1x10240x64xf32, #tpu.memory_space<hbm>>
        %dma_wait3A_82 = tpu.memref_squeeze %dma_wait3A_81 : memref<1x10240x64xf32, #tpu.memory_space<hbm>> -> memref<10240x64xf32, #tpu.memory_space<hbm>>
        %dma_wait3A_83 = arith.constant 0 : i32
        %dma_wait3A_84 = tpu.memref_slice %dma_wait3A_82[%mul3A_66, %dma_wait3A_83] : memref<10240x64xf32, #tpu.memory_space<hbm>> -> memref<640x64xf32, #tpu.memory_space<hbm>>
        %dma_wait3A_85 = arith.constant 0 : i32
        %dma_wait3A_86 = arith.constant 0 : i32
        %dma_wait3A_87 = tpu.memref_slice %arg6[%arg0, %dma_wait3A_85, %dma_wait3A_86] : memref<2x10240x64xf32, #tpu.memory_space<hbm>> -> memref<1x10240x64xf32, #tpu.memory_space<hbm>>
        %dma_wait3A_88 = tpu.memref_squeeze %dma_wait3A_87 : memref<1x10240x64xf32, #tpu.memory_space<hbm>> -> memref<10240x64xf32, #tpu.memory_space<hbm>>
        %dma_wait3A_89 = arith.constant 0 : i32
        %dma_wait3A_90 = tpu.memref_slice %dma_wait3A_88[%mul3A_66, %dma_wait3A_89] : memref<10240x64xf32, #tpu.memory_space<hbm>> -> memref<640x64xf32, #tpu.memory_space<hbm>>
        tpu.wait_dma2 semaphore(%run_scoped3A : memref<!tpu.dma_semaphore, #tpu.memory_space<semaphore_mem>>) src(%arg18 : memref<640x64xf32, #tpu.memory_space<vmem>>) dst(%dma_wait3A_90 : memref<640x64xf32, #tpu.memory_space<hbm>>)
        tpu.yield
      }) : () -> ()
    } else {
    }
    %eq3A_2 = arith.constant 1 : i32
    %eq3A_3 = arith.cmpi eq, %arg0, %eq3A_2 : i32
    %convert_element_type3A_4 = arith.extui %eq3A_3 : i1 to i32
    %cond3A_5 = arith.constant 0 : i32
    %cond3A_6 = arith.cmpi ne, %convert_element_type3A_4, %cond3A_5 : i32
    scf.if %cond3A_6 {
      %mul3A = arith.constant 10000 : i32
      %mul3A_7 = arith.muli %arg1, %mul3A : i32
      %add3A = arith.constant 160000 : i32
      %add3A_8 = arith.addi %add3A, %mul3A_7 : i32
      %mul3A_9 = arith.constant 10000 : i32
      %mul3A_10 = arith.muli %arg1, %mul3A_9 : i32
      %rem3A = arith.constant 6400 : i32
      %rem3A_11 = arith.remsi %add3A_8, %rem3A : i32
      %sub3A = arith.subi %add3A_8, %rem3A_11 : i32
      "tpu.region"() ({
        %run_scoped3A = tpu.sem_alloc : memref<!tpu.dma_semaphore, #tpu.memory_space<semaphore_mem>>
        tpu.enqueue_dma source(%arg5 : memref<640x64xf32, #tpu.memory_space<hbm>>) target(%arg18 : memref<640x64xf32, #tpu.memory_space<vmem>>) target_semaphore(%run_scoped3A : memref<!tpu.dma_semaphore, #tpu.memory_space<semaphore_mem>>)
        tpu.wait_dma2 semaphore(%run_scoped3A : memref<!tpu.dma_semaphore, #tpu.memory_space<semaphore_mem>>) src(%arg5 : memref<640x64xf32, #tpu.memory_space<hbm>>) dst(%arg18 : memref<640x64xf32, #tpu.memory_space<vmem>>)
        tpu.yield
      }) : () -> ()
      %mul3A_12 = arith.constant 640 : i32
      %mul3A_13 = arith.muli %arg1, %mul3A_12 : i32
      "tpu.region"() ({
        %run_scoped3A = tpu.sem_alloc : memref<!tpu.dma_semaphore, #tpu.memory_space<semaphore_mem>>
        %dma_start3A_67 = arith.constant 0 : i32
        %dma_start3A_68 = tpu.memref_slice %arg29[%mul3A_13, %dma_start3A_67] : memref<10240x64xf32, #tpu.memory_space<vmem_shared>> -> memref<640x64xf32, #tpu.memory_space<vmem_shared>>
        %dma_start3A_69 = arith.constant 0 : i32
        %dma_start3A_70 = tpu.memref_slice %arg29[%mul3A_13, %dma_start3A_69] : memref<10240x64xf32, #tpu.memory_space<vmem_shared>> -> memref<640x64xf32, #tpu.memory_space<vmem_shared>>
        tpu.enqueue_dma source(%arg18 : memref<640x64xf32, #tpu.memory_space<vmem>>) target(%dma_start3A_70 : memref<640x64xf32, #tpu.memory_space<vmem_shared>>) target_semaphore(%run_scoped3A : memref<!tpu.dma_semaphore, #tpu.memory_space<semaphore_mem>>)
        %dma_wait3A_71 = arith.constant 0 : i32
        %dma_wait3A_72 = tpu.memref_slice %arg29[%mul3A_13, %dma_wait3A_71] : memref<10240x64xf32, #tpu.memory_space<vmem_shared>> -> memref<640x64xf32, #tpu.memory_space<vmem_shared>>
        %dma_wait3A_73 = arith.constant 0 : i32
        %dma_wait3A_74 = tpu.memref_slice %arg29[%mul3A_13, %dma_wait3A_73] : memref<10240x64xf32, #tpu.memory_space<vmem_shared>> -> memref<640x64xf32, #tpu.memory_space<vmem_shared>>
        tpu.wait_dma2 semaphore(%run_scoped3A : memref<!tpu.dma_semaphore, #tpu.memory_space<semaphore_mem>>) src(%arg18 : memref<640x64xf32, #tpu.memory_space<vmem>>) dst(%dma_wait3A_74 : memref<640x64xf32, #tpu.memory_space<vmem_shared>>)
        tpu.yield
      }) : () -> ()
      "tpu.region"() ({
        %run_scoped3A = tpu.sem_alloc : memref<!tpu.dma_semaphore, #tpu.memory_space<semaphore_mem>>
        %dma_start3A_67 = tpu.memref_slice %arg4[%sub3A] : memref<326400xi32, #tpu.memory_space<hbm>> -> memref<19200xi32, #tpu.memory_space<hbm>>
        %dma_start3A_68 = tpu.memref_slice %arg4[%sub3A] : memref<326400xi32, #tpu.memory_space<hbm>> -> memref<19200xi32, #tpu.memory_space<hbm>>
        tpu.enqueue_dma source(%dma_start3A_68 : memref<19200xi32, #tpu.memory_space<hbm>>) target(%arg7 : memref<19200xi32, #tpu.memory_space<vmem>>) target_semaphore(%run_scoped3A : memref<!tpu.dma_semaphore, #tpu.memory_space<semaphore_mem>>)
        %dma_wait3A_69 = tpu.memref_slice %arg4[%sub3A] : memref<326400xi32, #tpu.memory_space<hbm>> -> memref<19200xi32, #tpu.memory_space<hbm>>
        %dma_wait3A_70 = tpu.memref_slice %arg4[%sub3A] : memref<326400xi32, #tpu.memory_space<hbm>> -> memref<19200xi32, #tpu.memory_space<hbm>>
        tpu.wait_dma2 semaphore(%run_scoped3A : memref<!tpu.dma_semaphore, #tpu.memory_space<semaphore_mem>>) src(%dma_wait3A_70 : memref<19200xi32, #tpu.memory_space<hbm>>) dst(%arg7 : memref<19200xi32, #tpu.memory_space<vmem>>)
        tpu.yield
      }) : () -> ()
      %barrier3A = arith.constant 0 : index
      tpu.barrier barrier_id(%barrier3A)
      %add3A_14 = arith.constant 0 : i32
      %add3A_15 = arith.addi %mul3A_10, %add3A_14 : i32
      %dma_start3A = arith.constant 0 : i32
      %dma_start3A_16 = tpu.memref_slice %arg3[%add3A_15, %dma_start3A] : memref<160000x64xf32, #tpu.memory_space<hbm>> -> memref<80x64xf32, #tpu.memory_space<hbm>>
      %dma_start3A_17 = arith.constant 0 : i32
      %dma_start3A_18 = tpu.memref_slice %arg3[%add3A_15, %dma_start3A_17] : memref<160000x64xf32, #tpu.memory_space<hbm>> -> memref<80x64xf32, #tpu.memory_space<hbm>>
      tpu.enqueue_dma source(%dma_start3A_18 : memref<80x64xf32, #tpu.memory_space<hbm>>) target(%arg13 : memref<80x64xf32, #tpu.memory_space<vmem>>) target_semaphore(%arg19 : memref<!tpu.dma_semaphore, #tpu.memory_space<semaphore_mem>>)
      %add3A_19 = arith.constant 80 : i32
      %add3A_20 = arith.addi %mul3A_10, %add3A_19 : i32
      %dma_start3A_21 = arith.constant 0 : i32
      %dma_start3A_22 = tpu.memref_slice %arg3[%add3A_20, %dma_start3A_21] : memref<160000x64xf32, #tpu.memory_space<hbm>> -> memref<80x64xf32, #tpu.memory_space<hbm>>
      %dma_start3A_23 = arith.constant 0 : i32
      %dma_start3A_24 = tpu.memref_slice %arg3[%add3A_20, %dma_start3A_23] : memref<160000x64xf32, #tpu.memory_space<hbm>> -> memref<80x64xf32, #tpu.memory_space<hbm>>
      tpu.enqueue_dma source(%dma_start3A_24 : memref<80x64xf32, #tpu.memory_space<hbm>>) target(%arg14 : memref<80x64xf32, #tpu.memory_space<vmem>>) target_semaphore(%arg20 : memref<!tpu.dma_semaphore, #tpu.memory_space<semaphore_mem>>)
      %add3A_25 = arith.constant 160 : i32
      %add3A_26 = arith.addi %mul3A_10, %add3A_25 : i32
      %dma_start3A_27 = arith.constant 0 : i32
      %dma_start3A_28 = tpu.memref_slice %arg3[%add3A_26, %dma_start3A_27] : memref<160000x64xf32, #tpu.memory_space<hbm>> -> memref<80x64xf32, #tpu.memory_space<hbm>>
      %dma_start3A_29 = arith.constant 0 : i32
      %dma_start3A_30 = tpu.memref_slice %arg3[%add3A_26, %dma_start3A_29] : memref<160000x64xf32, #tpu.memory_space<hbm>> -> memref<80x64xf32, #tpu.memory_space<hbm>>
      tpu.enqueue_dma source(%dma_start3A_30 : memref<80x64xf32, #tpu.memory_space<hbm>>) target(%arg15 : memref<80x64xf32, #tpu.memory_space<vmem>>) target_semaphore(%arg21 : memref<!tpu.dma_semaphore, #tpu.memory_space<semaphore_mem>>)
      %add3A_31 = arith.constant 240 : i32
      %add3A_32 = arith.addi %mul3A_10, %add3A_31 : i32
      %dma_start3A_33 = arith.constant 0 : i32
      %dma_start3A_34 = tpu.memref_slice %arg3[%add3A_32, %dma_start3A_33] : memref<160000x64xf32, #tpu.memory_space<hbm>> -> memref<80x64xf32, #tpu.memory_space<hbm>>
      %dma_start3A_35 = arith.constant 0 : i32
      %dma_start3A_36 = tpu.memref_slice %arg3[%add3A_32, %dma_start3A_35] : memref<160000x64xf32, #tpu.memory_space<hbm>> -> memref<80x64xf32, #tpu.memory_space<hbm>>
      tpu.enqueue_dma source(%dma_start3A_36 : memref<80x64xf32, #tpu.memory_space<hbm>>) target(%arg16 : memref<80x64xf32, #tpu.memory_space<vmem>>) target_semaphore(%arg22 : memref<!tpu.dma_semaphore, #tpu.memory_space<semaphore_mem>>)
      %add3A_37 = arith.constant 320 : i32
      %add3A_38 = arith.addi %mul3A_10, %add3A_37 : i32
      %dma_start3A_39 = arith.constant 0 : i32
      %dma_start3A_40 = tpu.memref_slice %arg3[%add3A_38, %dma_start3A_39] : memref<160000x64xf32, #tpu.memory_space<hbm>> -> memref<80x64xf32, #tpu.memory_space<hbm>>
      %dma_start3A_41 = arith.constant 0 : i32
      %dma_start3A_42 = tpu.memref_slice %arg3[%add3A_38, %dma_start3A_41] : memref<160000x64xf32, #tpu.memory_space<hbm>> -> memref<80x64xf32, #tpu.memory_space<hbm>>
      tpu.enqueue_dma source(%dma_start3A_42 : memref<80x64xf32, #tpu.memory_space<hbm>>) target(%arg17 : memref<80x64xf32, #tpu.memory_space<vmem>>) target_semaphore(%arg23 : memref<!tpu.dma_semaphore, #tpu.memory_space<semaphore_mem>>)
      %scan3A = arith.constant 0 : i32
      %scan3A_43 = arith.constant 0 : i32
      %scan3A_44 = arith.constant 25 : i32
      %scan3A_45 = arith.addi %scan3A_43, %scan3A_44 : i32
      %scan3A_46 = arith.constant 1 : i32
      scf.for %scan3A_67 = %scan3A_43 to %scan3A_45 step %scan3A_46  : i32 {
        %mul3A_68 = arith.constant 5 : i32
        %mul3A_69 = arith.muli %scan3A_67, %mul3A_68 : i32
        %add3A_70 = arith.constant 0 : i32
        %add3A_71 = arith.addi %mul3A_69, %add3A_70 : i32
        %mul3A_72 = arith.constant 80 : i32
        %mul3A_73 = arith.muli %add3A_71, %mul3A_72 : i32
        %add3A_74 = arith.addi %mul3A_10, %mul3A_73 : i32
        %dma_wait3A_75 = arith.constant 0 : i32
        %dma_wait3A_76 = tpu.memref_slice %arg3[%add3A_74, %dma_wait3A_75] : memref<160000x64xf32, #tpu.memory_space<hbm>> -> memref<80x64xf32, #tpu.memory_space<hbm>>
        %dma_wait3A_77 = arith.constant 0 : i32
        %dma_wait3A_78 = tpu.memref_slice %arg3[%add3A_74, %dma_wait3A_77] : memref<160000x64xf32, #tpu.memory_space<hbm>> -> memref<80x64xf32, #tpu.memory_space<hbm>>
        tpu.wait_dma2 semaphore(%arg19 : memref<!tpu.dma_semaphore, #tpu.memory_space<semaphore_mem>>) src(%dma_wait3A_78 : memref<80x64xf32, #tpu.memory_space<hbm>>) dst(%arg13 : memref<80x64xf32, #tpu.memory_space<vmem>>)
        %add3A_79 = arith.constant 0 : i32
        %add3A_80 = arith.addi %mul3A_69, %add3A_79 : i32
        %mul3A_81 = arith.constant 80 : i32
        %mul3A_82 = arith.muli %add3A_80, %mul3A_81 : i32
        %add3A_83 = arith.addi %add3A_8, %mul3A_82 : i32
        %rem3A_84 = arith.constant 6400 : i32
        %rem3A_85 = arith.remsi %add3A_83, %rem3A_84 : i32
        %sub3A_86 = arith.subi %add3A_83, %rem3A_85 : i32
        %shift_right_logical3A = arith.constant 1 : i32
        %shift_right_logical3A_87 = arith.shrui %rem3A_85, %shift_right_logical3A : i32
        %add3A_88 = arith.addi %sub3A_86, %shift_right_logical3A_87 : i32
        %sub3A_89 = arith.subi %add3A_88, %sub3A : i32
        %iota3A = tpu.iota {dimensions = array<i32: 0>} : vector<16xi32>
        %add3A_90 = arith.constant 0 : i32
        %add3A_91 = vector.broadcast %add3A_90 : i32 to vector<16xi32>
        %add3A_92 = arith.addi %iota3A, %add3A_91 : vector<16xi32>
        %and3A = arith.constant 1 : i32
        %and3A_93 = vector.broadcast %and3A : i32 to vector<16xi32>
        %and3A_94 = arith.andi %add3A_92, %and3A_93 : vector<16xi32>
        %mul3A_95 = arith.constant 3200 : i32
        %mul3A_96 = vector.broadcast %mul3A_95 : i32 to vector<16xi32>
        %mul3A_97 = arith.muli %and3A_94, %mul3A_96 : vector<16xi32>
        %add3A_98 = vector.broadcast %sub3A_89 : i32 to vector<16xi32>
        %add3A_99 = arith.addi %add3A_98, %mul3A_97 : vector<16xi32>
        %shift_right_logical3A_100 = arith.constant 1 : i32
        %shift_right_logical3A_101 = vector.broadcast %shift_right_logical3A_100 : i32 to vector<16xi32>
        %shift_right_logical3A_102 = arith.shrui %add3A_92, %shift_right_logical3A_101 : vector<16xi32>
        %add3A_103 = arith.addi %add3A_99, %shift_right_logical3A_102 : vector<16xi32>
        %gather3A = tpu.vector_load_idx %arg7[%add3A_103] : memref<19200xi32, #tpu.memory_space<vmem>>[vector<16xi32>], vector<16xi32>,
        %swap3A = arith.constant 0 : index
        %swap3A_104 = tpu.vector_load %arg8[%swap3A] {strides = array<i32>} : memref<80xi32, #tpu.memory_space<vmem>>, vector<16xi32>,
        tpu.vector_store %arg8[%swap3A], %gather3A {strides = array<i32>} : memref<80xi32, #tpu.memory_space<vmem>>, vector<16xi32>,
        %iota3A_105 = tpu.iota {dimensions = array<i32: 0>} : vector<16xi32>
        %add3A_106 = arith.constant 16 : i32
        %add3A_107 = vector.broadcast %add3A_106 : i32 to vector<16xi32>
        %add3A_108 = arith.addi %iota3A_105, %add3A_107 : vector<16xi32>
        %and3A_109 = arith.constant 1 : i32
        %and3A_110 = vector.broadcast %and3A_109 : i32 to vector<16xi32>
        %and3A_111 = arith.andi %add3A_108, %and3A_110 : vector<16xi32>
        %mul3A_112 = arith.constant 3200 : i32
        %mul3A_113 = vector.broadcast %mul3A_112 : i32 to vector<16xi32>
        %mul3A_114 = arith.muli %and3A_111, %mul3A_113 : vector<16xi32>
        %add3A_115 = vector.broadcast %sub3A_89 : i32 to vector<16xi32>
        %add3A_116 = arith.addi %add3A_115, %mul3A_114 : vector<16xi32>
        %shift_right_logical3A_117 = arith.constant 1 : i32
        %shift_right_logical3A_118 = vector.broadcast %shift_right_logical3A_117 : i32 to vector<16xi32>
        %shift_right_logical3A_119 = arith.shrui %add3A_108, %shift_right_logical3A_118 : vector<16xi32>
        %add3A_120 = arith.addi %add3A_116, %shift_right_logical3A_119 : vector<16xi32>
        %gather3A_121 = tpu.vector_load_idx %arg7[%add3A_120] : memref<19200xi32, #tpu.memory_space<vmem>>[vector<16xi32>], vector<16xi32>,
        %swap3A_122 = arith.constant 16 : index
        %swap3A_123 = tpu.vector_load %arg8[%swap3A_122] {strides = array<i32>} : memref<80xi32, #tpu.memory_space<vmem>>, vector<16xi32>,
        tpu.vector_store %arg8[%swap3A_122], %gather3A_121 {strides = array<i32>} : memref<80xi32, #tpu.memory_space<vmem>>, vector<16xi32>,
        %iota3A_124 = tpu.iota {dimensions = array<i32: 0>} : vector<16xi32>
        %add3A_125 = arith.constant 32 : i32
        %add3A_126 = vector.broadcast %add3A_125 : i32 to vector<16xi32>
        %add3A_127 = arith.addi %iota3A_124, %add3A_126 : vector<16xi32>
        %and3A_128 = arith.constant 1 : i32
        %and3A_129 = vector.broadcast %and3A_128 : i32 to vector<16xi32>
        %and3A_130 = arith.andi %add3A_127, %and3A_129 : vector<16xi32>
        %mul3A_131 = arith.constant 3200 : i32
        %mul3A_132 = vector.broadcast %mul3A_131 : i32 to vector<16xi32>
        %mul3A_133 = arith.muli %and3A_130, %mul3A_132 : vector<16xi32>
        %add3A_134 = vector.broadcast %sub3A_89 : i32 to vector<16xi32>
        %add3A_135 = arith.addi %add3A_134, %mul3A_133 : vector<16xi32>
        %shift_right_logical3A_136 = arith.constant 1 : i32
        %shift_right_logical3A_137 = vector.broadcast %shift_right_logical3A_136 : i32 to vector<16xi32>
        %shift_right_logical3A_138 = arith.shrui %add3A_127, %shift_right_logical3A_137 : vector<16xi32>
        %add3A_139 = arith.addi %add3A_135, %shift_right_logical3A_138 : vector<16xi32>
        %gather3A_140 = tpu.vector_load_idx %arg7[%add3A_139] : memref<19200xi32, #tpu.memory_space<vmem>>[vector<16xi32>], vector<16xi32>,
        %swap3A_141 = arith.constant 32 : index
        %swap3A_142 = tpu.vector_load %arg8[%swap3A_141] {strides = array<i32>} : memref<80xi32, #tpu.memory_space<vmem>>, vector<16xi32>,
        tpu.vector_store %arg8[%swap3A_141], %gather3A_140 {strides = array<i32>} : memref<80xi32, #tpu.memory_space<vmem>>, vector<16xi32>,
        %iota3A_143 = tpu.iota {dimensions = array<i32: 0>} : vector<16xi32>
        %add3A_144 = arith.constant 48 : i32
        %add3A_145 = vector.broadcast %add3A_144 : i32 to vector<16xi32>
        %add3A_146 = arith.addi %iota3A_143, %add3A_145 : vector<16xi32>
        %and3A_147 = arith.constant 1 : i32
        %and3A_148 = vector.broadcast %and3A_147 : i32 to vector<16xi32>
        %and3A_149 = arith.andi %add3A_146, %and3A_148 : vector<16xi32>
        %mul3A_150 = arith.constant 3200 : i32
        %mul3A_151 = vector.broadcast %mul3A_150 : i32 to vector<16xi32>
        %mul3A_152 = arith.muli %and3A_149, %mul3A_151 : vector<16xi32>
        %add3A_153 = vector.broadcast %sub3A_89 : i32 to vector<16xi32>
        %add3A_154 = arith.addi %add3A_153, %mul3A_152 : vector<16xi32>
        %shift_right_logical3A_155 = arith.constant 1 : i32
        %shift_right_logical3A_156 = vector.broadcast %shift_right_logical3A_155 : i32 to vector<16xi32>
        %shift_right_logical3A_157 = arith.shrui %add3A_146, %shift_right_logical3A_156 : vector<16xi32>
        %add3A_158 = arith.addi %add3A_154, %shift_right_logical3A_157 : vector<16xi32>
        %gather3A_159 = tpu.vector_load_idx %arg7[%add3A_158] : memref<19200xi32, #tpu.memory_space<vmem>>[vector<16xi32>], vector<16xi32>,
        %swap3A_160 = arith.constant 48 : index
        %swap3A_161 = tpu.vector_load %arg8[%swap3A_160] {strides = array<i32>} : memref<80xi32, #tpu.memory_space<vmem>>, vector<16xi32>,
        tpu.vector_store %arg8[%swap3A_160], %gather3A_159 {strides = array<i32>} : memref<80xi32, #tpu.memory_space<vmem>>, vector<16xi32>,
        %iota3A_162 = tpu.iota {dimensions = array<i32: 0>} : vector<16xi32>
        %add3A_163 = arith.constant 64 : i32
        %add3A_164 = vector.broadcast %add3A_163 : i32 to vector<16xi32>
        %add3A_165 = arith.addi %iota3A_162, %add3A_164 : vector<16xi32>
        %and3A_166 = arith.constant 1 : i32
        %and3A_167 = vector.broadcast %and3A_166 : i32 to vector<16xi32>
        %and3A_168 = arith.andi %add3A_165, %and3A_167 : vector<16xi32>
        %mul3A_169 = arith.constant 3200 : i32
        %mul3A_170 = vector.broadcast %mul3A_169 : i32 to vector<16xi32>
        %mul3A_171 = arith.muli %and3A_168, %mul3A_170 : vector<16xi32>
        %add3A_172 = vector.broadcast %sub3A_89 : i32 to vector<16xi32>
        %add3A_173 = arith.addi %add3A_172, %mul3A_171 : vector<16xi32>
        %shift_right_logical3A_174 = arith.constant 1 : i32
        %shift_right_logical3A_175 = vector.broadcast %shift_right_logical3A_174 : i32 to vector<16xi32>
        %shift_right_logical3A_176 = arith.shrui %add3A_165, %shift_right_logical3A_175 : vector<16xi32>
        %add3A_177 = arith.addi %add3A_173, %shift_right_logical3A_176 : vector<16xi32>
        %gather3A_178 = tpu.vector_load_idx %arg7[%add3A_177] : memref<19200xi32, #tpu.memory_space<vmem>>[vector<16xi32>], vector<16xi32>,
        %swap3A_179 = arith.constant 64 : index
        %swap3A_180 = tpu.vector_load %arg8[%swap3A_179] {strides = array<i32>} : memref<80xi32, #tpu.memory_space<vmem>>, vector<16xi32>,
        tpu.vector_store %arg8[%swap3A_179], %gather3A_178 {strides = array<i32>} : memref<80xi32, #tpu.memory_space<vmem>>, vector<16xi32>,
        %dma_start3A_181 = arith.constant 0 : i32
        %dma_start3A_182 = arith.constant 0 : i32
        %dma_start3A_183 = tpu.memref_slice %arg29[%dma_start3A_181, %dma_start3A_182] : memref<10240x64xf32, #tpu.memory_space<vmem_shared>> -> memref<10240x64xf32, #tpu.memory_space<vmem_shared>>
        tpu.enqueue_indirect_dma source(%arg13 : memref<80x64xf32, #tpu.memory_space<vmem>>) target(%dma_start3A_183 : memref<10240x64xf32, #tpu.memory_space<vmem_shared>>) offsets(%arg8 : memref<80xi32, #tpu.memory_space<vmem>>) semaphore(%arg24 : memref<!tpu.dma_semaphore, #tpu.memory_space<semaphore_mem>>) {add = true}
        %add3A_184 = arith.constant 1 : i32
        %add3A_185 = arith.addi %mul3A_69, %add3A_184 : i32
        %mul3A_186 = arith.constant 80 : i32
        %mul3A_187 = arith.muli %add3A_185, %mul3A_186 : i32
        %add3A_188 = arith.addi %mul3A_10, %mul3A_187 : i32
        %dma_wait3A_189 = arith.constant 0 : i32
        %dma_wait3A_190 = tpu.memref_slice %arg3[%add3A_188, %dma_wait3A_189] : memref<160000x64xf32, #tpu.memory_space<hbm>> -> memref<80x64xf32, #tpu.memory_space<hbm>>
        %dma_wait3A_191 = arith.constant 0 : i32
        %dma_wait3A_192 = tpu.memref_slice %arg3[%add3A_188, %dma_wait3A_191] : memref<160000x64xf32, #tpu.memory_space<hbm>> -> memref<80x64xf32, #tpu.memory_space<hbm>>
        tpu.wait_dma2 semaphore(%arg20 : memref<!tpu.dma_semaphore, #tpu.memory_space<semaphore_mem>>) src(%dma_wait3A_192 : memref<80x64xf32, #tpu.memory_space<hbm>>) dst(%arg14 : memref<80x64xf32, #tpu.memory_space<vmem>>)
        %add3A_193 = arith.constant 1 : i32
        %add3A_194 = arith.addi %mul3A_69, %add3A_193 : i32
        %mul3A_195 = arith.constant 80 : i32
        %mul3A_196 = arith.muli %add3A_194, %mul3A_195 : i32
        %add3A_197 = arith.addi %add3A_8, %mul3A_196 : i32
        %rem3A_198 = arith.constant 6400 : i32
        %rem3A_199 = arith.remsi %add3A_197, %rem3A_198 : i32
        %sub3A_200 = arith.subi %add3A_197, %rem3A_199 : i32
        %shift_right_logical3A_201 = arith.constant 1 : i32
        %shift_right_logical3A_202 = arith.shrui %rem3A_199, %shift_right_logical3A_201 : i32
        %add3A_203 = arith.addi %sub3A_200, %shift_right_logical3A_202 : i32
        %sub3A_204 = arith.subi %add3A_203, %sub3A : i32
        %iota3A_205 = tpu.iota {dimensions = array<i32: 0>} : vector<16xi32>
        %add3A_206 = arith.constant 0 : i32
        %add3A_207 = vector.broadcast %add3A_206 : i32 to vector<16xi32>
        %add3A_208 = arith.addi %iota3A_205, %add3A_207 : vector<16xi32>
        %and3A_209 = arith.constant 1 : i32
        %and3A_210 = vector.broadcast %and3A_209 : i32 to vector<16xi32>
        %and3A_211 = arith.andi %add3A_208, %and3A_210 : vector<16xi32>
        %mul3A_212 = arith.constant 3200 : i32
        %mul3A_213 = vector.broadcast %mul3A_212 : i32 to vector<16xi32>
        %mul3A_214 = arith.muli %and3A_211, %mul3A_213 : vector<16xi32>
        %add3A_215 = vector.broadcast %sub3A_204 : i32 to vector<16xi32>
        %add3A_216 = arith.addi %add3A_215, %mul3A_214 : vector<16xi32>
        %shift_right_logical3A_217 = arith.constant 1 : i32
        %shift_right_logical3A_218 = vector.broadcast %shift_right_logical3A_217 : i32 to vector<16xi32>
        %shift_right_logical3A_219 = arith.shrui %add3A_208, %shift_right_logical3A_218 : vector<16xi32>
        %add3A_220 = arith.addi %add3A_216, %shift_right_logical3A_219 : vector<16xi32>
        %gather3A_221 = tpu.vector_load_idx %arg7[%add3A_220] : memref<19200xi32, #tpu.memory_space<vmem>>[vector<16xi32>], vector<16xi32>,
        %swap3A_222 = arith.constant 0 : index
        %swap3A_223 = tpu.vector_load %arg9[%swap3A_222] {strides = array<i32>} : memref<80xi32, #tpu.memory_space<vmem>>, vector<16xi32>,
        tpu.vector_store %arg9[%swap3A_222], %gather3A_221 {strides = array<i32>} : memref<80xi32, #tpu.memory_space<vmem>>, vector<16xi32>,
        %iota3A_224 = tpu.iota {dimensions = array<i32: 0>} : vector<16xi32>
        %add3A_225 = arith.constant 16 : i32
        %add3A_226 = vector.broadcast %add3A_225 : i32 to vector<16xi32>
        %add3A_227 = arith.addi %iota3A_224, %add3A_226 : vector<16xi32>
        %and3A_228 = arith.constant 1 : i32
        %and3A_229 = vector.broadcast %and3A_228 : i32 to vector<16xi32>
        %and3A_230 = arith.andi %add3A_227, %and3A_229 : vector<16xi32>
        %mul3A_231 = arith.constant 3200 : i32
        %mul3A_232 = vector.broadcast %mul3A_231 : i32 to vector<16xi32>
        %mul3A_233 = arith.muli %and3A_230, %mul3A_232 : vector<16xi32>
        %add3A_234 = vector.broadcast %sub3A_204 : i32 to vector<16xi32>
        %add3A_235 = arith.addi %add3A_234, %mul3A_233 : vector<16xi32>
        %shift_right_logical3A_236 = arith.constant 1 : i32
        %shift_right_logical3A_237 = vector.broadcast %shift_right_logical3A_236 : i32 to vector<16xi32>
        %shift_right_logical3A_238 = arith.shrui %add3A_227, %shift_right_logical3A_237 : vector<16xi32>
        %add3A_239 = arith.addi %add3A_235, %shift_right_logical3A_238 : vector<16xi32>
        %gather3A_240 = tpu.vector_load_idx %arg7[%add3A_239] : memref<19200xi32, #tpu.memory_space<vmem>>[vector<16xi32>], vector<16xi32>,
        %swap3A_241 = arith.constant 16 : index
        %swap3A_242 = tpu.vector_load %arg9[%swap3A_241] {strides = array<i32>} : memref<80xi32, #tpu.memory_space<vmem>>, vector<16xi32>,
        tpu.vector_store %arg9[%swap3A_241], %gather3A_240 {strides = array<i32>} : memref<80xi32, #tpu.memory_space<vmem>>, vector<16xi32>,
        %iota3A_243 = tpu.iota {dimensions = array<i32: 0>} : vector<16xi32>
        %add3A_244 = arith.constant 32 : i32
        %add3A_245 = vector.broadcast %add3A_244 : i32 to vector<16xi32>
        %add3A_246 = arith.addi %iota3A_243, %add3A_245 : vector<16xi32>
        %and3A_247 = arith.constant 1 : i32
        %and3A_248 = vector.broadcast %and3A_247 : i32 to vector<16xi32>
        %and3A_249 = arith.andi %add3A_246, %and3A_248 : vector<16xi32>
        %mul3A_250 = arith.constant 3200 : i32
        %mul3A_251 = vector.broadcast %mul3A_250 : i32 to vector<16xi32>
        %mul3A_252 = arith.muli %and3A_249, %mul3A_251 : vector<16xi32>
        %add3A_253 = vector.broadcast %sub3A_204 : i32 to vector<16xi32>
        %add3A_254 = arith.addi %add3A_253, %mul3A_252 : vector<16xi32>
        %shift_right_logical3A_255 = arith.constant 1 : i32
        %shift_right_logical3A_256 = vector.broadcast %shift_right_logical3A_255 : i32 to vector<16xi32>
        %shift_right_logical3A_257 = arith.shrui %add3A_246, %shift_right_logical3A_256 : vector<16xi32>
        %add3A_258 = arith.addi %add3A_254, %shift_right_logical3A_257 : vector<16xi32>
        %gather3A_259 = tpu.vector_load_idx %arg7[%add3A_258] : memref<19200xi32, #tpu.memory_space<vmem>>[vector<16xi32>], vector<16xi32>,
        %swap3A_260 = arith.constant 32 : index
        %swap3A_261 = tpu.vector_load %arg9[%swap3A_260] {strides = array<i32>} : memref<80xi32, #tpu.memory_space<vmem>>, vector<16xi32>,
        tpu.vector_store %arg9[%swap3A_260], %gather3A_259 {strides = array<i32>} : memref<80xi32, #tpu.memory_space<vmem>>, vector<16xi32>,
        %iota3A_262 = tpu.iota {dimensions = array<i32: 0>} : vector<16xi32>
        %add3A_263 = arith.constant 48 : i32
        %add3A_264 = vector.broadcast %add3A_263 : i32 to vector<16xi32>
        %add3A_265 = arith.addi %iota3A_262, %add3A_264 : vector<16xi32>
        %and3A_266 = arith.constant 1 : i32
        %and3A_267 = vector.broadcast %and3A_266 : i32 to vector<16xi32>
        %and3A_268 = arith.andi %add3A_265, %and3A_267 : vector<16xi32>
        %mul3A_269 = arith.constant 3200 : i32
        %mul3A_270 = vector.broadcast %mul3A_269 : i32 to vector<16xi32>
        %mul3A_271 = arith.muli %and3A_268, %mul3A_270 : vector<16xi32>
        %add3A_272 = vector.broadcast %sub3A_204 : i32 to vector<16xi32>
        %add3A_273 = arith.addi %add3A_272, %mul3A_271 : vector<16xi32>
        %shift_right_logical3A_274 = arith.constant 1 : i32
        %shift_right_logical3A_275 = vector.broadcast %shift_right_logical3A_274 : i32 to vector<16xi32>
        %shift_right_logical3A_276 = arith.shrui %add3A_265, %shift_right_logical3A_275 : vector<16xi32>
        %add3A_277 = arith.addi %add3A_273, %shift_right_logical3A_276 : vector<16xi32>
        %gather3A_278 = tpu.vector_load_idx %arg7[%add3A_277] : memref<19200xi32, #tpu.memory_space<vmem>>[vector<16xi32>], vector<16xi32>,
        %swap3A_279 = arith.constant 48 : index
        %swap3A_280 = tpu.vector_load %arg9[%swap3A_279] {strides = array<i32>} : memref<80xi32, #tpu.memory_space<vmem>>, vector<16xi32>,
        tpu.vector_store %arg9[%swap3A_279], %gather3A_278 {strides = array<i32>} : memref<80xi32, #tpu.memory_space<vmem>>, vector<16xi32>,
        %iota3A_281 = tpu.iota {dimensions = array<i32: 0>} : vector<16xi32>
        %add3A_282 = arith.constant 64 : i32
        %add3A_283 = vector.broadcast %add3A_282 : i32 to vector<16xi32>
        %add3A_284 = arith.addi %iota3A_281, %add3A_283 : vector<16xi32>
        %and3A_285 = arith.constant 1 : i32
        %and3A_286 = vector.broadcast %and3A_285 : i32 to vector<16xi32>
        %and3A_287 = arith.andi %add3A_284, %and3A_286 : vector<16xi32>
        %mul3A_288 = arith.constant 3200 : i32
        %mul3A_289 = vector.broadcast %mul3A_288 : i32 to vector<16xi32>
        %mul3A_290 = arith.muli %and3A_287, %mul3A_289 : vector<16xi32>
        %add3A_291 = vector.broadcast %sub3A_204 : i32 to vector<16xi32>
        %add3A_292 = arith.addi %add3A_291, %mul3A_290 : vector<16xi32>
        %shift_right_logical3A_293 = arith.constant 1 : i32
        %shift_right_logical3A_294 = vector.broadcast %shift_right_logical3A_293 : i32 to vector<16xi32>
        %shift_right_logical3A_295 = arith.shrui %add3A_284, %shift_right_logical3A_294 : vector<16xi32>
        %add3A_296 = arith.addi %add3A_292, %shift_right_logical3A_295 : vector<16xi32>
        %gather3A_297 = tpu.vector_load_idx %arg7[%add3A_296] : memref<19200xi32, #tpu.memory_space<vmem>>[vector<16xi32>], vector<16xi32>,
        %swap3A_298 = arith.constant 64 : index
        %swap3A_299 = tpu.vector_load %arg9[%swap3A_298] {strides = array<i32>} : memref<80xi32, #tpu.memory_space<vmem>>, vector<16xi32>,
        tpu.vector_store %arg9[%swap3A_298], %gather3A_297 {strides = array<i32>} : memref<80xi32, #tpu.memory_space<vmem>>, vector<16xi32>,
        %dma_start3A_300 = arith.constant 0 : i32
        %dma_start3A_301 = arith.constant 0 : i32
        %dma_start3A_302 = tpu.memref_slice %arg29[%dma_start3A_300, %dma_start3A_301] : memref<10240x64xf32, #tpu.memory_space<vmem_shared>> -> memref<10240x64xf32, #tpu.memory_space<vmem_shared>>
        tpu.enqueue_indirect_dma source(%arg14 : memref<80x64xf32, #tpu.memory_space<vmem>>) target(%dma_start3A_302 : memref<10240x64xf32, #tpu.memory_space<vmem_shared>>) offsets(%arg9 : memref<80xi32, #tpu.memory_space<vmem>>) semaphore(%arg25 : memref<!tpu.dma_semaphore, #tpu.memory_space<semaphore_mem>>) {add = true}
        %add3A_303 = arith.constant 2 : i32
        %add3A_304 = arith.addi %mul3A_69, %add3A_303 : i32
        %mul3A_305 = arith.constant 80 : i32
        %mul3A_306 = arith.muli %add3A_304, %mul3A_305 : i32
        %add3A_307 = arith.addi %mul3A_10, %mul3A_306 : i32
        %dma_wait3A_308 = arith.constant 0 : i32
        %dma_wait3A_309 = tpu.memref_slice %arg3[%add3A_307, %dma_wait3A_308] : memref<160000x64xf32, #tpu.memory_space<hbm>> -> memref<80x64xf32, #tpu.memory_space<hbm>>
        %dma_wait3A_310 = arith.constant 0 : i32
        %dma_wait3A_311 = tpu.memref_slice %arg3[%add3A_307, %dma_wait3A_310] : memref<160000x64xf32, #tpu.memory_space<hbm>> -> memref<80x64xf32, #tpu.memory_space<hbm>>
        tpu.wait_dma2 semaphore(%arg21 : memref<!tpu.dma_semaphore, #tpu.memory_space<semaphore_mem>>) src(%dma_wait3A_311 : memref<80x64xf32, #tpu.memory_space<hbm>>) dst(%arg15 : memref<80x64xf32, #tpu.memory_space<vmem>>)
        %add3A_312 = arith.constant 2 : i32
        %add3A_313 = arith.addi %mul3A_69, %add3A_312 : i32
        %mul3A_314 = arith.constant 80 : i32
        %mul3A_315 = arith.muli %add3A_313, %mul3A_314 : i32
        %add3A_316 = arith.addi %add3A_8, %mul3A_315 : i32
        %rem3A_317 = arith.constant 6400 : i32
        %rem3A_318 = arith.remsi %add3A_316, %rem3A_317 : i32
        %sub3A_319 = arith.subi %add3A_316, %rem3A_318 : i32
        %shift_right_logical3A_320 = arith.constant 1 : i32
        %shift_right_logical3A_321 = arith.shrui %rem3A_318, %shift_right_logical3A_320 : i32
        %add3A_322 = arith.addi %sub3A_319, %shift_right_logical3A_321 : i32
        %sub3A_323 = arith.subi %add3A_322, %sub3A : i32
        %iota3A_324 = tpu.iota {dimensions = array<i32: 0>} : vector<16xi32>
        %add3A_325 = arith.constant 0 : i32
        %add3A_326 = vector.broadcast %add3A_325 : i32 to vector<16xi32>
        %add3A_327 = arith.addi %iota3A_324, %add3A_326 : vector<16xi32>
        %and3A_328 = arith.constant 1 : i32
        %and3A_329 = vector.broadcast %and3A_328 : i32 to vector<16xi32>
        %and3A_330 = arith.andi %add3A_327, %and3A_329 : vector<16xi32>
        %mul3A_331 = arith.constant 3200 : i32
        %mul3A_332 = vector.broadcast %mul3A_331 : i32 to vector<16xi32>
        %mul3A_333 = arith.muli %and3A_330, %mul3A_332 : vector<16xi32>
        %add3A_334 = vector.broadcast %sub3A_323 : i32 to vector<16xi32>
        %add3A_335 = arith.addi %add3A_334, %mul3A_333 : vector<16xi32>
        %shift_right_logical3A_336 = arith.constant 1 : i32
        %shift_right_logical3A_337 = vector.broadcast %shift_right_logical3A_336 : i32 to vector<16xi32>
        %shift_right_logical3A_338 = arith.shrui %add3A_327, %shift_right_logical3A_337 : vector<16xi32>
        %add3A_339 = arith.addi %add3A_335, %shift_right_logical3A_338 : vector<16xi32>
        %gather3A_340 = tpu.vector_load_idx %arg7[%add3A_339] : memref<19200xi32, #tpu.memory_space<vmem>>[vector<16xi32>], vector<16xi32>,
        %swap3A_341 = arith.constant 0 : index
        %swap3A_342 = tpu.vector_load %arg10[%swap3A_341] {strides = array<i32>} : memref<80xi32, #tpu.memory_space<vmem>>, vector<16xi32>,
        tpu.vector_store %arg10[%swap3A_341], %gather3A_340 {strides = array<i32>} : memref<80xi32, #tpu.memory_space<vmem>>, vector<16xi32>,
        %iota3A_343 = tpu.iota {dimensions = array<i32: 0>} : vector<16xi32>
        %add3A_344 = arith.constant 16 : i32
        %add3A_345 = vector.broadcast %add3A_344 : i32 to vector<16xi32>
        %add3A_346 = arith.addi %iota3A_343, %add3A_345 : vector<16xi32>
        %and3A_347 = arith.constant 1 : i32
        %and3A_348 = vector.broadcast %and3A_347 : i32 to vector<16xi32>
        %and3A_349 = arith.andi %add3A_346, %and3A_348 : vector<16xi32>
        %mul3A_350 = arith.constant 3200 : i32
        %mul3A_351 = vector.broadcast %mul3A_350 : i32 to vector<16xi32>
        %mul3A_352 = arith.muli %and3A_349, %mul3A_351 : vector<16xi32>
        %add3A_353 = vector.broadcast %sub3A_323 : i32 to vector<16xi32>
        %add3A_354 = arith.addi %add3A_353, %mul3A_352 : vector<16xi32>
        %shift_right_logical3A_355 = arith.constant 1 : i32
        %shift_right_logical3A_356 = vector.broadcast %shift_right_logical3A_355 : i32 to vector<16xi32>
        %shift_right_logical3A_357 = arith.shrui %add3A_346, %shift_right_logical3A_356 : vector<16xi32>
        %add3A_358 = arith.addi %add3A_354, %shift_right_logical3A_357 : vector<16xi32>
        %gather3A_359 = tpu.vector_load_idx %arg7[%add3A_358] : memref<19200xi32, #tpu.memory_space<vmem>>[vector<16xi32>], vector<16xi32>,
        %swap3A_360 = arith.constant 16 : index
        %swap3A_361 = tpu.vector_load %arg10[%swap3A_360] {strides = array<i32>} : memref<80xi32, #tpu.memory_space<vmem>>, vector<16xi32>,
        tpu.vector_store %arg10[%swap3A_360], %gather3A_359 {strides = array<i32>} : memref<80xi32, #tpu.memory_space<vmem>>, vector<16xi32>,
        %iota3A_362 = tpu.iota {dimensions = array<i32: 0>} : vector<16xi32>
        %add3A_363 = arith.constant 32 : i32
        %add3A_364 = vector.broadcast %add3A_363 : i32 to vector<16xi32>
        %add3A_365 = arith.addi %iota3A_362, %add3A_364 : vector<16xi32>
        %and3A_366 = arith.constant 1 : i32
        %and3A_367 = vector.broadcast %and3A_366 : i32 to vector<16xi32>
        %and3A_368 = arith.andi %add3A_365, %and3A_367 : vector<16xi32>
        %mul3A_369 = arith.constant 3200 : i32
        %mul3A_370 = vector.broadcast %mul3A_369 : i32 to vector<16xi32>
        %mul3A_371 = arith.muli %and3A_368, %mul3A_370 : vector<16xi32>
        %add3A_372 = vector.broadcast %sub3A_323 : i32 to vector<16xi32>
        %add3A_373 = arith.addi %add3A_372, %mul3A_371 : vector<16xi32>
        %shift_right_logical3A_374 = arith.constant 1 : i32
        %shift_right_logical3A_375 = vector.broadcast %shift_right_logical3A_374 : i32 to vector<16xi32>
        %shift_right_logical3A_376 = arith.shrui %add3A_365, %shift_right_logical3A_375 : vector<16xi32>
        %add3A_377 = arith.addi %add3A_373, %shift_right_logical3A_376 : vector<16xi32>
        %gather3A_378 = tpu.vector_load_idx %arg7[%add3A_377] : memref<19200xi32, #tpu.memory_space<vmem>>[vector<16xi32>], vector<16xi32>,
        %swap3A_379 = arith.constant 32 : index
        %swap3A_380 = tpu.vector_load %arg10[%swap3A_379] {strides = array<i32>} : memref<80xi32, #tpu.memory_space<vmem>>, vector<16xi32>,
        tpu.vector_store %arg10[%swap3A_379], %gather3A_378 {strides = array<i32>} : memref<80xi32, #tpu.memory_space<vmem>>, vector<16xi32>,
        %iota3A_381 = tpu.iota {dimensions = array<i32: 0>} : vector<16xi32>
        %add3A_382 = arith.constant 48 : i32
        %add3A_383 = vector.broadcast %add3A_382 : i32 to vector<16xi32>
        %add3A_384 = arith.addi %iota3A_381, %add3A_383 : vector<16xi32>
        %and3A_385 = arith.constant 1 : i32
        %and3A_386 = vector.broadcast %and3A_385 : i32 to vector<16xi32>
        %and3A_387 = arith.andi %add3A_384, %and3A_386 : vector<16xi32>
        %mul3A_388 = arith.constant 3200 : i32
        %mul3A_389 = vector.broadcast %mul3A_388 : i32 to vector<16xi32>
        %mul3A_390 = arith.muli %and3A_387, %mul3A_389 : vector<16xi32>
        %add3A_391 = vector.broadcast %sub3A_323 : i32 to vector<16xi32>
        %add3A_392 = arith.addi %add3A_391, %mul3A_390 : vector<16xi32>
        %shift_right_logical3A_393 = arith.constant 1 : i32
        %shift_right_logical3A_394 = vector.broadcast %shift_right_logical3A_393 : i32 to vector<16xi32>
        %shift_right_logical3A_395 = arith.shrui %add3A_384, %shift_right_logical3A_394 : vector<16xi32>
        %add3A_396 = arith.addi %add3A_392, %shift_right_logical3A_395 : vector<16xi32>
        %gather3A_397 = tpu.vector_load_idx %arg7[%add3A_396] : memref<19200xi32, #tpu.memory_space<vmem>>[vector<16xi32>], vector<16xi32>,
        %swap3A_398 = arith.constant 48 : index
        %swap3A_399 = tpu.vector_load %arg10[%swap3A_398] {strides = array<i32>} : memref<80xi32, #tpu.memory_space<vmem>>, vector<16xi32>,
        tpu.vector_store %arg10[%swap3A_398], %gather3A_397 {strides = array<i32>} : memref<80xi32, #tpu.memory_space<vmem>>, vector<16xi32>,
        %iota3A_400 = tpu.iota {dimensions = array<i32: 0>} : vector<16xi32>
        %add3A_401 = arith.constant 64 : i32
        %add3A_402 = vector.broadcast %add3A_401 : i32 to vector<16xi32>
        %add3A_403 = arith.addi %iota3A_400, %add3A_402 : vector<16xi32>
        %and3A_404 = arith.constant 1 : i32
        %and3A_405 = vector.broadcast %and3A_404 : i32 to vector<16xi32>
        %and3A_406 = arith.andi %add3A_403, %and3A_405 : vector<16xi32>
        %mul3A_407 = arith.constant 3200 : i32
        %mul3A_408 = vector.broadcast %mul3A_407 : i32 to vector<16xi32>
        %mul3A_409 = arith.muli %and3A_406, %mul3A_408 : vector<16xi32>
        %add3A_410 = vector.broadcast %sub3A_323 : i32 to vector<16xi32>
        %add3A_411 = arith.addi %add3A_410, %mul3A_409 : vector<16xi32>
        %shift_right_logical3A_412 = arith.constant 1 : i32
        %shift_right_logical3A_413 = vector.broadcast %shift_right_logical3A_412 : i32 to vector<16xi32>
        %shift_right_logical3A_414 = arith.shrui %add3A_403, %shift_right_logical3A_413 : vector<16xi32>
        %add3A_415 = arith.addi %add3A_411, %shift_right_logical3A_414 : vector<16xi32>
        %gather3A_416 = tpu.vector_load_idx %arg7[%add3A_415] : memref<19200xi32, #tpu.memory_space<vmem>>[vector<16xi32>], vector<16xi32>,
        %swap3A_417 = arith.constant 64 : index
        %swap3A_418 = tpu.vector_load %arg10[%swap3A_417] {strides = array<i32>} : memref<80xi32, #tpu.memory_space<vmem>>, vector<16xi32>,
        tpu.vector_store %arg10[%swap3A_417], %gather3A_416 {strides = array<i32>} : memref<80xi32, #tpu.memory_space<vmem>>, vector<16xi32>,
        %dma_start3A_419 = arith.constant 0 : i32
        %dma_start3A_420 = arith.constant 0 : i32
        %dma_start3A_421 = tpu.memref_slice %arg29[%dma_start3A_419, %dma_start3A_420] : memref<10240x64xf32, #tpu.memory_space<vmem_shared>> -> memref<10240x64xf32, #tpu.memory_space<vmem_shared>>
        tpu.enqueue_indirect_dma source(%arg15 : memref<80x64xf32, #tpu.memory_space<vmem>>) target(%dma_start3A_421 : memref<10240x64xf32, #tpu.memory_space<vmem_shared>>) offsets(%arg10 : memref<80xi32, #tpu.memory_space<vmem>>) semaphore(%arg26 : memref<!tpu.dma_semaphore, #tpu.memory_space<semaphore_mem>>) {add = true}
        %add3A_422 = arith.constant 3 : i32
        %add3A_423 = arith.addi %mul3A_69, %add3A_422 : i32
        %mul3A_424 = arith.constant 80 : i32
        %mul3A_425 = arith.muli %add3A_423, %mul3A_424 : i32
        %add3A_426 = arith.addi %mul3A_10, %mul3A_425 : i32
        %dma_wait3A_427 = arith.constant 0 : i32
        %dma_wait3A_428 = tpu.memref_slice %arg3[%add3A_426, %dma_wait3A_427] : memref<160000x64xf32, #tpu.memory_space<hbm>> -> memref<80x64xf32, #tpu.memory_space<hbm>>
        %dma_wait3A_429 = arith.constant 0 : i32
        %dma_wait3A_430 = tpu.memref_slice %arg3[%add3A_426, %dma_wait3A_429] : memref<160000x64xf32, #tpu.memory_space<hbm>> -> memref<80x64xf32, #tpu.memory_space<hbm>>
        tpu.wait_dma2 semaphore(%arg22 : memref<!tpu.dma_semaphore, #tpu.memory_space<semaphore_mem>>) src(%dma_wait3A_430 : memref<80x64xf32, #tpu.memory_space<hbm>>) dst(%arg16 : memref<80x64xf32, #tpu.memory_space<vmem>>)
        %add3A_431 = arith.constant 3 : i32
        %add3A_432 = arith.addi %mul3A_69, %add3A_431 : i32
        %mul3A_433 = arith.constant 80 : i32
        %mul3A_434 = arith.muli %add3A_432, %mul3A_433 : i32
        %add3A_435 = arith.addi %add3A_8, %mul3A_434 : i32
        %rem3A_436 = arith.constant 6400 : i32
        %rem3A_437 = arith.remsi %add3A_435, %rem3A_436 : i32
        %sub3A_438 = arith.subi %add3A_435, %rem3A_437 : i32
        %shift_right_logical3A_439 = arith.constant 1 : i32
        %shift_right_logical3A_440 = arith.shrui %rem3A_437, %shift_right_logical3A_439 : i32
        %add3A_441 = arith.addi %sub3A_438, %shift_right_logical3A_440 : i32
        %sub3A_442 = arith.subi %add3A_441, %sub3A : i32
        %iota3A_443 = tpu.iota {dimensions = array<i32: 0>} : vector<16xi32>
        %add3A_444 = arith.constant 0 : i32
        %add3A_445 = vector.broadcast %add3A_444 : i32 to vector<16xi32>
        %add3A_446 = arith.addi %iota3A_443, %add3A_445 : vector<16xi32>
        %and3A_447 = arith.constant 1 : i32
        %and3A_448 = vector.broadcast %and3A_447 : i32 to vector<16xi32>
        %and3A_449 = arith.andi %add3A_446, %and3A_448 : vector<16xi32>
        %mul3A_450 = arith.constant 3200 : i32
        %mul3A_451 = vector.broadcast %mul3A_450 : i32 to vector<16xi32>
        %mul3A_452 = arith.muli %and3A_449, %mul3A_451 : vector<16xi32>
        %add3A_453 = vector.broadcast %sub3A_442 : i32 to vector<16xi32>
        %add3A_454 = arith.addi %add3A_453, %mul3A_452 : vector<16xi32>
        %shift_right_logical3A_455 = arith.constant 1 : i32
        %shift_right_logical3A_456 = vector.broadcast %shift_right_logical3A_455 : i32 to vector<16xi32>
        %shift_right_logical3A_457 = arith.shrui %add3A_446, %shift_right_logical3A_456 : vector<16xi32>
        %add3A_458 = arith.addi %add3A_454, %shift_right_logical3A_457 : vector<16xi32>
        %gather3A_459 = tpu.vector_load_idx %arg7[%add3A_458] : memref<19200xi32, #tpu.memory_space<vmem>>[vector<16xi32>], vector<16xi32>,
        %swap3A_460 = arith.constant 0 : index
        %swap3A_461 = tpu.vector_load %arg11[%swap3A_460] {strides = array<i32>} : memref<80xi32, #tpu.memory_space<vmem>>, vector<16xi32>,
        tpu.vector_store %arg11[%swap3A_460], %gather3A_459 {strides = array<i32>} : memref<80xi32, #tpu.memory_space<vmem>>, vector<16xi32>,
        %iota3A_462 = tpu.iota {dimensions = array<i32: 0>} : vector<16xi32>
        %add3A_463 = arith.constant 16 : i32
        %add3A_464 = vector.broadcast %add3A_463 : i32 to vector<16xi32>
        %add3A_465 = arith.addi %iota3A_462, %add3A_464 : vector<16xi32>
        %and3A_466 = arith.constant 1 : i32
        %and3A_467 = vector.broadcast %and3A_466 : i32 to vector<16xi32>
        %and3A_468 = arith.andi %add3A_465, %and3A_467 : vector<16xi32>
        %mul3A_469 = arith.constant 3200 : i32
        %mul3A_470 = vector.broadcast %mul3A_469 : i32 to vector<16xi32>
        %mul3A_471 = arith.muli %and3A_468, %mul3A_470 : vector<16xi32>
        %add3A_472 = vector.broadcast %sub3A_442 : i32 to vector<16xi32>
        %add3A_473 = arith.addi %add3A_472, %mul3A_471 : vector<16xi32>
        %shift_right_logical3A_474 = arith.constant 1 : i32
        %shift_right_logical3A_475 = vector.broadcast %shift_right_logical3A_474 : i32 to vector<16xi32>
        %shift_right_logical3A_476 = arith.shrui %add3A_465, %shift_right_logical3A_475 : vector<16xi32>
        %add3A_477 = arith.addi %add3A_473, %shift_right_logical3A_476 : vector<16xi32>
        %gather3A_478 = tpu.vector_load_idx %arg7[%add3A_477] : memref<19200xi32, #tpu.memory_space<vmem>>[vector<16xi32>], vector<16xi32>,
        %swap3A_479 = arith.constant 16 : index
        %swap3A_480 = tpu.vector_load %arg11[%swap3A_479] {strides = array<i32>} : memref<80xi32, #tpu.memory_space<vmem>>, vector<16xi32>,
        tpu.vector_store %arg11[%swap3A_479], %gather3A_478 {strides = array<i32>} : memref<80xi32, #tpu.memory_space<vmem>>, vector<16xi32>,
        %iota3A_481 = tpu.iota {dimensions = array<i32: 0>} : vector<16xi32>
        %add3A_482 = arith.constant 32 : i32
        %add3A_483 = vector.broadcast %add3A_482 : i32 to vector<16xi32>
        %add3A_484 = arith.addi %iota3A_481, %add3A_483 : vector<16xi32>
        %and3A_485 = arith.constant 1 : i32
        %and3A_486 = vector.broadcast %and3A_485 : i32 to vector<16xi32>
        %and3A_487 = arith.andi %add3A_484, %and3A_486 : vector<16xi32>
        %mul3A_488 = arith.constant 3200 : i32
        %mul3A_489 = vector.broadcast %mul3A_488 : i32 to vector<16xi32>
        %mul3A_490 = arith.muli %and3A_487, %mul3A_489 : vector<16xi32>
        %add3A_491 = vector.broadcast %sub3A_442 : i32 to vector<16xi32>
        %add3A_492 = arith.addi %add3A_491, %mul3A_490 : vector<16xi32>
        %shift_right_logical3A_493 = arith.constant 1 : i32
        %shift_right_logical3A_494 = vector.broadcast %shift_right_logical3A_493 : i32 to vector<16xi32>
        %shift_right_logical3A_495 = arith.shrui %add3A_484, %shift_right_logical3A_494 : vector<16xi32>
        %add3A_496 = arith.addi %add3A_492, %shift_right_logical3A_495 : vector<16xi32>
        %gather3A_497 = tpu.vector_load_idx %arg7[%add3A_496] : memref<19200xi32, #tpu.memory_space<vmem>>[vector<16xi32>], vector<16xi32>,
        %swap3A_498 = arith.constant 32 : index
        %swap3A_499 = tpu.vector_load %arg11[%swap3A_498] {strides = array<i32>} : memref<80xi32, #tpu.memory_space<vmem>>, vector<16xi32>,
        tpu.vector_store %arg11[%swap3A_498], %gather3A_497 {strides = array<i32>} : memref<80xi32, #tpu.memory_space<vmem>>, vector<16xi32>,
        %iota3A_500 = tpu.iota {dimensions = array<i32: 0>} : vector<16xi32>
        %add3A_501 = arith.constant 48 : i32
        %add3A_502 = vector.broadcast %add3A_501 : i32 to vector<16xi32>
        %add3A_503 = arith.addi %iota3A_500, %add3A_502 : vector<16xi32>
        %and3A_504 = arith.constant 1 : i32
        %and3A_505 = vector.broadcast %and3A_504 : i32 to vector<16xi32>
        %and3A_506 = arith.andi %add3A_503, %and3A_505 : vector<16xi32>
        %mul3A_507 = arith.constant 3200 : i32
        %mul3A_508 = vector.broadcast %mul3A_507 : i32 to vector<16xi32>
        %mul3A_509 = arith.muli %and3A_506, %mul3A_508 : vector<16xi32>
        %add3A_510 = vector.broadcast %sub3A_442 : i32 to vector<16xi32>
        %add3A_511 = arith.addi %add3A_510, %mul3A_509 : vector<16xi32>
        %shift_right_logical3A_512 = arith.constant 1 : i32
        %shift_right_logical3A_513 = vector.broadcast %shift_right_logical3A_512 : i32 to vector<16xi32>
        %shift_right_logical3A_514 = arith.shrui %add3A_503, %shift_right_logical3A_513 : vector<16xi32>
        %add3A_515 = arith.addi %add3A_511, %shift_right_logical3A_514 : vector<16xi32>
        %gather3A_516 = tpu.vector_load_idx %arg7[%add3A_515] : memref<19200xi32, #tpu.memory_space<vmem>>[vector<16xi32>], vector<16xi32>,
        %swap3A_517 = arith.constant 48 : index
        %swap3A_518 = tpu.vector_load %arg11[%swap3A_517] {strides = array<i32>} : memref<80xi32, #tpu.memory_space<vmem>>, vector<16xi32>,
        tpu.vector_store %arg11[%swap3A_517], %gather3A_516 {strides = array<i32>} : memref<80xi32, #tpu.memory_space<vmem>>, vector<16xi32>,
        %iota3A_519 = tpu.iota {dimensions = array<i32: 0>} : vector<16xi32>
        %add3A_520 = arith.constant 64 : i32
        %add3A_521 = vector.broadcast %add3A_520 : i32 to vector<16xi32>
        %add3A_522 = arith.addi %iota3A_519, %add3A_521 : vector<16xi32>
        %and3A_523 = arith.constant 1 : i32
        %and3A_524 = vector.broadcast %and3A_523 : i32 to vector<16xi32>
        %and3A_525 = arith.andi %add3A_522, %and3A_524 : vector<16xi32>
        %mul3A_526 = arith.constant 3200 : i32
        %mul3A_527 = vector.broadcast %mul3A_526 : i32 to vector<16xi32>
        %mul3A_528 = arith.muli %and3A_525, %mul3A_527 : vector<16xi32>
        %add3A_529 = vector.broadcast %sub3A_442 : i32 to vector<16xi32>
        %add3A_530 = arith.addi %add3A_529, %mul3A_528 : vector<16xi32>
        %shift_right_logical3A_531 = arith.constant 1 : i32
        %shift_right_logical3A_532 = vector.broadcast %shift_right_logical3A_531 : i32 to vector<16xi32>
        %shift_right_logical3A_533 = arith.shrui %add3A_522, %shift_right_logical3A_532 : vector<16xi32>
        %add3A_534 = arith.addi %add3A_530, %shift_right_logical3A_533 : vector<16xi32>
        %gather3A_535 = tpu.vector_load_idx %arg7[%add3A_534] : memref<19200xi32, #tpu.memory_space<vmem>>[vector<16xi32>], vector<16xi32>,
        %swap3A_536 = arith.constant 64 : index
        %swap3A_537 = tpu.vector_load %arg11[%swap3A_536] {strides = array<i32>} : memref<80xi32, #tpu.memory_space<vmem>>, vector<16xi32>,
        tpu.vector_store %arg11[%swap3A_536], %gather3A_535 {strides = array<i32>} : memref<80xi32, #tpu.memory_space<vmem>>, vector<16xi32>,
        %dma_start3A_538 = arith.constant 0 : i32
        %dma_start3A_539 = arith.constant 0 : i32
        %dma_start3A_540 = tpu.memref_slice %arg29[%dma_start3A_538, %dma_start3A_539] : memref<10240x64xf32, #tpu.memory_space<vmem_shared>> -> memref<10240x64xf32, #tpu.memory_space<vmem_shared>>
        tpu.enqueue_indirect_dma source(%arg16 : memref<80x64xf32, #tpu.memory_space<vmem>>) target(%dma_start3A_540 : memref<10240x64xf32, #tpu.memory_space<vmem_shared>>) offsets(%arg11 : memref<80xi32, #tpu.memory_space<vmem>>) semaphore(%arg27 : memref<!tpu.dma_semaphore, #tpu.memory_space<semaphore_mem>>) {add = true}
        %add3A_541 = arith.constant 4 : i32
        %add3A_542 = arith.addi %mul3A_69, %add3A_541 : i32
        %mul3A_543 = arith.constant 80 : i32
        %mul3A_544 = arith.muli %add3A_542, %mul3A_543 : i32
        %add3A_545 = arith.addi %mul3A_10, %mul3A_544 : i32
        %dma_wait3A_546 = arith.constant 0 : i32
        %dma_wait3A_547 = tpu.memref_slice %arg3[%add3A_545, %dma_wait3A_546] : memref<160000x64xf32, #tpu.memory_space<hbm>> -> memref<80x64xf32, #tpu.memory_space<hbm>>
        %dma_wait3A_548 = arith.constant 0 : i32
        %dma_wait3A_549 = tpu.memref_slice %arg3[%add3A_545, %dma_wait3A_548] : memref<160000x64xf32, #tpu.memory_space<hbm>> -> memref<80x64xf32, #tpu.memory_space<hbm>>
        tpu.wait_dma2 semaphore(%arg23 : memref<!tpu.dma_semaphore, #tpu.memory_space<semaphore_mem>>) src(%dma_wait3A_549 : memref<80x64xf32, #tpu.memory_space<hbm>>) dst(%arg17 : memref<80x64xf32, #tpu.memory_space<vmem>>)
        %add3A_550 = arith.constant 4 : i32
        %add3A_551 = arith.addi %mul3A_69, %add3A_550 : i32
        %mul3A_552 = arith.constant 80 : i32
        %mul3A_553 = arith.muli %add3A_551, %mul3A_552 : i32
        %add3A_554 = arith.addi %add3A_8, %mul3A_553 : i32
        %rem3A_555 = arith.constant 6400 : i32
        %rem3A_556 = arith.remsi %add3A_554, %rem3A_555 : i32
        %sub3A_557 = arith.subi %add3A_554, %rem3A_556 : i32
        %shift_right_logical3A_558 = arith.constant 1 : i32
        %shift_right_logical3A_559 = arith.shrui %rem3A_556, %shift_right_logical3A_558 : i32
        %add3A_560 = arith.addi %sub3A_557, %shift_right_logical3A_559 : i32
        %sub3A_561 = arith.subi %add3A_560, %sub3A : i32
        %iota3A_562 = tpu.iota {dimensions = array<i32: 0>} : vector<16xi32>
        %add3A_563 = arith.constant 0 : i32
        %add3A_564 = vector.broadcast %add3A_563 : i32 to vector<16xi32>
        %add3A_565 = arith.addi %iota3A_562, %add3A_564 : vector<16xi32>
        %and3A_566 = arith.constant 1 : i32
        %and3A_567 = vector.broadcast %and3A_566 : i32 to vector<16xi32>
        %and3A_568 = arith.andi %add3A_565, %and3A_567 : vector<16xi32>
        %mul3A_569 = arith.constant 3200 : i32
        %mul3A_570 = vector.broadcast %mul3A_569 : i32 to vector<16xi32>
        %mul3A_571 = arith.muli %and3A_568, %mul3A_570 : vector<16xi32>
        %add3A_572 = vector.broadcast %sub3A_561 : i32 to vector<16xi32>
        %add3A_573 = arith.addi %add3A_572, %mul3A_571 : vector<16xi32>
        %shift_right_logical3A_574 = arith.constant 1 : i32
        %shift_right_logical3A_575 = vector.broadcast %shift_right_logical3A_574 : i32 to vector<16xi32>
        %shift_right_logical3A_576 = arith.shrui %add3A_565, %shift_right_logical3A_575 : vector<16xi32>
        %add3A_577 = arith.addi %add3A_573, %shift_right_logical3A_576 : vector<16xi32>
        %gather3A_578 = tpu.vector_load_idx %arg7[%add3A_577] : memref<19200xi32, #tpu.memory_space<vmem>>[vector<16xi32>], vector<16xi32>,
        %swap3A_579 = arith.constant 0 : index
        %swap3A_580 = tpu.vector_load %arg12[%swap3A_579] {strides = array<i32>} : memref<80xi32, #tpu.memory_space<vmem>>, vector<16xi32>,
        tpu.vector_store %arg12[%swap3A_579], %gather3A_578 {strides = array<i32>} : memref<80xi32, #tpu.memory_space<vmem>>, vector<16xi32>,
        %iota3A_581 = tpu.iota {dimensions = array<i32: 0>} : vector<16xi32>
        %add3A_582 = arith.constant 16 : i32
        %add3A_583 = vector.broadcast %add3A_582 : i32 to vector<16xi32>
        %add3A_584 = arith.addi %iota3A_581, %add3A_583 : vector<16xi32>
        %and3A_585 = arith.constant 1 : i32
        %and3A_586 = vector.broadcast %and3A_585 : i32 to vector<16xi32>
        %and3A_587 = arith.andi %add3A_584, %and3A_586 : vector<16xi32>
        %mul3A_588 = arith.constant 3200 : i32
        %mul3A_589 = vector.broadcast %mul3A_588 : i32 to vector<16xi32>
        %mul3A_590 = arith.muli %and3A_587, %mul3A_589 : vector<16xi32>
        %add3A_591 = vector.broadcast %sub3A_561 : i32 to vector<16xi32>
        %add3A_592 = arith.addi %add3A_591, %mul3A_590 : vector<16xi32>
        %shift_right_logical3A_593 = arith.constant 1 : i32
        %shift_right_logical3A_594 = vector.broadcast %shift_right_logical3A_593 : i32 to vector<16xi32>
        %shift_right_logical3A_595 = arith.shrui %add3A_584, %shift_right_logical3A_594 : vector<16xi32>
        %add3A_596 = arith.addi %add3A_592, %shift_right_logical3A_595 : vector<16xi32>
        %gather3A_597 = tpu.vector_load_idx %arg7[%add3A_596] : memref<19200xi32, #tpu.memory_space<vmem>>[vector<16xi32>], vector<16xi32>,
        %swap3A_598 = arith.constant 16 : index
        %swap3A_599 = tpu.vector_load %arg12[%swap3A_598] {strides = array<i32>} : memref<80xi32, #tpu.memory_space<vmem>>, vector<16xi32>,
        tpu.vector_store %arg12[%swap3A_598], %gather3A_597 {strides = array<i32>} : memref<80xi32, #tpu.memory_space<vmem>>, vector<16xi32>,
        %iota3A_600 = tpu.iota {dimensions = array<i32: 0>} : vector<16xi32>
        %add3A_601 = arith.constant 32 : i32
        %add3A_602 = vector.broadcast %add3A_601 : i32 to vector<16xi32>
        %add3A_603 = arith.addi %iota3A_600, %add3A_602 : vector<16xi32>
        %and3A_604 = arith.constant 1 : i32
        %and3A_605 = vector.broadcast %and3A_604 : i32 to vector<16xi32>
        %and3A_606 = arith.andi %add3A_603, %and3A_605 : vector<16xi32>
        %mul3A_607 = arith.constant 3200 : i32
        %mul3A_608 = vector.broadcast %mul3A_607 : i32 to vector<16xi32>
        %mul3A_609 = arith.muli %and3A_606, %mul3A_608 : vector<16xi32>
        %add3A_610 = vector.broadcast %sub3A_561 : i32 to vector<16xi32>
        %add3A_611 = arith.addi %add3A_610, %mul3A_609 : vector<16xi32>
        %shift_right_logical3A_612 = arith.constant 1 : i32
        %shift_right_logical3A_613 = vector.broadcast %shift_right_logical3A_612 : i32 to vector<16xi32>
        %shift_right_logical3A_614 = arith.shrui %add3A_603, %shift_right_logical3A_613 : vector<16xi32>
        %add3A_615 = arith.addi %add3A_611, %shift_right_logical3A_614 : vector<16xi32>
        %gather3A_616 = tpu.vector_load_idx %arg7[%add3A_615] : memref<19200xi32, #tpu.memory_space<vmem>>[vector<16xi32>], vector<16xi32>,
        %swap3A_617 = arith.constant 32 : index
        %swap3A_618 = tpu.vector_load %arg12[%swap3A_617] {strides = array<i32>} : memref<80xi32, #tpu.memory_space<vmem>>, vector<16xi32>,
        tpu.vector_store %arg12[%swap3A_617], %gather3A_616 {strides = array<i32>} : memref<80xi32, #tpu.memory_space<vmem>>, vector<16xi32>,
        %iota3A_619 = tpu.iota {dimensions = array<i32: 0>} : vector<16xi32>
        %add3A_620 = arith.constant 48 : i32
        %add3A_621 = vector.broadcast %add3A_620 : i32 to vector<16xi32>
        %add3A_622 = arith.addi %iota3A_619, %add3A_621 : vector<16xi32>
        %and3A_623 = arith.constant 1 : i32
        %and3A_624 = vector.broadcast %and3A_623 : i32 to vector<16xi32>
        %and3A_625 = arith.andi %add3A_622, %and3A_624 : vector<16xi32>
        %mul3A_626 = arith.constant 3200 : i32
        %mul3A_627 = vector.broadcast %mul3A_626 : i32 to vector<16xi32>
        %mul3A_628 = arith.muli %and3A_625, %mul3A_627 : vector<16xi32>
        %add3A_629 = vector.broadcast %sub3A_561 : i32 to vector<16xi32>
        %add3A_630 = arith.addi %add3A_629, %mul3A_628 : vector<16xi32>
        %shift_right_logical3A_631 = arith.constant 1 : i32
        %shift_right_logical3A_632 = vector.broadcast %shift_right_logical3A_631 : i32 to vector<16xi32>
        %shift_right_logical3A_633 = arith.shrui %add3A_622, %shift_right_logical3A_632 : vector<16xi32>
        %add3A_634 = arith.addi %add3A_630, %shift_right_logical3A_633 : vector<16xi32>
        %gather3A_635 = tpu.vector_load_idx %arg7[%add3A_634] : memref<19200xi32, #tpu.memory_space<vmem>>[vector<16xi32>], vector<16xi32>,
        %swap3A_636 = arith.constant 48 : index
        %swap3A_637 = tpu.vector_load %arg12[%swap3A_636] {strides = array<i32>} : memref<80xi32, #tpu.memory_space<vmem>>, vector<16xi32>,
        tpu.vector_store %arg12[%swap3A_636], %gather3A_635 {strides = array<i32>} : memref<80xi32, #tpu.memory_space<vmem>>, vector<16xi32>,
        %iota3A_638 = tpu.iota {dimensions = array<i32: 0>} : vector<16xi32>
        %add3A_639 = arith.constant 64 : i32
        %add3A_640 = vector.broadcast %add3A_639 : i32 to vector<16xi32>
        %add3A_641 = arith.addi %iota3A_638, %add3A_640 : vector<16xi32>
        %and3A_642 = arith.constant 1 : i32
        %and3A_643 = vector.broadcast %and3A_642 : i32 to vector<16xi32>
        %and3A_644 = arith.andi %add3A_641, %and3A_643 : vector<16xi32>
        %mul3A_645 = arith.constant 3200 : i32
        %mul3A_646 = vector.broadcast %mul3A_645 : i32 to vector<16xi32>
        %mul3A_647 = arith.muli %and3A_644, %mul3A_646 : vector<16xi32>
        %add3A_648 = vector.broadcast %sub3A_561 : i32 to vector<16xi32>
        %add3A_649 = arith.addi %add3A_648, %mul3A_647 : vector<16xi32>
        %shift_right_logical3A_650 = arith.constant 1 : i32
        %shift_right_logical3A_651 = vector.broadcast %shift_right_logical3A_650 : i32 to vector<16xi32>
        %shift_right_logical3A_652 = arith.shrui %add3A_641, %shift_right_logical3A_651 : vector<16xi32>
        %add3A_653 = arith.addi %add3A_649, %shift_right_logical3A_652 : vector<16xi32>
        %gather3A_654 = tpu.vector_load_idx %arg7[%add3A_653] : memref<19200xi32, #tpu.memory_space<vmem>>[vector<16xi32>], vector<16xi32>,
        %swap3A_655 = arith.constant 64 : index
        %swap3A_656 = tpu.vector_load %arg12[%swap3A_655] {strides = array<i32>} : memref<80xi32, #tpu.memory_space<vmem>>, vector<16xi32>,
        tpu.vector_store %arg12[%swap3A_655], %gather3A_654 {strides = array<i32>} : memref<80xi32, #tpu.memory_space<vmem>>, vector<16xi32>,
        %dma_start3A_657 = arith.constant 0 : i32
        %dma_start3A_658 = arith.constant 0 : i32
        %dma_start3A_659 = tpu.memref_slice %arg29[%dma_start3A_657, %dma_start3A_658] : memref<10240x64xf32, #tpu.memory_space<vmem_shared>> -> memref<10240x64xf32, #tpu.memory_space<vmem_shared>>
        tpu.enqueue_indirect_dma source(%arg17 : memref<80x64xf32, #tpu.memory_space<vmem>>) target(%dma_start3A_659 : memref<10240x64xf32, #tpu.memory_space<vmem_shared>>) offsets(%arg12 : memref<80xi32, #tpu.memory_space<vmem>>) semaphore(%arg28 : memref<!tpu.dma_semaphore, #tpu.memory_space<semaphore_mem>>) {add = true}
        %lt3A = arith.constant 24 : i32
        %lt3A_660 = arith.cmpi slt, %scan3A_67, %lt3A : i32
        %convert_element_type3A_661 = arith.extui %lt3A_660 : i1 to i32
        %cond3A_662 = arith.constant 0 : i32
        %cond3A_663 = arith.cmpi ne, %convert_element_type3A_661, %cond3A_662 : i32
        scf.if %cond3A_663 {
          %dma_wait3A_684 = arith.constant 0 : i32
          %dma_wait3A_685 = arith.constant 0 : i32
          %dma_wait3A_686 = tpu.memref_slice %arg29[%dma_wait3A_684, %dma_wait3A_685] : memref<10240x64xf32, #tpu.memory_space<vmem_shared>> -> memref<10240x64xf32, #tpu.memory_space<vmem_shared>>
          tpu.wait_indirect_dma semaphore(%arg24 : memref<!tpu.dma_semaphore, #tpu.memory_space<semaphore_mem>>) src(%arg13 : memref<80x64xf32, #tpu.memory_space<vmem>>) dst(%dma_wait3A_686 : memref<10240x64xf32, #tpu.memory_space<vmem_shared>>)
          %add3A_687 = arith.constant 5 : i32
          %add3A_688 = arith.addi %mul3A_69, %add3A_687 : i32
          %add3A_689 = arith.constant 0 : i32
          %add3A_690 = arith.addi %add3A_688, %add3A_689 : i32
          %mul3A_691 = arith.constant 80 : i32
          %mul3A_692 = arith.muli %add3A_690, %mul3A_691 : i32
          %add3A_693 = arith.addi %mul3A_10, %mul3A_692 : i32
          %dma_start3A_694 = arith.constant 0 : i32
          %dma_start3A_695 = tpu.memref_slice %arg3[%add3A_693, %dma_start3A_694] : memref<160000x64xf32, #tpu.memory_space<hbm>> -> memref<80x64xf32, #tpu.memory_space<hbm>>
          %dma_start3A_696 = arith.constant 0 : i32
          %dma_start3A_697 = tpu.memref_slice %arg3[%add3A_693, %dma_start3A_696] : memref<160000x64xf32, #tpu.memory_space<hbm>> -> memref<80x64xf32, #tpu.memory_space<hbm>>
          tpu.enqueue_dma source(%dma_start3A_697 : memref<80x64xf32, #tpu.memory_space<hbm>>) target(%arg13 : memref<80x64xf32, #tpu.memory_space<vmem>>) target_semaphore(%arg19 : memref<!tpu.dma_semaphore, #tpu.memory_space<semaphore_mem>>)
        } else {
        }
        %lt3A_664 = arith.constant 24 : i32
        %lt3A_665 = arith.cmpi slt, %scan3A_67, %lt3A_664 : i32
        %convert_element_type3A_666 = arith.extui %lt3A_665 : i1 to i32
        %cond3A_667 = arith.constant 0 : i32
        %cond3A_668 = arith.cmpi ne, %convert_element_type3A_666, %cond3A_667 : i32
        scf.if %cond3A_668 {
          %dma_wait3A_684 = arith.constant 0 : i32
          %dma_wait3A_685 = arith.constant 0 : i32
          %dma_wait3A_686 = tpu.memref_slice %arg29[%dma_wait3A_684, %dma_wait3A_685] : memref<10240x64xf32, #tpu.memory_space<vmem_shared>> -> memref<10240x64xf32, #tpu.memory_space<vmem_shared>>
          tpu.wait_indirect_dma semaphore(%arg25 : memref<!tpu.dma_semaphore, #tpu.memory_space<semaphore_mem>>) src(%arg14 : memref<80x64xf32, #tpu.memory_space<vmem>>) dst(%dma_wait3A_686 : memref<10240x64xf32, #tpu.memory_space<vmem_shared>>)
          %add3A_687 = arith.constant 5 : i32
          %add3A_688 = arith.addi %mul3A_69, %add3A_687 : i32
          %add3A_689 = arith.constant 1 : i32
          %add3A_690 = arith.addi %add3A_688, %add3A_689 : i32
          %mul3A_691 = arith.constant 80 : i32
          %mul3A_692 = arith.muli %add3A_690, %mul3A_691 : i32
          %add3A_693 = arith.addi %mul3A_10, %mul3A_692 : i32
          %dma_start3A_694 = arith.constant 0 : i32
          %dma_start3A_695 = tpu.memref_slice %arg3[%add3A_693, %dma_start3A_694] : memref<160000x64xf32, #tpu.memory_space<hbm>> -> memref<80x64xf32, #tpu.memory_space<hbm>>
          %dma_start3A_696 = arith.constant 0 : i32
          %dma_start3A_697 = tpu.memref_slice %arg3[%add3A_693, %dma_start3A_696] : memref<160000x64xf32, #tpu.memory_space<hbm>> -> memref<80x64xf32, #tpu.memory_space<hbm>>
          tpu.enqueue_dma source(%dma_start3A_697 : memref<80x64xf32, #tpu.memory_space<hbm>>) target(%arg14 : memref<80x64xf32, #tpu.memory_space<vmem>>) target_semaphore(%arg20 : memref<!tpu.dma_semaphore, #tpu.memory_space<semaphore_mem>>)
        } else {
        }
        %lt3A_669 = arith.constant 24 : i32
        %lt3A_670 = arith.cmpi slt, %scan3A_67, %lt3A_669 : i32
        %convert_element_type3A_671 = arith.extui %lt3A_670 : i1 to i32
        %cond3A_672 = arith.constant 0 : i32
        %cond3A_673 = arith.cmpi ne, %convert_element_type3A_671, %cond3A_672 : i32
        scf.if %cond3A_673 {
          %dma_wait3A_684 = arith.constant 0 : i32
          %dma_wait3A_685 = arith.constant 0 : i32
          %dma_wait3A_686 = tpu.memref_slice %arg29[%dma_wait3A_684, %dma_wait3A_685] : memref<10240x64xf32, #tpu.memory_space<vmem_shared>> -> memref<10240x64xf32, #tpu.memory_space<vmem_shared>>
          tpu.wait_indirect_dma semaphore(%arg26 : memref<!tpu.dma_semaphore, #tpu.memory_space<semaphore_mem>>) src(%arg15 : memref<80x64xf32, #tpu.memory_space<vmem>>) dst(%dma_wait3A_686 : memref<10240x64xf32, #tpu.memory_space<vmem_shared>>)
          %add3A_687 = arith.constant 5 : i32
          %add3A_688 = arith.addi %mul3A_69, %add3A_687 : i32
          %add3A_689 = arith.constant 2 : i32
          %add3A_690 = arith.addi %add3A_688, %add3A_689 : i32
          %mul3A_691 = arith.constant 80 : i32
          %mul3A_692 = arith.muli %add3A_690, %mul3A_691 : i32
          %add3A_693 = arith.addi %mul3A_10, %mul3A_692 : i32
          %dma_start3A_694 = arith.constant 0 : i32
          %dma_start3A_695 = tpu.memref_slice %arg3[%add3A_693, %dma_start3A_694] : memref<160000x64xf32, #tpu.memory_space<hbm>> -> memref<80x64xf32, #tpu.memory_space<hbm>>
          %dma_start3A_696 = arith.constant 0 : i32
          %dma_start3A_697 = tpu.memref_slice %arg3[%add3A_693, %dma_start3A_696] : memref<160000x64xf32, #tpu.memory_space<hbm>> -> memref<80x64xf32, #tpu.memory_space<hbm>>
          tpu.enqueue_dma source(%dma_start3A_697 : memref<80x64xf32, #tpu.memory_space<hbm>>) target(%arg15 : memref<80x64xf32, #tpu.memory_space<vmem>>) target_semaphore(%arg21 : memref<!tpu.dma_semaphore, #tpu.memory_space<semaphore_mem>>)
        } else {
        }
        %lt3A_674 = arith.constant 24 : i32
        %lt3A_675 = arith.cmpi slt, %scan3A_67, %lt3A_674 : i32
        %convert_element_type3A_676 = arith.extui %lt3A_675 : i1 to i32
        %cond3A_677 = arith.constant 0 : i32
        %cond3A_678 = arith.cmpi ne, %convert_element_type3A_676, %cond3A_677 : i32
        scf.if %cond3A_678 {
          %dma_wait3A_684 = arith.constant 0 : i32
          %dma_wait3A_685 = arith.constant 0 : i32
          %dma_wait3A_686 = tpu.memref_slice %arg29[%dma_wait3A_684, %dma_wait3A_685] : memref<10240x64xf32, #tpu.memory_space<vmem_shared>> -> memref<10240x64xf32, #tpu.memory_space<vmem_shared>>
          tpu.wait_indirect_dma semaphore(%arg27 : memref<!tpu.dma_semaphore, #tpu.memory_space<semaphore_mem>>) src(%arg16 : memref<80x64xf32, #tpu.memory_space<vmem>>) dst(%dma_wait3A_686 : memref<10240x64xf32, #tpu.memory_space<vmem_shared>>)
          %add3A_687 = arith.constant 5 : i32
          %add3A_688 = arith.addi %mul3A_69, %add3A_687 : i32
          %add3A_689 = arith.constant 3 : i32
          %add3A_690 = arith.addi %add3A_688, %add3A_689 : i32
          %mul3A_691 = arith.constant 80 : i32
          %mul3A_692 = arith.muli %add3A_690, %mul3A_691 : i32
          %add3A_693 = arith.addi %mul3A_10, %mul3A_692 : i32
          %dma_start3A_694 = arith.constant 0 : i32
          %dma_start3A_695 = tpu.memref_slice %arg3[%add3A_693, %dma_start3A_694] : memref<160000x64xf32, #tpu.memory_space<hbm>> -> memref<80x64xf32, #tpu.memory_space<hbm>>
          %dma_start3A_696 = arith.constant 0 : i32
          %dma_start3A_697 = tpu.memref_slice %arg3[%add3A_693, %dma_start3A_696] : memref<160000x64xf32, #tpu.memory_space<hbm>> -> memref<80x64xf32, #tpu.memory_space<hbm>>
          tpu.enqueue_dma source(%dma_start3A_697 : memref<80x64xf32, #tpu.memory_space<hbm>>) target(%arg16 : memref<80x64xf32, #tpu.memory_space<vmem>>) target_semaphore(%arg22 : memref<!tpu.dma_semaphore, #tpu.memory_space<semaphore_mem>>)
        } else {
        }
        %lt3A_679 = arith.constant 24 : i32
        %lt3A_680 = arith.cmpi slt, %scan3A_67, %lt3A_679 : i32
        %convert_element_type3A_681 = arith.extui %lt3A_680 : i1 to i32
        %cond3A_682 = arith.constant 0 : i32
        %cond3A_683 = arith.cmpi ne, %convert_element_type3A_681, %cond3A_682 : i32
        scf.if %cond3A_683 {
          %dma_wait3A_684 = arith.constant 0 : i32
          %dma_wait3A_685 = arith.constant 0 : i32
          %dma_wait3A_686 = tpu.memref_slice %arg29[%dma_wait3A_684, %dma_wait3A_685] : memref<10240x64xf32, #tpu.memory_space<vmem_shared>> -> memref<10240x64xf32, #tpu.memory_space<vmem_shared>>
          tpu.wait_indirect_dma semaphore(%arg28 : memref<!tpu.dma_semaphore, #tpu.memory_space<semaphore_mem>>) src(%arg17 : memref<80x64xf32, #tpu.memory_space<vmem>>) dst(%dma_wait3A_686 : memref<10240x64xf32, #tpu.memory_space<vmem_shared>>)
          %add3A_687 = arith.constant 5 : i32
          %add3A_688 = arith.addi %mul3A_69, %add3A_687 : i32
          %add3A_689 = arith.constant 4 : i32
          %add3A_690 = arith.addi %add3A_688, %add3A_689 : i32
          %mul3A_691 = arith.constant 80 : i32
          %mul3A_692 = arith.muli %add3A_690, %mul3A_691 : i32
          %add3A_693 = arith.addi %mul3A_10, %mul3A_692 : i32
          %dma_start3A_694 = arith.constant 0 : i32
          %dma_start3A_695 = tpu.memref_slice %arg3[%add3A_693, %dma_start3A_694] : memref<160000x64xf32, #tpu.memory_space<hbm>> -> memref<80x64xf32, #tpu.memory_space<hbm>>
          %dma_start3A_696 = arith.constant 0 : i32
          %dma_start3A_697 = tpu.memref_slice %arg3[%add3A_693, %dma_start3A_696] : memref<160000x64xf32, #tpu.memory_space<hbm>> -> memref<80x64xf32, #tpu.memory_space<hbm>>
          tpu.enqueue_dma source(%dma_start3A_697 : memref<80x64xf32, #tpu.memory_space<hbm>>) target(%arg17 : memref<80x64xf32, #tpu.memory_space<vmem>>) target_semaphore(%arg23 : memref<!tpu.dma_semaphore, #tpu.memory_space<semaphore_mem>>)
        } else {
        }
      }
      %scan3A_47 = arith.constant 25 : i32
      %dma_wait3A = arith.constant 0 : i32
      %dma_wait3A_48 = arith.constant 0 : i32
      %dma_wait3A_49 = tpu.memref_slice %arg29[%dma_wait3A, %dma_wait3A_48] : memref<10240x64xf32, #tpu.memory_space<vmem_shared>> -> memref<10240x64xf32, #tpu.memory_space<vmem_shared>>
      tpu.wait_indirect_dma semaphore(%arg24 : memref<!tpu.dma_semaphore, #tpu.memory_space<semaphore_mem>>) src(%arg13 : memref<80x64xf32, #tpu.memory_space<vmem>>) dst(%dma_wait3A_49 : memref<10240x64xf32, #tpu.memory_space<vmem_shared>>)
      %dma_wait3A_50 = arith.constant 0 : i32
      %dma_wait3A_51 = arith.constant 0 : i32
      %dma_wait3A_52 = tpu.memref_slice %arg29[%dma_wait3A_50, %dma_wait3A_51] : memref<10240x64xf32, #tpu.memory_space<vmem_shared>> -> memref<10240x64xf32, #tpu.memory_space<vmem_shared>>
      tpu.wait_indirect_dma semaphore(%arg25 : memref<!tpu.dma_semaphore, #tpu.memory_space<semaphore_mem>>) src(%arg14 : memref<80x64xf32, #tpu.memory_space<vmem>>) dst(%dma_wait3A_52 : memref<10240x64xf32, #tpu.memory_space<vmem_shared>>)
      %dma_wait3A_53 = arith.constant 0 : i32
      %dma_wait3A_54 = arith.constant 0 : i32
      %dma_wait3A_55 = tpu.memref_slice %arg29[%dma_wait3A_53, %dma_wait3A_54] : memref<10240x64xf32, #tpu.memory_space<vmem_shared>> -> memref<10240x64xf32, #tpu.memory_space<vmem_shared>>
      tpu.wait_indirect_dma semaphore(%arg26 : memref<!tpu.dma_semaphore, #tpu.memory_space<semaphore_mem>>) src(%arg15 : memref<80x64xf32, #tpu.memory_space<vmem>>) dst(%dma_wait3A_55 : memref<10240x64xf32, #tpu.memory_space<vmem_shared>>)
      %dma_wait3A_56 = arith.constant 0 : i32
      %dma_wait3A_57 = arith.constant 0 : i32
      %dma_wait3A_58 = tpu.memref_slice %arg29[%dma_wait3A_56, %dma_wait3A_57] : memref<10240x64xf32, #tpu.memory_space<vmem_shared>> -> memref<10240x64xf32, #tpu.memory_space<vmem_shared>>
      tpu.wait_indirect_dma semaphore(%arg27 : memref<!tpu.dma_semaphore, #tpu.memory_space<semaphore_mem>>) src(%arg16 : memref<80x64xf32, #tpu.memory_space<vmem>>) dst(%dma_wait3A_58 : memref<10240x64xf32, #tpu.memory_space<vmem_shared>>)
      %dma_wait3A_59 = arith.constant 0 : i32
      %dma_wait3A_60 = arith.constant 0 : i32
      %dma_wait3A_61 = tpu.memref_slice %arg29[%dma_wait3A_59, %dma_wait3A_60] : memref<10240x64xf32, #tpu.memory_space<vmem_shared>> -> memref<10240x64xf32, #tpu.memory_space<vmem_shared>>
      tpu.wait_indirect_dma semaphore(%arg28 : memref<!tpu.dma_semaphore, #tpu.memory_space<semaphore_mem>>) src(%arg17 : memref<80x64xf32, #tpu.memory_space<vmem>>) dst(%dma_wait3A_61 : memref<10240x64xf32, #tpu.memory_space<vmem_shared>>)
      %barrier3A_62 = arith.constant 0 : index
      tpu.barrier barrier_id(%barrier3A_62)
      %mul3A_63 = arith.constant 640 : i32
      %mul3A_64 = arith.muli %arg1, %mul3A_63 : i32
      "tpu.region"() ({
        %run_scoped3A = tpu.sem_alloc : memref<!tpu.dma_semaphore, #tpu.memory_space<semaphore_mem>>
        %dma_start3A_67 = arith.constant 0 : i32
        %dma_start3A_68 = tpu.memref_slice %arg29[%mul3A_64, %dma_start3A_67] : memref<10240x64xf32, #tpu.memory_space<vmem_shared>> -> memref<640x64xf32, #tpu.memory_space<vmem_shared>>
        %dma_start3A_69 = arith.constant 0 : i32
        %dma_start3A_70 = tpu.memref_slice %arg29[%mul3A_64, %dma_start3A_69] : memref<10240x64xf32, #tpu.memory_space<vmem_shared>> -> memref<640x64xf32, #tpu.memory_space<vmem_shared>>
        tpu.enqueue_dma source(%dma_start3A_70 : memref<640x64xf32, #tpu.memory_space<vmem_shared>>) target(%arg18 : memref<640x64xf32, #tpu.memory_space<vmem>>) target_semaphore(%run_scoped3A : memref<!tpu.dma_semaphore, #tpu.memory_space<semaphore_mem>>)
        %dma_wait3A_71 = arith.constant 0 : i32
        %dma_wait3A_72 = tpu.memref_slice %arg29[%mul3A_64, %dma_wait3A_71] : memref<10240x64xf32, #tpu.memory_space<vmem_shared>> -> memref<640x64xf32, #tpu.memory_space<vmem_shared>>
        %dma_wait3A_73 = arith.constant 0 : i32
        %dma_wait3A_74 = tpu.memref_slice %arg29[%mul3A_64, %dma_wait3A_73] : memref<10240x64xf32, #tpu.memory_space<vmem_shared>> -> memref<640x64xf32, #tpu.memory_space<vmem_shared>>
        tpu.wait_dma2 semaphore(%run_scoped3A : memref<!tpu.dma_semaphore, #tpu.memory_space<semaphore_mem>>) src(%dma_wait3A_74 : memref<640x64xf32, #tpu.memory_space<vmem_shared>>) dst(%arg18 : memref<640x64xf32, #tpu.memory_space<vmem>>)
        tpu.yield
      }) : () -> ()
      %mul3A_65 = arith.constant 640 : i32
      %mul3A_66 = arith.muli %arg1, %mul3A_65 : i32
      "tpu.region"() ({
        %run_scoped3A = tpu.sem_alloc : memref<!tpu.dma_semaphore, #tpu.memory_space<semaphore_mem>>
        %dma_start3A_67 = arith.constant 0 : i32
        %dma_start3A_68 = arith.constant 0 : i32
        %dma_start3A_69 = tpu.memref_slice %arg6[%arg0, %dma_start3A_67, %dma_start3A_68] : memref<2x10240x64xf32, #tpu.memory_space<hbm>> -> memref<1x10240x64xf32, #tpu.memory_space<hbm>>
        %dma_start3A_70 = tpu.memref_squeeze %dma_start3A_69 : memref<1x10240x64xf32, #tpu.memory_space<hbm>> -> memref<10240x64xf32, #tpu.memory_space<hbm>>
        %dma_start3A_71 = arith.constant 0 : i32
        %dma_start3A_72 = tpu.memref_slice %dma_start3A_70[%mul3A_66, %dma_start3A_71] : memref<10240x64xf32, #tpu.memory_space<hbm>> -> memref<640x64xf32, #tpu.memory_space<hbm>>
        %dma_start3A_73 = arith.constant 0 : i32
        %dma_start3A_74 = arith.constant 0 : i32
        %dma_start3A_75 = tpu.memref_slice %arg6[%arg0, %dma_start3A_73, %dma_start3A_74] : memref<2x10240x64xf32, #tpu.memory_space<hbm>> -> memref<1x10240x64xf32, #tpu.memory_space<hbm>>
        %dma_start3A_76 = tpu.memref_squeeze %dma_start3A_75 : memref<1x10240x64xf32, #tpu.memory_space<hbm>> -> memref<10240x64xf32, #tpu.memory_space<hbm>>
        %dma_start3A_77 = arith.constant 0 : i32
        %dma_start3A_78 = tpu.memref_slice %dma_start3A_76[%mul3A_66, %dma_start3A_77] : memref<10240x64xf32, #tpu.memory_space<hbm>> -> memref<640x64xf32, #tpu.memory_space<hbm>>
        tpu.enqueue_dma source(%arg18 : memref<640x64xf32, #tpu.memory_space<vmem>>) target(%dma_start3A_78 : memref<640x64xf32, #tpu.memory_space<hbm>>) target_semaphore(%run_scoped3A : memref<!tpu.dma_semaphore, #tpu.memory_space<semaphore_mem>>)
        %dma_wait3A_79 = arith.constant 0 : i32
        %dma_wait3A_80 = arith.constant 0 : i32
        %dma_wait3A_81 = tpu.memref_slice %arg6[%arg0, %dma_wait3A_79, %dma_wait3A_80] : memref<2x10240x64xf32, #tpu.memory_space<hbm>> -> memref<1x10240x64xf32, #tpu.memory_space<hbm>>
        %dma_wait3A_82 = tpu.memref_squeeze %dma_wait3A_81 : memref<1x10240x64xf32, #tpu.memory_space<hbm>> -> memref<10240x64xf32, #tpu.memory_space<hbm>>
        %dma_wait3A_83 = arith.constant 0 : i32
        %dma_wait3A_84 = tpu.memref_slice %dma_wait3A_82[%mul3A_66, %dma_wait3A_83] : memref<10240x64xf32, #tpu.memory_space<hbm>> -> memref<640x64xf32, #tpu.memory_space<hbm>>
        %dma_wait3A_85 = arith.constant 0 : i32
        %dma_wait3A_86 = arith.constant 0 : i32
        %dma_wait3A_87 = tpu.memref_slice %arg6[%arg0, %dma_wait3A_85, %dma_wait3A_86] : memref<2x10240x64xf32, #tpu.memory_space<hbm>> -> memref<1x10240x64xf32, #tpu.memory_space<hbm>>
        %dma_wait3A_88 = tpu.memref_squeeze %dma_wait3A_87 : memref<1x10240x64xf32, #tpu.memory_space<hbm>> -> memref<10240x64xf32, #tpu.memory_space<hbm>>
        %dma_wait3A_89 = arith.constant 0 : i32
        %dma_wait3A_90 = tpu.memref_slice %dma_wait3A_88[%mul3A_66, %dma_wait3A_89] : memref<10240x64xf32, #tpu.memory_space<hbm>> -> memref<640x64xf32, #tpu.memory_space<hbm>>
        tpu.wait_dma2 semaphore(%run_scoped3A : memref<!tpu.dma_semaphore, #tpu.memory_space<semaphore_mem>>) src(%arg18 : memref<640x64xf32, #tpu.memory_space<vmem>>) dst(%dma_wait3A_90 : memref<640x64xf32, #tpu.memory_space<hbm>>)
        tpu.yield
      }) : () -> ()
    } else {
    }
    return
  }
}

#map = affine_map<(d0, d1) -> (0, 0)>
#map1 = affine_map<(d0, d1) -> (0)>
module attributes {stable_mosaic.version = 14 : i64} {
  func.func @_gather_a_body(%arg0: i32, %arg1: i32, %arg2: memref<20000x64xf32, #tpu.memory_space<hbm>>, %arg3: memref<320000xi32, #tpu.memory_space<hbm>>, %arg4: memref<320000xi32, #tpu.memory_space<hbm>>, %arg5: memref<320000x64xf32, #tpu.memory_space<hbm>>, %arg6: memref<5000xi32, #tpu.memory_space<vmem>>, %arg7: memref<5000xi32, #tpu.memory_space<vmem>>, %arg8: memref<125x80xi32, #tpu.memory_space<vmem>>, %arg9: memref<80x64xf32, #tpu.memory_space<vmem>>, %arg10: memref<80x64xf32, #tpu.memory_space<vmem>>, %arg11: memref<80x64xf32, #tpu.memory_space<vmem>>, %arg12: memref<80x64xf32, #tpu.memory_space<vmem>>, %arg13: memref<80x64xf32, #tpu.memory_space<vmem>>, %arg14: memref<!tpu.dma_semaphore, #tpu.memory_space<semaphore_mem>>, %arg15: memref<!tpu.dma_semaphore, #tpu.memory_space<semaphore_mem>>, %arg16: memref<!tpu.dma_semaphore, #tpu.memory_space<semaphore_mem>>, %arg17: memref<!tpu.dma_semaphore, #tpu.memory_space<semaphore_mem>>, %arg18: memref<!tpu.dma_semaphore, #tpu.memory_space<semaphore_mem>>, %arg19: memref<!tpu.dma_semaphore, #tpu.memory_space<semaphore_mem>>, %arg20: memref<!tpu.dma_semaphore, #tpu.memory_space<semaphore_mem>>, %arg21: memref<!tpu.dma_semaphore, #tpu.memory_space<semaphore_mem>>, %arg22: memref<!tpu.dma_semaphore, #tpu.memory_space<semaphore_mem>>, %arg23: memref<!tpu.dma_semaphore, #tpu.memory_space<semaphore_mem>>) attributes {dimension_semantics = [#tpu.dimension_semantics<core_parallel>, #tpu.dimension_semantics<subcore_parallel>], iteration_bounds = array<i64: 2, 16>, scalar_prefetch = 0 : i64, scratch_operands = 18 : i64, tpu.core_type = #tpu.core_type<sc_vector_subcore>, window_params = [{transform_indices = #map}, {transform_indices = #map1}, {transform_indices = #map1}, {transform_indices = #map}]} {
    %mul3A = arith.constant 2 : i32
    %mul3A_0 = arith.muli %arg1, %mul3A : i32
    %add3A = arith.addi %mul3A_0, %arg0 : i32
    %mul3A_1 = arith.constant 5000 : i32
    %mul3A_2 = arith.muli %add3A, %mul3A_1 : i32
    %mul3A_3 = arith.constant 2 : i32
    %mul3A_4 = arith.muli %mul3A_3, %mul3A_2 : i32
    "tpu.region"() ({
      %run_scoped3A = tpu.sem_alloc : memref<!tpu.dma_semaphore, #tpu.memory_space<semaphore_mem>>
      %dma_start3A_79 = tpu.memref_slice %arg3[%mul3A_2] : memref<320000xi32, #tpu.memory_space<hbm>> -> memref<5000xi32, #tpu.memory_space<hbm>>
      %dma_start3A_80 = tpu.memref_slice %arg3[%mul3A_2] : memref<320000xi32, #tpu.memory_space<hbm>> -> memref<5000xi32, #tpu.memory_space<hbm>>
      tpu.enqueue_dma source(%dma_start3A_80 : memref<5000xi32, #tpu.memory_space<hbm>>) target(%arg6 : memref<5000xi32, #tpu.memory_space<vmem>>) target_semaphore(%run_scoped3A : memref<!tpu.dma_semaphore, #tpu.memory_space<semaphore_mem>>)
      %dma_wait3A_81 = tpu.memref_slice %arg3[%mul3A_2] : memref<320000xi32, #tpu.memory_space<hbm>> -> memref<5000xi32, #tpu.memory_space<hbm>>
      %dma_wait3A_82 = tpu.memref_slice %arg3[%mul3A_2] : memref<320000xi32, #tpu.memory_space<hbm>> -> memref<5000xi32, #tpu.memory_space<hbm>>
      tpu.wait_dma2 semaphore(%run_scoped3A : memref<!tpu.dma_semaphore, #tpu.memory_space<semaphore_mem>>) src(%dma_wait3A_82 : memref<5000xi32, #tpu.memory_space<hbm>>) dst(%arg6 : memref<5000xi32, #tpu.memory_space<vmem>>)
      tpu.yield
    }) : () -> ()
    "tpu.region"() ({
      %run_scoped3A = tpu.sem_alloc : memref<!tpu.dma_semaphore, #tpu.memory_space<semaphore_mem>>
      %dma_start3A_79 = tpu.memref_slice %arg4[%mul3A_2] : memref<320000xi32, #tpu.memory_space<hbm>> -> memref<5000xi32, #tpu.memory_space<hbm>>
      %dma_start3A_80 = tpu.memref_slice %arg4[%mul3A_2] : memref<320000xi32, #tpu.memory_space<hbm>> -> memref<5000xi32, #tpu.memory_space<hbm>>
      tpu.enqueue_dma source(%dma_start3A_80 : memref<5000xi32, #tpu.memory_space<hbm>>) target(%arg7 : memref<5000xi32, #tpu.memory_space<vmem>>) target_semaphore(%run_scoped3A : memref<!tpu.dma_semaphore, #tpu.memory_space<semaphore_mem>>)
      %dma_wait3A_81 = tpu.memref_slice %arg4[%mul3A_2] : memref<320000xi32, #tpu.memory_space<hbm>> -> memref<5000xi32, #tpu.memory_space<hbm>>
      %dma_wait3A_82 = tpu.memref_slice %arg4[%mul3A_2] : memref<320000xi32, #tpu.memory_space<hbm>> -> memref<5000xi32, #tpu.memory_space<hbm>>
      tpu.wait_dma2 semaphore(%run_scoped3A : memref<!tpu.dma_semaphore, #tpu.memory_space<semaphore_mem>>) src(%dma_wait3A_82 : memref<5000xi32, #tpu.memory_space<hbm>>) dst(%arg7 : memref<5000xi32, #tpu.memory_space<vmem>>)
      tpu.yield
    }) : () -> ()
    %scan3A = arith.constant 0 : i32
    %scan3A_5 = arith.constant 0 : i32
    %scan3A_6 = arith.constant 125 : i32
    %scan3A_7 = arith.addi %scan3A_5, %scan3A_6 : i32
    %scan3A_8 = arith.constant 1 : i32
    scf.for %scan3A_79 = %scan3A_5 to %scan3A_7 step %scan3A_8  : i32 {
      %iota3A = tpu.iota {dimensions = array<i32: 0>} : vector<16xi32>
      %mul3A_80 = arith.constant 80 : i32
      %mul3A_81 = arith.muli %scan3A_79, %mul3A_80 : i32
      %add3A_82 = arith.constant 0 : i32
      %add3A_83 = arith.addi %mul3A_81, %add3A_82 : i32
      %add3A_84 = vector.broadcast %add3A_83 : i32 to vector<16xi32>
      %add3A_85 = arith.addi %iota3A, %add3A_84 : vector<16xi32>
      %shift_right_logical3A = arith.constant 1 : i32
      %shift_right_logical3A_86 = vector.broadcast %shift_right_logical3A : i32 to vector<16xi32>
      %shift_right_logical3A_87 = arith.shrui %add3A_85, %shift_right_logical3A_86 : vector<16xi32>
      %and3A = arith.constant 1 : i32
      %and3A_88 = vector.broadcast %and3A : i32 to vector<16xi32>
      %and3A_89 = arith.andi %add3A_85, %and3A_88 : vector<16xi32>
      %gather3A = tpu.vector_load_idx %arg6[%shift_right_logical3A_87] : memref<5000xi32, #tpu.memory_space<vmem>>[vector<16xi32>], vector<16xi32>,
      %gather3A_90 = tpu.vector_load_idx %arg7[%shift_right_logical3A_87] : memref<5000xi32, #tpu.memory_space<vmem>>[vector<16xi32>], vector<16xi32>,
      %eq3A = arith.constant 1 : i32
      %eq3A_91 = vector.broadcast %eq3A : i32 to vector<16xi32>
      %eq3A_92 = arith.cmpi eq, %and3A_89, %eq3A_91 : vector<16xi32>
      %mul3A_93 = arith.constant 2 : i32
      %mul3A_94 = vector.broadcast %mul3A_93 : i32 to vector<16xi32>
      %mul3A_95 = arith.muli %mul3A_94, %gather3A_90 : vector<16xi32>
      %add3A_96 = arith.constant 1 : i32
      %add3A_97 = vector.broadcast %add3A_96 : i32 to vector<16xi32>
      %add3A_98 = arith.addi %mul3A_95, %add3A_97 : vector<16xi32>
      %mul3A_99 = arith.constant 2 : i32
      %mul3A_100 = vector.broadcast %mul3A_99 : i32 to vector<16xi32>
      %mul3A_101 = arith.muli %mul3A_100, %gather3A : vector<16xi32>
      %select_n3A = arith.select %eq3A_92, %add3A_98, %mul3A_101 : vector<16xi1>, vector<16xi32>
      %swap3A = arith.index_cast %scan3A_79 : i32 to index
      %swap3A_102 = arith.constant 0 : index
      %swap3A_103 = tpu.vector_load %arg8[%swap3A, %swap3A_102] {strides = array<i32>} : memref<125x80xi32, #tpu.memory_space<vmem>>, vector<16xi32>,
      tpu.vector_store %arg8[%swap3A, %swap3A_102], %select_n3A {strides = array<i32>} : memref<125x80xi32, #tpu.memory_space<vmem>>, vector<16xi32>,
      %iota3A_104 = tpu.iota {dimensions = array<i32: 0>} : vector<16xi32>
      %mul3A_105 = arith.constant 80 : i32
      %mul3A_106 = arith.muli %scan3A_79, %mul3A_105 : i32
      %add3A_107 = arith.constant 16 : i32
      %add3A_108 = arith.addi %mul3A_106, %add3A_107 : i32
      %add3A_109 = vector.broadcast %add3A_108 : i32 to vector<16xi32>
      %add3A_110 = arith.addi %iota3A_104, %add3A_109 : vector<16xi32>
      %shift_right_logical3A_111 = arith.constant 1 : i32
      %shift_right_logical3A_112 = vector.broadcast %shift_right_logical3A_111 : i32 to vector<16xi32>
      %shift_right_logical3A_113 = arith.shrui %add3A_110, %shift_right_logical3A_112 : vector<16xi32>
      %and3A_114 = arith.constant 1 : i32
      %and3A_115 = vector.broadcast %and3A_114 : i32 to vector<16xi32>
      %and3A_116 = arith.andi %add3A_110, %and3A_115 : vector<16xi32>
      %gather3A_117 = tpu.vector_load_idx %arg6[%shift_right_logical3A_113] : memref<5000xi32, #tpu.memory_space<vmem>>[vector<16xi32>], vector<16xi32>,
      %gather3A_118 = tpu.vector_load_idx %arg7[%shift_right_logical3A_113] : memref<5000xi32, #tpu.memory_space<vmem>>[vector<16xi32>], vector<16xi32>,
      %eq3A_119 = arith.constant 1 : i32
      %eq3A_120 = vector.broadcast %eq3A_119 : i32 to vector<16xi32>
      %eq3A_121 = arith.cmpi eq, %and3A_116, %eq3A_120 : vector<16xi32>
      %mul3A_122 = arith.constant 2 : i32
      %mul3A_123 = vector.broadcast %mul3A_122 : i32 to vector<16xi32>
      %mul3A_124 = arith.muli %mul3A_123, %gather3A_118 : vector<16xi32>
      %add3A_125 = arith.constant 1 : i32
      %add3A_126 = vector.broadcast %add3A_125 : i32 to vector<16xi32>
      %add3A_127 = arith.addi %mul3A_124, %add3A_126 : vector<16xi32>
      %mul3A_128 = arith.constant 2 : i32
      %mul3A_129 = vector.broadcast %mul3A_128 : i32 to vector<16xi32>
      %mul3A_130 = arith.muli %mul3A_129, %gather3A_117 : vector<16xi32>
      %select_n3A_131 = arith.select %eq3A_121, %add3A_127, %mul3A_130 : vector<16xi1>, vector<16xi32>
      %swap3A_132 = arith.index_cast %scan3A_79 : i32 to index
      %swap3A_133 = arith.constant 16 : index
      %swap3A_134 = tpu.vector_load %arg8[%swap3A_132, %swap3A_133] {strides = array<i32>} : memref<125x80xi32, #tpu.memory_space<vmem>>, vector<16xi32>,
      tpu.vector_store %arg8[%swap3A_132, %swap3A_133], %select_n3A_131 {strides = array<i32>} : memref<125x80xi32, #tpu.memory_space<vmem>>, vector<16xi32>,
      %iota3A_135 = tpu.iota {dimensions = array<i32: 0>} : vector<16xi32>
      %mul3A_136 = arith.constant 80 : i32
      %mul3A_137 = arith.muli %scan3A_79, %mul3A_136 : i32
      %add3A_138 = arith.constant 32 : i32
      %add3A_139 = arith.addi %mul3A_137, %add3A_138 : i32
      %add3A_140 = vector.broadcast %add3A_139 : i32 to vector<16xi32>
      %add3A_141 = arith.addi %iota3A_135, %add3A_140 : vector<16xi32>
      %shift_right_logical3A_142 = arith.constant 1 : i32
      %shift_right_logical3A_143 = vector.broadcast %shift_right_logical3A_142 : i32 to vector<16xi32>
      %shift_right_logical3A_144 = arith.shrui %add3A_141, %shift_right_logical3A_143 : vector<16xi32>
      %and3A_145 = arith.constant 1 : i32
      %and3A_146 = vector.broadcast %and3A_145 : i32 to vector<16xi32>
      %and3A_147 = arith.andi %add3A_141, %and3A_146 : vector<16xi32>
      %gather3A_148 = tpu.vector_load_idx %arg6[%shift_right_logical3A_144] : memref<5000xi32, #tpu.memory_space<vmem>>[vector<16xi32>], vector<16xi32>,
      %gather3A_149 = tpu.vector_load_idx %arg7[%shift_right_logical3A_144] : memref<5000xi32, #tpu.memory_space<vmem>>[vector<16xi32>], vector<16xi32>,
      %eq3A_150 = arith.constant 1 : i32
      %eq3A_151 = vector.broadcast %eq3A_150 : i32 to vector<16xi32>
      %eq3A_152 = arith.cmpi eq, %and3A_147, %eq3A_151 : vector<16xi32>
      %mul3A_153 = arith.constant 2 : i32
      %mul3A_154 = vector.broadcast %mul3A_153 : i32 to vector<16xi32>
      %mul3A_155 = arith.muli %mul3A_154, %gather3A_149 : vector<16xi32>
      %add3A_156 = arith.constant 1 : i32
      %add3A_157 = vector.broadcast %add3A_156 : i32 to vector<16xi32>
      %add3A_158 = arith.addi %mul3A_155, %add3A_157 : vector<16xi32>
      %mul3A_159 = arith.constant 2 : i32
      %mul3A_160 = vector.broadcast %mul3A_159 : i32 to vector<16xi32>
      %mul3A_161 = arith.muli %mul3A_160, %gather3A_148 : vector<16xi32>
      %select_n3A_162 = arith.select %eq3A_152, %add3A_158, %mul3A_161 : vector<16xi1>, vector<16xi32>
      %swap3A_163 = arith.index_cast %scan3A_79 : i32 to index
      %swap3A_164 = arith.constant 32 : index
      %swap3A_165 = tpu.vector_load %arg8[%swap3A_163, %swap3A_164] {strides = array<i32>} : memref<125x80xi32, #tpu.memory_space<vmem>>, vector<16xi32>,
      tpu.vector_store %arg8[%swap3A_163, %swap3A_164], %select_n3A_162 {strides = array<i32>} : memref<125x80xi32, #tpu.memory_space<vmem>>, vector<16xi32>,
      %iota3A_166 = tpu.iota {dimensions = array<i32: 0>} : vector<16xi32>
      %mul3A_167 = arith.constant 80 : i32
      %mul3A_168 = arith.muli %scan3A_79, %mul3A_167 : i32
      %add3A_169 = arith.constant 48 : i32
      %add3A_170 = arith.addi %mul3A_168, %add3A_169 : i32
      %add3A_171 = vector.broadcast %add3A_170 : i32 to vector<16xi32>
      %add3A_172 = arith.addi %iota3A_166, %add3A_171 : vector<16xi32>
      %shift_right_logical3A_173 = arith.constant 1 : i32
      %shift_right_logical3A_174 = vector.broadcast %shift_right_logical3A_173 : i32 to vector<16xi32>
      %shift_right_logical3A_175 = arith.shrui %add3A_172, %shift_right_logical3A_174 : vector<16xi32>
      %and3A_176 = arith.constant 1 : i32
      %and3A_177 = vector.broadcast %and3A_176 : i32 to vector<16xi32>
      %and3A_178 = arith.andi %add3A_172, %and3A_177 : vector<16xi32>
      %gather3A_179 = tpu.vector_load_idx %arg6[%shift_right_logical3A_175] : memref<5000xi32, #tpu.memory_space<vmem>>[vector<16xi32>], vector<16xi32>,
      %gather3A_180 = tpu.vector_load_idx %arg7[%shift_right_logical3A_175] : memref<5000xi32, #tpu.memory_space<vmem>>[vector<16xi32>], vector<16xi32>,
      %eq3A_181 = arith.constant 1 : i32
      %eq3A_182 = vector.broadcast %eq3A_181 : i32 to vector<16xi32>
      %eq3A_183 = arith.cmpi eq, %and3A_178, %eq3A_182 : vector<16xi32>
      %mul3A_184 = arith.constant 2 : i32
      %mul3A_185 = vector.broadcast %mul3A_184 : i32 to vector<16xi32>
      %mul3A_186 = arith.muli %mul3A_185, %gather3A_180 : vector<16xi32>
      %add3A_187 = arith.constant 1 : i32
      %add3A_188 = vector.broadcast %add3A_187 : i32 to vector<16xi32>
      %add3A_189 = arith.addi %mul3A_186, %add3A_188 : vector<16xi32>
      %mul3A_190 = arith.constant 2 : i32
      %mul3A_191 = vector.broadcast %mul3A_190 : i32 to vector<16xi32>
      %mul3A_192 = arith.muli %mul3A_191, %gather3A_179 : vector<16xi32>
      %select_n3A_193 = arith.select %eq3A_183, %add3A_189, %mul3A_192 : vector<16xi1>, vector<16xi32>
      %swap3A_194 = arith.index_cast %scan3A_79 : i32 to index
      %swap3A_195 = arith.constant 48 : index
      %swap3A_196 = tpu.vector_load %arg8[%swap3A_194, %swap3A_195] {strides = array<i32>} : memref<125x80xi32, #tpu.memory_space<vmem>>, vector<16xi32>,
      tpu.vector_store %arg8[%swap3A_194, %swap3A_195], %select_n3A_193 {strides = array<i32>} : memref<125x80xi32, #tpu.memory_space<vmem>>, vector<16xi32>,
      %iota3A_197 = tpu.iota {dimensions = array<i32: 0>} : vector<16xi32>
      %mul3A_198 = arith.constant 80 : i32
      %mul3A_199 = arith.muli %scan3A_79, %mul3A_198 : i32
      %add3A_200 = arith.constant 64 : i32
      %add3A_201 = arith.addi %mul3A_199, %add3A_200 : i32
      %add3A_202 = vector.broadcast %add3A_201 : i32 to vector<16xi32>
      %add3A_203 = arith.addi %iota3A_197, %add3A_202 : vector<16xi32>
      %shift_right_logical3A_204 = arith.constant 1 : i32
      %shift_right_logical3A_205 = vector.broadcast %shift_right_logical3A_204 : i32 to vector<16xi32>
      %shift_right_logical3A_206 = arith.shrui %add3A_203, %shift_right_logical3A_205 : vector<16xi32>
      %and3A_207 = arith.constant 1 : i32
      %and3A_208 = vector.broadcast %and3A_207 : i32 to vector<16xi32>
      %and3A_209 = arith.andi %add3A_203, %and3A_208 : vector<16xi32>
      %gather3A_210 = tpu.vector_load_idx %arg6[%shift_right_logical3A_206] : memref<5000xi32, #tpu.memory_space<vmem>>[vector<16xi32>], vector<16xi32>,
      %gather3A_211 = tpu.vector_load_idx %arg7[%shift_right_logical3A_206] : memref<5000xi32, #tpu.memory_space<vmem>>[vector<16xi32>], vector<16xi32>,
      %eq3A_212 = arith.constant 1 : i32
      %eq3A_213 = vector.broadcast %eq3A_212 : i32 to vector<16xi32>
      %eq3A_214 = arith.cmpi eq, %and3A_209, %eq3A_213 : vector<16xi32>
      %mul3A_215 = arith.constant 2 : i32
      %mul3A_216 = vector.broadcast %mul3A_215 : i32 to vector<16xi32>
      %mul3A_217 = arith.muli %mul3A_216, %gather3A_211 : vector<16xi32>
      %add3A_218 = arith.constant 1 : i32
      %add3A_219 = vector.broadcast %add3A_218 : i32 to vector<16xi32>
      %add3A_220 = arith.addi %mul3A_217, %add3A_219 : vector<16xi32>
      %mul3A_221 = arith.constant 2 : i32
      %mul3A_222 = vector.broadcast %mul3A_221 : i32 to vector<16xi32>
      %mul3A_223 = arith.muli %mul3A_222, %gather3A_210 : vector<16xi32>
      %select_n3A_224 = arith.select %eq3A_214, %add3A_220, %mul3A_223 : vector<16xi1>, vector<16xi32>
      %swap3A_225 = arith.index_cast %scan3A_79 : i32 to index
      %swap3A_226 = arith.constant 64 : index
      %swap3A_227 = tpu.vector_load %arg8[%swap3A_225, %swap3A_226] {strides = array<i32>} : memref<125x80xi32, #tpu.memory_space<vmem>>, vector<16xi32>,
      tpu.vector_store %arg8[%swap3A_225, %swap3A_226], %select_n3A_224 {strides = array<i32>} : memref<125x80xi32, #tpu.memory_space<vmem>>, vector<16xi32>,
    }
    %scan3A_9 = arith.constant 125 : i32
    %dma_start3A = arith.constant 0 : i32
    %dma_start3A_10 = arith.constant 0 : i32
    %dma_start3A_11 = tpu.memref_slice %arg8[%dma_start3A, %dma_start3A_10] : memref<125x80xi32, #tpu.memory_space<vmem>> -> memref<1x80xi32, #tpu.memory_space<vmem>>
    %dma_start3A_12 = tpu.memref_squeeze %dma_start3A_11 : memref<1x80xi32, #tpu.memory_space<vmem>> -> memref<80xi32, #tpu.memory_space<vmem>>
    %dma_start3A_13 = arith.constant 0 : i32
    %dma_start3A_14 = arith.constant 0 : i32
    %dma_start3A_15 = tpu.memref_slice %arg2[%dma_start3A_13, %dma_start3A_14] : memref<20000x64xf32, #tpu.memory_space<hbm>> -> memref<20000x64xf32, #tpu.memory_space<hbm>>
    tpu.enqueue_indirect_dma source(%dma_start3A_15 : memref<20000x64xf32, #tpu.memory_space<hbm>>) target(%arg9 : memref<80x64xf32, #tpu.memory_space<vmem>>) offsets(%dma_start3A_12 : memref<80xi32, #tpu.memory_space<vmem>>) semaphore(%arg14 : memref<!tpu.dma_semaphore, #tpu.memory_space<semaphore_mem>>)
    %dma_start3A_16 = arith.constant 1 : i32
    %dma_start3A_17 = arith.constant 0 : i32
    %dma_start3A_18 = tpu.memref_slice %arg8[%dma_start3A_16, %dma_start3A_17] : memref<125x80xi32, #tpu.memory_space<vmem>> -> memref<1x80xi32, #tpu.memory_space<vmem>>
    %dma_start3A_19 = tpu.memref_squeeze %dma_start3A_18 : memref<1x80xi32, #tpu.memory_space<vmem>> -> memref<80xi32, #tpu.memory_space<vmem>>
    %dma_start3A_20 = arith.constant 0 : i32
    %dma_start3A_21 = arith.constant 0 : i32
    %dma_start3A_22 = tpu.memref_slice %arg2[%dma_start3A_20, %dma_start3A_21] : memref<20000x64xf32, #tpu.memory_space<hbm>> -> memref<20000x64xf32, #tpu.memory_space<hbm>>
    tpu.enqueue_indirect_dma source(%dma_start3A_22 : memref<20000x64xf32, #tpu.memory_space<hbm>>) target(%arg10 : memref<80x64xf32, #tpu.memory_space<vmem>>) offsets(%dma_start3A_19 : memref<80xi32, #tpu.memory_space<vmem>>) semaphore(%arg15 : memref<!tpu.dma_semaphore, #tpu.memory_space<semaphore_mem>>)
    %dma_start3A_23 = arith.constant 2 : i32
    %dma_start3A_24 = arith.constant 0 : i32
    %dma_start3A_25 = tpu.memref_slice %arg8[%dma_start3A_23, %dma_start3A_24] : memref<125x80xi32, #tpu.memory_space<vmem>> -> memref<1x80xi32, #tpu.memory_space<vmem>>
    %dma_start3A_26 = tpu.memref_squeeze %dma_start3A_25 : memref<1x80xi32, #tpu.memory_space<vmem>> -> memref<80xi32, #tpu.memory_space<vmem>>
    %dma_start3A_27 = arith.constant 0 : i32
    %dma_start3A_28 = arith.constant 0 : i32
    %dma_start3A_29 = tpu.memref_slice %arg2[%dma_start3A_27, %dma_start3A_28] : memref<20000x64xf32, #tpu.memory_space<hbm>> -> memref<20000x64xf32, #tpu.memory_space<hbm>>
    tpu.enqueue_indirect_dma source(%dma_start3A_29 : memref<20000x64xf32, #tpu.memory_space<hbm>>) target(%arg11 : memref<80x64xf32, #tpu.memory_space<vmem>>) offsets(%dma_start3A_26 : memref<80xi32, #tpu.memory_space<vmem>>) semaphore(%arg16 : memref<!tpu.dma_semaphore, #tpu.memory_space<semaphore_mem>>)
    %dma_start3A_30 = arith.constant 3 : i32
    %dma_start3A_31 = arith.constant 0 : i32
    %dma_start3A_32 = tpu.memref_slice %arg8[%dma_start3A_30, %dma_start3A_31] : memref<125x80xi32, #tpu.memory_space<vmem>> -> memref<1x80xi32, #tpu.memory_space<vmem>>
    %dma_start3A_33 = tpu.memref_squeeze %dma_start3A_32 : memref<1x80xi32, #tpu.memory_space<vmem>> -> memref<80xi32, #tpu.memory_space<vmem>>
    %dma_start3A_34 = arith.constant 0 : i32
    %dma_start3A_35 = arith.constant 0 : i32
    %dma_start3A_36 = tpu.memref_slice %arg2[%dma_start3A_34, %dma_start3A_35] : memref<20000x64xf32, #tpu.memory_space<hbm>> -> memref<20000x64xf32, #tpu.memory_space<hbm>>
    tpu.enqueue_indirect_dma source(%dma_start3A_36 : memref<20000x64xf32, #tpu.memory_space<hbm>>) target(%arg12 : memref<80x64xf32, #tpu.memory_space<vmem>>) offsets(%dma_start3A_33 : memref<80xi32, #tpu.memory_space<vmem>>) semaphore(%arg17 : memref<!tpu.dma_semaphore, #tpu.memory_space<semaphore_mem>>)
    %dma_start3A_37 = arith.constant 4 : i32
    %dma_start3A_38 = arith.constant 0 : i32
    %dma_start3A_39 = tpu.memref_slice %arg8[%dma_start3A_37, %dma_start3A_38] : memref<125x80xi32, #tpu.memory_space<vmem>> -> memref<1x80xi32, #tpu.memory_space<vmem>>
    %dma_start3A_40 = tpu.memref_squeeze %dma_start3A_39 : memref<1x80xi32, #tpu.memory_space<vmem>> -> memref<80xi32, #tpu.memory_space<vmem>>
    %dma_start3A_41 = arith.constant 0 : i32
    %dma_start3A_42 = arith.constant 0 : i32
    %dma_start3A_43 = tpu.memref_slice %arg2[%dma_start3A_41, %dma_start3A_42] : memref<20000x64xf32, #tpu.memory_space<hbm>> -> memref<20000x64xf32, #tpu.memory_space<hbm>>
    tpu.enqueue_indirect_dma source(%dma_start3A_43 : memref<20000x64xf32, #tpu.memory_space<hbm>>) target(%arg13 : memref<80x64xf32, #tpu.memory_space<vmem>>) offsets(%dma_start3A_40 : memref<80xi32, #tpu.memory_space<vmem>>) semaphore(%arg18 : memref<!tpu.dma_semaphore, #tpu.memory_space<semaphore_mem>>)
    %scan3A_44 = arith.constant 0 : i32
    %scan3A_45 = arith.constant 0 : i32
    %scan3A_46 = arith.constant 25 : i32
    %scan3A_47 = arith.addi %scan3A_45, %scan3A_46 : i32
    %scan3A_48 = arith.constant 1 : i32
    scf.for %scan3A_79 = %scan3A_45 to %scan3A_47 step %scan3A_48  : i32 {
      %mul3A_80 = arith.constant 5 : i32
      %mul3A_81 = arith.muli %scan3A_79, %mul3A_80 : i32
      %add3A_82 = arith.constant 0 : i32
      %add3A_83 = arith.addi %mul3A_81, %add3A_82 : i32
      %dma_wait3A_84 = arith.constant 0 : i32
      %dma_wait3A_85 = tpu.memref_slice %arg8[%add3A_83, %dma_wait3A_84] : memref<125x80xi32, #tpu.memory_space<vmem>> -> memref<1x80xi32, #tpu.memory_space<vmem>>
      %dma_wait3A_86 = tpu.memref_squeeze %dma_wait3A_85 : memref<1x80xi32, #tpu.memory_space<vmem>> -> memref<80xi32, #tpu.memory_space<vmem>>
      %dma_wait3A_87 = arith.constant 0 : i32
      %dma_wait3A_88 = arith.constant 0 : i32
      %dma_wait3A_89 = tpu.memref_slice %arg2[%dma_wait3A_87, %dma_wait3A_88] : memref<20000x64xf32, #tpu.memory_space<hbm>> -> memref<20000x64xf32, #tpu.memory_space<hbm>>
      tpu.wait_indirect_dma semaphore(%arg14 : memref<!tpu.dma_semaphore, #tpu.memory_space<semaphore_mem>>) src(%dma_wait3A_89 : memref<20000x64xf32, #tpu.memory_space<hbm>>) dst(%arg9 : memref<80x64xf32, #tpu.memory_space<vmem>>)
      %add3A_90 = arith.constant 0 : i32
      %add3A_91 = arith.addi %mul3A_81, %add3A_90 : i32
      %mul3A_92 = arith.constant 80 : i32
      %mul3A_93 = arith.muli %add3A_91, %mul3A_92 : i32
      %add3A_94 = arith.addi %mul3A_4, %mul3A_93 : i32
      %dma_start3A_95 = arith.constant 0 : i32
      %dma_start3A_96 = tpu.memref_slice %arg5[%add3A_94, %dma_start3A_95] : memref<320000x64xf32, #tpu.memory_space<hbm>> -> memref<80x64xf32, #tpu.memory_space<hbm>>
      %dma_start3A_97 = arith.constant 0 : i32
      %dma_start3A_98 = tpu.memref_slice %arg5[%add3A_94, %dma_start3A_97] : memref<320000x64xf32, #tpu.memory_space<hbm>> -> memref<80x64xf32, #tpu.memory_space<hbm>>
      tpu.enqueue_dma source(%arg9 : memref<80x64xf32, #tpu.memory_space<vmem>>) target(%dma_start3A_98 : memref<80x64xf32, #tpu.memory_space<hbm>>) target_semaphore(%arg19 : memref<!tpu.dma_semaphore, #tpu.memory_space<semaphore_mem>>)
      %add3A_99 = arith.constant 1 : i32
      %add3A_100 = arith.addi %mul3A_81, %add3A_99 : i32
      %dma_wait3A_101 = arith.constant 0 : i32
      %dma_wait3A_102 = tpu.memref_slice %arg8[%add3A_100, %dma_wait3A_101] : memref<125x80xi32, #tpu.memory_space<vmem>> -> memref<1x80xi32, #tpu.memory_space<vmem>>
      %dma_wait3A_103 = tpu.memref_squeeze %dma_wait3A_102 : memref<1x80xi32, #tpu.memory_space<vmem>> -> memref<80xi32, #tpu.memory_space<vmem>>
      %dma_wait3A_104 = arith.constant 0 : i32
      %dma_wait3A_105 = arith.constant 0 : i32
      %dma_wait3A_106 = tpu.memref_slice %arg2[%dma_wait3A_104, %dma_wait3A_105] : memref<20000x64xf32, #tpu.memory_space<hbm>> -> memref<20000x64xf32, #tpu.memory_space<hbm>>
      tpu.wait_indirect_dma semaphore(%arg15 : memref<!tpu.dma_semaphore, #tpu.memory_space<semaphore_mem>>) src(%dma_wait3A_106 : memref<20000x64xf32, #tpu.memory_space<hbm>>) dst(%arg10 : memref<80x64xf32, #tpu.memory_space<vmem>>)
      %add3A_107 = arith.constant 1 : i32
      %add3A_108 = arith.addi %mul3A_81, %add3A_107 : i32
      %mul3A_109 = arith.constant 80 : i32
      %mul3A_110 = arith.muli %add3A_108, %mul3A_109 : i32
      %add3A_111 = arith.addi %mul3A_4, %mul3A_110 : i32
      %dma_start3A_112 = arith.constant 0 : i32
      %dma_start3A_113 = tpu.memref_slice %arg5[%add3A_111, %dma_start3A_112] : memref<320000x64xf32, #tpu.memory_space<hbm>> -> memref<80x64xf32, #tpu.memory_space<hbm>>
      %dma_start3A_114 = arith.constant 0 : i32
      %dma_start3A_115 = tpu.memref_slice %arg5[%add3A_111, %dma_start3A_114] : memref<320000x64xf32, #tpu.memory_space<hbm>> -> memref<80x64xf32, #tpu.memory_space<hbm>>
      tpu.enqueue_dma source(%arg10 : memref<80x64xf32, #tpu.memory_space<vmem>>) target(%dma_start3A_115 : memref<80x64xf32, #tpu.memory_space<hbm>>) target_semaphore(%arg20 : memref<!tpu.dma_semaphore, #tpu.memory_space<semaphore_mem>>)
      %add3A_116 = arith.constant 2 : i32
      %add3A_117 = arith.addi %mul3A_81, %add3A_116 : i32
      %dma_wait3A_118 = arith.constant 0 : i32
      %dma_wait3A_119 = tpu.memref_slice %arg8[%add3A_117, %dma_wait3A_118] : memref<125x80xi32, #tpu.memory_space<vmem>> -> memref<1x80xi32, #tpu.memory_space<vmem>>
      %dma_wait3A_120 = tpu.memref_squeeze %dma_wait3A_119 : memref<1x80xi32, #tpu.memory_space<vmem>> -> memref<80xi32, #tpu.memory_space<vmem>>
      %dma_wait3A_121 = arith.constant 0 : i32
      %dma_wait3A_122 = arith.constant 0 : i32
      %dma_wait3A_123 = tpu.memref_slice %arg2[%dma_wait3A_121, %dma_wait3A_122] : memref<20000x64xf32, #tpu.memory_space<hbm>> -> memref<20000x64xf32, #tpu.memory_space<hbm>>
      tpu.wait_indirect_dma semaphore(%arg16 : memref<!tpu.dma_semaphore, #tpu.memory_space<semaphore_mem>>) src(%dma_wait3A_123 : memref<20000x64xf32, #tpu.memory_space<hbm>>) dst(%arg11 : memref<80x64xf32, #tpu.memory_space<vmem>>)
      %add3A_124 = arith.constant 2 : i32
      %add3A_125 = arith.addi %mul3A_81, %add3A_124 : i32
      %mul3A_126 = arith.constant 80 : i32
      %mul3A_127 = arith.muli %add3A_125, %mul3A_126 : i32
      %add3A_128 = arith.addi %mul3A_4, %mul3A_127 : i32
      %dma_start3A_129 = arith.constant 0 : i32
      %dma_start3A_130 = tpu.memref_slice %arg5[%add3A_128, %dma_start3A_129] : memref<320000x64xf32, #tpu.memory_space<hbm>> -> memref<80x64xf32, #tpu.memory_space<hbm>>
      %dma_start3A_131 = arith.constant 0 : i32
      %dma_start3A_132 = tpu.memref_slice %arg5[%add3A_128, %dma_start3A_131] : memref<320000x64xf32, #tpu.memory_space<hbm>> -> memref<80x64xf32, #tpu.memory_space<hbm>>
      tpu.enqueue_dma source(%arg11 : memref<80x64xf32, #tpu.memory_space<vmem>>) target(%dma_start3A_132 : memref<80x64xf32, #tpu.memory_space<hbm>>) target_semaphore(%arg21 : memref<!tpu.dma_semaphore, #tpu.memory_space<semaphore_mem>>)
      %add3A_133 = arith.constant 3 : i32
      %add3A_134 = arith.addi %mul3A_81, %add3A_133 : i32
      %dma_wait3A_135 = arith.constant 0 : i32
      %dma_wait3A_136 = tpu.memref_slice %arg8[%add3A_134, %dma_wait3A_135] : memref<125x80xi32, #tpu.memory_space<vmem>> -> memref<1x80xi32, #tpu.memory_space<vmem>>
      %dma_wait3A_137 = tpu.memref_squeeze %dma_wait3A_136 : memref<1x80xi32, #tpu.memory_space<vmem>> -> memref<80xi32, #tpu.memory_space<vmem>>
      %dma_wait3A_138 = arith.constant 0 : i32
      %dma_wait3A_139 = arith.constant 0 : i32
      %dma_wait3A_140 = tpu.memref_slice %arg2[%dma_wait3A_138, %dma_wait3A_139] : memref<20000x64xf32, #tpu.memory_space<hbm>> -> memref<20000x64xf32, #tpu.memory_space<hbm>>
      tpu.wait_indirect_dma semaphore(%arg17 : memref<!tpu.dma_semaphore, #tpu.memory_space<semaphore_mem>>) src(%dma_wait3A_140 : memref<20000x64xf32, #tpu.memory_space<hbm>>) dst(%arg12 : memref<80x64xf32, #tpu.memory_space<vmem>>)
      %add3A_141 = arith.constant 3 : i32
      %add3A_142 = arith.addi %mul3A_81, %add3A_141 : i32
      %mul3A_143 = arith.constant 80 : i32
      %mul3A_144 = arith.muli %add3A_142, %mul3A_143 : i32
      %add3A_145 = arith.addi %mul3A_4, %mul3A_144 : i32
      %dma_start3A_146 = arith.constant 0 : i32
      %dma_start3A_147 = tpu.memref_slice %arg5[%add3A_145, %dma_start3A_146] : memref<320000x64xf32, #tpu.memory_space<hbm>> -> memref<80x64xf32, #tpu.memory_space<hbm>>
      %dma_start3A_148 = arith.constant 0 : i32
      %dma_start3A_149 = tpu.memref_slice %arg5[%add3A_145, %dma_start3A_148] : memref<320000x64xf32, #tpu.memory_space<hbm>> -> memref<80x64xf32, #tpu.memory_space<hbm>>
      tpu.enqueue_dma source(%arg12 : memref<80x64xf32, #tpu.memory_space<vmem>>) target(%dma_start3A_149 : memref<80x64xf32, #tpu.memory_space<hbm>>) target_semaphore(%arg22 : memref<!tpu.dma_semaphore, #tpu.memory_space<semaphore_mem>>)
      %add3A_150 = arith.constant 4 : i32
      %add3A_151 = arith.addi %mul3A_81, %add3A_150 : i32
      %dma_wait3A_152 = arith.constant 0 : i32
      %dma_wait3A_153 = tpu.memref_slice %arg8[%add3A_151, %dma_wait3A_152] : memref<125x80xi32, #tpu.memory_space<vmem>> -> memref<1x80xi32, #tpu.memory_space<vmem>>
      %dma_wait3A_154 = tpu.memref_squeeze %dma_wait3A_153 : memref<1x80xi32, #tpu.memory_space<vmem>> -> memref<80xi32, #tpu.memory_space<vmem>>
      %dma_wait3A_155 = arith.constant 0 : i32
      %dma_wait3A_156 = arith.constant 0 : i32
      %dma_wait3A_157 = tpu.memref_slice %arg2[%dma_wait3A_155, %dma_wait3A_156] : memref<20000x64xf32, #tpu.memory_space<hbm>> -> memref<20000x64xf32, #tpu.memory_space<hbm>>
      tpu.wait_indirect_dma semaphore(%arg18 : memref<!tpu.dma_semaphore, #tpu.memory_space<semaphore_mem>>) src(%dma_wait3A_157 : memref<20000x64xf32, #tpu.memory_space<hbm>>) dst(%arg13 : memref<80x64xf32, #tpu.memory_space<vmem>>)
      %add3A_158 = arith.constant 4 : i32
      %add3A_159 = arith.addi %mul3A_81, %add3A_158 : i32
      %mul3A_160 = arith.constant 80 : i32
      %mul3A_161 = arith.muli %add3A_159, %mul3A_160 : i32
      %add3A_162 = arith.addi %mul3A_4, %mul3A_161 : i32
      %dma_start3A_163 = arith.constant 0 : i32
      %dma_start3A_164 = tpu.memref_slice %arg5[%add3A_162, %dma_start3A_163] : memref<320000x64xf32, #tpu.memory_space<hbm>> -> memref<80x64xf32, #tpu.memory_space<hbm>>
      %dma_start3A_165 = arith.constant 0 : i32
      %dma_start3A_166 = tpu.memref_slice %arg5[%add3A_162, %dma_start3A_165] : memref<320000x64xf32, #tpu.memory_space<hbm>> -> memref<80x64xf32, #tpu.memory_space<hbm>>
      tpu.enqueue_dma source(%arg13 : memref<80x64xf32, #tpu.memory_space<vmem>>) target(%dma_start3A_166 : memref<80x64xf32, #tpu.memory_space<hbm>>) target_semaphore(%arg23 : memref<!tpu.dma_semaphore, #tpu.memory_space<semaphore_mem>>)
      %lt3A = arith.constant 24 : i32
      %lt3A_167 = arith.cmpi slt, %scan3A_79, %lt3A : i32
      %convert_element_type3A = arith.extui %lt3A_167 : i1 to i32
      %cond3A = arith.constant 0 : i32
      %cond3A_168 = arith.cmpi ne, %convert_element_type3A, %cond3A : i32
      scf.if %cond3A_168 {
        %add3A_189 = arith.constant 0 : i32
        %add3A_190 = arith.addi %mul3A_81, %add3A_189 : i32
        %mul3A_191 = arith.constant 80 : i32
        %mul3A_192 = arith.muli %add3A_190, %mul3A_191 : i32
        %add3A_193 = arith.addi %mul3A_4, %mul3A_192 : i32
        %dma_wait3A_194 = arith.constant 0 : i32
        %dma_wait3A_195 = tpu.memref_slice %arg5[%add3A_193, %dma_wait3A_194] : memref<320000x64xf32, #tpu.memory_space<hbm>> -> memref<80x64xf32, #tpu.memory_space<hbm>>
        %dma_wait3A_196 = arith.constant 0 : i32
        %dma_wait3A_197 = tpu.memref_slice %arg5[%add3A_193, %dma_wait3A_196] : memref<320000x64xf32, #tpu.memory_space<hbm>> -> memref<80x64xf32, #tpu.memory_space<hbm>>
        tpu.wait_dma2 semaphore(%arg19 : memref<!tpu.dma_semaphore, #tpu.memory_space<semaphore_mem>>) src(%arg9 : memref<80x64xf32, #tpu.memory_space<vmem>>) dst(%dma_wait3A_197 : memref<80x64xf32, #tpu.memory_space<hbm>>)
        %add3A_198 = arith.constant 5 : i32
        %add3A_199 = arith.addi %mul3A_81, %add3A_198 : i32
        %add3A_200 = arith.constant 0 : i32
        %add3A_201 = arith.addi %add3A_199, %add3A_200 : i32
        %dma_start3A_202 = arith.constant 0 : i32
        %dma_start3A_203 = tpu.memref_slice %arg8[%add3A_201, %dma_start3A_202] : memref<125x80xi32, #tpu.memory_space<vmem>> -> memref<1x80xi32, #tpu.memory_space<vmem>>
        %dma_start3A_204 = tpu.memref_squeeze %dma_start3A_203 : memref<1x80xi32, #tpu.memory_space<vmem>> -> memref<80xi32, #tpu.memory_space<vmem>>
        %dma_start3A_205 = arith.constant 0 : i32
        %dma_start3A_206 = arith.constant 0 : i32
        %dma_start3A_207 = tpu.memref_slice %arg2[%dma_start3A_205, %dma_start3A_206] : memref<20000x64xf32, #tpu.memory_space<hbm>> -> memref<20000x64xf32, #tpu.memory_space<hbm>>
        tpu.enqueue_indirect_dma source(%dma_start3A_207 : memref<20000x64xf32, #tpu.memory_space<hbm>>) target(%arg9 : memref<80x64xf32, #tpu.memory_space<vmem>>) offsets(%dma_start3A_204 : memref<80xi32, #tpu.memory_space<vmem>>) semaphore(%arg14 : memref<!tpu.dma_semaphore, #tpu.memory_space<semaphore_mem>>)
      } else {
      }
      %lt3A_169 = arith.constant 24 : i32
      %lt3A_170 = arith.cmpi slt, %scan3A_79, %lt3A_169 : i32
      %convert_element_type3A_171 = arith.extui %lt3A_170 : i1 to i32
      %cond3A_172 = arith.constant 0 : i32
      %cond3A_173 = arith.cmpi ne, %convert_element_type3A_171, %cond3A_172 : i32
      scf.if %cond3A_173 {
        %add3A_189 = arith.constant 1 : i32
        %add3A_190 = arith.addi %mul3A_81, %add3A_189 : i32
        %mul3A_191 = arith.constant 80 : i32
        %mul3A_192 = arith.muli %add3A_190, %mul3A_191 : i32
        %add3A_193 = arith.addi %mul3A_4, %mul3A_192 : i32
        %dma_wait3A_194 = arith.constant 0 : i32
        %dma_wait3A_195 = tpu.memref_slice %arg5[%add3A_193, %dma_wait3A_194] : memref<320000x64xf32, #tpu.memory_space<hbm>> -> memref<80x64xf32, #tpu.memory_space<hbm>>
        %dma_wait3A_196 = arith.constant 0 : i32
        %dma_wait3A_197 = tpu.memref_slice %arg5[%add3A_193, %dma_wait3A_196] : memref<320000x64xf32, #tpu.memory_space<hbm>> -> memref<80x64xf32, #tpu.memory_space<hbm>>
        tpu.wait_dma2 semaphore(%arg20 : memref<!tpu.dma_semaphore, #tpu.memory_space<semaphore_mem>>) src(%arg10 : memref<80x64xf32, #tpu.memory_space<vmem>>) dst(%dma_wait3A_197 : memref<80x64xf32, #tpu.memory_space<hbm>>)
        %add3A_198 = arith.constant 5 : i32
        %add3A_199 = arith.addi %mul3A_81, %add3A_198 : i32
        %add3A_200 = arith.constant 1 : i32
        %add3A_201 = arith.addi %add3A_199, %add3A_200 : i32
        %dma_start3A_202 = arith.constant 0 : i32
        %dma_start3A_203 = tpu.memref_slice %arg8[%add3A_201, %dma_start3A_202] : memref<125x80xi32, #tpu.memory_space<vmem>> -> memref<1x80xi32, #tpu.memory_space<vmem>>
        %dma_start3A_204 = tpu.memref_squeeze %dma_start3A_203 : memref<1x80xi32, #tpu.memory_space<vmem>> -> memref<80xi32, #tpu.memory_space<vmem>>
        %dma_start3A_205 = arith.constant 0 : i32
        %dma_start3A_206 = arith.constant 0 : i32
        %dma_start3A_207 = tpu.memref_slice %arg2[%dma_start3A_205, %dma_start3A_206] : memref<20000x64xf32, #tpu.memory_space<hbm>> -> memref<20000x64xf32, #tpu.memory_space<hbm>>
        tpu.enqueue_indirect_dma source(%dma_start3A_207 : memref<20000x64xf32, #tpu.memory_space<hbm>>) target(%arg10 : memref<80x64xf32, #tpu.memory_space<vmem>>) offsets(%dma_start3A_204 : memref<80xi32, #tpu.memory_space<vmem>>) semaphore(%arg15 : memref<!tpu.dma_semaphore, #tpu.memory_space<semaphore_mem>>)
      } else {
      }
      %lt3A_174 = arith.constant 24 : i32
      %lt3A_175 = arith.cmpi slt, %scan3A_79, %lt3A_174 : i32
      %convert_element_type3A_176 = arith.extui %lt3A_175 : i1 to i32
      %cond3A_177 = arith.constant 0 : i32
      %cond3A_178 = arith.cmpi ne, %convert_element_type3A_176, %cond3A_177 : i32
      scf.if %cond3A_178 {
        %add3A_189 = arith.constant 2 : i32
        %add3A_190 = arith.addi %mul3A_81, %add3A_189 : i32
        %mul3A_191 = arith.constant 80 : i32
        %mul3A_192 = arith.muli %add3A_190, %mul3A_191 : i32
        %add3A_193 = arith.addi %mul3A_4, %mul3A_192 : i32
        %dma_wait3A_194 = arith.constant 0 : i32
        %dma_wait3A_195 = tpu.memref_slice %arg5[%add3A_193, %dma_wait3A_194] : memref<320000x64xf32, #tpu.memory_space<hbm>> -> memref<80x64xf32, #tpu.memory_space<hbm>>
        %dma_wait3A_196 = arith.constant 0 : i32
        %dma_wait3A_197 = tpu.memref_slice %arg5[%add3A_193, %dma_wait3A_196] : memref<320000x64xf32, #tpu.memory_space<hbm>> -> memref<80x64xf32, #tpu.memory_space<hbm>>
        tpu.wait_dma2 semaphore(%arg21 : memref<!tpu.dma_semaphore, #tpu.memory_space<semaphore_mem>>) src(%arg11 : memref<80x64xf32, #tpu.memory_space<vmem>>) dst(%dma_wait3A_197 : memref<80x64xf32, #tpu.memory_space<hbm>>)
        %add3A_198 = arith.constant 5 : i32
        %add3A_199 = arith.addi %mul3A_81, %add3A_198 : i32
        %add3A_200 = arith.constant 2 : i32
        %add3A_201 = arith.addi %add3A_199, %add3A_200 : i32
        %dma_start3A_202 = arith.constant 0 : i32
        %dma_start3A_203 = tpu.memref_slice %arg8[%add3A_201, %dma_start3A_202] : memref<125x80xi32, #tpu.memory_space<vmem>> -> memref<1x80xi32, #tpu.memory_space<vmem>>
        %dma_start3A_204 = tpu.memref_squeeze %dma_start3A_203 : memref<1x80xi32, #tpu.memory_space<vmem>> -> memref<80xi32, #tpu.memory_space<vmem>>
        %dma_start3A_205 = arith.constant 0 : i32
        %dma_start3A_206 = arith.constant 0 : i32
        %dma_start3A_207 = tpu.memref_slice %arg2[%dma_start3A_205, %dma_start3A_206] : memref<20000x64xf32, #tpu.memory_space<hbm>> -> memref<20000x64xf32, #tpu.memory_space<hbm>>
        tpu.enqueue_indirect_dma source(%dma_start3A_207 : memref<20000x64xf32, #tpu.memory_space<hbm>>) target(%arg11 : memref<80x64xf32, #tpu.memory_space<vmem>>) offsets(%dma_start3A_204 : memref<80xi32, #tpu.memory_space<vmem>>) semaphore(%arg16 : memref<!tpu.dma_semaphore, #tpu.memory_space<semaphore_mem>>)
      } else {
      }
      %lt3A_179 = arith.constant 24 : i32
      %lt3A_180 = arith.cmpi slt, %scan3A_79, %lt3A_179 : i32
      %convert_element_type3A_181 = arith.extui %lt3A_180 : i1 to i32
      %cond3A_182 = arith.constant 0 : i32
      %cond3A_183 = arith.cmpi ne, %convert_element_type3A_181, %cond3A_182 : i32
      scf.if %cond3A_183 {
        %add3A_189 = arith.constant 3 : i32
        %add3A_190 = arith.addi %mul3A_81, %add3A_189 : i32
        %mul3A_191 = arith.constant 80 : i32
        %mul3A_192 = arith.muli %add3A_190, %mul3A_191 : i32
        %add3A_193 = arith.addi %mul3A_4, %mul3A_192 : i32
        %dma_wait3A_194 = arith.constant 0 : i32
        %dma_wait3A_195 = tpu.memref_slice %arg5[%add3A_193, %dma_wait3A_194] : memref<320000x64xf32, #tpu.memory_space<hbm>> -> memref<80x64xf32, #tpu.memory_space<hbm>>
        %dma_wait3A_196 = arith.constant 0 : i32
        %dma_wait3A_197 = tpu.memref_slice %arg5[%add3A_193, %dma_wait3A_196] : memref<320000x64xf32, #tpu.memory_space<hbm>> -> memref<80x64xf32, #tpu.memory_space<hbm>>
        tpu.wait_dma2 semaphore(%arg22 : memref<!tpu.dma_semaphore, #tpu.memory_space<semaphore_mem>>) src(%arg12 : memref<80x64xf32, #tpu.memory_space<vmem>>) dst(%dma_wait3A_197 : memref<80x64xf32, #tpu.memory_space<hbm>>)
        %add3A_198 = arith.constant 5 : i32
        %add3A_199 = arith.addi %mul3A_81, %add3A_198 : i32
        %add3A_200 = arith.constant 3 : i32
        %add3A_201 = arith.addi %add3A_199, %add3A_200 : i32
        %dma_start3A_202 = arith.constant 0 : i32
        %dma_start3A_203 = tpu.memref_slice %arg8[%add3A_201, %dma_start3A_202] : memref<125x80xi32, #tpu.memory_space<vmem>> -> memref<1x80xi32, #tpu.memory_space<vmem>>
        %dma_start3A_204 = tpu.memref_squeeze %dma_start3A_203 : memref<1x80xi32, #tpu.memory_space<vmem>> -> memref<80xi32, #tpu.memory_space<vmem>>
        %dma_start3A_205 = arith.constant 0 : i32
        %dma_start3A_206 = arith.constant 0 : i32
        %dma_start3A_207 = tpu.memref_slice %arg2[%dma_start3A_205, %dma_start3A_206] : memref<20000x64xf32, #tpu.memory_space<hbm>> -> memref<20000x64xf32, #tpu.memory_space<hbm>>
        tpu.enqueue_indirect_dma source(%dma_start3A_207 : memref<20000x64xf32, #tpu.memory_space<hbm>>) target(%arg12 : memref<80x64xf32, #tpu.memory_space<vmem>>) offsets(%dma_start3A_204 : memref<80xi32, #tpu.memory_space<vmem>>) semaphore(%arg17 : memref<!tpu.dma_semaphore, #tpu.memory_space<semaphore_mem>>)
      } else {
      }
      %lt3A_184 = arith.constant 24 : i32
      %lt3A_185 = arith.cmpi slt, %scan3A_79, %lt3A_184 : i32
      %convert_element_type3A_186 = arith.extui %lt3A_185 : i1 to i32
      %cond3A_187 = arith.constant 0 : i32
      %cond3A_188 = arith.cmpi ne, %convert_element_type3A_186, %cond3A_187 : i32
      scf.if %cond3A_188 {
        %add3A_189 = arith.constant 4 : i32
        %add3A_190 = arith.addi %mul3A_81, %add3A_189 : i32
        %mul3A_191 = arith.constant 80 : i32
        %mul3A_192 = arith.muli %add3A_190, %mul3A_191 : i32
        %add3A_193 = arith.addi %mul3A_4, %mul3A_192 : i32
        %dma_wait3A_194 = arith.constant 0 : i32
        %dma_wait3A_195 = tpu.memref_slice %arg5[%add3A_193, %dma_wait3A_194] : memref<320000x64xf32, #tpu.memory_space<hbm>> -> memref<80x64xf32, #tpu.memory_space<hbm>>
        %dma_wait3A_196 = arith.constant 0 : i32
        %dma_wait3A_197 = tpu.memref_slice %arg5[%add3A_193, %dma_wait3A_196] : memref<320000x64xf32, #tpu.memory_space<hbm>> -> memref<80x64xf32, #tpu.memory_space<hbm>>
        tpu.wait_dma2 semaphore(%arg23 : memref<!tpu.dma_semaphore, #tpu.memory_space<semaphore_mem>>) src(%arg13 : memref<80x64xf32, #tpu.memory_space<vmem>>) dst(%dma_wait3A_197 : memref<80x64xf32, #tpu.memory_space<hbm>>)
        %add3A_198 = arith.constant 5 : i32
        %add3A_199 = arith.addi %mul3A_81, %add3A_198 : i32
        %add3A_200 = arith.constant 4 : i32
        %add3A_201 = arith.addi %add3A_199, %add3A_200 : i32
        %dma_start3A_202 = arith.constant 0 : i32
        %dma_start3A_203 = tpu.memref_slice %arg8[%add3A_201, %dma_start3A_202] : memref<125x80xi32, #tpu.memory_space<vmem>> -> memref<1x80xi32, #tpu.memory_space<vmem>>
        %dma_start3A_204 = tpu.memref_squeeze %dma_start3A_203 : memref<1x80xi32, #tpu.memory_space<vmem>> -> memref<80xi32, #tpu.memory_space<vmem>>
        %dma_start3A_205 = arith.constant 0 : i32
        %dma_start3A_206 = arith.constant 0 : i32
        %dma_start3A_207 = tpu.memref_slice %arg2[%dma_start3A_205, %dma_start3A_206] : memref<20000x64xf32, #tpu.memory_space<hbm>> -> memref<20000x64xf32, #tpu.memory_space<hbm>>
        tpu.enqueue_indirect_dma source(%dma_start3A_207 : memref<20000x64xf32, #tpu.memory_space<hbm>>) target(%arg13 : memref<80x64xf32, #tpu.memory_space<vmem>>) offsets(%dma_start3A_204 : memref<80xi32, #tpu.memory_space<vmem>>) semaphore(%arg18 : memref<!tpu.dma_semaphore, #tpu.memory_space<semaphore_mem>>)
      } else {
      }
    }
    %scan3A_49 = arith.constant 25 : i32
    %add3A_50 = arith.constant 9600 : i32
    %add3A_51 = arith.addi %mul3A_4, %add3A_50 : i32
    %dma_wait3A = arith.constant 0 : i32
    %dma_wait3A_52 = tpu.memref_slice %arg5[%add3A_51, %dma_wait3A] : memref<320000x64xf32, #tpu.memory_space<hbm>> -> memref<80x64xf32, #tpu.memory_space<hbm>>
    %dma_wait3A_53 = arith.constant 0 : i32
    %dma_wait3A_54 = tpu.memref_slice %arg5[%add3A_51, %dma_wait3A_53] : memref<320000x64xf32, #tpu.memory_space<hbm>> -> memref<80x64xf32, #tpu.memory_space<hbm>>
    tpu.wait_dma2 semaphore(%arg19 : memref<!tpu.dma_semaphore, #tpu.memory_space<semaphore_mem>>) src(%arg9 : memref<80x64xf32, #tpu.memory_space<vmem>>) dst(%dma_wait3A_54 : memref<80x64xf32, #tpu.memory_space<hbm>>)
    %add3A_55 = arith.constant 9680 : i32
    %add3A_56 = arith.addi %mul3A_4, %add3A_55 : i32
    %dma_wait3A_57 = arith.constant 0 : i32
    %dma_wait3A_58 = tpu.memref_slice %arg5[%add3A_56, %dma_wait3A_57] : memref<320000x64xf32, #tpu.memory_space<hbm>> -> memref<80x64xf32, #tpu.memory_space<hbm>>
    %dma_wait3A_59 = arith.constant 0 : i32
    %dma_wait3A_60 = tpu.memref_slice %arg5[%add3A_56, %dma_wait3A_59] : memref<320000x64xf32, #tpu.memory_space<hbm>> -> memref<80x64xf32, #tpu.memory_space<hbm>>
    tpu.wait_dma2 semaphore(%arg20 : memref<!tpu.dma_semaphore, #tpu.memory_space<semaphore_mem>>) src(%arg10 : memref<80x64xf32, #tpu.memory_space<vmem>>) dst(%dma_wait3A_60 : memref<80x64xf32, #tpu.memory_space<hbm>>)
    %add3A_61 = arith.constant 9760 : i32
    %add3A_62 = arith.addi %mul3A_4, %add3A_61 : i32
    %dma_wait3A_63 = arith.constant 0 : i32
    %dma_wait3A_64 = tpu.memref_slice %arg5[%add3A_62, %dma_wait3A_63] : memref<320000x64xf32, #tpu.memory_space<hbm>> -> memref<80x64xf32, #tpu.memory_space<hbm>>
    %dma_wait3A_65 = arith.constant 0 : i32
    %dma_wait3A_66 = tpu.memref_slice %arg5[%add3A_62, %dma_wait3A_65] : memref<320000x64xf32, #tpu.memory_space<hbm>> -> memref<80x64xf32, #tpu.memory_space<hbm>>
    tpu.wait_dma2 semaphore(%arg21 : memref<!tpu.dma_semaphore, #tpu.memory_space<semaphore_mem>>) src(%arg11 : memref<80x64xf32, #tpu.memory_space<vmem>>) dst(%dma_wait3A_66 : memref<80x64xf32, #tpu.memory_space<hbm>>)
    %add3A_67 = arith.constant 9840 : i32
    %add3A_68 = arith.addi %mul3A_4, %add3A_67 : i32
    %dma_wait3A_69 = arith.constant 0 : i32
    %dma_wait3A_70 = tpu.memref_slice %arg5[%add3A_68, %dma_wait3A_69] : memref<320000x64xf32, #tpu.memory_space<hbm>> -> memref<80x64xf32, #tpu.memory_space<hbm>>
    %dma_wait3A_71 = arith.constant 0 : i32
    %dma_wait3A_72 = tpu.memref_slice %arg5[%add3A_68, %dma_wait3A_71] : memref<320000x64xf32, #tpu.memory_space<hbm>> -> memref<80x64xf32, #tpu.memory_space<hbm>>
    tpu.wait_dma2 semaphore(%arg22 : memref<!tpu.dma_semaphore, #tpu.memory_space<semaphore_mem>>) src(%arg12 : memref<80x64xf32, #tpu.memory_space<vmem>>) dst(%dma_wait3A_72 : memref<80x64xf32, #tpu.memory_space<hbm>>)
    %add3A_73 = arith.constant 9920 : i32
    %add3A_74 = arith.addi %mul3A_4, %add3A_73 : i32
    %dma_wait3A_75 = arith.constant 0 : i32
    %dma_wait3A_76 = tpu.memref_slice %arg5[%add3A_74, %dma_wait3A_75] : memref<320000x64xf32, #tpu.memory_space<hbm>> -> memref<80x64xf32, #tpu.memory_space<hbm>>
    %dma_wait3A_77 = arith.constant 0 : i32
    %dma_wait3A_78 = tpu.memref_slice %arg5[%add3A_74, %dma_wait3A_77] : memref<320000x64xf32, #tpu.memory_space<hbm>> -> memref<80x64xf32, #tpu.memory_space<hbm>>
    tpu.wait_dma2 semaphore(%arg23 : memref<!tpu.dma_semaphore, #tpu.memory_space<semaphore_mem>>) src(%arg13 : memref<80x64xf32, #tpu.memory_space<vmem>>) dst(%dma_wait3A_78 : memref<80x64xf32, #tpu.memory_space<hbm>>)
    return
  }
}

module attributes {stable_mosaic.version = 14 : i64} {
  func.func @_prep_body(%arg0: memref<10000x128xf32, #tpu.memory_space<vmem>>, %arg1: memref<1x128xf32, #tpu.memory_space<vmem>>, %arg2: memref<128x64xf32, #tpu.memory_space<vmem>>, %arg3: memref<1x64xf32, #tpu.memory_space<vmem>>, %arg4: memref<128x64xf32, #tpu.memory_space<vmem>>, %arg5: memref<1x64xf32, #tpu.memory_space<vmem>>, %arg6: memref<64x128xf32, #tpu.memory_space<vmem>>, %arg7: memref<64x64xf32, #tpu.memory_space<vmem>>, %arg8: memref<1x64xf32, #tpu.memory_space<vmem>>, %arg9: memref<64x64xf32, #tpu.memory_space<vmem>>, %arg10: memref<1x64xf32, #tpu.memory_space<vmem>>, %arg11: memref<10000x128xf32, #tpu.memory_space<vmem>>, %arg12: memref<1x64xf32, #tpu.memory_space<vmem>>, %arg13: memref<1x64xf32, #tpu.memory_space<vmem>>, %arg14: memref<1x64xf32, #tpu.memory_space<vmem>>) attributes {dimension_semantics = [], scalar_prefetch = 0 : i64, scratch_operands = 0 : i64, tpu.core_type = #tpu.core_type<tc>} {
    %get3A = arith.constant 0 : index
    %get3A_0 = arith.constant 0 : index
    %get3A_1 = vector.load %arg0[%get3A, %get3A_0] : memref<10000x128xf32, #tpu.memory_space<vmem>>, vector<10000x128xf32>
    %get3A_2 = arith.constant 0 : index
    %get3A_3 = arith.constant 0 : index
    %get3A_4 = vector.load %arg2[%get3A_2, %get3A_3] : memref<128x64xf32, #tpu.memory_space<vmem>>, vector<128x64xf32>
    %dot_general3A = arith.constant dense<0.000000e+00> : vector<10000x64xf32>
    %dot_general3A_5 = tpu.matmul %get3A_1, %get3A_4, %dot_general3A {dimension_numbers = #tpu.dot_dimension_numbers<[1], [0], [0], [1], [0, 0, 1, 1], [], []>, transpose_lhs_hint = false} : vector<10000x128xf32>, vector<128x64xf32>, vector<10000x64xf32> -> vector<10000x64xf32>
    %get3A_6 = arith.constant 0 : index
    %get3A_7 = arith.constant 0 : index
    %get3A_8 = vector.load %arg3[%get3A_6, %get3A_7] : memref<1x64xf32, #tpu.memory_space<vmem>>, vector<1x64xf32>
    %add3A = vector.broadcast %get3A_8 : vector<1x64xf32> to vector<10000x64xf32>
    %add3A_9 = arith.addf %dot_general3A_5, %add3A : vector<10000x64xf32>
    %max3A = arith.constant 0.000000e+00 : f32
    %max3A_10 = vector.broadcast %max3A : f32 to vector<10000x64xf32>
    %max3A_11 = arith.maximumf %add3A_9, %max3A_10 : vector<10000x64xf32>
    %get3A_12 = arith.constant 0 : index
    %get3A_13 = arith.constant 0 : index
    %get3A_14 = vector.load %arg6[%get3A_12, %get3A_13] : memref<64x128xf32, #tpu.memory_space<vmem>>, vector<64x128xf32>
    %dot_general3A_15 = arith.constant dense<0.000000e+00> : vector<10000x128xf32>
    %dot_general3A_16 = tpu.matmul %max3A_11, %get3A_14, %dot_general3A_15 {dimension_numbers = #tpu.dot_dimension_numbers<[1], [0], [0], [1], [0, 0, 1, 1], [], []>, transpose_lhs_hint = false} : vector<10000x64xf32>, vector<64x128xf32>, vector<10000x128xf32> -> vector<10000x128xf32>
    %swap3A = arith.constant 0 : index
    %swap3A_17 = arith.constant 0 : index
    %swap3A_18 = vector.load %arg11[%swap3A, %swap3A_17] : memref<10000x128xf32, #tpu.memory_space<vmem>>, vector<10000x128xf32>
    tpu.vector_store %arg11[%swap3A, %swap3A_17], %dot_general3A_16 {strides = array<i32>} : memref<10000x128xf32, #tpu.memory_space<vmem>>, vector<10000x128xf32>,
    %get3A_19 = arith.constant 0 : index
    %get3A_20 = arith.constant 0 : index
    %get3A_21 = vector.load %arg1[%get3A_19, %get3A_20] : memref<1x128xf32, #tpu.memory_space<vmem>>, vector<1x128xf32>
    %get3A_22 = arith.constant 0 : index
    %get3A_23 = arith.constant 0 : index
    %get3A_24 = vector.load %arg4[%get3A_22, %get3A_23] : memref<128x64xf32, #tpu.memory_space<vmem>>, vector<128x64xf32>
    %dot_general3A_25 = arith.constant dense<0.000000e+00> : vector<1x64xf32>
    %dot_general3A_26 = tpu.matmul %get3A_21, %get3A_24, %dot_general3A_25 {dimension_numbers = #tpu.dot_dimension_numbers<[1], [0], [0], [1], [0, 0, 1, 1], [], []>, transpose_lhs_hint = false} : vector<1x128xf32>, vector<128x64xf32>, vector<1x64xf32> -> vector<1x64xf32>
    %get3A_27 = arith.constant 0 : index
    %get3A_28 = arith.constant 0 : index
    %get3A_29 = vector.load %arg5[%get3A_27, %get3A_28] : memref<1x64xf32, #tpu.memory_space<vmem>>, vector<1x64xf32>
    %add3A_30 = arith.addf %dot_general3A_26, %get3A_29 : vector<1x64xf32>
    %max3A_31 = arith.constant 0.000000e+00 : f32
    %max3A_32 = vector.broadcast %max3A_31 : f32 to vector<1x64xf32>
    %max3A_33 = arith.maximumf %add3A_30, %max3A_32 : vector<1x64xf32>
    %swap3A_34 = arith.constant 0 : index
    %swap3A_35 = arith.constant 0 : index
    %swap3A_36 = vector.load %arg12[%swap3A_34, %swap3A_35] : memref<1x64xf32, #tpu.memory_space<vmem>>, vector<1x64xf32>
    tpu.vector_store %arg12[%swap3A_34, %swap3A_35], %max3A_33 {strides = array<i32>} : memref<1x64xf32, #tpu.memory_space<vmem>>, vector<1x64xf32>,
    %get3A_37 = arith.constant 0 : index
    %get3A_38 = arith.constant 0 : index
    %get3A_39 = vector.load %arg7[%get3A_37, %get3A_38] : memref<64x64xf32, #tpu.memory_space<vmem>>, vector<64x64xf32>
    %dot_general3A_40 = arith.constant dense<0.000000e+00> : vector<1x64xf32>
    %dot_general3A_41 = tpu.matmul %max3A_33, %get3A_39, %dot_general3A_40 {dimension_numbers = #tpu.dot_dimension_numbers<[1], [0], [0], [1], [0, 0, 1, 1], [], []>, transpose_lhs_hint = false} : vector<1x64xf32>, vector<64x64xf32>, vector<1x64xf32> -> vector<1x64xf32>
    %get3A_42 = arith.constant 0 : index
    %get3A_43 = arith.constant 0 : index
    %get3A_44 = vector.load %arg8[%get3A_42, %get3A_43] : memref<1x64xf32, #tpu.memory_space<vmem>>, vector<1x64xf32>
    %add3A_45 = arith.addf %dot_general3A_41, %get3A_44 : vector<1x64xf32>
    %swap3A_46 = arith.constant 0 : index
    %swap3A_47 = arith.constant 0 : index
    %swap3A_48 = vector.load %arg13[%swap3A_46, %swap3A_47] : memref<1x64xf32, #tpu.memory_space<vmem>>, vector<1x64xf32>
    tpu.vector_store %arg13[%swap3A_46, %swap3A_47], %add3A_45 {strides = array<i32>} : memref<1x64xf32, #tpu.memory_space<vmem>>, vector<1x64xf32>,
    %get3A_49 = arith.constant 0 : index
    %get3A_50 = arith.constant 0 : index
    %get3A_51 = vector.load %arg9[%get3A_49, %get3A_50] : memref<64x64xf32, #tpu.memory_space<vmem>>, vector<64x64xf32>
    %dot_general3A_52 = arith.constant dense<0.000000e+00> : vector<1x64xf32>
    %dot_general3A_53 = tpu.matmul %max3A_33, %get3A_51, %dot_general3A_52 {dimension_numbers = #tpu.dot_dimension_numbers<[1], [0], [0], [1], [0, 0, 1, 1], [], []>, transpose_lhs_hint = false} : vector<1x64xf32>, vector<64x64xf32>, vector<1x64xf32> -> vector<1x64xf32>
    %get3A_54 = arith.constant 0 : index
    %get3A_55 = arith.constant 0 : index
    %get3A_56 = vector.load %arg10[%get3A_54, %get3A_55] : memref<1x64xf32, #tpu.memory_space<vmem>>, vector<1x64xf32>
    %add3A_57 = arith.addf %dot_general3A_53, %get3A_56 : vector<1x64xf32>
    %swap3A_58 = arith.constant 0 : index
    %swap3A_59 = arith.constant 0 : index
    %swap3A_60 = vector.load %arg14[%swap3A_58, %swap3A_59] : memref<1x64xf32, #tpu.memory_space<vmem>>, vector<1x64xf32>
    tpu.vector_store %arg14[%swap3A_58, %swap3A_59], %add3A_57 {strides = array<i32>} : memref<1x64xf32, #tpu.memory_space<vmem>>, vector<1x64xf32>,
    return
  }
}

module attributes {stable_mosaic.version = 14 : i64} {
  func.func @_edge_body_a(%arg0: i32, %arg1: memref<6400x128xf32, #tpu.memory_space<vmem>>, %arg2: memref<6400x128xf32, #tpu.memory_space<vmem>>, %arg3: memref<1x64xf32, #tpu.memory_space<vmem>>, %arg4: memref<128x64xf32, #tpu.memory_space<vmem>>, %arg5: memref<1x64xf32, #tpu.memory_space<vmem>>, %arg6: memref<64x64xf32, #tpu.memory_space<vmem>>, %arg7: memref<64x128xf32, #tpu.memory_space<vmem>>, %arg8: memref<1x128xf32, #tpu.memory_space<vmem>>, %arg9: memref<128x64xf32, #tpu.memory_space<vmem>>, %arg10: memref<6400x128xf32, #tpu.memory_space<vmem>>, %arg11: memref<3200x128xf32, #tpu.memory_space<vmem>>, %arg12: memref<1x128xf32, #tpu.memory_space<vmem>>) attributes {dimension_semantics = [#tpu.dimension_semantics<arbitrary>], iteration_bounds = array<i64: 25>, scalar_prefetch = 0 : i64, scratch_operands = 0 : i64, tpu.core_type = #tpu.core_type<tc>, window_params = [{transform_indices = @transform_0, window_bounds = array<i64: 6400, 128>}, {transform_indices = @transform_1, window_bounds = array<i64: 6400, 128>}, {pipeline_mode = #tpu.pipeline_mode<synchronous>, transform_indices = @transform_2, window_bounds = array<i64: 1, 64>}, {pipeline_mode = #tpu.pipeline_mode<synchronous>, transform_indices = @transform_3, window_bounds = array<i64: 128, 64>}, {pipeline_mode = #tpu.pipeline_mode<synchronous>, transform_indices = @transform_4, window_bounds = array<i64: 1, 64>}, {pipeline_mode = #tpu.pipeline_mode<synchronous>, transform_indices = @transform_5, window_bounds = array<i64: 64, 64>}, {pipeline_mode = #tpu.pipeline_mode<synchronous>, transform_indices = @transform_6, window_bounds = array<i64: 64, 128>}, {pipeline_mode = #tpu.pipeline_mode<synchronous>, transform_indices = @transform_7, window_bounds = array<i64: 1, 128>}, {pipeline_mode = #tpu.pipeline_mode<synchronous>, transform_indices = @transform_8, window_bounds = array<i64: 128, 64>}, {transform_indices = @transform_9, window_bounds = array<i64: 6400, 128>}, {transform_indices = @transform_10, window_bounds = array<i64: 3200, 128>}, {pipeline_mode = #tpu.pipeline_mode<synchronous>, transform_indices = @transform_11, window_bounds = array<i64: 1, 128>}]} {
    %get3A = arith.constant 0 : index
    %get3A_0 = arith.constant 0 : index
    %get3A_1 = vector.load %arg1[%get3A, %get3A_0] : memref<6400x128xf32, #tpu.memory_space<vmem>>, vector<6400x128xf32>
    %get3A_2 = arith.constant 0 : index
    %get3A_3 = arith.constant 0 : index
    %get3A_4 = vector.load %arg4[%get3A_2, %get3A_3] : memref<128x64xf32, #tpu.memory_space<vmem>>, vector<128x64xf32>
    %dot_general3A = arith.constant dense<0.000000e+00> : vector<6400x64xf32>
    %dot_general3A_5 = tpu.matmul %get3A_1, %get3A_4, %dot_general3A {dimension_numbers = #tpu.dot_dimension_numbers<[1], [0], [0], [1], [0, 0, 1, 1], [], []>, transpose_lhs_hint = false} : vector<6400x128xf32>, vector<128x64xf32>, vector<6400x64xf32> -> vector<6400x64xf32>
    %get3A_6 = arith.constant 0 : index
    %get3A_7 = arith.constant 0 : index
    %get3A_8 = vector.load %arg5[%get3A_6, %get3A_7] : memref<1x64xf32, #tpu.memory_space<vmem>>, vector<1x64xf32>
    %add3A = vector.broadcast %get3A_8 : vector<1x64xf32> to vector<6400x64xf32>
    %add3A_9 = arith.addf %dot_general3A_5, %add3A : vector<6400x64xf32>
    %max3A = arith.constant 0.000000e+00 : f32
    %max3A_10 = vector.broadcast %max3A : f32 to vector<6400x64xf32>
    %max3A_11 = arith.maximumf %add3A_9, %max3A_10 : vector<6400x64xf32>
    %get3A_12 = arith.constant 0 : index
    %get3A_13 = arith.constant 0 : index
    %get3A_14 = vector.load %arg2[%get3A_12, %get3A_13] : memref<6400x128xf32, #tpu.memory_space<vmem>>, vector<6400x128xf32>
    %get3A_15 = arith.constant 0 : index
    %get3A_16 = arith.constant 0 : index
    %get3A_17 = vector.load %arg6[%get3A_15, %get3A_16] : memref<64x64xf32, #tpu.memory_space<vmem>>, vector<64x64xf32>
    %dot_general3A_18 = arith.constant dense<0.000000e+00> : vector<6400x64xf32>
    %dot_general3A_19 = tpu.matmul %max3A_11, %get3A_17, %dot_general3A_18 {dimension_numbers = #tpu.dot_dimension_numbers<[1], [0], [0], [1], [0, 0, 1, 1], [], []>, transpose_lhs_hint = false} : vector<6400x64xf32>, vector<64x64xf32>, vector<6400x64xf32> -> vector<6400x64xf32>
    %slice3A = vector.extract_strided_slice %get3A_14 {offsets = [0, 0], sizes = [6400, 64], strides = [1, 1]} : vector<6400x128xf32> to vector<6400x64xf32>
    %add3A_20 = arith.addf %dot_general3A_19, %slice3A : vector<6400x64xf32>
    %slice3A_21 = vector.extract_strided_slice %get3A_14 {offsets = [0, 64], sizes = [6400, 64], strides = [1, 1]} : vector<6400x128xf32> to vector<6400x64xf32>
    %add3A_22 = arith.addf %add3A_20, %slice3A_21 : vector<6400x64xf32>
    %get3A_23 = arith.constant 0 : index
    %get3A_24 = arith.constant 0 : index
    %get3A_25 = vector.load %arg3[%get3A_23, %get3A_24] : memref<1x64xf32, #tpu.memory_space<vmem>>, vector<1x64xf32>
    %add3A_26 = vector.broadcast %get3A_25 : vector<1x64xf32> to vector<6400x64xf32>
    %add3A_27 = arith.addf %add3A_22, %add3A_26 : vector<6400x64xf32>
    %max3A_28 = arith.constant 0.000000e+00 : f32
    %max3A_29 = vector.broadcast %max3A_28 : f32 to vector<6400x64xf32>
    %max3A_30 = arith.maximumf %add3A_27, %max3A_29 : vector<6400x64xf32>
    %get3A_31 = arith.constant 0 : index
    %get3A_32 = arith.constant 0 : index
    %get3A_33 = vector.load %arg7[%get3A_31, %get3A_32] : memref<64x128xf32, #tpu.memory_space<vmem>>, vector<64x128xf32>
    %dot_general3A_34 = arith.constant dense<0.000000e+00> : vector<6400x128xf32>
    %dot_general3A_35 = tpu.matmul %max3A_30, %get3A_33, %dot_general3A_34 {dimension_numbers = #tpu.dot_dimension_numbers<[1], [0], [0], [1], [0, 0, 1, 1], [], []>, transpose_lhs_hint = false} : vector<6400x64xf32>, vector<64x128xf32>, vector<6400x128xf32> -> vector<6400x128xf32>
    %get3A_36 = arith.constant 0 : index
    %get3A_37 = arith.constant 0 : index
    %get3A_38 = vector.load %arg8[%get3A_36, %get3A_37] : memref<1x128xf32, #tpu.memory_space<vmem>>, vector<1x128xf32>
    %add3A_39 = vector.broadcast %get3A_38 : vector<1x128xf32> to vector<6400x128xf32>
    %add3A_40 = arith.addf %dot_general3A_35, %add3A_39 : vector<6400x128xf32>
    %max3A_41 = arith.constant 0.000000e+00 : f32
    %max3A_42 = vector.broadcast %max3A_41 : f32 to vector<6400x128xf32>
    %max3A_43 = arith.maximumf %add3A_40, %max3A_42 : vector<6400x128xf32>
    %get3A_44 = arith.constant 0 : index
    %get3A_45 = arith.constant 0 : index
    %get3A_46 = vector.load %arg1[%get3A_44, %get3A_45] : memref<6400x128xf32, #tpu.memory_space<vmem>>, vector<6400x128xf32>
    %add3A_47 = arith.addf %max3A_43, %get3A_46 : vector<6400x128xf32>
    %swap3A = arith.constant 0 : index
    %swap3A_48 = arith.constant 0 : index
    %swap3A_49 = vector.load %arg10[%swap3A, %swap3A_48] : memref<6400x128xf32, #tpu.memory_space<vmem>>, vector<6400x128xf32>
    tpu.vector_store %arg10[%swap3A, %swap3A_48], %add3A_47 {strides = array<i32>} : memref<6400x128xf32, #tpu.memory_space<vmem>>, vector<6400x128xf32>,
    %slice3A_50 = vector.extract_strided_slice %max3A_43 {offsets = [0, 0], sizes = [3200, 128], strides = [1, 1]} : vector<6400x128xf32> to vector<3200x128xf32>
    %get3A_51 = arith.constant 0 : index
    %get3A_52 = arith.constant 0 : index
    %get3A_53 = vector.load %arg9[%get3A_51, %get3A_52] : memref<128x64xf32, #tpu.memory_space<vmem>>, vector<128x64xf32>
    %dot_general3A_54 = arith.constant dense<0.000000e+00> : vector<3200x64xf32>
    %dot_general3A_55 = tpu.matmul %slice3A_50, %get3A_53, %dot_general3A_54 {dimension_numbers = #tpu.dot_dimension_numbers<[1], [0], [0], [1], [0, 0, 1, 1], [], []>, transpose_lhs_hint = false} : vector<3200x128xf32>, vector<128x64xf32>, vector<3200x64xf32> -> vector<3200x64xf32>
    %slice3A_56 = vector.extract_strided_slice %max3A_43 {offsets = [3200, 0], sizes = [3200, 128], strides = [1, 1]} : vector<6400x128xf32> to vector<3200x128xf32>
    %get3A_57 = arith.constant 0 : index
    %get3A_58 = arith.constant 0 : index
    %get3A_59 = vector.load %arg9[%get3A_57, %get3A_58] : memref<128x64xf32, #tpu.memory_space<vmem>>, vector<128x64xf32>
    %dot_general3A_60 = arith.constant dense<0.000000e+00> : vector<3200x64xf32>
    %dot_general3A_61 = tpu.matmul %slice3A_56, %get3A_59, %dot_general3A_60 {dimension_numbers = #tpu.dot_dimension_numbers<[1], [0], [0], [1], [0, 0, 1, 1], [], []>, transpose_lhs_hint = false} : vector<3200x128xf32>, vector<128x64xf32>, vector<3200x64xf32> -> vector<3200x64xf32>
    %concatenate3A = tpu.concatenate %dot_general3A_55, %dot_general3A_61 in 1 : vector<3200x64xf32>, vector<3200x64xf32> -> vector<3200x128xf32>
    %swap3A_62 = arith.constant 0 : index
    %swap3A_63 = arith.constant 0 : index
    %swap3A_64 = vector.load %arg11[%swap3A_62, %swap3A_63] : memref<3200x128xf32, #tpu.memory_space<vmem>>, vector<3200x128xf32>
    tpu.vector_store %arg11[%swap3A_62, %swap3A_63], %concatenate3A {strides = array<i32>} : memref<3200x128xf32, #tpu.memory_space<vmem>>, vector<3200x128xf32>,
    %eq3A = arith.constant 0 : i32
    %eq3A_65 = arith.cmpi eq, %arg0, %eq3A : i32
    %convert_element_type3A = arith.extui %eq3A_65 : i1 to i32
    %cond3A = arith.constant 0 : i32
    %cond3A_66 = arith.cmpi ne, %convert_element_type3A, %cond3A : i32
    scf.if %cond3A_66 {
      %broadcast_in_dim3A_75 = arith.constant 0.000000e+00 : f32
      %broadcast_in_dim3A_76 = vector.broadcast %broadcast_in_dim3A_75 : f32 to vector<1x128xf32>
      %swap3A_77 = arith.constant 0 : index
      %swap3A_78 = arith.constant 0 : index
      %swap3A_79 = vector.load %arg12[%swap3A_77, %swap3A_78] : memref<1x128xf32, #tpu.memory_space<vmem>>, vector<1x128xf32>
      tpu.vector_store %arg12[%swap3A_77, %swap3A_78], %broadcast_in_dim3A_76 {strides = array<i32>} : memref<1x128xf32, #tpu.memory_space<vmem>>, vector<1x128xf32>,
    } else {
    }
    %get3A_67 = arith.constant 0 : index
    %get3A_68 = arith.constant 0 : index
    %get3A_69 = vector.load %arg12[%get3A_67, %get3A_68] : memref<1x128xf32, #tpu.memory_space<vmem>>, vector<1x128xf32>
    %reduce_sum3A = arith.constant dense<0.000000e+00> : vector<128xf32>
    %reduce_sum3A_70 = vector.multi_reduction <add>, %max3A_43, %reduce_sum3A [0] : vector<6400x128xf32> to vector<128xf32>
    %broadcast_in_dim3A = vector.shape_cast %reduce_sum3A_70 : vector<128xf32> to vector<1x128xf32>
    %add3A_71 = arith.addf %get3A_69, %broadcast_in_dim3A : vector<1x128xf32>
    %swap3A_72 = arith.constant 0 : index
    %swap3A_73 = arith.constant 0 : index
    %swap3A_74 = vector.load %arg12[%swap3A_72, %swap3A_73] : memref<1x128xf32, #tpu.memory_space<vmem>>, vector<1x128xf32>
    tpu.vector_store %arg12[%swap3A_72, %swap3A_73], %add3A_71 {strides = array<i32>} : memref<1x128xf32, #tpu.memory_space<vmem>>, vector<1x128xf32>,
    return
  }
  func.func @transform_0(%arg0: i32) -> (i32, i32) {
    %add3A = arith.constant 0 : i32
    %add3A_0 = arith.addi %arg0, %add3A : i32
    %c0_i32 = arith.constant 0 : i32
    %c0_i32_1 = arith.constant 0 : i32
    return %add3A_0, %c0_i32 : i32, i32
  }
  func.func @transform_1(%arg0: i32) -> (i32, i32) {
    %c0_i32 = arith.constant 0 : i32
    %c0_i32_0 = arith.constant 0 : i32
    return %arg0, %c0_i32 : i32, i32
  }
  func.func @transform_2(%arg0: i32) -> (i32, i32) {
    %c0_i32 = arith.constant 0 : i32
    %c0_i32_0 = arith.constant 0 : i32
    %c0_i32_1 = arith.constant 0 : i32
    return %c0_i32, %c0_i32_0 : i32, i32
  }
  func.func @transform_3(%arg0: i32) -> (i32, i32) {
    %c0_i32 = arith.constant 0 : i32
    %c0_i32_0 = arith.constant 0 : i32
    %c0_i32_1 = arith.constant 0 : i32
    return %c0_i32, %c0_i32_0 : i32, i32
  }
  func.func @transform_4(%arg0: i32) -> (i32, i32) {
    %c0_i32 = arith.constant 0 : i32
    %c0_i32_0 = arith.constant 0 : i32
    %c0_i32_1 = arith.constant 0 : i32
    return %c0_i32, %c0_i32_0 : i32, i32
  }
  func.func @transform_5(%arg0: i32) -> (i32, i32) {
    %c0_i32 = arith.constant 0 : i32
    %c0_i32_0 = arith.constant 0 : i32
    %c0_i32_1 = arith.constant 0 : i32
    return %c0_i32, %c0_i32_0 : i32, i32
  }
  func.func @transform_6(%arg0: i32) -> (i32, i32) {
    %c0_i32 = arith.constant 0 : i32
    %c0_i32_0 = arith.constant 0 : i32
    %c0_i32_1 = arith.constant 0 : i32
    return %c0_i32, %c0_i32_0 : i32, i32
  }
  func.func @transform_7(%arg0: i32) -> (i32, i32) {
    %c0_i32 = arith.constant 0 : i32
    %c0_i32_0 = arith.constant 0 : i32
    %c0_i32_1 = arith.constant 0 : i32
    return %c0_i32, %c0_i32_0 : i32, i32
  }
  func.func @transform_8(%arg0: i32) -> (i32, i32) {
    %c0_i32 = arith.constant 0 : i32
    %c0_i32_0 = arith.constant 0 : i32
    %c0_i32_1 = arith.constant 0 : i32
    return %c0_i32, %c0_i32_0 : i32, i32
  }
  func.func @transform_9(%arg0: i32) -> (i32, i32) {
    %add3A = arith.constant 0 : i32
    %add3A_0 = arith.addi %arg0, %add3A : i32
    %c0_i32 = arith.constant 0 : i32
    %c0_i32_1 = arith.constant 0 : i32
    return %add3A_0, %c0_i32 : i32, i32
  }
  func.func @transform_10(%arg0: i32) -> (i32, i32) {
    %c0_i32 = arith.constant 0 : i32
    %c0_i32_0 = arith.constant 0 : i32
    return %arg0, %c0_i32 : i32, i32
  }
  func.func @transform_11(%arg0: i32) -> (i32, i32) {
    %c0_i32 = arith.constant 0 : i32
    %c0_i32_0 = arith.constant 0 : i32
    %c0_i32_1 = arith.constant 0 : i32
    return %c0_i32, %c0_i32_0 : i32, i32
  }
}

module attributes {stable_mosaic.version = 14 : i64} {
  func.func @_edge_body_b(%arg0: i32, %arg1: memref<8x128xf32, #tpu.memory_space<vmem>>, %arg2: memref<6400x128xf32, #tpu.memory_space<vmem>>, %arg3: memref<6400x128xf32, #tpu.memory_space<vmem>>, %arg4: memref<1x64xf32, #tpu.memory_space<vmem>>, %arg5: memref<128x64xf32, #tpu.memory_space<vmem>>, %arg6: memref<1x64xf32, #tpu.memory_space<vmem>>, %arg7: memref<64x64xf32, #tpu.memory_space<vmem>>, %arg8: memref<64x128xf32, #tpu.memory_space<vmem>>, %arg9: memref<1x128xf32, #tpu.memory_space<vmem>>, %arg10: memref<128x64xf32, #tpu.memory_space<vmem>>, %arg11: memref<6400x128xf32, #tpu.memory_space<vmem>>, %arg12: memref<3200x128xf32, #tpu.memory_space<vmem>>, %arg13: memref<1x128xf32, #tpu.memory_space<vmem>>) attributes {dimension_semantics = [#tpu.dimension_semantics<arbitrary>], iteration_bounds = array<i64: 25>, scalar_prefetch = 0 : i64, scratch_operands = 0 : i64, tpu.core_type = #tpu.core_type<tc>, window_params = [{transform_indices = @transform_0, window_bounds = array<i64: 8, 128>}, {transform_indices = @transform_1, window_bounds = array<i64: 6400, 128>}, {transform_indices = @transform_2, window_bounds = array<i64: 6400, 128>}, {pipeline_mode = #tpu.pipeline_mode<synchronous>, transform_indices = @transform_3, window_bounds = array<i64: 1, 64>}, {pipeline_mode = #tpu.pipeline_mode<synchronous>, transform_indices = @transform_4, window_bounds = array<i64: 128, 64>}, {pipeline_mode = #tpu.pipeline_mode<synchronous>, transform_indices = @transform_5, window_bounds = array<i64: 1, 64>}, {pipeline_mode = #tpu.pipeline_mode<synchronous>, transform_indices = @transform_6, window_bounds = array<i64: 64, 64>}, {pipeline_mode = #tpu.pipeline_mode<synchronous>, transform_indices = @transform_7, window_bounds = array<i64: 64, 128>}, {pipeline_mode = #tpu.pipeline_mode<synchronous>, transform_indices = @transform_8, window_bounds = array<i64: 1, 128>}, {pipeline_mode = #tpu.pipeline_mode<synchronous>, transform_indices = @transform_9, window_bounds = array<i64: 128, 64>}, {transform_indices = @transform_10, window_bounds = array<i64: 6400, 128>}, {transform_indices = @transform_11, window_bounds = array<i64: 3200, 128>}, {pipeline_mode = #tpu.pipeline_mode<synchronous>, transform_indices = @transform_12, window_bounds = array<i64: 1, 128>}]} {
    %get3A = arith.constant 0 : index
    %get3A_0 = arith.constant 0 : index
    %get3A_1 = vector.load %arg2[%get3A, %get3A_0] : memref<6400x128xf32, #tpu.memory_space<vmem>>, vector<6400x128xf32>
    %get3A_2 = arith.constant 0 : index
    %get3A_3 = arith.constant 0 : index
    %get3A_4 = vector.load %arg5[%get3A_2, %get3A_3] : memref<128x64xf32, #tpu.memory_space<vmem>>, vector<128x64xf32>
    %dot_general3A = arith.constant dense<0.000000e+00> : vector<6400x64xf32>
    %dot_general3A_5 = tpu.matmul %get3A_1, %get3A_4, %dot_general3A {dimension_numbers = #tpu.dot_dimension_numbers<[1], [0], [0], [1], [0, 0, 1, 1], [], []>, transpose_lhs_hint = false} : vector<6400x128xf32>, vector<128x64xf32>, vector<6400x64xf32> -> vector<6400x64xf32>
    %get3A_6 = arith.constant 0 : index
    %get3A_7 = arith.constant 0 : index
    %get3A_8 = vector.load %arg6[%get3A_6, %get3A_7] : memref<1x64xf32, #tpu.memory_space<vmem>>, vector<1x64xf32>
    %add3A = vector.broadcast %get3A_8 : vector<1x64xf32> to vector<6400x64xf32>
    %add3A_9 = arith.addf %dot_general3A_5, %add3A : vector<6400x64xf32>
    %max3A = arith.constant 0.000000e+00 : f32
    %max3A_10 = vector.broadcast %max3A : f32 to vector<6400x64xf32>
    %max3A_11 = arith.maximumf %add3A_9, %max3A_10 : vector<6400x64xf32>
    %get3A_12 = arith.constant 0 : index
    %get3A_13 = arith.constant 0 : index
    %get3A_14 = vector.load %arg3[%get3A_12, %get3A_13] : memref<6400x128xf32, #tpu.memory_space<vmem>>, vector<6400x128xf32>
    %get3A_15 = arith.constant 0 : index
    %get3A_16 = arith.constant 0 : index
    %get3A_17 = vector.load %arg7[%get3A_15, %get3A_16] : memref<64x64xf32, #tpu.memory_space<vmem>>, vector<64x64xf32>
    %dot_general3A_18 = arith.constant dense<0.000000e+00> : vector<6400x64xf32>
    %dot_general3A_19 = tpu.matmul %max3A_11, %get3A_17, %dot_general3A_18 {dimension_numbers = #tpu.dot_dimension_numbers<[1], [0], [0], [1], [0, 0, 1, 1], [], []>, transpose_lhs_hint = false} : vector<6400x64xf32>, vector<64x64xf32>, vector<6400x64xf32> -> vector<6400x64xf32>
    %slice3A = vector.extract_strided_slice %get3A_14 {offsets = [0, 0], sizes = [6400, 64], strides = [1, 1]} : vector<6400x128xf32> to vector<6400x64xf32>
    %add3A_20 = arith.addf %dot_general3A_19, %slice3A : vector<6400x64xf32>
    %slice3A_21 = vector.extract_strided_slice %get3A_14 {offsets = [0, 64], sizes = [6400, 64], strides = [1, 1]} : vector<6400x128xf32> to vector<6400x64xf32>
    %add3A_22 = arith.addf %add3A_20, %slice3A_21 : vector<6400x64xf32>
    %get3A_23 = arith.constant 0 : index
    %get3A_24 = arith.constant 0 : index
    %get3A_25 = vector.load %arg4[%get3A_23, %get3A_24] : memref<1x64xf32, #tpu.memory_space<vmem>>, vector<1x64xf32>
    %add3A_26 = vector.broadcast %get3A_25 : vector<1x64xf32> to vector<6400x64xf32>
    %add3A_27 = arith.addf %add3A_22, %add3A_26 : vector<6400x64xf32>
    %max3A_28 = arith.constant 0.000000e+00 : f32
    %max3A_29 = vector.broadcast %max3A_28 : f32 to vector<6400x64xf32>
    %max3A_30 = arith.maximumf %add3A_27, %max3A_29 : vector<6400x64xf32>
    %get3A_31 = arith.constant 0 : index
    %get3A_32 = arith.constant 0 : index
    %get3A_33 = vector.load %arg8[%get3A_31, %get3A_32] : memref<64x128xf32, #tpu.memory_space<vmem>>, vector<64x128xf32>
    %dot_general3A_34 = arith.constant dense<0.000000e+00> : vector<6400x128xf32>
    %dot_general3A_35 = tpu.matmul %max3A_30, %get3A_33, %dot_general3A_34 {dimension_numbers = #tpu.dot_dimension_numbers<[1], [0], [0], [1], [0, 0, 1, 1], [], []>, transpose_lhs_hint = false} : vector<6400x64xf32>, vector<64x128xf32>, vector<6400x128xf32> -> vector<6400x128xf32>
    %get3A_36 = arith.constant 0 : index
    %get3A_37 = arith.constant 0 : index
    %get3A_38 = vector.load %arg9[%get3A_36, %get3A_37] : memref<1x128xf32, #tpu.memory_space<vmem>>, vector<1x128xf32>
    %add3A_39 = vector.broadcast %get3A_38 : vector<1x128xf32> to vector<6400x128xf32>
    %add3A_40 = arith.addf %dot_general3A_35, %add3A_39 : vector<6400x128xf32>
    %max3A_41 = arith.constant 0.000000e+00 : f32
    %max3A_42 = vector.broadcast %max3A_41 : f32 to vector<6400x128xf32>
    %max3A_43 = arith.maximumf %add3A_40, %max3A_42 : vector<6400x128xf32>
    %get3A_44 = arith.constant 0 : index
    %get3A_45 = arith.constant 0 : index
    %get3A_46 = vector.load %arg2[%get3A_44, %get3A_45] : memref<6400x128xf32, #tpu.memory_space<vmem>>, vector<6400x128xf32>
    %add3A_47 = arith.addf %max3A_43, %get3A_46 : vector<6400x128xf32>
    %swap3A = arith.constant 0 : index
    %swap3A_48 = arith.constant 0 : index
    %swap3A_49 = vector.load %arg11[%swap3A, %swap3A_48] : memref<6400x128xf32, #tpu.memory_space<vmem>>, vector<6400x128xf32>
    tpu.vector_store %arg11[%swap3A, %swap3A_48], %add3A_47 {strides = array<i32>} : memref<6400x128xf32, #tpu.memory_space<vmem>>, vector<6400x128xf32>,
    %slice3A_50 = vector.extract_strided_slice %max3A_43 {offsets = [0, 0], sizes = [3200, 128], strides = [1, 1]} : vector<6400x128xf32> to vector<3200x128xf32>
    %get3A_51 = arith.constant 0 : index
    %get3A_52 = arith.constant 0 : index
    %get3A_53 = vector.load %arg10[%get3A_51, %get3A_52] : memref<128x64xf32, #tpu.memory_space<vmem>>, vector<128x64xf32>
    %dot_general3A_54 = arith.constant dense<0.000000e+00> : vector<3200x64xf32>
    %dot_general3A_55 = tpu.matmul %slice3A_50, %get3A_53, %dot_general3A_54 {dimension_numbers = #tpu.dot_dimension_numbers<[1], [0], [0], [1], [0, 0, 1, 1], [], []>, transpose_lhs_hint = false} : vector<3200x128xf32>, vector<128x64xf32>, vector<3200x64xf32> -> vector<3200x64xf32>
    %slice3A_56 = vector.extract_strided_slice %max3A_43 {offsets = [3200, 0], sizes = [3200, 128], strides = [1, 1]} : vector<6400x128xf32> to vector<3200x128xf32>
    %get3A_57 = arith.constant 0 : index
    %get3A_58 = arith.constant 0 : index
    %get3A_59 = vector.load %arg10[%get3A_57, %get3A_58] : memref<128x64xf32, #tpu.memory_space<vmem>>, vector<128x64xf32>
    %dot_general3A_60 = arith.constant dense<0.000000e+00> : vector<3200x64xf32>
    %dot_general3A_61 = tpu.matmul %slice3A_56, %get3A_59, %dot_general3A_60 {dimension_numbers = #tpu.dot_dimension_numbers<[1], [0], [0], [1], [0, 0, 1, 1], [], []>, transpose_lhs_hint = false} : vector<3200x128xf32>, vector<128x64xf32>, vector<3200x64xf32> -> vector<3200x64xf32>
    %concatenate3A = tpu.concatenate %dot_general3A_55, %dot_general3A_61 in 1 : vector<3200x64xf32>, vector<3200x64xf32> -> vector<3200x128xf32>
    %swap3A_62 = arith.constant 0 : index
    %swap3A_63 = arith.constant 0 : index
    %swap3A_64 = vector.load %arg12[%swap3A_62, %swap3A_63] : memref<3200x128xf32, #tpu.memory_space<vmem>>, vector<3200x128xf32>
    tpu.vector_store %arg12[%swap3A_62, %swap3A_63], %concatenate3A {strides = array<i32>} : memref<3200x128xf32, #tpu.memory_space<vmem>>, vector<3200x128xf32>,
    %eq3A = arith.constant 0 : i32
    %eq3A_65 = arith.cmpi eq, %arg0, %eq3A : i32
    %convert_element_type3A = arith.extui %eq3A_65 : i1 to i32
    %cond3A = arith.constant 0 : i32
    %cond3A_66 = arith.cmpi ne, %convert_element_type3A, %cond3A : i32
    scf.if %cond3A_66 {
      %broadcast_in_dim3A_75 = arith.constant 0.000000e+00 : f32
      %broadcast_in_dim3A_76 = vector.broadcast %broadcast_in_dim3A_75 : f32 to vector<1x128xf32>
      %swap3A_77 = arith.constant 0 : index
      %swap3A_78 = arith.constant 0 : index
      %swap3A_79 = vector.load %arg13[%swap3A_77, %swap3A_78] : memref<1x128xf32, #tpu.memory_space<vmem>>, vector<1x128xf32>
      tpu.vector_store %arg13[%swap3A_77, %swap3A_78], %broadcast_in_dim3A_76 {strides = array<i32>} : memref<1x128xf32, #tpu.memory_space<vmem>>, vector<1x128xf32>,
    } else {
    }
    %get3A_67 = arith.constant 0 : index
    %get3A_68 = arith.constant 0 : index
    %get3A_69 = vector.load %arg13[%get3A_67, %get3A_68] : memref<1x128xf32, #tpu.memory_space<vmem>>, vector<1x128xf32>
    %reduce_sum3A = arith.constant dense<0.000000e+00> : vector<128xf32>
    %reduce_sum3A_70 = vector.multi_reduction <add>, %max3A_43, %reduce_sum3A [0] : vector<6400x128xf32> to vector<128xf32>
    %broadcast_in_dim3A = vector.shape_cast %reduce_sum3A_70 : vector<128xf32> to vector<1x128xf32>
    %add3A_71 = arith.addf %get3A_69, %broadcast_in_dim3A : vector<1x128xf32>
    %swap3A_72 = arith.constant 0 : index
    %swap3A_73 = arith.constant 0 : index
    %swap3A_74 = vector.load %arg13[%swap3A_72, %swap3A_73] : memref<1x128xf32, #tpu.memory_space<vmem>>, vector<1x128xf32>
    tpu.vector_store %arg13[%swap3A_72, %swap3A_73], %add3A_71 {strides = array<i32>} : memref<1x128xf32, #tpu.memory_space<vmem>>, vector<1x128xf32>,
    return
  }
  func.func @transform_0(%arg0: i32) -> (i32, i32) {
    %c0_i32 = arith.constant 0 : i32
    %c0_i32_0 = arith.constant 0 : i32
    %c0_i32_1 = arith.constant 0 : i32
    return %c0_i32, %c0_i32_0 : i32, i32
  }
  func.func @transform_1(%arg0: i32) -> (i32, i32) {
    %add3A = arith.constant 25 : i32
    %add3A_0 = arith.addi %arg0, %add3A : i32
    %c0_i32 = arith.constant 0 : i32
    %c0_i32_1 = arith.constant 0 : i32
    return %add3A_0, %c0_i32 : i32, i32
  }
  func.func @transform_2(%arg0: i32) -> (i32, i32) {
    %c0_i32 = arith.constant 0 : i32
    %c0_i32_0 = arith.constant 0 : i32
    return %arg0, %c0_i32 : i32, i32
  }
  func.func @transform_3(%arg0: i32) -> (i32, i32) {
    %c0_i32 = arith.constant 0 : i32
    %c0_i32_0 = arith.constant 0 : i32
    %c0_i32_1 = arith.constant 0 : i32
    return %c0_i32, %c0_i32_0 : i32, i32
  }
  func.func @transform_4(%arg0: i32) -> (i32, i32) {
    %c0_i32 = arith.constant 0 : i32
    %c0_i32_0 = arith.constant 0 : i32
    %c0_i32_1 = arith.constant 0 : i32
    return %c0_i32, %c0_i32_0 : i32, i32
  }
  func.func @transform_5(%arg0: i32) -> (i32, i32) {
    %c0_i32 = arith.constant 0 : i32
    %c0_i32_0 = arith.constant 0 : i32
    %c0_i32_1 = arith.constant 0 : i32
    return %c0_i32, %c0_i32_0 : i32, i32
  }
  func.func @transform_6(%arg0: i32) -> (i32, i32) {
    %c0_i32 = arith.constant 0 : i32
    %c0_i32_0 = arith.constant 0 : i32
    %c0_i32_1 = arith.constant 0 : i32
    return %c0_i32, %c0_i32_0 : i32, i32
  }
  func.func @transform_7(%arg0: i32) -> (i32, i32) {
    %c0_i32 = arith.constant 0 : i32
    %c0_i32_0 = arith.constant 0 : i32
    %c0_i32_1 = arith.constant 0 : i32
    return %c0_i32, %c0_i32_0 : i32, i32
  }
  func.func @transform_8(%arg0: i32) -> (i32, i32) {
    %c0_i32 = arith.constant 0 : i32
    %c0_i32_0 = arith.constant 0 : i32
    %c0_i32_1 = arith.constant 0 : i32
    return %c0_i32, %c0_i32_0 : i32, i32
  }
  func.func @transform_9(%arg0: i32) -> (i32, i32) {
    %c0_i32 = arith.constant 0 : i32
    %c0_i32_0 = arith.constant 0 : i32
    %c0_i32_1 = arith.constant 0 : i32
    return %c0_i32, %c0_i32_0 : i32, i32
  }
  func.func @transform_10(%arg0: i32) -> (i32, i32) {
    %add3A = arith.constant 25 : i32
    %add3A_0 = arith.addi %arg0, %add3A : i32
    %c0_i32 = arith.constant 0 : i32
    %c0_i32_1 = arith.constant 0 : i32
    return %add3A_0, %c0_i32 : i32, i32
  }
  func.func @transform_11(%arg0: i32) -> (i32, i32) {
    %c0_i32 = arith.constant 0 : i32
    %c0_i32_0 = arith.constant 0 : i32
    return %arg0, %c0_i32 : i32, i32
  }
  func.func @transform_12(%arg0: i32) -> (i32, i32) {
    %c0_i32 = arith.constant 0 : i32
    %c0_i32_0 = arith.constant 0 : i32
    %c0_i32_1 = arith.constant 0 : i32
    return %c0_i32, %c0_i32_0 : i32, i32
  }
}

module attributes {stable_mosaic.version = 14 : i64} {
  func.func @_node_body(%arg0: memref<10000x128xf32, #tpu.memory_space<vmem>>, %arg1: memref<2x10240x64xf32, #tpu.memory_space<vmem>>, %arg2: memref<2x10240x16xf32, #tpu.memory_space<vmem>>, %arg3: memref<1x64xf32, #tpu.memory_space<vmem>>, %arg4: memref<1x128xf32, #tpu.memory_space<vmem>>, %arg5: memref<1x128xf32, #tpu.memory_space<vmem>>, %arg6: memref<1x128xf32, #tpu.memory_space<vmem>>, %arg7: memref<128x64xf32, #tpu.memory_space<vmem>>, %arg8: memref<1x64xf32, #tpu.memory_space<vmem>>, %arg9: memref<64x64xf32, #tpu.memory_space<vmem>>, %arg10: memref<1x64xf32, #tpu.memory_space<vmem>>, %arg11: memref<64x128xf32, #tpu.memory_space<vmem>>, %arg12: memref<1x128xf32, #tpu.memory_space<vmem>>, %arg13: memref<64x64xf32, #tpu.memory_space<vmem>>, %arg14: memref<128x64xf32, #tpu.memory_space<vmem>>, %arg15: memref<128x64xf32, #tpu.memory_space<vmem>>, %arg16: memref<1x64xf32, #tpu.memory_space<vmem>>, %arg17: memref<64x128xf32, #tpu.memory_space<vmem>>, %arg18: memref<1x128xf32, #tpu.memory_space<vmem>>, %arg19: memref<10000x128xf32, #tpu.memory_space<vmem>>, %arg20: memref<1x128xf32, #tpu.memory_space<vmem>>) attributes {dimension_semantics = [], scalar_prefetch = 0 : i64, scratch_operands = 0 : i64, tpu.core_type = #tpu.core_type<tc>} {
    %get3A = arith.constant 0 : index
    %get3A_0 = arith.constant 0 : index
    %get3A_1 = vector.load %arg0[%get3A, %get3A_0] : memref<10000x128xf32, #tpu.memory_space<vmem>>, vector<10000x128xf32>
    %get3A_2 = arith.constant 0 : index
    %get3A_3 = arith.constant 0 : index
    %get3A_4 = vector.load %arg7[%get3A_2, %get3A_3] : memref<128x64xf32, #tpu.memory_space<vmem>>, vector<128x64xf32>
    %dot_general3A = arith.constant dense<0.000000e+00> : vector<10000x64xf32>
    %dot_general3A_5 = tpu.matmul %get3A_1, %get3A_4, %dot_general3A {dimension_numbers = #tpu.dot_dimension_numbers<[1], [0], [0], [1], [0, 0, 1, 1], [], []>, transpose_lhs_hint = false} : vector<10000x128xf32>, vector<128x64xf32>, vector<10000x64xf32> -> vector<10000x64xf32>
    %get3A_6 = arith.constant 0 : index
    %get3A_7 = arith.constant 0 : index
    %get3A_8 = vector.load %arg8[%get3A_6, %get3A_7] : memref<1x64xf32, #tpu.memory_space<vmem>>, vector<1x64xf32>
    %add3A = vector.broadcast %get3A_8 : vector<1x64xf32> to vector<10000x64xf32>
    %add3A_9 = arith.addf %dot_general3A_5, %add3A : vector<10000x64xf32>
    %max3A = arith.constant 0.000000e+00 : f32
    %max3A_10 = vector.broadcast %max3A : f32 to vector<10000x64xf32>
    %max3A_11 = arith.maximumf %add3A_9, %max3A_10 : vector<10000x64xf32>
    %get3A_12 = arith.constant 0 : index
    %get3A_13 = arith.constant 0 : index
    %get3A_14 = arith.constant 0 : index
    %get3A_15 = vector.load %arg1[%get3A_12, %get3A_13, %get3A_14] : memref<2x10240x64xf32, #tpu.memory_space<vmem>>, vector<1x10000x64xf32>
    %get3A_16 = vector.shape_cast %get3A_15 : vector<1x10000x64xf32> to vector<10000x64xf32>
    %get3A_17 = arith.constant 1 : index
    %get3A_18 = arith.constant 0 : index
    %get3A_19 = arith.constant 0 : index
    %get3A_20 = vector.load %arg1[%get3A_17, %get3A_18, %get3A_19] : memref<2x10240x64xf32, #tpu.memory_space<vmem>>, vector<1x10000x64xf32>
    %get3A_21 = vector.shape_cast %get3A_20 : vector<1x10000x64xf32> to vector<10000x64xf32>
    %add3A_22 = arith.addf %get3A_16, %get3A_21 : vector<10000x64xf32>
    %get3A_23 = arith.constant 0 : index
    %get3A_24 = arith.constant 0 : index
    %get3A_25 = arith.constant 0 : index
    %get3A_26 = vector.load %arg2[%get3A_23, %get3A_24, %get3A_25] : memref<2x10240x16xf32, #tpu.memory_space<vmem>>, vector<1x10000x1xf32>
    %get3A_27 = vector.shape_cast %get3A_26 : vector<1x10000x1xf32> to vector<10000x1xf32>
    %get3A_28 = arith.constant 1 : index
    %get3A_29 = arith.constant 0 : index
    %get3A_30 = arith.constant 0 : index
    %get3A_31 = vector.load %arg2[%get3A_28, %get3A_29, %get3A_30] : memref<2x10240x16xf32, #tpu.memory_space<vmem>>, vector<1x10000x1xf32>
    %get3A_32 = vector.shape_cast %get3A_31 : vector<1x10000x1xf32> to vector<10000x1xf32>
    %add3A_33 = arith.addf %get3A_27, %get3A_32 : vector<10000x1xf32>
    %max3A_34 = arith.constant 1.000000e+00 : f32
    %max3A_35 = vector.broadcast %max3A_34 : f32 to vector<10000x1xf32>
    %max3A_36 = arith.maximumf %add3A_33, %max3A_35 : vector<10000x1xf32>
    %div3A = vector.broadcast %max3A_36 : vector<10000x1xf32> to vector<10000x64xf32>
    %div3A_37 = arith.divf %add3A_22, %div3A : vector<10000x64xf32>
    %get3A_38 = arith.constant 0 : index
    %get3A_39 = arith.constant 0 : index
    %get3A_40 = vector.load %arg9[%get3A_38, %get3A_39] : memref<64x64xf32, #tpu.memory_space<vmem>>, vector<64x64xf32>
    %dot_general3A_41 = arith.constant dense<0.000000e+00> : vector<10000x64xf32>
    %dot_general3A_42 = tpu.matmul %max3A_11, %get3A_40, %dot_general3A_41 {dimension_numbers = #tpu.dot_dimension_numbers<[1], [0], [0], [1], [0, 0, 1, 1], [], []>, transpose_lhs_hint = false} : vector<10000x64xf32>, vector<64x64xf32>, vector<10000x64xf32> -> vector<10000x64xf32>
    %add3A_43 = arith.addf %dot_general3A_42, %div3A_37 : vector<10000x64xf32>
    %get3A_44 = arith.constant 0 : index
    %get3A_45 = arith.constant 0 : index
    %get3A_46 = vector.load %arg10[%get3A_44, %get3A_45] : memref<1x64xf32, #tpu.memory_space<vmem>>, vector<1x64xf32>
    %add3A_47 = vector.broadcast %get3A_46 : vector<1x64xf32> to vector<10000x64xf32>
    %add3A_48 = arith.addf %add3A_43, %add3A_47 : vector<10000x64xf32>
    %max3A_49 = arith.constant 0.000000e+00 : f32
    %max3A_50 = vector.broadcast %max3A_49 : f32 to vector<10000x64xf32>
    %max3A_51 = arith.maximumf %add3A_48, %max3A_50 : vector<10000x64xf32>
    %get3A_52 = arith.constant 0 : index
    %get3A_53 = arith.constant 0 : index
    %get3A_54 = vector.load %arg11[%get3A_52, %get3A_53] : memref<64x128xf32, #tpu.memory_space<vmem>>, vector<64x128xf32>
    %dot_general3A_55 = arith.constant dense<0.000000e+00> : vector<10000x128xf32>
    %dot_general3A_56 = tpu.matmul %max3A_51, %get3A_54, %dot_general3A_55 {dimension_numbers = #tpu.dot_dimension_numbers<[1], [0], [0], [1], [0, 0, 1, 1], [], []>, transpose_lhs_hint = false} : vector<10000x64xf32>, vector<64x128xf32>, vector<10000x128xf32> -> vector<10000x128xf32>
    %get3A_57 = arith.constant 0 : index
    %get3A_58 = arith.constant 0 : index
    %get3A_59 = vector.load %arg12[%get3A_57, %get3A_58] : memref<1x128xf32, #tpu.memory_space<vmem>>, vector<1x128xf32>
    %add3A_60 = vector.broadcast %get3A_59 : vector<1x128xf32> to vector<10000x128xf32>
    %add3A_61 = arith.addf %dot_general3A_56, %add3A_60 : vector<10000x128xf32>
    %max3A_62 = arith.constant 0.000000e+00 : f32
    %max3A_63 = vector.broadcast %max3A_62 : f32 to vector<10000x128xf32>
    %max3A_64 = arith.maximumf %add3A_61, %max3A_63 : vector<10000x128xf32>
    %get3A_65 = arith.constant 0 : index
    %get3A_66 = arith.constant 0 : index
    %get3A_67 = vector.load %arg0[%get3A_65, %get3A_66] : memref<10000x128xf32, #tpu.memory_space<vmem>>, vector<10000x128xf32>
    %add3A_68 = arith.addf %max3A_64, %get3A_67 : vector<10000x128xf32>
    %swap3A = arith.constant 0 : index
    %swap3A_69 = arith.constant 0 : index
    %swap3A_70 = vector.load %arg19[%swap3A, %swap3A_69] : memref<10000x128xf32, #tpu.memory_space<vmem>>, vector<10000x128xf32>
    tpu.vector_store %arg19[%swap3A, %swap3A_69], %add3A_68 {strides = array<i32>} : memref<10000x128xf32, #tpu.memory_space<vmem>>, vector<10000x128xf32>,
    %reduce_sum3A = arith.constant dense<0.000000e+00> : vector<128xf32>
    %reduce_sum3A_71 = vector.multi_reduction <add>, %max3A_64, %reduce_sum3A [0] : vector<10000x128xf32> to vector<128xf32>
    %broadcast_in_dim3A = vector.shape_cast %reduce_sum3A_71 : vector<128xf32> to vector<1x128xf32>
    %mul3A = arith.constant 9.99999974E-5 : f32
    %mul3A_72 = vector.broadcast %mul3A : f32 to vector<1x128xf32>
    %mul3A_73 = arith.mulf %broadcast_in_dim3A, %mul3A_72 : vector<1x128xf32>
    %get3A_74 = arith.constant 0 : index
    %get3A_75 = arith.constant 0 : index
    %get3A_76 = vector.load %arg4[%get3A_74, %get3A_75] : memref<1x128xf32, #tpu.memory_space<vmem>>, vector<1x128xf32>
    %get3A_77 = arith.constant 0 : index
    %get3A_78 = arith.constant 0 : index
    %get3A_79 = vector.load %arg5[%get3A_77, %get3A_78] : memref<1x128xf32, #tpu.memory_space<vmem>>, vector<1x128xf32>
    %add3A_80 = arith.addf %get3A_76, %get3A_79 : vector<1x128xf32>
    %mul3A_81 = arith.constant 3.125000e-06 : f32
    %mul3A_82 = vector.broadcast %mul3A_81 : f32 to vector<1x128xf32>
    %mul3A_83 = arith.mulf %add3A_80, %mul3A_82 : vector<1x128xf32>
    %get3A_84 = arith.constant 0 : index
    %get3A_85 = arith.constant 0 : index
    %get3A_86 = vector.load %arg3[%get3A_84, %get3A_85] : memref<1x64xf32, #tpu.memory_space<vmem>>, vector<1x64xf32>
    %get3A_87 = arith.constant 0 : index
    %get3A_88 = arith.constant 0 : index
    %get3A_89 = vector.load %arg13[%get3A_87, %get3A_88] : memref<64x64xf32, #tpu.memory_space<vmem>>, vector<64x64xf32>
    %dot_general3A_90 = arith.constant dense<0.000000e+00> : vector<1x64xf32>
    %dot_general3A_91 = tpu.matmul %get3A_86, %get3A_89, %dot_general3A_90 {dimension_numbers = #tpu.dot_dimension_numbers<[1], [0], [0], [1], [0, 0, 1, 1], [], []>, transpose_lhs_hint = false} : vector<1x64xf32>, vector<64x64xf32>, vector<1x64xf32> -> vector<1x64xf32>
    %get3A_92 = arith.constant 0 : index
    %get3A_93 = arith.constant 0 : index
    %get3A_94 = vector.load %arg14[%get3A_92, %get3A_93] : memref<128x64xf32, #tpu.memory_space<vmem>>, vector<128x64xf32>
    %dot_general3A_95 = arith.constant dense<0.000000e+00> : vector<1x64xf32>
    %dot_general3A_96 = tpu.matmul %mul3A_83, %get3A_94, %dot_general3A_95 {dimension_numbers = #tpu.dot_dimension_numbers<[1], [0], [0], [1], [0, 0, 1, 1], [], []>, transpose_lhs_hint = false} : vector<1x128xf32>, vector<128x64xf32>, vector<1x64xf32> -> vector<1x64xf32>
    %add3A_97 = arith.addf %dot_general3A_91, %dot_general3A_96 : vector<1x64xf32>
    %get3A_98 = arith.constant 0 : index
    %get3A_99 = arith.constant 0 : index
    %get3A_100 = vector.load %arg15[%get3A_98, %get3A_99] : memref<128x64xf32, #tpu.memory_space<vmem>>, vector<128x64xf32>
    %dot_general3A_101 = arith.constant dense<0.000000e+00> : vector<1x64xf32>
    %dot_general3A_102 = tpu.matmul %mul3A_73, %get3A_100, %dot_general3A_101 {dimension_numbers = #tpu.dot_dimension_numbers<[1], [0], [0], [1], [0, 0, 1, 1], [], []>, transpose_lhs_hint = false} : vector<1x128xf32>, vector<128x64xf32>, vector<1x64xf32> -> vector<1x64xf32>
    %add3A_103 = arith.addf %add3A_97, %dot_general3A_102 : vector<1x64xf32>
    %get3A_104 = arith.constant 0 : index
    %get3A_105 = arith.constant 0 : index
    %get3A_106 = vector.load %arg16[%get3A_104, %get3A_105] : memref<1x64xf32, #tpu.memory_space<vmem>>, vector<1x64xf32>
    %add3A_107 = arith.addf %add3A_103, %get3A_106 : vector<1x64xf32>
    %max3A_108 = arith.constant 0.000000e+00 : f32
    %max3A_109 = vector.broadcast %max3A_108 : f32 to vector<1x64xf32>
    %max3A_110 = arith.maximumf %add3A_107, %max3A_109 : vector<1x64xf32>
    %get3A_111 = arith.constant 0 : index
    %get3A_112 = arith.constant 0 : index
    %get3A_113 = vector.load %arg17[%get3A_111, %get3A_112] : memref<64x128xf32, #tpu.memory_space<vmem>>, vector<64x128xf32>
    %dot_general3A_114 = arith.constant dense<0.000000e+00> : vector<1x128xf32>
    %dot_general3A_115 = tpu.matmul %max3A_110, %get3A_113, %dot_general3A_114 {dimension_numbers = #tpu.dot_dimension_numbers<[1], [0], [0], [1], [0, 0, 1, 1], [], []>, transpose_lhs_hint = false} : vector<1x64xf32>, vector<64x128xf32>, vector<1x128xf32> -> vector<1x128xf32>
    %get3A_116 = arith.constant 0 : index
    %get3A_117 = arith.constant 0 : index
    %get3A_118 = vector.load %arg18[%get3A_116, %get3A_117] : memref<1x128xf32, #tpu.memory_space<vmem>>, vector<1x128xf32>
    %add3A_119 = arith.addf %dot_general3A_115, %get3A_118 : vector<1x128xf32>
    %max3A_120 = arith.constant 0.000000e+00 : f32
    %max3A_121 = vector.broadcast %max3A_120 : f32 to vector<1x128xf32>
    %max3A_122 = arith.maximumf %add3A_119, %max3A_121 : vector<1x128xf32>
    %get3A_123 = arith.constant 0 : index
    %get3A_124 = arith.constant 0 : index
    %get3A_125 = vector.load %arg6[%get3A_123, %get3A_124] : memref<1x128xf32, #tpu.memory_space<vmem>>, vector<1x128xf32>
    %add3A_126 = arith.addf %max3A_122, %get3A_125 : vector<1x128xf32>
    %swap3A_127 = arith.constant 0 : index
    %swap3A_128 = arith.constant 0 : index
    %swap3A_129 = vector.load %arg20[%swap3A_127, %swap3A_128] : memref<1x128xf32, #tpu.memory_space<vmem>>, vector<1x128xf32>
    tpu.vector_store %arg20[%swap3A_127, %swap3A_128], %add3A_126 {strides = array<i32>} : memref<1x128xf32, #tpu.memory_space<vmem>>, vector<1x128xf32>,
    return
  }
}

</mosaic_0001>

<sc_bundles>
// kernel: kernel.12.cloned.1.call-start
scs
__scs_entry_jumppad:
0x0: {  	(pc) =	sbr.rel $0x88, $3  }
0x1: {  	(tag) =	ssettag $0x0;
	lr =	simm.s32 $0x1  }
0x2: {  	[smem:$0x3F8B] =	sst lr;
	_ =	strace $0xD0000000  }
0x3: {  	_ = 	snop  }
0x4: {  	_ = 	snop  }
0x5: {  	_ = 	snop  }
0x6: {  	_ = 	snop  }
0x7: {  	_ = 	snop  }
__scs_overlays_trampoline_lowered:
0x8: {  	[smem:$0x3F9A] =	sst s0  }
0x9: {  	[smem:$0x3F9B] =	sst s1  }
0xa: {  	[smem:$0x3F9C] =	sst s2  }
0xb: {  	[smem:$0x3F9D] =	sst s3  }
0xc: {  	[smem:$0x3F9E] =	sst s4  }
0xd: {  	[smem:$0x3F9F] =	sst s5  }
0xe: {  	[smem:$0x3FA0] =	sst s6  }
0xf: {  	[smem:$0x3FA1] =	sst s7  }
0x10: {  	[smem:$0x3FA2] =	sst s8  }
0x11: {  	[smem:$0x3FA3] =	sst s9;
	s0 =	simm.s32 @!p0 $0x0  }
0x12: {  	s1 =	sld [smem:$0x3F89];
	s0 =	simm.s32 @p0 $0x1  }
0x13: {  	[smem:$0x3FA4] =	sst s0;
	s0 =	simm.s32 @!p1 $0x0  }
0x14: {  	s2 =	sld [smem:$0x3F88];
	s0 =	simm.s32 @p1 $0x1  }
0x15: {  	[smem:$0x3FA5] =	sst s0;
	s0 =	simm.s32 @!p2 $0x0  }
0x16: {  	s3 =	sld [smem:$0x3FDB];
	s0 =	simm.s32 @p2 $0x1  }
0x17: {  	s4 =	simm.s32 $0x1BF5;
	[smem:$0x3FA7] =	sst s0  }
0x18: {  	s0 =	sld [smem:$0x3F8A];
	_ =	swait.ge [sflag:s4], $0x0  }
0x19: {  	s7 =	sld [smem:$0x3F8B]  }
0x1a: {  	s8 =	sadd.s32 $0xFFFFE003, lr  }
0x1b: {  	s9 =	sadd.s32 $0xFFFFFEF7, lr;
	s5 =	simm.s32 $0xFFFFFFFF;
	p2 =	slt.u32 s8, $0xFFFFF086  }
0x1c: {  	p1 =	slt.u32 s9, $0xF7A;
	s5 =	simm.s32 @!p2 $0x0  }
0x1d: {  	s5 =	simm.s32 @p1 $0x1;
	p0 =	seq.s32 s7, s2  }
0x1e: {  	s7 =	smul.u32 @!p0 $0xF7A, s2;
	p2 =	seq.s32 @!p0 s5, $0x0  }
0x1f: {  	s9 =	smul.u32 $0xF7A, s1;
	s8 =	simm.s32 @!p0 $0x1BF5;
	p2 =	por !p2, p0  }
0x20: {  	[sflag:s8] =	ssyncset.s32 @!p0 $0xFFFFF086;
	s6 =	sadd.s32 @!p0 s3, s7;
	s7 =	simm.s32 @!p0 $0x108  }
0x21: {  	s3 =	sadd.s32 s3, s9;
	s6 =	sadd.s32 @!p0 $0x88, s6;
	s7 =	simm.s32 @p2 $0x1082  }
0x22: {  	[simem:s7], [sflag:s8] =	dma.local @!p0 [hbm:s6], $0xF7A  }
0x23: {  	s9 =	sor.u32 $0xD0000000, s2;
	s6 =	simm.s32 $0x108;
	_ =	swait.ge @!p0 [sflag:s8], $0x0  }
0x24: {  	s3 =	sadd.s32 $0x88, s3;
	s6 =	simm.s32 @!p1 $0x1082;
	[sflag:s4] =	ssyncset.s32 $0xFFFFF086  }
0x25: {  	[simem:s6], [sflag:s4] =	dma.local [hbm:s3], $0xF7A  }
0x26: {  	[smem:$0x3F8B] =	sst s1;
	(tag) =	ssettag s2;
	_ =	strace s9  }
0x27: {  	s1 =	sld [smem:$0x3F9B]  }
0x28: {  	s2 =	sld [smem:$0x3F9C]  }
0x29: {  	s4 =	sld [smem:$0x3F9E]  }
0x2a: {  	p0 =	seq.s32 s5, $0x0;
	s5 =	sld [smem:$0x3F9F]  }
0x2b: {  	s6 =	sld [smem:$0x3FA0]  }
0x2c: {  	s7 =	sld [smem:$0x3FA1]  }
0x2d: {  	s3 =	simm.s32 $0x108;
	s8 =	sld [smem:$0x3FA2]  }
0x2e: {  	s3 =	simm.s32 @!p0 $0x1082;
	s9 =	sld [smem:$0x3FA3]  }
0x2f: {  	lr =	sadd.s32 s0, s3;
	s0 =	sld [smem:$0x3F9A]  }
0x30: {  	s3 =	sld [smem:$0x3F9D]  }
0x31: {  	[smem:$0x3FA6] =	sst s10  }
0x32: {  	s10 =	sld [smem:$0x3FA4];
	_ =	sdelay $0x3  }
0x33: {  	p0 =	seq.s32 s10, $0x1;
	s10 =	sld [smem:$0x3FA6];
	_ =	sdelay $0x3  }
0x34: {  	[smem:$0x3FA6] =	sst s10  }
0x35: {  	s10 =	sld [smem:$0x3FA5];
	_ =	sdelay $0x3  }
0x36: {  	p1 =	seq.s32 s10, $0x1;
	s10 =	sld [smem:$0x3FA6];
	_ =	sdelay $0x3  }
0x37: {  	[smem:$0x3FA6] =	sst s10  }
0x38: {  	s10 =	sld [smem:$0x3FA7]  }
0x39: {  	_ = 	snop;
	(pc) =	sbr.ind lr, $3  }
0x3a: {  	_ = 	snop  }
0x3b: {  	_ = 	snop  }
0x3c: {  	p2 =	seq.s32 s10, $0x1;
	s10 =	sld [smem:$0x3FA6]  }
0x3d: {  	_ =	shalt  }
0x3e: {  	_ =	shalt  }
0x3f: {  	_ =	shalt  }
0x40: {  	_ =	shalt  }
0x41: {  	_ =	shalt  }
0x42: {  	_ =	shalt  }
0x43: {  	_ =	shalt  }
0x44: {  	_ =	shalt  }
0x45: {  	_ =	shalt  }
0x46: {  	_ =	shalt  }
0x47: {  	_ =	shalt  }
0x48: {  	_ =	shalt  }
0x49: {  	_ =	shalt  }
0x4a: {  	_ =	shalt  }
0x4b: {  	_ =	shalt  }
0x4c: {  	_ =	shalt  }
0x4d: {  	_ =	shalt  }
0x4e: {  	_ =	shalt  }
0x4f: {  	_ =	shalt  }
0x50: {  	_ =	shalt  }
0x51: {  	_ =	shalt  }
0x52: {  	_ =	shalt  }
0x53: {  	_ =	shalt  }
0x54: {  	_ =	shalt  }
0x55: {  	_ =	shalt  }
0x56: {  	_ =	shalt  }
0x57: {  	_ =	shalt  }
0x58: {  	_ =	shalt  }
0x59: {  	_ =	shalt  }
0x5a: {  	_ =	shalt  }
0x5b: {  	_ =	shalt  }
0x5c: {  	_ =	shalt  }
0x5d: {  	_ =	shalt  }
0x5e: {  	_ =	shalt  }
0x5f: {  	_ =	shalt  }
0x60: {  	_ =	shalt  }
0x61: {  	_ =	shalt  }
0x62: {  	_ =	shalt  }
0x63: {  	_ =	shalt  }
0x64: {  	_ =	shalt  }
0x65: {  	_ =	shalt  }
0x66: {  	_ =	shalt  }
0x67: {  	_ =	shalt  }
0x68: {  	_ =	shalt  }
0x69: {  	_ =	shalt  }
0x6a: {  	_ =	shalt  }
0x6b: {  	_ =	shalt  }
0x6c: {  	_ =	shalt  }
0x6d: {  	_ =	shalt  }
0x6e: {  	_ =	shalt  }
0x6f: {  	_ =	shalt  }
0x70: {  	_ =	shalt  }
0x71: {  	_ =	shalt  }
0x72: {  	_ =	shalt  }
0x73: {  	_ =	shalt  }
0x74: {  	_ =	shalt  }
0x75: {  	_ =	shalt  }
0x76: {  	_ =	shalt  }
0x77: {  	_ =	shalt  }
0x78: {  	_ =	shalt  }
0x79: {  	_ =	shalt  }
0x7a: {  	_ =	shalt  }
0x7b: {  	_ =	shalt  }
0x7c: {  	_ =	shalt  }
0x7d: {  	_ =	shalt  }
0x7e: {  	_ =	shalt  }
0x7f: {  	_ =	shalt  }
0x80: {  	_ =	shalt  }
0x81: {  	_ =	shalt  }
0x82: {  	_ =	shalt  }
0x83: {  	_ =	shalt  }
0x84: {  	_ =	shalt  }
0x85: {  	_ =	shalt  }
0x86: {  	_ =	shalt  }
0x87: {  	_ =	shalt  }
.Lfunc_end0:
.L_simem_size_0:
called_computation.1_lowered:
.L_overlay_start_0:
0x88: {  	s2 =	sld [smem:$0x3FD9]  }
0x89: {  	s3 =	sld [smem:$0x3FFE];
	_ =	sdelay $0x1  }
0x8a: {  	s1 =	srdreg.scid  }
0x8b: {  	s0 =	sand.u32 $0x1, s1  }
0x8c: {  	s15 =	sshll.u32 s0, $0xA;
	s2 =	sadd.s32 s3, s2  }
0x8d: {  	s2 =	sadd.s32 s2, s15  }
0x8e: {  	[smem:$0x3FB2] =	sst s2  }
0x8f: {  	_ = 	snop  }
0x90: {  	s2 =	sld [smem:$0x3FD0];
	_ =	sdelay $0x2  }
0x91: {  	s16 =	simm.s32 $0xB;
	s4 =	simm.s32 $0x10  }
0x92: {  	[smem:s4], [sflag:s16] =	dma.local [hbm:s2], $0x1  }
0x93: {  	_ =	swait.eq [sflag:s16], $0x1  }
0x94: {  	[sflag:s16] =	ssyncset.done $0x0  }
0x95: {  	[sflag:s16] =	ssyncadd.s32 $0xFFFFFFFF  }
0x96: {  	s17 =	sld [smem:$0x11];
	(tm) =	ssettm $0x1  }
0x97: {  	s18 =	sld [smem:$0x3FFB];
	_ =	sdelay $0x3  }
0x98: {  	_ =	strace s18  }
0x99: {  	s2 =	sld [smem:$0x3FFC];
	_ =	sdelay $0x3  }
0x9a: {  	_ =	strace s2  }
0x9b: {  	s2 =	sld [smem:$0x3FFD];
	_ =	sdelay $0x3  }
0x9c: {  	_ =	strace s2  }
0x9d: {  	_ =	strace $0x8FFFFFFF  }
0x9e: {  	s19 =	sld [smem:$0x3FDB];
	_ =	sdelay $0x1  }
0x9f: {  	s20 =	simm.s32 $_scs_section_size  }
0xa0: {  	s5 =	simm.s32 $_size__tile_overlayer_lowered;
	s6 =	simm.s32 $_tile_overlayer_lowered  }
0xa1: {  	s7 =	simm.s32 $0x1BFF;
	s21 =	sshll.u32 s6, $0x1;
	s4 =	sadd.s32 s20, s19  }
0xa2: {  	s22 =	simm.s32 $0x0;
	s5 =	sshll.u32 s5, $0x1;
	s6 =	sadd.s32 s21, s4  }
0xa3: {  	[timem:s22], [sflag:s7] =	dma.local [hbm:s6], s5  }
0xa4: {  	_ =	swait.ge [sflag:s7], s5  }
0xa5: {  	s5 =	ssub.s32 $0x0, s5;
	[sflag:s7] =	ssyncset.done $0x0  }
0xa6: {  	[sflag:s7] =	ssyncadd.s32 s5;
	_ =	sdelay $0x1  }
0xa7: {  	s23 =	simm.s32 $0x1B8B  }
0xa8: {  	_ =	swait.ge [sflag:s23], $0x1  }
0xa9: {  	[sflag:s23] =	ssyncset.done $0x0  }
0xaa: {  	[sflag:s23] =	ssyncadd.s32 $0xFFFFFFFF  }
0xab: {  	s5 =	sld [smem:$0x0]  }
0xac: {  	s6 =	sand.u32 $0xFFFFFFFE, s1  }
0xad: {  	p0 =	sne.s32 s1, s6  }
0xae: {  	s6 =	sshll.u32 @p0 s6, $0xE  }
0xaf: {  	s6 =	sadd.s32 @p0 $0x11B8D, s6;
	s7 =	sshll.u32 @p0 s5, $0x11  }
0xb0: {  	s6 =	sor.u32 @p0 s7, s6  }
0xb1: {  	[sflag:s6] =	ssyncadd.remote.s32 @p0 $0x1;
	_ =	sdelay $0x1  }
0xb2: {  	s6 =	simm.s32 @p0 $0x1B8D  }
0xb3: {  	_ =	swait.eq @p0 [sflag:s6], $0x1  }
0xb4: {  	[sflag:s6] =	ssyncadd.s32 @p0 $0xFFFFFFFF  }
0xb5: {  	s7 =	sshll.u32 @!p0 s1, $0xE  }
0xb6: {  	s7 =	sor.u32 @!p0 $0x4000, s7;
	s6 =	simm.s32 @!p0 $0x1B8D  }
0xb7: {  	s5 =	sshll.u32 @!p0 s5, $0x11;
	s7 =	sadd.s32 @!p0 $0x11B8D, s7;
	_ =	swait.eq @!p0 [sflag:s6], $0x1  }
0xb8: {  	s5 =	sor.u32 @!p0 s5, s7;
	[sflag:s6] =	ssyncadd.s32 @!p0 $0xFFFFFFFF  }
0xb9: {  	s25 =	simm.s32 $0x1B8E;
	s24 =	sld [smem:$0x3FFE];
	[sflag:s5] =	ssyncadd.remote.s32 @!p0 $0x1  }
0xba: {  	s26 =	simm.s32 $execute0_lowered;
	[smem:$0x3FD2] =	sst s25  }
0xbb: {  	s6 =	sshll.u32 s26, $0x1;
	_ =	strace $0x80000049;
	[dreg:$0x1] =	wrdreg $0xFFFFFFFF  }
0xbc: {  	s28 =	simm.s32 $_size_execute0_lowered;
	s4 =	sadd.s32 s4, s6;
	[dreg:$0x0] =	wrdreg $0x0  }
0xbd: {  	s6 =	sshll.u32 s28, $0x1;
	[dreg:$0x2] =	wrdreg s4  }
0xbe: {  	[dreg:$0x3] =	wrdreg s6  }
0xbf: {  	[dreg:$0x4] =	wrdreg $0xC0  }
0xc0: {  	_ =	task [dreg:s22], $0x5FFFF  }
0xc1: {  	[dreg:$0x1] =	wrdreg $0xFFFFFFFF  }
0xc2: {  	[dreg:$0x0] =	wrdreg $0x60  }
0xc3: {  	[dreg:$0x2] =	wrdreg s17  }
0xc4: {  	[dreg:$0x3] =	wrdreg s24  }
0xc5: {  	[dreg:$0x4] =	wrdreg $0x12D400  }
0xc6: {  	[dreg:$0x5] =	wrdreg $0xA  }
0xc7: {  	_ =	task.clear_ibuf [dreg:s22], $0x6FFFF;
	_ =	strace $0x90000049  }
0xc8: {  	s29 =	simm.s32 $0xA;
	_ =	strace $0x8000004B  }
0xc9: {  	_ =	swait.ge [sflag:s29], $0x1  }
0xca: {  	[sflag:s29] =	ssyncadd.s32 $0xFFFFFFFF  }
0xcb: {  	_ =	strace $0x9000004B  }
0xcc: {  	_ =	sfence  }
0xcd: {  	s30 =	sld [smem:$0x0];
	_ =	sdelay $0x2  }
0xce: {  	s31 =	sshll.u32 s1, $0xD;
	s1 =	sshrl.u32 s1, $0x2  }
0xcf: {  	s4 =	sand.u32 $0x4000, s31;
	s1 =	sadd.s32 s1, s30  }
0xd0: {  	s0 =	sor.u32 s4, s0;
	s1 =	sshll.u32 s1, $0x11  }
0xd1: {  	s0 =	sor.u32 s1, s0  }
0xd2: {  	s0 =	sadd.s32 $0x8F2B, s0  }
0xd3: {  	[sflag:s0] =	ssyncadd.remote.s32 $0x1  }
0xd4: {  	_ =	sfence.sel $0xFFFF  }
0xd5: {  	[dreg:$0x0] =	wrdreg $0xFFFFFFFF;
	(pc) =	sbr.abs _section_cstart, $3  }
0xd6: {  	[dreg:$0x1] =	wrdreg $0xFFFFFFFF  }
0xd7: {  	_ =	task.clear_ibuf [dreg:s22], $0x2FFFF;
	_ =	strace $0x9FFFFFFF  }
0xd8: {  	(tm) =	ssettm $0x7FFFFFFF  }
0xd9: {  	_ =	shalt  }
tec
execute0_lowered:
.L_overlay_start_1:
0x0: {  	(tag) =	ssettag $0x1  }
0x1: {  	s2 =	rddreg [dreg:$0x0]  }
0x2: {  	s0 =	srdreg.scid;
	s5 =	rddreg [dreg:$0x1]  }
0x3: {  	s15 =	stileid.u32;
	s3 =	rddreg [dreg:$0x2];
	s4 =	simm.s32 $0x0  }
0x4: {  	s29 =	simm.s32 $0x8930;
	s31 =	simm.s32 $0x9D30;
	s28 =	simm.s32 $0x2  }
0x5: {  	s30 =	simm.s32 $0x3;
	s0 =	sand.u32 $0x1, s0;
	s11 =	smul.u32 $0x2800, s15  }
0x6: {  	s1 =	sshll.u32 s15, $0x1;
	[smem:$0x7FF] =	sst s4;
	s14 =	smul.u32 $0x4E20, s15  }
0x7: {  	s9 =	sadd.s32 $0x6C00, s5;
	s10 =	sadd.s32 $0x28BA00, s5;
	s21 =	smul.u32 $0x27100, s15  }
0x8: {  	s25 =	sadd.s32 $0x28C000, s5;
	s12 =	sadd.s32 $0x28C200, s5;
	s8 =	smul.u32 $0x5000, s0  }
0x9: {  	s1 =	sor.u32 s0, s1;
	_ =	strace $0x8000004A;
	s17 =	smul.u32 $0x2710, s0  }
0xa: {  	[dreg:$0x4] =	wrdreg s10;
	s26 =	ssub.s32 $0x2, s0;
	s0 =	smul.u32 $0x13880, s0  }
0xb: {  	[dreg:$0x5] =	wrdreg s25;
	s10 =	simm.s32 $0xA;
	s6 =	smul.u32 $0x1388, s1  }
0xc: {  	s1 =	smul.u32 $0x2710, s1;
	s13 =	sshrl.u32 s26, $0x1;
	s19 =	sshrl.u32 s11, $0x3  }
0xd: {  	s25 =	sadd.s32 s21, s12;
	s21 =	simm.s32 $0x5;
	s16 =	ssub.s32 s26, s13  }
0xe: {  	s13 =	sadd.s32 s11, s3;
	s18 =	sadd.s32 s17, s14;
	s0 =	sadd.s32 s0, s25  }
0xf: {  	s17 =	simm.s32 $0xC;
	s25 =	simm.s32 $0xC530;
	s11 =	simm.s32 $0xB  }
0x10: {  	s14 =	simm.s32 $0x0;
	s6 =	sshrl.u32 s6, $0x3;
	s1 =	sshrl.u32 s1, $0x3  }
0x11: {  	s20 =	smax.u32 s16, $0x1;
	[dreg:$0xf] =	wrdreg s0;
	s0 =	simm.s32 $0xB130  }
0x12: {  	[dreg:$0x8] =	wrdreg s13;
	s6 =	sadd.s32 $0x4E20, s6;
	s1 =	sadd.s32 s9, s1  }
0x13: {  	[dreg:$0xa] =	wrdreg s20;
	s20 =	simm.s32 $0x12840;
	s7 =	sadd.s32 s6, s5  }
0x14: {  	s5 =	sadd.s32 s8, s5;
	s6 =	sadd.s32 s9, s6;
	[dreg:$0x9] =	wrdreg s1  }
0x15: {  	s1 =	sshll.u32 s18, $0x3;
	s18 =	simm.s32 $0x1388;
	s8 =	simm.s32 $0x9  }
0x16: {  	vm0 =	vcmask $0x300;
	vm1 =	vcmask $0xB08;
	s7 =	sadd.s32 $0x10A00, s7;
	[dreg:$0x7] =	wrdreg s6;
	s5 =	sadd.s32 $0x4FD200, s5  }
0x17: {  	vm2 =	vcmask $0x1310;
	vm1 =	vmor vm0, vm1;
	s1 =	sadd.s32 s12, s1;
	s12 =	simm.s32 $0x10040;
	s6 =	simm.s32 $0x7  }
0x18: {  	vm1 =	vmor vm1, vm2;
	vm2 =	vcmask $0x1B18;
	[dreg:$0x6] =	wrdreg s7;
	s22 =	sadd.s32 $0xA00, s1;
	s23 =	sadd.s32 $0x780, s1  }
.Ltmp0:
0x19: {  	vm1 =	vmor vm1, vm2;
	vm2 =	vcmask $0x2320;
	s24 =	sadd.s32 $0x500, s1;
	[dreg:$0xb] =	wrdreg s22;
	(pc) =	sbr.rel .LBB2_1-.Ltmp0, $4  }
0x1a: {  	vm1 =	vmor vm1, vm2;
	vm2 =	vcmask $0x2B28;
	s1 =	sadd.s32 $0x280, s1;
	s26 =	sadd.s32 s19, s5;
	[dreg:$0xc] =	wrdreg s23  }
0x1b: {  	v0 =	vimm.s32 $0x0;
	vm1 =	vmor vm1, vm2;
	vm2 =	vcmask $0x3330;
	s5 =	simm.s32 $0x6;
	s7 =	simm.s32 $0x8;
	[dreg:$0xd] =	wrdreg s24  }
0x1c: {  	v1 =	vlaneseq.u32;
	vm1 =	vmor vm1, vm2;
	vm2 =	vcmask $0x3B38;
	[dreg:$0xe] =	wrdreg s1;
	s22 =	simm.s32 $0x50;
	s23 =	simm.s32 $0x1  }
0x1d: {  	v0 =	vsel vm0, $0x3, v0;
	v1 =	vshrl.u32 v1, $0x1;
	vm0 =	vmor vm1, vm2;
	[dreg:$0x10] =	wrdreg s26;
	s26 =	simm.s32 $0x7530;
	s1 =	simm.s32 $0x4  }
.LBB2_10:
0x1e: {  	_ =	swait.ge [sflag:s7], $0x1400  }
0x1f: {  	[sflag:s7] =	ssyncset.done $0x0  }
0x20: {  	[sflag:s7] =	ssyncadd.s32 $0xFFFFEC00  }
0x21: {  	_ =	swait.ge [sflag:s8], $0x1400  }
0x22: {  	[sflag:s8] =	ssyncset.done $0x0  }
0x23: {  	[sflag:s8] =	ssyncadd.s32 $0xFFFFEC00  }
0x24: {  	_ =	swait.ge [sflag:s10], $0x1400  }
0x25: {  	[sflag:s10] =	ssyncset.done $0x0  }
0x26: {  	[sflag:s10] =	ssyncadd.s32 $0xFFFFEC00  }
0x27: {  	_ =	swait.ge [sflag:s11], $0x1400  }
0x28: {  	[sflag:s11] =	ssyncset.done $0x0  }
0x29: {  	[sflag:s11] =	ssyncadd.s32 $0xFFFFEC00  }
0x2a: {  	[bflag:$0x0] =	sbarrier.arrive $0xFFFF  }
0x2b: {  	s12 =	simm.s32 $0x10040;
	s13 =	rddreg [dreg:$0x8]  }
0x2c: {  	[tilespmem:s12], [sflag:$0xC] =	stream.linear.gather [spmem:s13], $0x2800, $0x38;
	[tilespmem:$0x15540] =	vst v63  }
0x2d: {  	_ =	swait.ge [sflag:s17], $0x2800  }
0x2e: {  	[sflag:s17] =	ssyncset.done $0x0  }
0x2f: {  	s9 =	rddreg [dreg:$0x10];
	[sflag:s17] =	ssyncadd.s32 $0xFFFFD800  }
0x30: {  	[hbm4b:s9+s4] =	stream.linear.scatter [tilespmem:s12], [sflag:$0xC], $0x2800, $0x38;
	[tilespmem:$0x15540] =	vst v63  }
0x31: {  	_ =	swait.ge [sflag:s17], $0x2800  }
0x32: {  	s14 =	rddreg [dreg:$0x11]  }
0x33: {  	s24 =	rddreg [dreg:$0xa];
	s14 =	sadd.s32 $0x1, s14  }
0x34: {  	p0 =	sne.s32 s14, s24  }
.Ltmp1:
0x35: {  	_ = 	snop;
	(pc) =	sbr.rel @!p0 .LBB2_11-.Ltmp1, $3  }
0x36: {  	_ =	sdelay $0x1  }
0x37: {  	[sflag:s17] =	ssyncset.done $0x0  }
0x38: {  	[sflag:s17] =	ssyncadd.s32 $0xFFFFD800  }
.LBB2_1:
0x39: {  	[dreg:$0x11] =	wrdreg s14  }
0x3a: {  	s9 =	rddreg [dreg:$0x6]  }
0x3b: {  	[tilespmem:s4], [sflag:$0xC] =	stream.linear.gather [hbm4b:s9+s4], $0x1388, $0x38;
	[tilespmem:$0x15540] =	vst v63  }
0x3c: {  	_ =	swait.ge [sflag:s17], $0x1388  }
0x3d: {  	[sflag:s17] =	ssyncset.done $0x0  }
0x3e: {  	s14 =	rddreg [dreg:$0x7];
	[sflag:s17] =	ssyncadd.s32 $0xFFFFEC78  }
0x3f: {  	[tilespmem:s18], [sflag:$0xC] =	stream.linear.gather [hbm4b:s14+s4], $0x1388, $0x38;
	[tilespmem:$0x15540] =	vst v63  }
0x40: {  	_ =	swait.ge [sflag:s17], $0x1388  }
0x41: {  	[sflag:s17] =	ssyncset.done $0x0  }
0x42: {  	s15 =	rddreg [dreg:$0x4];
	[sflag:s17] =	ssyncadd.s32 $0xFFFFEC78  }
0x43: {  	[tilespmem:s12], [sflag:$0xC] =	stream.linear.gather [hbm4b:s15+s4], $0x2800, $0x38;
	[tilespmem:$0x15540] =	vst v63  }
0x44: {  	_ =	swait.ge [sflag:s17], $0x2800  }
0x45: {  	[sflag:s17] =	ssyncset.done $0x0  }
0x46: {  	[sflag:s17] =	ssyncadd.s32 $0xFFFFD800  }
0x47: {  	[spmem:s13] =	stream.linear.scatter [tilespmem:s12], [sflag:$0xC], $0x2800, $0x38;
	[tilespmem:$0x15540] =	vst v63  }
0x48: {  	_ =	swait.ge [sflag:s17], $0x2800  }
0x49: {  	[sflag:s17] =	ssyncset.done $0x0  }
0x4a: {  	s16 =	rddreg [dreg:$0x5];
	[sflag:s17] =	ssyncadd.s32 $0xFFFFD800  }
0x4b: {  	[tilespmem:s20], [sflag:$0xC] =	stream.linear.gather [hbm4b:s16+s4], $0x500, $0x38;
	[tilespmem:$0x15540] =	vst v63  }
0x4c: {  	_ =	swait.ge [sflag:s17], $0x500  }
0x4d: {  	[sflag:s17] =	ssyncset.done $0x0  }
0x4e: {  	s24 =	simm.s32 $0x2710;
	s19 =	rddreg [dreg:$0x9];
	[sflag:s17] =	ssyncadd.s32 $0xFFFFFB00  }
0x4f: {  	[tilespmem:s24], [sflag:$0xC] =	stream.linear.gather [hbm4b:s19+s4], $0x2710, $0x38;
	[tilespmem:$0x15540] =	vst v63  }
0x50: {  	_ =	swait.ge [sflag:s17], $0x2710  }
0x51: {  	[sflag:s17] =	ssyncset.done $0x0  }
0x52: {  	s9 =	simm.s32 $0x0;
	[sflag:s17] =	ssyncadd.s32 $0xFFFFD8F0  }
0x53: {  	v2 =	vld [tilespmem:s9+$0x2750]  }
0x54: {  	v3 =	vld [tilespmem:s9+$0x2710]  }
0x55: {  	v4 =	vld [tilespmem:s9+$0x2720]  }
0x56: {  	v5 =	vld [tilespmem:s9+$0x2730]  }
0x57: {  	s13 =	simm.s32 $0x140;
	v6 =	vld [tilespmem:s9+$0x2740]  }
.LBB2_2:
0x58: {  	s14 =	sshra.s32 s13, $0x2;
	p0 =	sne.s32 s13, $0x9B00;
	s13 =	sadd.s32 $0x140, s13;
	[tilespmem:s9+$0xD970] =	vst v2  }
.Ltmp2:
0x59: {  	v2 =	vld [tilespmem:s14+$0x2750];
	[tilespmem:s9+$0xD930] =	vst v3;
	(pc) =	sbr.rel @p0 .LBB2_2-.Ltmp2, $4  }
0x5a: {  	v3 =	vld [tilespmem:s14+$0x2710];
	[tilespmem:s9+$0xD940] =	vst v4  }
0x5b: {  	v4 =	vld [tilespmem:s14+$0x2720];
	[tilespmem:s9+$0xD950] =	vst v5  }
0x5c: {  	v5 =	vld [tilespmem:s14+$0x2730];
	[tilespmem:s9+$0xD960] =	vst v6;
	s9 =	smov.u32 s14  }
0x5d: {  	v6 =	vld [tilespmem:s9+$0x2740]  }
0x5e: {  	[tilespmem:s9+$0xD970] =	vst v2  }
0x5f: {  	[tilespmem:s9+$0xD930] =	vst v3  }
0x60: {  	[tilespmem:s9+$0xD940] =	vst v4  }
0x61: {  	[tilespmem:s9+$0xD950] =	vst v5  }
0x62: {  	[tilespmem:s9+$0xD960] =	vst v6  }
0x63: {  	s15 =	simm.s32 $0xD930;
	[bflag:$0x0] =	sbarrier.arrive $0xFFFF  }
0x64: {  	[spmem:s3] =	stream.indirect.scatter.add.f32 [tilespmem:s20], [sflag:$0x1], $0x10, s15, s22, $0xb8;
	[tilespmem:$0x15540] =	vst v63  }
0x65: {  	s16 =	simm.s32 $0xD980  }
0x66: {  	[spmem:s3] =	stream.indirect.scatter.add.f32 [tilespmem:s20], [sflag:$0x1], $0x10, s16, s22, $0xb8;
	[tilespmem:$0x15540] =	vst v63  }
0x67: {  	s19 =	simm.s32 $0xD9D0  }
0x68: {  	[spmem:s3] =	stream.indirect.scatter.add.f32 [tilespmem:s20], [sflag:$0x1], $0x10, s19, s22, $0xb8;
	[tilespmem:$0x15540] =	vst v63  }
0x69: {  	s24 =	simm.s32 $0xDA20  }
0x6a: {  	[spmem:s3] =	stream.indirect.scatter.add.f32 [tilespmem:s20], [sflag:$0x1], $0x10, s24, s22, $0xb8;
	[tilespmem:$0x15540] =	vst v63  }
0x6b: {  	s12 =	simm.s32 $0xDA70  }
0x6c: {  	[spmem:s3] =	stream.indirect.scatter.add.f32 [tilespmem:s20], [sflag:$0x1], $0x10, s12, s22, $0xb8;
	[tilespmem:$0x15540] =	vst v63  }
0x6d: {  	s13 =	simm.s32 $0xDAC0  }
0x6e: {  	[spmem:s3] =	stream.indirect.scatter.add.f32 [tilespmem:s20], [sflag:$0x1], $0x10, s13, s22, $0xb8;
	[tilespmem:$0x15540] =	vst v63  }
0x6f: {  	s14 =	simm.s32 $0xDB10  }
0x70: {  	[spmem:s3] =	stream.indirect.scatter.add.f32 [tilespmem:s20], [sflag:$0x1], $0x10, s14, s22, $0xb8;
	[tilespmem:$0x15540] =	vst v63  }
0x71: {  	s15 =	simm.s32 $0xDB60  }
0x72: {  	[spmem:s3] =	stream.indirect.scatter.add.f32 [tilespmem:s20], [sflag:$0x1], $0x10, s15, s22, $0xb8;
	[tilespmem:$0x15540] =	vst v63  }
0x73: {  	s16 =	simm.s32 $0xDBB0  }
0x74: {  	[spmem:s3] =	stream.indirect.scatter.add.f32 [tilespmem:s20], [sflag:$0x1], $0x10, s16, s22, $0xb8;
	[tilespmem:$0x15540] =	vst v63  }
0x75: {  	s19 =	simm.s32 $0xDC00  }
0x76: {  	[spmem:s3] =	stream.indirect.scatter.add.f32 [tilespmem:s20], [sflag:$0x1], $0x10, s19, s22, $0xb8;
	[tilespmem:$0x15540] =	vst v63  }
0x77: {  	s24 =	simm.s32 $0xDC50  }
0x78: {  	[spmem:s3] =	stream.indirect.scatter.add.f32 [tilespmem:s20], [sflag:$0x1], $0x10, s24, s22, $0xb8;
	[tilespmem:$0x15540] =	vst v63  }
0x79: {  	s12 =	simm.s32 $0xDCA0  }
0x7a: {  	[spmem:s3] =	stream.indirect.scatter.add.f32 [tilespmem:s20], [sflag:$0x1], $0x10, s12, s22, $0xb8;
	[tilespmem:$0x15540] =	vst v63  }
0x7b: {  	s13 =	simm.s32 $0xDCF0  }
0x7c: {  	[spmem:s3] =	stream.indirect.scatter.add.f32 [tilespmem:s20], [sflag:$0x1], $0x10, s13, s22, $0xb8;
	[tilespmem:$0x15540] =	vst v63  }
0x7d: {  	s14 =	simm.s32 $0xDD40  }
0x7e: {  	[spmem:s3] =	stream.indirect.scatter.add.f32 [tilespmem:s20], [sflag:$0x1], $0x10, s14, s22, $0xb8;
	[tilespmem:$0x15540] =	vst v63  }
0x7f: {  	s15 =	simm.s32 $0xDD90  }
0x80: {  	[spmem:s3] =	stream.indirect.scatter.add.f32 [tilespmem:s20], [sflag:$0x1], $0x10, s15, s22, $0xb8;
	[tilespmem:$0x15540] =	vst v63  }
0x81: {  	s16 =	simm.s32 $0xDDE0  }
0x82: {  	[spmem:s3] =	stream.indirect.scatter.add.f32 [tilespmem:s20], [sflag:$0x1], $0x10, s16, s22, $0xb8;
	[tilespmem:$0x15540] =	vst v63  }
0x83: {  	s19 =	simm.s32 $0xDE30  }
0x84: {  	[spmem:s3] =	stream.indirect.scatter.add.f32 [tilespmem:s20], [sflag:$0x1], $0x10, s19, s22, $0xb8;
	[tilespmem:$0x15540] =	vst v63  }
0x85: {  	s24 =	simm.s32 $0xDE80  }
0x86: {  	[spmem:s3] =	stream.indirect.scatter.add.f32 [tilespmem:s20], [sflag:$0x1], $0x10, s24, s22, $0xb8;
	[tilespmem:$0x15540] =	vst v63  }
0x87: {  	s12 =	simm.s32 $0xDED0  }
0x88: {  	[spmem:s3] =	stream.indirect.scatter.add.f32 [tilespmem:s20], [sflag:$0x1], $0x10, s12, s22, $0xb8;
	[tilespmem:$0x15540] =	vst v63  }
0x89: {  	s13 =	simm.s32 $0xDF20  }
0x8a: {  	[spmem:s3] =	stream.indirect.scatter.add.f32 [tilespmem:s20], [sflag:$0x1], $0x10, s13, s22, $0xb8;
	[tilespmem:$0x15540] =	vst v63  }
0x8b: {  	s14 =	simm.s32 $0xDF70  }
0x8c: {  	[spmem:s3] =	stream.indirect.scatter.add.f32 [tilespmem:s20], [sflag:$0x1], $0x10, s14, s22, $0xb8;
	[tilespmem:$0x15540] =	vst v63  }
0x8d: {  	s15 =	simm.s32 $0xDFC0  }
0x8e: {  	[spmem:s3] =	stream.indirect.scatter.add.f32 [tilespmem:s20], [sflag:$0x1], $0x10, s15, s22, $0xb8;
	[tilespmem:$0x15540] =	vst v63  }
0x8f: {  	s16 =	simm.s32 $0xE010  }
0x90: {  	[spmem:s3] =	stream.indirect.scatter.add.f32 [tilespmem:s20], [sflag:$0x1], $0x10, s16, s22, $0xb8;
	[tilespmem:$0x15540] =	vst v63  }
0x91: {  	s19 =	simm.s32 $0xE060  }
0x92: {  	[spmem:s3] =	stream.indirect.scatter.add.f32 [tilespmem:s20], [sflag:$0x1], $0x10, s19, s22, $0xb8;
	[tilespmem:$0x15540] =	vst v63  }
0x93: {  	s24 =	simm.s32 $0xE0B0  }
0x94: {  	[spmem:s3] =	stream.indirect.scatter.add.f32 [tilespmem:s20], [sflag:$0x1], $0x10, s24, s22, $0xb8;
	[tilespmem:$0x15540] =	vst v63  }
0x95: {  	_ =	swait.ge [sflag:s23], $0x500  }
0x96: {  	[sflag:s23] =	ssyncset.done $0x0  }
0x97: {  	[sflag:s23] =	ssyncadd.s32 $0xFFFFFB00  }
0x98: {  	_ =	swait.ge [sflag:s23], $0x500  }
0x99: {  	[sflag:s23] =	ssyncset.done $0x0  }
0x9a: {  	[sflag:s23] =	ssyncadd.s32 $0xFFFFFB00  }
0x9b: {  	_ =	swait.ge [sflag:s23], $0x500  }
0x9c: {  	[sflag:s23] =	ssyncset.done $0x0  }
0x9d: {  	[sflag:s23] =	ssyncadd.s32 $0xFFFFFB00  }
0x9e: {  	_ =	swait.ge [sflag:s23], $0x500  }
0x9f: {  	[sflag:s23] =	ssyncset.done $0x0  }
0xa0: {  	[sflag:s23] =	ssyncadd.s32 $0xFFFFFB00  }
0xa1: {  	_ =	swait.ge [sflag:s23], $0x500  }
0xa2: {  	[sflag:s23] =	ssyncset.done $0x0  }
0xa3: {  	[sflag:s23] =	ssyncadd.s32 $0xFFFFFB00  }
0xa4: {  	_ =	swait.ge [sflag:s23], $0x500  }
0xa5: {  	[sflag:s23] =	ssyncset.done $0x0  }
0xa6: {  	[sflag:s23] =	ssyncadd.s32 $0xFFFFFB00  }
0xa7: {  	_ =	swait.ge [sflag:s23], $0x500  }
0xa8: {  	[sflag:s23] =	ssyncset.done $0x0  }
0xa9: {  	[sflag:s23] =	ssyncadd.s32 $0xFFFFFB00  }
0xaa: {  	_ =	swait.ge [sflag:s23], $0x500  }
0xab: {  	[sflag:s23] =	ssyncset.done $0x0  }
0xac: {  	[sflag:s23] =	ssyncadd.s32 $0xFFFFFB00  }
0xad: {  	_ =	swait.ge [sflag:s23], $0x500  }
0xae: {  	[sflag:s23] =	ssyncset.done $0x0  }
0xaf: {  	[sflag:s23] =	ssyncadd.s32 $0xFFFFFB00  }
0xb0: {  	_ =	swait.ge [sflag:s23], $0x500  }
0xb1: {  	[sflag:s23] =	ssyncset.done $0x0  }
0xb2: {  	[sflag:s23] =	ssyncadd.s32 $0xFFFFFB00  }
0xb3: {  	_ =	swait.ge [sflag:s23], $0x500  }
0xb4: {  	[sflag:s23] =	ssyncset.done $0x0  }
0xb5: {  	[sflag:s23] =	ssyncadd.s32 $0xFFFFFB00  }
0xb6: {  	_ =	swait.ge [sflag:s23], $0x500  }
0xb7: {  	[sflag:s23] =	ssyncset.done $0x0  }
0xb8: {  	[sflag:s23] =	ssyncadd.s32 $0xFFFFFB00  }
0xb9: {  	_ =	swait.ge [sflag:s23], $0x500  }
0xba: {  	[sflag:s23] =	ssyncset.done $0x0  }
0xbb: {  	[sflag:s23] =	ssyncadd.s32 $0xFFFFFB00  }
0xbc: {  	_ =	swait.ge [sflag:s23], $0x500  }
0xbd: {  	[sflag:s23] =	ssyncset.done $0x0  }
0xbe: {  	[sflag:s23] =	ssyncadd.s32 $0xFFFFFB00  }
0xbf: {  	_ =	swait.ge [sflag:s23], $0x500  }
0xc0: {  	[sflag:s23] =	ssyncset.done $0x0  }
0xc1: {  	[sflag:s23] =	ssyncadd.s32 $0xFFFFFB00  }
0xc2: {  	_ =	swait.ge [sflag:s23], $0x500  }
0xc3: {  	[sflag:s23] =	ssyncset.done $0x0  }
0xc4: {  	[sflag:s23] =	ssyncadd.s32 $0xFFFFFB00  }
0xc5: {  	_ =	swait.ge [sflag:s23], $0x500  }
0xc6: {  	[sflag:s23] =	ssyncset.done $0x0  }
0xc7: {  	[sflag:s23] =	ssyncadd.s32 $0xFFFFFB00  }
0xc8: {  	_ =	swait.ge [sflag:s23], $0x500  }
0xc9: {  	[sflag:s23] =	ssyncset.done $0x0  }
0xca: {  	[sflag:s23] =	ssyncadd.s32 $0xFFFFFB00  }
0xcb: {  	_ =	swait.ge [sflag:s23], $0x500  }
0xcc: {  	[sflag:s23] =	ssyncset.done $0x0  }
0xcd: {  	[sflag:s23] =	ssyncadd.s32 $0xFFFFFB00  }
0xce: {  	_ =	swait.ge [sflag:s23], $0x500  }
0xcf: {  	[sflag:s23] =	ssyncset.done $0x0  }
0xd0: {  	[sflag:s23] =	ssyncadd.s32 $0xFFFFFB00  }
0xd1: {  	_ =	swait.ge [sflag:s23], $0x500  }
0xd2: {  	[sflag:s23] =	ssyncset.done $0x0  }
0xd3: {  	[sflag:s23] =	ssyncadd.s32 $0xFFFFFB00  }
0xd4: {  	_ =	swait.ge [sflag:s23], $0x500  }
0xd5: {  	[sflag:s23] =	ssyncset.done $0x0  }
0xd6: {  	[sflag:s23] =	ssyncadd.s32 $0xFFFFFB00  }
0xd7: {  	_ =	swait.ge [sflag:s23], $0x500  }
0xd8: {  	[sflag:s23] =	ssyncset.done $0x0  }
0xd9: {  	[sflag:s23] =	ssyncadd.s32 $0xFFFFFB00  }
0xda: {  	_ =	swait.ge [sflag:s23], $0x500  }
0xdb: {  	[sflag:s23] =	ssyncset.done $0x0  }
0xdc: {  	[sflag:s23] =	ssyncadd.s32 $0xFFFFFB00  }
0xdd: {  	_ =	swait.ge [sflag:s23], $0x500  }
0xde: {  	s9 =	simm.s32 $0x3E80;
	s15 =	simm.s32 $0x7D0;
	[sflag:s23] =	ssyncset.done $0x0  }
.LBB2_4:
0xdf: {  	s16 =	sadd.s32 $0xD930, s15  }
0xe0: {  	[sflag:s23] =	ssyncadd.s32 $0xFFFFFB00;
	s14 =	smov.u32 s9;
	s13 =	sadd.s32 $0x1F40, s9  }
0xe1: {  	[spmem:s3] =	stream.indirect.scatter.add.f32 [tilespmem:s20], [sflag:$0x1], $0x10, s16, s22, $0xb8;
	[tilespmem:$0x15540] =	vst v63  }
0xe2: {  	p0 =	sne.s32 s9, $0x7D00;
	s9 =	sadd.s32 $0xD980, s15  }
0xe3: {  	[spmem:s3] =	stream.indirect.scatter.add.f32 [tilespmem:s20], [sflag:$0x1], $0x10, s9, s22, $0xb8;
	[tilespmem:$0x15540] =	vst v63  }
0xe4: {  	s9 =	sadd.s32 $0xD9D0, s15  }
0xe5: {  	[spmem:s3] =	stream.indirect.scatter.add.f32 [tilespmem:s20], [sflag:$0x1], $0x10, s9, s22, $0xb8;
	[tilespmem:$0x15540] =	vst v63  }
0xe6: {  	s9 =	sadd.s32 $0xDA20, s15  }
0xe7: {  	[spmem:s3] =	stream.indirect.scatter.add.f32 [tilespmem:s20], [sflag:$0x1], $0x10, s9, s22, $0xb8;
	[tilespmem:$0x15540] =	vst v63  }
0xe8: {  	s9 =	sadd.s32 $0xDA70, s15  }
0xe9: {  	[spmem:s3] =	stream.indirect.scatter.add.f32 [tilespmem:s20], [sflag:$0x1], $0x10, s9, s22, $0xb8;
	[tilespmem:$0x15540] =	vst v63  }
0xea: {  	s9 =	sadd.s32 $0xDAC0, s15  }
0xeb: {  	[spmem:s3] =	stream.indirect.scatter.add.f32 [tilespmem:s20], [sflag:$0x1], $0x10, s9, s22, $0xb8;
	[tilespmem:$0x15540] =	vst v63  }
0xec: {  	s9 =	sadd.s32 $0xDB10, s15  }
0xed: {  	[spmem:s3] =	stream.indirect.scatter.add.f32 [tilespmem:s20], [sflag:$0x1], $0x10, s9, s22, $0xb8;
	[tilespmem:$0x15540] =	vst v63  }
0xee: {  	s9 =	sadd.s32 $0xDB60, s15  }
0xef: {  	[spmem:s3] =	stream.indirect.scatter.add.f32 [tilespmem:s20], [sflag:$0x1], $0x10, s9, s22, $0xb8;
	[tilespmem:$0x15540] =	vst v63  }
0xf0: {  	s9 =	sadd.s32 $0xDBB0, s15  }
0xf1: {  	[spmem:s3] =	stream.indirect.scatter.add.f32 [tilespmem:s20], [sflag:$0x1], $0x10, s9, s22, $0xb8;
	[tilespmem:$0x15540] =	vst v63  }
0xf2: {  	s9 =	sadd.s32 $0xDC00, s15  }
0xf3: {  	[spmem:s3] =	stream.indirect.scatter.add.f32 [tilespmem:s20], [sflag:$0x1], $0x10, s9, s22, $0xb8;
	[tilespmem:$0x15540] =	vst v63  }
0xf4: {  	s9 =	sadd.s32 $0xDC50, s15  }
0xf5: {  	[spmem:s3] =	stream.indirect.scatter.add.f32 [tilespmem:s20], [sflag:$0x1], $0x10, s9, s22, $0xb8;
	[tilespmem:$0x15540] =	vst v63  }
0xf6: {  	s9 =	sadd.s32 $0xDCA0, s15  }
0xf7: {  	[spmem:s3] =	stream.indirect.scatter.add.f32 [tilespmem:s20], [sflag:$0x1], $0x10, s9, s22, $0xb8;
	[tilespmem:$0x15540] =	vst v63  }
0xf8: {  	s9 =	sadd.s32 $0xDCF0, s15  }
0xf9: {  	[spmem:s3] =	stream.indirect.scatter.add.f32 [tilespmem:s20], [sflag:$0x1], $0x10, s9, s22, $0xb8;
	[tilespmem:$0x15540] =	vst v63  }
0xfa: {  	s9 =	sadd.s32 $0xDD40, s15  }
0xfb: {  	[spmem:s3] =	stream.indirect.scatter.add.f32 [tilespmem:s20], [sflag:$0x1], $0x10, s9, s22, $0xb8;
	[tilespmem:$0x15540] =	vst v63  }
0xfc: {  	s9 =	sadd.s32 $0xDD90, s15  }
0xfd: {  	[spmem:s3] =	stream.indirect.scatter.add.f32 [tilespmem:s20], [sflag:$0x1], $0x10, s9, s22, $0xb8;
	[tilespmem:$0x15540] =	vst v63  }
0xfe: {  	s9 =	sadd.s32 $0xDDE0, s15  }
0xff: {  	[spmem:s3] =	stream.indirect.scatter.add.f32 [tilespmem:s20], [sflag:$0x1], $0x10, s9, s22, $0xb8;
	[tilespmem:$0x15540] =	vst v63  }
0x100: {  	s9 =	sadd.s32 $0xDE30, s15  }
0x101: {  	[spmem:s3] =	stream.indirect.scatter.add.f32 [tilespmem:s20], [sflag:$0x1], $0x10, s9, s22, $0xb8;
	[tilespmem:$0x15540] =	vst v63  }
0x102: {  	s9 =	sadd.s32 $0xDE80, s15  }
0x103: {  	[spmem:s3] =	stream.indirect.scatter.add.f32 [tilespmem:s20], [sflag:$0x1], $0x10, s9, s22, $0xb8;
	[tilespmem:$0x15540] =	vst v63  }
0x104: {  	s9 =	sadd.s32 $0xDED0, s15  }
0x105: {  	[spmem:s3] =	stream.indirect.scatter.add.f32 [tilespmem:s20], [sflag:$0x1], $0x10, s9, s22, $0xb8;
	[tilespmem:$0x15540] =	vst v63  }
0x106: {  	s9 =	sadd.s32 $0xDF20, s15  }
0x107: {  	[spmem:s3] =	stream.indirect.scatter.add.f32 [tilespmem:s20], [sflag:$0x1], $0x10, s9, s22, $0xb8;
	[tilespmem:$0x15540] =	vst v63  }
0x108: {  	s9 =	sadd.s32 $0xDF70, s15  }
0x109: {  	[spmem:s3] =	stream.indirect.scatter.add.f32 [tilespmem:s20], [sflag:$0x1], $0x10, s9, s22, $0xb8;
	[tilespmem:$0x15540] =	vst v63  }
0x10a: {  	s9 =	sadd.s32 $0xDFC0, s15  }
0x10b: {  	[spmem:s3] =	stream.indirect.scatter.add.f32 [tilespmem:s20], [sflag:$0x1], $0x10, s9, s22, $0xb8;
	[tilespmem:$0x15540] =	vst v63  }
0x10c: {  	s9 =	sadd.s32 $0xE010, s15  }
0x10d: {  	[spmem:s3] =	stream.indirect.scatter.add.f32 [tilespmem:s20], [sflag:$0x1], $0x10, s9, s22, $0xb8;
	[tilespmem:$0x15540] =	vst v63  }
0x10e: {  	s9 =	sadd.s32 $0xE060, s15  }
0x10f: {  	[spmem:s3] =	stream.indirect.scatter.add.f32 [tilespmem:s20], [sflag:$0x1], $0x10, s9, s22, $0xb8;
	[tilespmem:$0x15540] =	vst v63  }
0x110: {  	s9 =	sadd.s32 $0xE0B0, s15  }
0x111: {  	[spmem:s3] =	stream.indirect.scatter.add.f32 [tilespmem:s20], [sflag:$0x1], $0x10, s9, s22, $0xb8;
	[tilespmem:$0x15540] =	vst v63  }
0x112: {  	_ =	swait.ge [sflag:s23], $0x500  }
0x113: {  	[sflag:s23] =	ssyncset.done $0x0  }
0x114: {  	[sflag:s23] =	ssyncadd.s32 $0xFFFFFB00  }
0x115: {  	_ =	swait.ge [sflag:s23], $0x500  }
0x116: {  	[sflag:s23] =	ssyncset.done $0x0  }
0x117: {  	[sflag:s23] =	ssyncadd.s32 $0xFFFFFB00  }
0x118: {  	_ =	swait.ge [sflag:s23], $0x500  }
0x119: {  	[sflag:s23] =	ssyncset.done $0x0  }
0x11a: {  	[sflag:s23] =	ssyncadd.s32 $0xFFFFFB00  }
0x11b: {  	_ =	swait.ge [sflag:s23], $0x500  }
0x11c: {  	[sflag:s23] =	ssyncset.done $0x0  }
0x11d: {  	[sflag:s23] =	ssyncadd.s32 $0xFFFFFB00  }
0x11e: {  	_ =	swait.ge [sflag:s23], $0x500  }
0x11f: {  	[sflag:s23] =	ssyncset.done $0x0  }
0x120: {  	[sflag:s23] =	ssyncadd.s32 $0xFFFFFB00  }
0x121: {  	_ =	swait.ge [sflag:s23], $0x500  }
0x122: {  	[sflag:s23] =	ssyncset.done $0x0  }
0x123: {  	[sflag:s23] =	ssyncadd.s32 $0xFFFFFB00  }
0x124: {  	_ =	swait.ge [sflag:s23], $0x500  }
0x125: {  	[sflag:s23] =	ssyncset.done $0x0  }
0x126: {  	[sflag:s23] =	ssyncadd.s32 $0xFFFFFB00  }
0x127: {  	_ =	swait.ge [sflag:s23], $0x500  }
0x128: {  	[sflag:s23] =	ssyncset.done $0x0  }
0x129: {  	[sflag:s23] =	ssyncadd.s32 $0xFFFFFB00  }
0x12a: {  	_ =	swait.ge [sflag:s23], $0x500  }
0x12b: {  	[sflag:s23] =	ssyncset.done $0x0  }
0x12c: {  	[sflag:s23] =	ssyncadd.s32 $0xFFFFFB00  }
0x12d: {  	_ =	swait.ge [sflag:s23], $0x500  }
0x12e: {  	[sflag:s23] =	ssyncset.done $0x0  }
0x12f: {  	[sflag:s23] =	ssyncadd.s32 $0xFFFFFB00  }
0x130: {  	_ =	swait.ge [sflag:s23], $0x500  }
0x131: {  	[sflag:s23] =	ssyncset.done $0x0  }
0x132: {  	[sflag:s23] =	ssyncadd.s32 $0xFFFFFB00  }
0x133: {  	_ =	swait.ge [sflag:s23], $0x500  }
0x134: {  	[sflag:s23] =	ssyncset.done $0x0  }
0x135: {  	[sflag:s23] =	ssyncadd.s32 $0xFFFFFB00  }
0x136: {  	_ =	swait.ge [sflag:s23], $0x500  }
0x137: {  	[sflag:s23] =	ssyncset.done $0x0  }
0x138: {  	[sflag:s23] =	ssyncadd.s32 $0xFFFFFB00  }
0x139: {  	_ =	swait.ge [sflag:s23], $0x500  }
0x13a: {  	[sflag:s23] =	ssyncset.done $0x0  }
0x13b: {  	[sflag:s23] =	ssyncadd.s32 $0xFFFFFB00  }
0x13c: {  	_ =	swait.ge [sflag:s23], $0x500  }
0x13d: {  	[sflag:s23] =	ssyncset.done $0x0  }
0x13e: {  	[sflag:s23] =	ssyncadd.s32 $0xFFFFFB00  }
0x13f: {  	_ =	swait.ge [sflag:s23], $0x500  }
0x140: {  	[sflag:s23] =	ssyncset.done $0x0  }
0x141: {  	[sflag:s23] =	ssyncadd.s32 $0xFFFFFB00  }
0x142: {  	_ =	swait.ge [sflag:s23], $0x500  }
0x143: {  	[sflag:s23] =	ssyncset.done $0x0  }
0x144: {  	[sflag:s23] =	ssyncadd.s32 $0xFFFFFB00  }
0x145: {  	_ =	swait.ge [sflag:s23], $0x500  }
0x146: {  	[sflag:s23] =	ssyncset.done $0x0  }
0x147: {  	[sflag:s23] =	ssyncadd.s32 $0xFFFFFB00  }
0x148: {  	_ =	swait.ge [sflag:s23], $0x500  }
0x149: {  	[sflag:s23] =	ssyncset.done $0x0  }
0x14a: {  	[sflag:s23] =	ssyncadd.s32 $0xFFFFFB00  }
0x14b: {  	_ =	swait.ge [sflag:s23], $0x500  }
0x14c: {  	[sflag:s23] =	ssyncset.done $0x0  }
0x14d: {  	[sflag:s23] =	ssyncadd.s32 $0xFFFFFB00  }
0x14e: {  	_ =	swait.ge [sflag:s23], $0x500  }
0x14f: {  	[sflag:s23] =	ssyncset.done $0x0  }
0x150: {  	[sflag:s23] =	ssyncadd.s32 $0xFFFFFB00  }
0x151: {  	_ =	swait.ge [sflag:s23], $0x500  }
0x152: {  	[sflag:s23] =	ssyncset.done $0x0  }
0x153: {  	[sflag:s23] =	ssyncadd.s32 $0xFFFFFB00  }
0x154: {  	_ =	swait.ge [sflag:s23], $0x500  }
0x155: {  	[sflag:s23] =	ssyncset.done $0x0  }
0x156: {  	[sflag:s23] =	ssyncadd.s32 $0xFFFFFB00  }
.Ltmp3:
0x157: {  	_ =	swait.ge [sflag:s23], $0x500;
	(pc) =	sbr.rel @p0 .LBB2_4-.Ltmp3, $4  }
0x158: {  	[sflag:s23] =	ssyncset.done $0x0  }
0x159: {  	[sflag:s23] =	ssyncadd.s32 $0xFFFFFB00  }
0x15a: {  	_ =	swait.ge [sflag:s23], $0x500  }
0x15b: {  	s15 =	sshra.s32 s14, $0x2;
	s9 =	smov.u32 s13;
	[sflag:s23] =	ssyncset.done $0x0  }
0x15c: {  	s9 =	sadd.s32 $0xD930, s15;
	[sflag:s23] =	ssyncadd.s32 $0xFFFFFB00  }
0x15d: {  	[spmem:s3] =	stream.indirect.scatter.add.f32 [tilespmem:s20], [sflag:$0x1], $0x10, s9, s22, $0xb8;
	[tilespmem:$0x15540] =	vst v63  }
0x15e: {  	s14 =	sadd.s32 $0xD980, s15  }
0x15f: {  	[spmem:s3] =	stream.indirect.scatter.add.f32 [tilespmem:s20], [sflag:$0x1], $0x10, s14, s22, $0xb8;
	[tilespmem:$0x15540] =	vst v63  }
0x160: {  	s16 =	sadd.s32 $0xD9D0, s15  }
0x161: {  	[spmem:s3] =	stream.indirect.scatter.add.f32 [tilespmem:s20], [sflag:$0x1], $0x10, s16, s22, $0xb8;
	[tilespmem:$0x15540] =	vst v63  }
0x162: {  	s19 =	sadd.s32 $0xDA20, s15  }
0x163: {  	[spmem:s3] =	stream.indirect.scatter.add.f32 [tilespmem:s20], [sflag:$0x1], $0x10, s19, s22, $0xb8;
	[tilespmem:$0x15540] =	vst v63  }
0x164: {  	s24 =	sadd.s32 $0xDA70, s15  }
0x165: {  	[spmem:s3] =	stream.indirect.scatter.add.f32 [tilespmem:s20], [sflag:$0x1], $0x10, s24, s22, $0xb8;
	[tilespmem:$0x15540] =	vst v63  }
0x166: {  	s12 =	sadd.s32 $0xDAC0, s15  }
0x167: {  	[spmem:s3] =	stream.indirect.scatter.add.f32 [tilespmem:s20], [sflag:$0x1], $0x10, s12, s22, $0xb8;
	[tilespmem:$0x15540] =	vst v63  }
0x168: {  	s13 =	sadd.s32 $0xDB10, s15  }
0x169: {  	[spmem:s3] =	stream.indirect.scatter.add.f32 [tilespmem:s20], [sflag:$0x1], $0x10, s13, s22, $0xb8;
	[tilespmem:$0x15540] =	vst v63  }
0x16a: {  	s14 =	sadd.s32 $0xDB60, s15  }
0x16b: {  	[spmem:s3] =	stream.indirect.scatter.add.f32 [tilespmem:s20], [sflag:$0x1], $0x10, s14, s22, $0xb8;
	[tilespmem:$0x15540] =	vst v63  }
0x16c: {  	s16 =	sadd.s32 $0xDBB0, s15  }
0x16d: {  	[spmem:s3] =	stream.indirect.scatter.add.f32 [tilespmem:s20], [sflag:$0x1], $0x10, s16, s22, $0xb8;
	[tilespmem:$0x15540] =	vst v63  }
0x16e: {  	s19 =	sadd.s32 $0xDC00, s15  }
0x16f: {  	[spmem:s3] =	stream.indirect.scatter.add.f32 [tilespmem:s20], [sflag:$0x1], $0x10, s19, s22, $0xb8;
	[tilespmem:$0x15540] =	vst v63  }
0x170: {  	s24 =	sadd.s32 $0xDC50, s15  }
0x171: {  	[spmem:s3] =	stream.indirect.scatter.add.f32 [tilespmem:s20], [sflag:$0x1], $0x10, s24, s22, $0xb8;
	[tilespmem:$0x15540] =	vst v63  }
0x172: {  	s12 =	sadd.s32 $0xDCA0, s15  }
0x173: {  	[spmem:s3] =	stream.indirect.scatter.add.f32 [tilespmem:s20], [sflag:$0x1], $0x10, s12, s22, $0xb8;
	[tilespmem:$0x15540] =	vst v63  }
0x174: {  	s13 =	sadd.s32 $0xDCF0, s15  }
0x175: {  	[spmem:s3] =	stream.indirect.scatter.add.f32 [tilespmem:s20], [sflag:$0x1], $0x10, s13, s22, $0xb8;
	[tilespmem:$0x15540] =	vst v63  }
0x176: {  	s14 =	sadd.s32 $0xDD40, s15  }
0x177: {  	[spmem:s3] =	stream.indirect.scatter.add.f32 [tilespmem:s20], [sflag:$0x1], $0x10, s14, s22, $0xb8;
	[tilespmem:$0x15540] =	vst v63  }
0x178: {  	s16 =	sadd.s32 $0xDD90, s15  }
0x179: {  	[spmem:s3] =	stream.indirect.scatter.add.f32 [tilespmem:s20], [sflag:$0x1], $0x10, s16, s22, $0xb8;
	[tilespmem:$0x15540] =	vst v63  }
0x17a: {  	s19 =	sadd.s32 $0xDDE0, s15  }
0x17b: {  	[spmem:s3] =	stream.indirect.scatter.add.f32 [tilespmem:s20], [sflag:$0x1], $0x10, s19, s22, $0xb8;
	[tilespmem:$0x15540] =	vst v63  }
0x17c: {  	s24 =	sadd.s32 $0xDE30, s15  }
0x17d: {  	[spmem:s3] =	stream.indirect.scatter.add.f32 [tilespmem:s20], [sflag:$0x1], $0x10, s24, s22, $0xb8;
	[tilespmem:$0x15540] =	vst v63  }
0x17e: {  	s12 =	sadd.s32 $0xDE80, s15  }
0x17f: {  	[spmem:s3] =	stream.indirect.scatter.add.f32 [tilespmem:s20], [sflag:$0x1], $0x10, s12, s22, $0xb8;
	[tilespmem:$0x15540] =	vst v63  }
0x180: {  	s13 =	sadd.s32 $0xDED0, s15  }
0x181: {  	[spmem:s3] =	stream.indirect.scatter.add.f32 [tilespmem:s20], [sflag:$0x1], $0x10, s13, s22, $0xb8;
	[tilespmem:$0x15540] =	vst v63  }
0x182: {  	s14 =	sadd.s32 $0xDF20, s15  }
0x183: {  	[spmem:s3] =	stream.indirect.scatter.add.f32 [tilespmem:s20], [sflag:$0x1], $0x10, s14, s22, $0xb8;
	[tilespmem:$0x15540] =	vst v63  }
0x184: {  	s16 =	sadd.s32 $0xDF70, s15  }
0x185: {  	[spmem:s3] =	stream.indirect.scatter.add.f32 [tilespmem:s20], [sflag:$0x1], $0x10, s16, s22, $0xb8;
	[tilespmem:$0x15540] =	vst v63  }
0x186: {  	s19 =	sadd.s32 $0xDFC0, s15  }
0x187: {  	[spmem:s3] =	stream.indirect.scatter.add.f32 [tilespmem:s20], [sflag:$0x1], $0x10, s19, s22, $0xb8;
	[tilespmem:$0x15540] =	vst v63  }
0x188: {  	s24 =	sadd.s32 $0xE010, s15  }
0x189: {  	[spmem:s3] =	stream.indirect.scatter.add.f32 [tilespmem:s20], [sflag:$0x1], $0x10, s24, s22, $0xb8;
	[tilespmem:$0x15540] =	vst v63  }
0x18a: {  	s12 =	sadd.s32 $0xE060, s15  }
0x18b: {  	[spmem:s3] =	stream.indirect.scatter.add.f32 [tilespmem:s20], [sflag:$0x1], $0x10, s12, s22, $0xb8;
	[tilespmem:$0x15540] =	vst v63  }
0x18c: {  	s13 =	sadd.s32 $0xE0B0, s15  }
0x18d: {  	[spmem:s3] =	stream.indirect.scatter.add.f32 [tilespmem:s20], [sflag:$0x1], $0x10, s13, s22, $0xb8;
	[tilespmem:$0x15540] =	vst v63  }
0x18e: {  	_ =	swait.ge [sflag:s23], $0x500  }
0x18f: {  	[sflag:s23] =	ssyncset.done $0x0  }
0x190: {  	[sflag:s23] =	ssyncadd.s32 $0xFFFFFB00  }
0x191: {  	_ =	swait.ge [sflag:s23], $0x500  }
0x192: {  	[sflag:s23] =	ssyncset.done $0x0  }
0x193: {  	[sflag:s23] =	ssyncadd.s32 $0xFFFFFB00  }
0x194: {  	_ =	swait.ge [sflag:s23], $0x500  }
0x195: {  	[sflag:s23] =	ssyncset.done $0x0  }
0x196: {  	[sflag:s23] =	ssyncadd.s32 $0xFFFFFB00  }
0x197: {  	_ =	swait.ge [sflag:s23], $0x500  }
0x198: {  	[sflag:s23] =	ssyncset.done $0x0  }
0x199: {  	[sflag:s23] =	ssyncadd.s32 $0xFFFFFB00  }
0x19a: {  	_ =	swait.ge [sflag:s23], $0x500  }
0x19b: {  	[sflag:s23] =	ssyncset.done $0x0  }
0x19c: {  	[sflag:s23] =	ssyncadd.s32 $0xFFFFFB00  }
0x19d: {  	_ =	swait.ge [sflag:s23], $0x500  }
0x19e: {  	[sflag:s23] =	ssyncset.done $0x0  }
0x19f: {  	[sflag:s23] =	ssyncadd.s32 $0xFFFFFB00  }
0x1a0: {  	_ =	swait.ge [sflag:s23], $0x500  }
0x1a1: {  	[sflag:s23] =	ssyncset.done $0x0  }
0x1a2: {  	[sflag:s23] =	ssyncadd.s32 $0xFFFFFB00  }
0x1a3: {  	_ =	swait.ge [sflag:s23], $0x500  }
0x1a4: {  	[sflag:s23] =	ssyncset.done $0x0  }
0x1a5: {  	[sflag:s23] =	ssyncadd.s32 $0xFFFFFB00  }
0x1a6: {  	_ =	swait.ge [sflag:s23], $0x500  }
0x1a7: {  	[sflag:s23] =	ssyncset.done $0x0  }
0x1a8: {  	[sflag:s23] =	ssyncadd.s32 $0xFFFFFB00  }
0x1a9: {  	_ =	swait.ge [sflag:s23], $0x500  }
0x1aa: {  	[sflag:s23] =	ssyncset.done $0x0  }
0x1ab: {  	[sflag:s23] =	ssyncadd.s32 $0xFFFFFB00  }
0x1ac: {  	_ =	swait.ge [sflag:s23], $0x500  }
0x1ad: {  	[sflag:s23] =	ssyncset.done $0x0  }
0x1ae: {  	[sflag:s23] =	ssyncadd.s32 $0xFFFFFB00  }
0x1af: {  	_ =	swait.ge [sflag:s23], $0x500  }
0x1b0: {  	[sflag:s23] =	ssyncset.done $0x0  }
0x1b1: {  	[sflag:s23] =	ssyncadd.s32 $0xFFFFFB00  }
0x1b2: {  	_ =	swait.ge [sflag:s23], $0x500  }
0x1b3: {  	[sflag:s23] =	ssyncset.done $0x0  }
0x1b4: {  	[sflag:s23] =	ssyncadd.s32 $0xFFFFFB00  }
0x1b5: {  	_ =	swait.ge [sflag:s23], $0x500  }
0x1b6: {  	[sflag:s23] =	ssyncset.done $0x0  }
0x1b7: {  	[sflag:s23] =	ssyncadd.s32 $0xFFFFFB00  }
0x1b8: {  	_ =	swait.ge [sflag:s23], $0x500  }
0x1b9: {  	[sflag:s23] =	ssyncset.done $0x0  }
0x1ba: {  	[sflag:s23] =	ssyncadd.s32 $0xFFFFFB00  }
0x1bb: {  	_ =	swait.ge [sflag:s23], $0x500  }
0x1bc: {  	[sflag:s23] =	ssyncset.done $0x0  }
0x1bd: {  	[sflag:s23] =	ssyncadd.s32 $0xFFFFFB00  }
0x1be: {  	_ =	swait.ge [sflag:s23], $0x500  }
0x1bf: {  	[sflag:s23] =	ssyncset.done $0x0  }
0x1c0: {  	[sflag:s23] =	ssyncadd.s32 $0xFFFFFB00  }
0x1c1: {  	_ =	swait.ge [sflag:s23], $0x500  }
0x1c2: {  	[sflag:s23] =	ssyncset.done $0x0  }
0x1c3: {  	[sflag:s23] =	ssyncadd.s32 $0xFFFFFB00  }
0x1c4: {  	_ =	swait.ge [sflag:s23], $0x500  }
0x1c5: {  	[sflag:s23] =	ssyncset.done $0x0  }
0x1c6: {  	[sflag:s23] =	ssyncadd.s32 $0xFFFFFB00  }
0x1c7: {  	_ =	swait.ge [sflag:s23], $0x500  }
0x1c8: {  	[sflag:s23] =	ssyncset.done $0x0  }
0x1c9: {  	[sflag:s23] =	ssyncadd.s32 $0xFFFFFB00  }
0x1ca: {  	_ =	swait.ge [sflag:s23], $0x500  }
0x1cb: {  	[sflag:s23] =	ssyncset.done $0x0  }
0x1cc: {  	[sflag:s23] =	ssyncadd.s32 $0xFFFFFB00  }
0x1cd: {  	_ =	swait.ge [sflag:s23], $0x500  }
0x1ce: {  	s14 =	simm.s32 $0x0;
	[sflag:s23] =	ssyncset.done $0x0  }
0x1cf: {  	v2 =	vmov s14;
	[sflag:s23] =	ssyncadd.s32 $0xFFFFFB00  }
0x1d0: {  	v2 =	vshrl.u32 v2, $0x4;
	_ =	swait.ge [sflag:s23], $0x500  }
0x1d1: {  	v2 =	vshll.u32 v2, v0;
	[sflag:s23] =	ssyncset.done $0x0  }
0x1d2: {  	v2 =	vbroadcast v2, $0x0;
	[sflag:s23] =	ssyncadd.s32 $0xFFFFFB00  }
0x1d3: {  	_ =	swait.ge [sflag:s23], $0x500  }
0x1d4: {  	v2 =	vor.u32 v1, v2;
	[sflag:s23] =	ssyncset.done $0x0  }
0x1d5: {  	[sflag:s23] =	ssyncadd.s32 $0xFFFFFB00  }
0x1d6: {  	_ =	swait.ge [sflag:s23], $0x500  }
0x1d7: {  	s15 =	simm.s32 $0x10;
	[sflag:s23] =	ssyncset.done $0x0  }
0x1d8: {  	v3 =	vmov s15;
	[sflag:s23] =	ssyncadd.s32 $0xFFFFFB00  }
0x1d9: {  	v3 =	vshrl.u32 v3, $0x4;
	v4 =	vld.idx.msk [tilespmem:v2+s18+$0x0], $0xffff  }
0x1da: {  	v3 =	vshll.u32 v3, v0;
	v2 =	vld.idx.msk [tilespmem:v2+s4+$0x0], $0xffff  }
0x1db: {  	v3 =	vbroadcast v3, $0x0;
	_ =	sdelay $0x1  }
0x1dc: {  	v3 =	vor.u32 v1, v3  }
0x1dd: {  	v4 =	vshll.u32 v4, $0x1  }
0x1de: {  	v2 =	vshll.u32 v2, $0x1;
	v4 =	vor.u32 $0x1, v4  }
0x1df: {  	s16 =	simm.s32 $0x20;
	s13 =	simm.s32 $0x4E40;
	v2 =	vsel vm0, v2, v4  }
0x1e0: {  	[tilespmem:s13+$0xFFFFFFE0] =	vst v2;
	v2 =	vmov s16  }
0x1e1: {  	v61 =	vld.idx.msk [tilespmem:v3+s18+$0x0], $0xffff;
	v2 =	vshrl.u32 v2, $0x4  }
0x1e2: {  	v3 =	vld.idx.msk [tilespmem:v3+s4+$0x0], $0xffff;
	v2 =	vshll.u32 v2, v0  }
0x1e3: {  	v2 =	vbroadcast v2, $0x0;
	_ =	sdelay $0x1  }
0x1e4: {  	v2 =	vor.u32 v1, v2  }
0x1e5: {  	v4 =	vshll.u32 v61, $0x1  }
0x1e6: {  	v3 =	vshll.u32 v3, $0x1;
	v4 =	vor.u32 $0x1, v4  }
0x1e7: {  	s19 =	simm.s32 $0x30;
	v3 =	vsel vm0, v3, v4  }
0x1e8: {  	[tilespmem:s13+$0xFFFFFFF0] =	vst v3;
	v3 =	vmov s19  }
0x1e9: {  	v62 =	vld.idx.msk [tilespmem:v2+s18+$0x0], $0xffff;
	v3 =	vshrl.u32 v3, $0x4  }
0x1ea: {  	v2 =	vld.idx.msk [tilespmem:v2+s4+$0x0], $0xffff;
	v3 =	vshll.u32 v3, v0  }
0x1eb: {  	v3 =	vbroadcast v3, $0x0;
	_ =	sdelay $0x1  }
0x1ec: {  	v3 =	vor.u32 v1, v3  }
0x1ed: {  	v4 =	vshll.u32 v62, $0x1  }
0x1ee: {  	v2 =	vshll.u32 v2, $0x1;
	v4 =	vor.u32 $0x1, v4  }
0x1ef: {  	v2 =	vsel vm0, v2, v4  }
0x1f0: {  	[tilespmem:s13+$0x0] =	vst v2  }
0x1f1: {  	v2 =	vld.idx.msk [tilespmem:v3+s18+$0x0], $0xffff  }
0x1f2: {  	s24 =	simm.s32 $0x40;
	v3 =	vld.idx.msk [tilespmem:v3+s4+$0x0], $0xffff  }
0x1f3: {  	v63 =	vmov s24  }
0x1f4: {  	v4 =	vshrl.u32 v63, $0x4  }
0x1f5: {  	v4 =	vshll.u32 v4, v0  }
0x1f6: {  	v4 =	vbroadcast v4, $0x0;
	v2 =	vshll.u32 v2, $0x1  }
0x1f7: {  	v3 =	vshll.u32 v3, $0x1;
	v2 =	vor.u32 $0x1, v2  }
0x1f8: {  	v3 =	vsel vm0, v3, v2;
	v2 =	vor.u32 v1, v4;
	_ =	sdelay $0x3  }
0x1f9: {  	s9 =	simm.s32 $0x50;
	s15 =	simm.s32 $0xE0;
	s14 =	simm.s32 $0x90;
	[tilespmem:s13+$0x10] =	vst v3  }
.LBB2_6:
0x1fa: {  	p0 =	sne.s32 s15, $0x2700;
	v3 =	vmov s9;
	v4 =	vld.idx.msk [tilespmem:v2+s18+$0x0], $0xffff  }
0x1fb: {  	v3 =	vshrl.u32 v3, $0x4;
	v2 =	vld.idx.msk [tilespmem:v2+s4+$0x0], $0xffff  }
0x1fc: {  	v3 =	vshll.u32 v3, v0  }
0x1fd: {  	v3 =	vbroadcast v3, $0x0;
	_ =	sdelay $0x1  }
0x1fe: {  	v3 =	vor.u32 v1, v3  }
0x1ff: {  	v4 =	vshll.u32 v4, $0x1  }
0x200: {  	v4 =	vor.u32 $0x1, v4;
	v2 =	vshll.u32 v2, $0x1  }
0x201: {  	v2 =	vsel vm0, v2, v4  }
0x202: {  	s9 =	sadd.s32 $0xFFFFFFD0, s14;
	[tilespmem:s13+$0x20] =	vst v2  }
0x203: {  	v4 =	vmov s9;
	v2 =	vld.idx.msk [tilespmem:v3+s18+$0x0], $0xffff  }
0x204: {  	v4 =	vshrl.u32 v4, $0x4;
	v3 =	vld.idx.msk [tilespmem:v3+s4+$0x0], $0xffff  }
0x205: {  	v4 =	vshll.u32 v4, v0  }
0x206: {  	v4 =	vbroadcast v4, $0x0;
	_ =	sdelay $0x1  }
0x207: {  	v4 =	vor.u32 v1, v4  }
0x208: {  	v2 =	vshll.u32 v2, $0x1  }
0x209: {  	v2 =	vor.u32 $0x1, v2;
	v3 =	vshll.u32 v3, $0x1  }
0x20a: {  	s13 =	sadd.s32 $0x50, s13;
	v2 =	vsel vm0, v3, v2  }
0x20b: {  	s9 =	sadd.s32 $0xFFFFFFE0, s14;
	[tilespmem:s13+$0xFFFFFFE0] =	vst v2  }
0x20c: {  	v3 =	vmov s9;
	v2 =	vld.idx.msk [tilespmem:v4+s18+$0x0], $0xffff  }
0x20d: {  	v3 =	vshrl.u32 v3, $0x4;
	v4 =	vld.idx.msk [tilespmem:v4+s4+$0x0], $0xffff  }
0x20e: {  	v3 =	vshll.u32 v3, v0  }
0x20f: {  	v3 =	vbroadcast v3, $0x0;
	_ =	sdelay $0x1  }
0x210: {  	v3 =	vor.u32 v1, v3  }
0x211: {  	v2 =	vshll.u32 v2, $0x1  }
0x212: {  	v2 =	vor.u32 $0x1, v2;
	v4 =	vshll.u32 v4, $0x1  }
0x213: {  	v2 =	vsel vm0, v4, v2  }
0x214: {  	s9 =	sadd.s32 $0xFFFFFFF0, s14;
	[tilespmem:s13+$0xFFFFFFF0] =	vst v2  }
0x215: {  	v4 =	vmov s9;
	v2 =	vld.idx.msk [tilespmem:v3+s18+$0x0], $0xffff  }
0x216: {  	v4 =	vshrl.u32 v4, $0x4;
	v3 =	vld.idx.msk [tilespmem:v3+s4+$0x0], $0xffff  }
0x217: {  	v4 =	vshll.u32 v4, v0  }
0x218: {  	v4 =	vbroadcast v4, $0x0;
	_ =	sdelay $0x1  }
0x219: {  	v4 =	vor.u32 v1, v4  }
0x21a: {  	v2 =	vshll.u32 v2, $0x1  }
0x21b: {  	v2 =	vor.u32 $0x1, v2;
	v3 =	vshll.u32 v3, $0x1  }
0x21c: {  	v2 =	vsel vm0, v3, v2  }
0x21d: {  	[tilespmem:s13+$0x0] =	vst v2  }
0x21e: {  	v2 =	vmov s14;
	s14 =	smov.u32 s15;
	v3 =	vld.idx.msk [tilespmem:v4+s18+$0x0], $0xffff  }
0x21f: {  	v2 =	vshrl.u32 v2, $0x4;
	v4 =	vld.idx.msk [tilespmem:v4+s4+$0x0], $0xffff  }
0x220: {  	v2 =	vshll.u32 v2, v0  }
0x221: {  	v2 =	vbroadcast v2, $0x0;
	_ =	sdelay $0x1  }
.Ltmp4:
0x222: {  	v2 =	vor.u32 v1, v2;
	(pc) =	sbr.rel @p0 .LBB2_6-.Ltmp4, $4  }
0x223: {  	v3 =	vshll.u32 v3, $0x1  }
0x224: {  	v3 =	vor.u32 $0x1, v3;
	v4 =	vshll.u32 v4, $0x1  }
0x225: {  	v3 =	vsel vm0, v4, v3  }
0x226: {  	s15 =	sadd.s32 $0x50, s15;
	s9 =	sadd.s32 $0xFFFFFFC0, s14;
	[tilespmem:s13+$0x10] =	vst v3  }
0x227: {  	_ =	sdelay $0x2  }
0x228: {  	v3 =	vmov s9  }
0x229: {  	v4 =	vld.idx.msk [tilespmem:v2+s18+$0x0], $0xffff;
	v3 =	vshrl.u32 v3, $0x4  }
0x22a: {  	v2 =	vld.idx.msk [tilespmem:v2+s4+$0x0], $0xffff;
	v3 =	vshll.u32 v3, v0  }
0x22b: {  	v3 =	vbroadcast v3, $0x0;
	_ =	sdelay $0x1  }
0x22c: {  	v3 =	vor.u32 v1, v3  }
0x22d: {  	v4 =	vshll.u32 v4, $0x1  }
0x22e: {  	v2 =	vshll.u32 v2, $0x1;
	v4 =	vor.u32 $0x1, v4  }
0x22f: {  	s16 =	sadd.s32 $0xFFFFFFD0, s14;
	v2 =	vsel vm0, v2, v4  }
0x230: {  	[tilespmem:s13+$0x20] =	vst v2;
	v2 =	vmov s16  }
0x231: {  	v2 =	vshrl.u32 v2, $0x4;
	v60 =	vld.idx.msk [tilespmem:v3+s18+$0x0], $0xffff  }
0x232: {  	v3 =	vld.idx.msk [tilespmem:v3+s4+$0x0], $0xffff;
	v2 =	vshll.u32 v2, v0  }
0x233: {  	v2 =	vbroadcast v2, $0x0;
	_ =	sdelay $0x1  }
0x234: {  	v2 =	vor.u32 v1, v2  }
0x235: {  	v4 =	vshll.u32 v60, $0x1  }
0x236: {  	v3 =	vshll.u32 v3, $0x1;
	v4 =	vor.u32 $0x1, v4  }
0x237: {  	s19 =	sadd.s32 $0x50, s13;
	s24 =	sadd.s32 $0xFFFFFFE0, s14;
	v3 =	vsel vm0, v3, v4  }
0x238: {  	[tilespmem:s19+$0xFFFFFFE0] =	vst v3;
	v3 =	vmov s24  }
0x239: {  	v61 =	vld.idx.msk [tilespmem:v2+s18+$0x0], $0xffff;
	v3 =	vshrl.u32 v3, $0x4  }
0x23a: {  	v2 =	vld.idx.msk [tilespmem:v2+s4+$0x0], $0xffff;
	v3 =	vshll.u32 v3, v0  }
0x23b: {  	v3 =	vbroadcast v3, $0x0;
	_ =	sdelay $0x1  }
0x23c: {  	v3 =	vor.u32 v1, v3  }
0x23d: {  	v4 =	vshll.u32 v61, $0x1  }
0x23e: {  	v2 =	vshll.u32 v2, $0x1;
	v4 =	vor.u32 $0x1, v4  }
0x23f: {  	s12 =	sadd.s32 $0xFFFFFFF0, s14;
	v2 =	vsel vm0, v2, v4  }
0x240: {  	[tilespmem:s19+$0xFFFFFFF0] =	vst v2;
	v2 =	vmov s12  }
0x241: {  	v62 =	vld.idx.msk [tilespmem:v3+s18+$0x0], $0xffff;
	v2 =	vshrl.u32 v2, $0x4  }
0x242: {  	v3 =	vld.idx.msk [tilespmem:v3+s4+$0x0], $0xffff;
	v2 =	vshll.u32 v2, v0  }
0x243: {  	v2 =	vbroadcast v2, $0x0;
	_ =	sdelay $0x1  }
0x244: {  	v2 =	vor.u32 v1, v2  }
0x245: {  	v4 =	vshll.u32 v62, $0x1  }
0x246: {  	v3 =	vshll.u32 v3, $0x1;
	v4 =	vor.u32 $0x1, v4  }
0x247: {  	v3 =	vsel vm0, v3, v4  }
0x248: {  	[tilespmem:s19+$0x0] =	vst v3;
	v3 =	vmov s14  }
0x249: {  	v63 =	vld.idx.msk [tilespmem:v2+s18+$0x0], $0xffff;
	v3 =	vshrl.u32 v3, $0x4  }
0x24a: {  	v2 =	vld.idx.msk [tilespmem:v2+s4+$0x0], $0xffff;
	v3 =	vshll.u32 v3, v0  }
0x24b: {  	v3 =	vbroadcast v3, $0x0;
	_ =	sdelay $0x1  }
0x24c: {  	v3 =	vor.u32 v1, v3  }
0x24d: {  	v4 =	vshll.u32 v63, $0x1  }
0x24e: {  	v2 =	vshll.u32 v2, $0x1;
	v4 =	vor.u32 $0x1, v4  }
0x24f: {  	v2 =	vsel vm0, v2, v4  }
0x250: {  	[tilespmem:s19+$0x10] =	vst v2  }
0x251: {  	v2 =	vld.idx.msk [tilespmem:v3+s18+$0x0], $0xffff  }
0x252: {  	v3 =	vld.idx.msk [tilespmem:v3+s4+$0x0], $0xffff;
	_ =	sdelay $0x3  }
0x253: {  	v2 =	vshll.u32 v2, $0x1  }
0x254: {  	v3 =	vshll.u32 v3, $0x1;
	v2 =	vor.u32 $0x1, v2  }
0x255: {  	v2 =	vsel vm0, v3, v2  }
0x256: {  	s14 =	simm.s32 $0x4E20;
	[tilespmem:s19+$0x20] =	vst v2  }
0x257: {  	[tilespmem:s26], [sflag:$0x2] =	stream.indirect.gather [hbm4b:s2+s22], $0x40, s14, s22, $0xb8;
	[tilespmem:$0x15540] =	vst v63  }
0x258: {  	s15 =	simm.s32 $0x4E70;
	s9 =	rddreg [dreg:$0xb]  }
0x259: {  	[tilespmem:s29], [sflag:$0x3] =	stream.indirect.gather [hbm4b:s2+s22], $0x40, s15, s22, $0xb8;
	[tilespmem:$0x15540] =	vst v63  }
0x25a: {  	s16 =	simm.s32 $0x4EC0;
	s14 =	rddreg [dreg:$0xf]  }
0x25b: {  	[tilespmem:s31], [sflag:$0x4] =	stream.indirect.gather [hbm4b:s2+s22], $0x40, s16, s22, $0xb8;
	[tilespmem:$0x15540] =	vst v63  }
0x25c: {  	s19 =	simm.s32 $0x4F10;
	s15 =	rddreg [dreg:$0xe]  }
0x25d: {  	[tilespmem:s0], [sflag:$0x5] =	stream.indirect.gather [hbm4b:s2+s22], $0x40, s19, s22, $0xb8;
	[tilespmem:$0x15540] =	vst v63  }
0x25e: {  	s24 =	simm.s32 $0x4F60;
	s16 =	rddreg [dreg:$0xd]  }
0x25f: {  	[tilespmem:s25], [sflag:$0x6] =	stream.indirect.gather [hbm4b:s2+s22], $0x40, s24, s22, $0xb8;
	[tilespmem:$0x15540] =	vst v63  }
0x260: {  	s13 =	simm.s32 $0x0;
	s24 =	rddreg [dreg:$0xc]  }
.LBB2_8:
0x261: {  	_ =	swait.ge [sflag:s28], $0x1400  }
0x262: {  	[sflag:s28] =	ssyncset.done $0x0  }
0x263: {  	[sflag:s28] =	ssyncadd.s32 $0xFFFFEC00  }
0x264: {  	[hbm4b:s14+s4] =	stream.linear.scatter [tilespmem:s26], [sflag:$0x7], $0x1400, $0x38;
	[tilespmem:$0x15540] =	vst v63  }
0x265: {  	_ =	swait.ge [sflag:s30], $0x1400  }
0x266: {  	[sflag:s30] =	ssyncset.done $0x0  }
0x267: {  	[sflag:s30] =	ssyncadd.s32 $0xFFFFEC00  }
0x268: {  	[hbm4b:s15+s4] =	stream.linear.scatter [tilespmem:s29], [sflag:$0x8], $0x1400, $0x38;
	[tilespmem:$0x15540] =	vst v63  }
0x269: {  	_ =	swait.ge [sflag:s1], $0x1400  }
0x26a: {  	[sflag:s1] =	ssyncset.done $0x0  }
0x26b: {  	[sflag:s1] =	ssyncadd.s32 $0xFFFFEC00  }
0x26c: {  	[hbm4b:s16+s4] =	stream.linear.scatter [tilespmem:s31], [sflag:$0x9], $0x1400, $0x38;
	[tilespmem:$0x15540] =	vst v63  }
0x26d: {  	_ =	swait.ge [sflag:s21], $0x1400  }
0x26e: {  	[sflag:s21] =	ssyncset.done $0x0  }
0x26f: {  	[sflag:s21] =	ssyncadd.s32 $0xFFFFEC00  }
0x270: {  	[hbm4b:s24+s4] =	stream.linear.scatter [tilespmem:s0], [sflag:$0xA], $0x1400, $0x38;
	[tilespmem:$0x15540] =	vst v63  }
0x271: {  	_ =	swait.ge [sflag:s5], $0x1400  }
0x272: {  	p0 =	seq.s32 s13, $0x9600;
	[sflag:s5] =	ssyncset.done $0x0  }
.Ltmp5:
0x273: {  	[sflag:s5] =	ssyncadd.s32 $0xFFFFEC00;
	(pc) =	sbr.rel @p0 .LBB2_10-.Ltmp5, $4  }
0x274: {  	[hbm4b:s9+s4] =	stream.linear.scatter [tilespmem:s25], [sflag:$0xB], $0x1400, $0x38;
	[tilespmem:$0x15540] =	vst v63  }
0x275: {  	_ =	swait.ge [sflag:s6], $0x1400  }
0x276: {  	[sflag:s6] =	ssyncset.done $0x0  }
0x277: {  	[sflag:s6] =	ssyncadd.s32 $0xFFFFEC00  }
0x278: {  	s19 =	sshra.s32 s13, $0x2  }
0x279: {  	s12 =	sadd.s32 $0x4FB0, s19  }
0x27a: {  	[tilespmem:s26], [sflag:$0x2] =	stream.indirect.gather [hbm4b:s2+s22], $0x40, s12, s22, $0xb8;
	[tilespmem:$0x15540] =	vst v63  }
0x27b: {  	_ =	swait.ge [sflag:s7], $0x1400  }
0x27c: {  	[sflag:s7] =	ssyncset.done $0x0  }
0x27d: {  	s12 =	sadd.s32 $0x5000, s19;
	[sflag:s7] =	ssyncadd.s32 $0xFFFFEC00  }
0x27e: {  	[tilespmem:s29], [sflag:$0x3] =	stream.indirect.gather [hbm4b:s2+s22], $0x40, s12, s22, $0xb8;
	[tilespmem:$0x15540] =	vst v63  }
0x27f: {  	_ =	swait.ge [sflag:s8], $0x1400  }
0x280: {  	[sflag:s8] =	ssyncset.done $0x0  }
0x281: {  	s12 =	sadd.s32 $0x5050, s19;
	[sflag:s8] =	ssyncadd.s32 $0xFFFFEC00  }
0x282: {  	[tilespmem:s31], [sflag:$0x4] =	stream.indirect.gather [hbm4b:s2+s22], $0x40, s12, s22, $0xb8;
	[tilespmem:$0x15540] =	vst v63  }
0x283: {  	_ =	swait.ge [sflag:s10], $0x1400  }
0x284: {  	[sflag:s10] =	ssyncset.done $0x0  }
0x285: {  	s12 =	sadd.s32 $0x50A0, s19;
	[sflag:s10] =	ssyncadd.s32 $0xFFFFEC00  }
0x286: {  	[tilespmem:s0], [sflag:$0x5] =	stream.indirect.gather [hbm4b:s2+s22], $0x40, s12, s22, $0xb8;
	[tilespmem:$0x15540] =	vst v63  }
.Ltmp6:
0x287: {  	s13 =	sadd.s32 $0x640, s13;
	(pc) =	sbr.rel .LBB2_8-.Ltmp6, $4  }
0x288: {  	s9 =	sadd.s32 $0xC80, s9;
	s24 =	sadd.s32 $0xC80, s24;
	_ =	swait.ge [sflag:s11], $0x1400  }
0x289: {  	s16 =	sadd.s32 $0xC80, s16;
	s15 =	sadd.s32 $0xC80, s15;
	[sflag:s11] =	ssyncset.done $0x0  }
0x28a: {  	s14 =	sadd.s32 $0xC80, s14;
	s19 =	sadd.s32 $0x50F0, s19;
	[sflag:s11] =	ssyncadd.s32 $0xFFFFEC00  }
0x28b: {  	[tilespmem:s25], [sflag:$0x6] =	stream.indirect.gather [hbm4b:s2+s22], $0x40, s19, s22, $0xb8;
	[tilespmem:$0x15540] =	vst v63  }
.LBB2_11:
0x28c: {  	_ =	sfence.sel $0x180000  }
0x28d: {  	[bflag:$0x0] =	sbarrier.arrive $0xFFFF  }
0x28e: {  	_ =	strace $0x9000004A  }
0x28f: {  	s0 =	stileid.u32;
	[bflag:$0x2] =	sbarrier.arrive $0xFFFF  }
0x290: {  	p0 =	sne.s32 s0, $0x0;
	s0 =	rddreg [dreg:$0x3]  }
0x291: {  	s0 =	sadd.s32 @!p0 $0x100000, s0  }
0x292: {  	[sflag:s0] =	ssyncadd.tile.s32 @!p0 $0x1;
	_ =	shalt  }
.Lfunc_end2:
_tile_overlayer_lowered:
.L_overlay_start_2:
0x293: {  	(tag) =	ssettag $0x2  }
0x294: {  	s0 =	rddreg [dreg:$0x0];
	s2 =	stileid.u32  }
0x295: {  	s1 =	rddreg [dreg:$0x1];
	p0 =	sne.s32 s2, $0x0  }
0x296: {  	s3 =	rddreg [dreg:$0x2];
	[bflag:$0x3] =	sbarrier.arrive $0xFFFF;
	s2 =	simm.s32 @!p0 $0x1C0C  }
0x297: {  	[timem:s3], [sflag:s2] =	dma.local @!p0 [hbm:s0], s1  }
0x298: {  	s0 =	simm.s32 @!p0 $0xC  }
0x299: {  	_ =	swait.ge @!p0 [sflag:s0], s1  }
0x29a: {  	s1 =	ssub.s32 @!p0 $0x0, s1;
	[sflag:s0] =	ssyncset.done @!p0 $0x0  }
0x29b: {  	[sflag:s0] =	ssyncadd.s32 @!p0 s1  }
0x29c: {  	[bflag:$0x3] =	sbarrier.arrive $0xFFFF  }
0x29d: {  	_ =	shalt  }

// kernel: kernel.15.cloned.1.call-start
scs
__scs_entry_jumppad:
0x0: {  	(pc) =	sbr.rel $0x88, $3  }
0x1: {  	(tag) =	ssettag $0x0;
	lr =	simm.s32 $0x1  }
0x2: {  	[smem:$0x3F8B] =	sst lr;
	_ =	strace $0xD0000000  }
0x3: {  	_ = 	snop  }
0x4: {  	_ = 	snop  }
0x5: {  	_ = 	snop  }
0x6: {  	_ = 	snop  }
0x7: {  	_ = 	snop  }
__scs_overlays_trampoline_lowered:
0x8: {  	[smem:$0x3F9A] =	sst s0  }
0x9: {  	[smem:$0x3F9B] =	sst s1  }
0xa: {  	[smem:$0x3F9C] =	sst s2  }
0xb: {  	[smem:$0x3F9D] =	sst s3  }
0xc: {  	[smem:$0x3F9E] =	sst s4  }
0xd: {  	[smem:$0x3F9F] =	sst s5  }
0xe: {  	[smem:$0x3FA0] =	sst s6  }
0xf: {  	[smem:$0x3FA1] =	sst s7  }
0x10: {  	[smem:$0x3FA2] =	sst s8  }
0x11: {  	[smem:$0x3FA3] =	sst s9;
	s0 =	simm.s32 @!p0 $0x0  }
0x12: {  	s1 =	sld [smem:$0x3F89];
	s0 =	simm.s32 @p0 $0x1  }
0x13: {  	[smem:$0x3FA4] =	sst s0;
	s0 =	simm.s32 @!p1 $0x0  }
0x14: {  	s2 =	sld [smem:$0x3F88];
	s0 =	simm.s32 @p1 $0x1  }
0x15: {  	[smem:$0x3FA5] =	sst s0;
	s0 =	simm.s32 @!p2 $0x0  }
0x16: {  	s3 =	sld [smem:$0x3FDB];
	s0 =	simm.s32 @p2 $0x1  }
0x17: {  	s4 =	simm.s32 $0x1BF5;
	[smem:$0x3FA7] =	sst s0  }
0x18: {  	s0 =	sld [smem:$0x3F8A];
	_ =	swait.ge [sflag:s4], $0x0  }
0x19: {  	s7 =	sld [smem:$0x3F8B]  }
0x1a: {  	s8 =	sadd.s32 $0xFFFFE003, lr  }
0x1b: {  	s9 =	sadd.s32 $0xFFFFFEF7, lr;
	s5 =	simm.s32 $0xFFFFFFFF;
	p2 =	slt.u32 s8, $0xFFFFF086  }
0x1c: {  	p1 =	slt.u32 s9, $0xF7A;
	s5 =	simm.s32 @!p2 $0x0  }
0x1d: {  	s5 =	simm.s32 @p1 $0x1;
	p0 =	seq.s32 s7, s2  }
0x1e: {  	s7 =	smul.u32 @!p0 $0xF7A, s2;
	p2 =	seq.s32 @!p0 s5, $0x0  }
0x1f: {  	s9 =	smul.u32 $0xF7A, s1;
	s8 =	simm.s32 @!p0 $0x1BF5;
	p2 =	por !p2, p0  }
0x20: {  	[sflag:s8] =	ssyncset.s32 @!p0 $0xFFFFF086;
	s6 =	sadd.s32 @!p0 s3, s7;
	s7 =	simm.s32 @!p0 $0x108  }
0x21: {  	s3 =	sadd.s32 s3, s9;
	s6 =	sadd.s32 @!p0 $0x88, s6;
	s7 =	simm.s32 @p2 $0x1082  }
0x22: {  	[simem:s7], [sflag:s8] =	dma.local @!p0 [hbm:s6], $0xF7A  }
0x23: {  	s9 =	sor.u32 $0xD0000000, s2;
	s6 =	simm.s32 $0x108;
	_ =	swait.ge @!p0 [sflag:s8], $0x0  }
0x24: {  	s3 =	sadd.s32 $0x88, s3;
	s6 =	simm.s32 @!p1 $0x1082;
	[sflag:s4] =	ssyncset.s32 $0xFFFFF086  }
0x25: {  	[simem:s6], [sflag:s4] =	dma.local [hbm:s3], $0xF7A  }
0x26: {  	[smem:$0x3F8B] =	sst s1;
	(tag) =	ssettag s2;
	_ =	strace s9  }
0x27: {  	s1 =	sld [smem:$0x3F9B]  }
0x28: {  	s2 =	sld [smem:$0x3F9C]  }
0x29: {  	s4 =	sld [smem:$0x3F9E]  }
0x2a: {  	p0 =	seq.s32 s5, $0x0;
	s5 =	sld [smem:$0x3F9F]  }
0x2b: {  	s6 =	sld [smem:$0x3FA0]  }
0x2c: {  	s7 =	sld [smem:$0x3FA1]  }
0x2d: {  	s3 =	simm.s32 $0x108;
	s8 =	sld [smem:$0x3FA2]  }
0x2e: {  	s3 =	simm.s32 @!p0 $0x1082;
	s9 =	sld [smem:$0x3FA3]  }
0x2f: {  	lr =	sadd.s32 s0, s3;
	s0 =	sld [smem:$0x3F9A]  }
0x30: {  	s3 =	sld [smem:$0x3F9D]  }
0x31: {  	[smem:$0x3FA6] =	sst s10  }
0x32: {  	s10 =	sld [smem:$0x3FA4];
	_ =	sdelay $0x3  }
0x33: {  	p0 =	seq.s32 s10, $0x1;
	s10 =	sld [smem:$0x3FA6];
	_ =	sdelay $0x3  }
0x34: {  	[smem:$0x3FA6] =	sst s10  }
0x35: {  	s10 =	sld [smem:$0x3FA5];
	_ =	sdelay $0x3  }
0x36: {  	p1 =	seq.s32 s10, $0x1;
	s10 =	sld [smem:$0x3FA6];
	_ =	sdelay $0x3  }
0x37: {  	[smem:$0x3FA6] =	sst s10  }
0x38: {  	s10 =	sld [smem:$0x3FA7]  }
0x39: {  	_ = 	snop;
	(pc) =	sbr.ind lr, $3  }
0x3a: {  	_ = 	snop  }
0x3b: {  	_ = 	snop  }
0x3c: {  	p2 =	seq.s32 s10, $0x1;
	s10 =	sld [smem:$0x3FA6]  }
0x3d: {  	_ =	shalt  }
0x3e: {  	_ =	shalt  }
0x3f: {  	_ =	shalt  }
0x40: {  	_ =	shalt  }
0x41: {  	_ =	shalt  }
0x42: {  	_ =	shalt  }
0x43: {  	_ =	shalt  }
0x44: {  	_ =	shalt  }
0x45: {  	_ =	shalt  }
0x46: {  	_ =	shalt  }
0x47: {  	_ =	shalt  }
0x48: {  	_ =	shalt  }
0x49: {  	_ =	shalt  }
0x4a: {  	_ =	shalt  }
0x4b: {  	_ =	shalt  }
0x4c: {  	_ =	shalt  }
0x4d: {  	_ =	shalt  }
0x4e: {  	_ =	shalt  }
0x4f: {  	_ =	shalt  }
0x50: {  	_ =	shalt  }
0x51: {  	_ =	shalt  }
0x52: {  	_ =	shalt  }
0x53: {  	_ =	shalt  }
0x54: {  	_ =	shalt  }
0x55: {  	_ =	shalt  }
0x56: {  	_ =	shalt  }
0x57: {  	_ =	shalt  }
0x58: {  	_ =	shalt  }
0x59: {  	_ =	shalt  }
0x5a: {  	_ =	shalt  }
0x5b: {  	_ =	shalt  }
0x5c: {  	_ =	shalt  }
0x5d: {  	_ =	shalt  }
0x5e: {  	_ =	shalt  }
0x5f: {  	_ =	shalt  }
0x60: {  	_ =	shalt  }
0x61: {  	_ =	shalt  }
0x62: {  	_ =	shalt  }
0x63: {  	_ =	shalt  }
0x64: {  	_ =	shalt  }
0x65: {  	_ =	shalt  }
0x66: {  	_ =	shalt  }
0x67: {  	_ =	shalt  }
0x68: {  	_ =	shalt  }
0x69: {  	_ =	shalt  }
0x6a: {  	_ =	shalt  }
0x6b: {  	_ =	shalt  }
0x6c: {  	_ =	shalt  }
0x6d: {  	_ =	shalt  }
0x6e: {  	_ =	shalt  }
0x6f: {  	_ =	shalt  }
0x70: {  	_ =	shalt  }
0x71: {  	_ =	shalt  }
0x72: {  	_ =	shalt  }
0x73: {  	_ =	shalt  }
0x74: {  	_ =	shalt  }
0x75: {  	_ =	shalt  }
0x76: {  	_ =	shalt  }
0x77: {  	_ =	shalt  }
0x78: {  	_ =	shalt  }
0x79: {  	_ =	shalt  }
0x7a: {  	_ =	shalt  }
0x7b: {  	_ =	shalt  }
0x7c: {  	_ =	shalt  }
0x7d: {  	_ =	shalt  }
0x7e: {  	_ =	shalt  }
0x7f: {  	_ =	shalt  }
0x80: {  	_ =	shalt  }
0x81: {  	_ =	shalt  }
0x82: {  	_ =	shalt  }
0x83: {  	_ =	shalt  }
0x84: {  	_ =	shalt  }
0x85: {  	_ =	shalt  }
0x86: {  	_ =	shalt  }
0x87: {  	_ =	shalt  }
.Lfunc_end0:
.L_simem_size_0:
called_computation.2_lowered:
.L_overlay_start_0:
0x88: {  	s2 =	sld [smem:$0x3FD9]  }
0x89: {  	s3 =	sld [smem:$0x3FFE];
	_ =	sdelay $0x1  }
0x8a: {  	s1 =	srdreg.scid  }
0x8b: {  	s0 =	sand.u32 $0x1, s1  }
0x8c: {  	s14 =	sshll.u32 s0, $0xA;
	s2 =	sadd.s32 s3, s2  }
0x8d: {  	s2 =	sadd.s32 s2, s14  }
0x8e: {  	[smem:$0x3FB2] =	sst s2  }
0x8f: {  	_ = 	snop  }
0x90: {  	s2 =	sld [smem:$0x3FD0];
	_ =	sdelay $0x2  }
0x91: {  	s15 =	simm.s32 $0xB;
	s4 =	simm.s32 $0x10  }
0x92: {  	[smem:s4], [sflag:s15] =	dma.local [hbm:s2], $0x1  }
0x93: {  	_ =	swait.eq [sflag:s15], $0x1  }
0x94: {  	[sflag:s15] =	ssyncset.done $0x0  }
0x95: {  	[sflag:s15] =	ssyncadd.s32 $0xFFFFFFFF  }
0x96: {  	s16 =	sld [smem:$0x11];
	(tm) =	ssettm $0x1  }
0x97: {  	s17 =	sld [smem:$0x3FFB];
	_ =	sdelay $0x3  }
0x98: {  	_ =	strace s17  }
0x99: {  	s3 =	sld [smem:$0x3FFC];
	_ =	sdelay $0x3  }
0x9a: {  	_ =	strace s3  }
0x9b: {  	s3 =	sld [smem:$0x3FFD];
	_ =	sdelay $0x3  }
0x9c: {  	_ =	strace s3  }
0x9d: {  	_ =	strace $0x8FFFFFFF  }
0x9e: {  	s18 =	sld [smem:$0x3FDB];
	_ =	sdelay $0x1  }
0x9f: {  	s19 =	simm.s32 $_scs_section_size  }
0xa0: {  	s5 =	simm.s32 $_size__tile_overlayer_lowered;
	s6 =	simm.s32 $_tile_overlayer_lowered  }
0xa1: {  	s22 =	simm.s32 $0x1BFF;
	s21 =	sshll.u32 s6, $0x1;
	s3 =	sadd.s32 s19, s18  }
0xa2: {  	s7 =	simm.s32 $0x0;
	s20 =	sshll.u32 s5, $0x1;
	s5 =	sadd.s32 s21, s3  }
0xa3: {  	[timem:s7], [sflag:s22] =	dma.local [hbm:s5], s20  }
0xa4: {  	_ =	swait.ge [sflag:s22], s20  }
0xa5: {  	s4 =	ssub.s32 $0x0, s20;
	[sflag:s22] =	ssyncset.done $0x0  }
0xa6: {  	[sflag:s22] =	ssyncadd.s32 s4;
	_ =	sdelay $0x1  }
0xa7: {  	s23 =	simm.s32 $0x1B8B  }
0xa8: {  	_ =	swait.ge [sflag:s23], $0x1  }
0xa9: {  	[sflag:s23] =	ssyncset.done $0x0  }
0xaa: {  	s25 =	simm.s32 $0x1B8E;
	s24 =	sld [smem:$0x3FFE];
	[sflag:s23] =	ssyncadd.s32 $0xFFFFFFFF  }
0xab: {  	s26 =	simm.s32 $execute0_lowered;
	[smem:$0x3FD2] =	sst s25  }
0xac: {  	s5 =	sshll.u32 s26, $0x1;
	_ =	strace $0x8000004C;
	[dreg:$0x1] =	wrdreg $0xFFFFFFFF  }
0xad: {  	s28 =	simm.s32 $_size_execute0_lowered;
	s3 =	sadd.s32 s3, s5;
	[dreg:$0x0] =	wrdreg $0x0  }
0xae: {  	s5 =	sshll.u32 s28, $0x1;
	[dreg:$0x2] =	wrdreg s3  }
0xaf: {  	[dreg:$0x3] =	wrdreg s5  }
0xb0: {  	[dreg:$0x4] =	wrdreg $0xC0  }
0xb1: {  	_ =	task [dreg:s7], $0x5FFFF  }
0xb2: {  	[dreg:$0x1] =	wrdreg $0xFFFFFFFF  }
0xb3: {  	[dreg:$0x0] =	wrdreg $0x60  }
0xb4: {  	[dreg:$0x2] =	wrdreg s24  }
0xb5: {  	[dreg:$0x3] =	wrdreg s16  }
0xb6: {  	[dreg:$0x4] =	wrdreg $0x150900  }
0xb7: {  	[dreg:$0x5] =	wrdreg $0x9  }
0xb8: {  	_ =	task.clear_ibuf [dreg:s7], $0x6FFFF;
	_ =	strace $0x9000004C  }
0xb9: {  	s29 =	simm.s32 $0x9;
	_ =	strace $0x8000004E  }
0xba: {  	_ =	swait.ge [sflag:s29], $0x1  }
0xbb: {  	[sflag:s29] =	ssyncadd.s32 $0xFFFFFFFF  }
0xbc: {  	_ =	strace $0x9000004E  }
0xbd: {  	_ =	sfence  }
0xbe: {  	s30 =	sld [smem:$0x0];
	_ =	sdelay $0x2  }
0xbf: {  	s31 =	sshll.u32 s1, $0xD;
	s1 =	sshrl.u32 s1, $0x2  }
0xc0: {  	s3 =	sand.u32 $0x4000, s31;
	s1 =	sadd.s32 s1, s30  }
0xc1: {  	s0 =	sor.u32 s3, s0;
	s1 =	sshll.u32 s1, $0x11  }
0xc2: {  	s0 =	sor.u32 s1, s0  }
0xc3: {  	s0 =	sadd.s32 $0x8F2B, s0  }
0xc4: {  	[sflag:s0] =	ssyncadd.remote.s32 $0x1  }
0xc5: {  	_ =	sfence.sel $0xFFFF  }
0xc6: {  	[dreg:$0x0] =	wrdreg $0xFFFFFFFF;
	(pc) =	sbr.abs _section_cstart, $3  }
0xc7: {  	[dreg:$0x1] =	wrdreg $0xFFFFFFFF  }
0xc8: {  	_ =	task.clear_ibuf [dreg:s7], $0x2FFFF;
	_ =	strace $0x9FFFFFFF  }
0xc9: {  	(tm) =	ssettm $0x7FFFFFFF  }
tec
execute0_lowered:
.L_overlay_start_1:
0x0: {  	(tag) =	ssettag $0x1  }
0x1: {  	s1 =	rddreg [dreg:$0x0]  }
0x2: {  	s3 =	rddreg [dreg:$0x2];
	s15 =	stileid.u32  }
0x3: {  	s4 =	simm.s32 $0x0;
	s0 =	srdreg.scid;
	s30 =	simm.s32 $0x50  }
0x4: {  	s5 =	smul.u32 $0x2710, s15;
	[smem:$0x7FF] =	sst s4;
	s6 =	sadd.s32 $0x511200, s1  }
0x5: {  	s7 =	sand.u32 $0x1, s0;
	s10 =	sadd.s32 $0x507200, s1;
	s18 =	smul.u32 $0x9C400, s15  }
0x6: {  	s0 =	sadd.s32 $0x1AC00, s1;
	s16 =	sadd.s32 $0x153400, s1;
	s19 =	smul.u32 $0x13880, s15  }
0x7: {  	_ =	strace $0x8000004D;
	s8 =	ssub.s32 $0x2, s7;
	[dreg:$0x4] =	wrdreg s16  }
0x8: {  	s11 =	sshrl.u32 s8, $0x1;
	s12 =	sadd.s32 $0x27100, s5;
	s17 =	sadd.s32 s6, s19  }
0x9: {  	s1 =	ssub.s32 s8, s11;
	s8 =	sshrl.u32 s18, $0x3;
	[dreg:$0x5] =	wrdreg s12  }
0xa: {  	[dreg:$0x7] =	wrdreg s17;
	s20 =	sadd.s32 $0x280, s8;
	s1 =	smax.u32 s1, $0x1  }
0xb: {  	v0 =	vimm.s32 $0xC87;
	vm1 =	vcmask $0x300;
	s21 =	sadd.s32 $0x500, s8;
	s13 =	sadd.s32 s6, s20;
	[dreg:$0x15] =	wrdreg s1  }
0xc: {  	v1 =	vimm.s32 $0xC8F;
	vm13 =	vcmask $0x704;
	vm0 =	vcmask $0xB08;
	s22 =	sadd.s32 $0x780, s8;
	s14 =	sadd.s32 s6, s21;
	[dreg:$0x8] =	wrdreg s13  }
0xd: {  	vm14 =	vcmask $0xF0C;
	vm2 =	vcmask $0x1310;
	vm3 =	vcmask $0x1714;
	s8 =	sadd.s32 $0xA00, s8;
	s18 =	sadd.s32 s6, s22;
	[dreg:$0x9] =	wrdreg s14  }
0xe: {  	vm4 =	vcmask $0x1B18;
	vm5 =	vcmask $0x1F1C;
	vm6 =	vcmask $0x2320;
	s28 =	simm.s32 $0xA;
	s6 =	sadd.s32 s6, s8;
	[dreg:$0xa] =	wrdreg s18  }
0xf: {  	vm7 =	vcmask $0x2724;
	vm8 =	vcmask $0x2B28;
	vm9 =	vcmask $0x2F2C;
	s2 =	smulhi.u32 $0xA3D71, s5;
	s25 =	sadd.s32 s0, s20;
	[dreg:$0xb] =	wrdreg s6  }
0x10: {  	vm10 =	vcmask $0x3330;
	vm11 =	vcmask $0x3734;
	vm12 =	vcmask $0x3B38;
	s29 =	smul.u32 $0x19, s15;
	s26 =	sadd.s32 s0, s21;
	[dreg:$0xe] =	wrdreg s25  }
0x11: {  	v2 =	vimm.s32 $0xC97;
	v3 =	vimm.s32 $0xC9F;
	v4 =	vimm.s32 $0xCA7;
	s9 =	smul.u32 $0x1900, s2;
	s31 =	sadd.s32 s0, s22;
	[dreg:$0xf] =	wrdreg s26  }
0x12: {  	v0 =	vsel vm1, $0x0, v0;
	v1 =	vsel vm1, $0x8, v1;
	v2 =	vsel vm1, $0x10, v2;
	s2 =	smul.u32 $0xA000, s15;
	s21 =	sadd.s32 $0xF0, s5;
	[dreg:$0x10] =	wrdreg s31  }
0x13: {  	v3 =	vsel vm1, $0x18, v3;
	v4 =	vsel vm1, $0x20, v4;
	v0 =	vsel vm13, $0xC80, v0;
	p0 =	seq.s32 s7, $0x1;
	s22 =	sadd.s32 $0xA0, s5;
	[dreg:$0x1f] =	wrdreg s21  }
0x14: {  	v1 =	vsel vm13, $0xC88, v1;
	v2 =	vsel vm13, $0xC90, v2;
	v3 =	vsel vm13, $0xC98, v3;
	s13 =	sadd.s32 s2, s3;
	s2 =	sshrl.u32 s2, $0x3;
	[smem:$0x7F7] =	sst s22  }
0x15: {  	s24 =	smul.u32 $0x14000, s7;
	v4 =	vsel vm13, $0xCA0, v4;
	v0 =	vsel vm0, $0x1, v0;
	v1 =	vsel vm0, $0x9, v1;
	s18 =	sadd.s32 $0x1680, s17;
	[dreg:$0x13] =	wrdreg s2  }
0x16: {  	v2 =	vsel vm0, $0x11, v2;
	v3 =	vsel vm0, $0x19, v3;
	v4 =	vsel vm0, $0x21, v4;
	s12 =	smulhi.u32 $0xA3D71, s12;
	s25 =	sadd.s32 $0x27240, s5;
	[dreg:$0x1b] =	wrdreg s18  }
0x17: {  	s7 =	simm.s32 $0x4C90;
	v0 =	vsel vm14, $0xC81, v0;
	v1 =	vsel vm14, $0xC89, v1;
	v2 =	vsel vm14, $0xC91, v2;
	s26 =	sadd.s32 $0x271F0, s5;
	[smem:$0x7FA] =	sst s25  }
0x18: {  	v3 =	vsel vm14, $0xC99, v3;
	v4 =	vsel vm14, $0xCA1, v4;
	v0 =	vsel vm2, $0x2, v0;
	s12 =	smul.u32 $0x1900, s12;
	s31 =	sadd.s32 $0x27150, s5;
	[smem:$0x7FB] =	sst s26  }
0x19: {  	v1 =	vsel vm2, $0xA, v1;
	v2 =	vsel vm2, $0x12, v2;
	v3 =	vsel vm2, $0x1A, v3;
	s9 =	sshrl.u32 s9, $0x3;
	s22 =	simm.s32 $0x9C90;
	[smem:$0x7FD] =	sst s31  }
0x1a: {  	v4 =	vsel vm2, $0x22, v4;
	v0 =	vsel vm3, $0xC82, v0;
	v1 =	vsel vm3, $0xC8A, v1;
	s21 =	simm.s32 $0x4;
	s9 =	sadd.s32 s10, s9;
	[dreg:$0x12] =	wrdreg s13  }
0x1b: {  	v2 =	vsel vm3, $0xC92, v2;
	v3 =	vsel vm3, $0xC9A, v3;
	v4 =	vsel vm3, $0xCA2, v4;
	s17 =	simm.s32 $0x6;
	s11 =	sadd.s32 s12, s5;
	[dreg:$0x6] =	wrdreg s9  }
0x1c: {  	v0 =	vsel vm4, $0x3, v0;
	v1 =	vsel vm4, $0xB, v1;
	v2 =	vsel vm4, $0x13, v2;
	s23 =	sshrl.u32 s12, $0x3;
	s14 =	sadd.s32 $0x271F0, s12;
	[dreg:$0x17] =	wrdreg s11  }
0x1d: {  	v3 =	vsel vm4, $0x1B, v3;
	v4 =	vsel vm4, $0x23, v4;
	v0 =	vsel vm5, $0xC83, v0;
	s15 =	sadd.s32 $0x271A0, s12;
	s2 =	simm.s32 $0xB090;
	[dreg:$0x18] =	wrdreg s14  }
0x1e: {  	v1 =	vsel vm5, $0xC8B, v1;
	v2 =	vsel vm5, $0xC93, v2;
	v3 =	vsel vm5, $0xC9B, v3;
	s18 =	simm.s32 $0x6090;
	s6 =	sadd.s32 s10, s23;
	[dreg:$0x19] =	wrdreg s15  }
0x1f: {  	v4 =	vsel vm5, $0xCA3, v4;
	v0 =	vsel vm6, $0x4, v0;
	v1 =	vsel vm6, $0xC, v1;
	s10 =	sadd.s32 s0, s19;
	s0 =	sadd.s32 s0, s8;
	[dreg:$0xc] =	wrdreg s6  }
0x20: {  	s25 =	simm.s32 $0x8;
	s8 =	sadd.s32 s16, s24;
	v2 =	vsel vm6, $0x14, v2;
	v3 =	vsel vm6, $0x1C, v3;
	v4 =	vsel vm6, $0x24, v4;
	[dreg:$0x11] =	wrdreg s0  }
0x21: {  	s26 =	simm.s32 $0x9;
	s16 =	sadd.s32 $0x27150, s12;
	v0 =	vsel vm7, $0xC84, v0;
	v1 =	vsel vm7, $0xC8C, v1;
	[dreg:$0x14] =	wrdreg s8;
	v2 =	vsel vm7, $0xC94, v2  }
0x22: {  	s9 =	sshrl.u32 s29, $0x4;
	s19 =	sadd.s32 $0x140, s5;
	[dreg:$0x1a] =	wrdreg s16;
	v3 =	vsel vm7, $0xC9C, v3;
	v4 =	vsel vm7, $0xCA4, v4;
	v0 =	vsel vm8, $0x5, v0  }
0x23: {  	s23 =	sadd.s32 $0x50, s5;
	s29 =	sadd.s32 $0x271A0, s5;
	[dreg:$0x1c] =	wrdreg s19;
	v1 =	vsel vm8, $0xD, v1;
	v2 =	vsel vm8, $0x15, v2;
	v3 =	vsel vm8, $0x1D, v3  }
0x24: {  	s15 =	simm.s32 $0x1;
	s11 =	simm.s32 $0x3;
	[smem:$0x7F8] =	sst s23;
	v4 =	vsel vm8, $0x25, v4;
	v0 =	vsel vm9, $0xC85, v0;
	v1 =	vsel vm9, $0xC8D, v1  }
0x25: {  	s0 =	smul.u32 $0x1900, s9;
	[dreg:$0xd] =	wrdreg s10;
	s24 =	sadd.s32 $0x1680, s10;
	v2 =	vsel vm9, $0xC95, v2;
	v3 =	vsel vm9, $0xC9D, v3;
	v4 =	vsel vm9, $0xCA5, v4  }
.Ltmp0:
0x26: {  	[smem:$0x7FC] =	sst s29;
	s6 =	simm.s32 $0xB;
	v0 =	vsel vm10, $0x6, v0;
	v1 =	vsel vm10, $0xE, v1;
	v2 =	vsel vm10, $0x16, v2;
	(pc) =	sbr.rel .LBB2_1-.Ltmp0, $4  }
0x27: {  	s9 =	simm.s32 $0x7490;
	s19 =	simm.s32 $0x8890;
	[smem:$0x7F9] =	sst s24;
	v3 =	vsel vm10, $0x1E, v3;
	v4 =	vsel vm10, $0x26, v4;
	v0 =	vsel vm11, $0xC86, v0  }
0x28: {  	s8 =	simm.s32 $0x2;
	s20 =	sadd.s32 s0, s5;
	[dreg:$0x16] =	wrdreg s0;
	v1 =	vsel vm11, $0xC8E, v1;
	v2 =	vsel vm11, $0xC96, v2;
	v3 =	vsel vm11, $0xC9E, v3  }
0x29: {  	s10 =	simm.s32 $0x0;
	s0 =	sor.u32 $0xF0, s0;
	[dreg:$0x1d] =	wrdreg s20;
	v4 =	vsel vm11, $0xCA6, v4;
	v0 =	vsel vm12, $0x7, v0;
	v1 =	vsel vm12, $0xF, v1  }
0x2a: {  	s24 =	simm.s32 $0x7;
	[dreg:$0x1e] =	wrdreg s0;
	s20 =	simm.s32 $0x5;
	v2 =	vsel vm12, $0x17, v2;
	v3 =	vsel vm12, $0x1F, v3;
	v4 =	vsel vm12, $0x27, v4  }
.LBB2_9:
0x2b: {  	_ =	swait.ge [sflag:s24], $0x1400  }
0x2c: {  	[sflag:s24] =	ssyncset.done $0x0  }
0x2d: {  	[sflag:s24] =	ssyncadd.s32 $0xFFFFEC00  }
0x2e: {  	_ =	swait.ge [sflag:s25], $0x1400  }
0x2f: {  	[sflag:s25] =	ssyncset.done $0x0  }
0x30: {  	[sflag:s25] =	ssyncadd.s32 $0xFFFFEC00  }
0x31: {  	_ =	swait.ge [sflag:s26], $0x1400  }
0x32: {  	[sflag:s26] =	ssyncset.done $0x0  }
0x33: {  	[sflag:s26] =	ssyncadd.s32 $0xFFFFEC00  }
0x34: {  	_ =	swait.ge [sflag:s28], $0x1400  }
0x35: {  	[sflag:s28] =	ssyncset.done $0x0  }
0x36: {  	[sflag:s28] =	ssyncadd.s32 $0xFFFFEC00  }
0x37: {  	[bflag:$0x0] =	sbarrier.arrive $0xFFFF  }
0x38: {  	s2 =	simm.s32 $0xB090;
	s6 =	simm.s32 $0xB;
	s13 =	rddreg [dreg:$0x12]  }
0x39: {  	[tilespmem:s2], [sflag:$0xB] =	stream.linear.gather [spmem:s13], $0xA000, $0x38;
	[tilespmem:$0x1F090] =	vst v63  }
0x3a: {  	_ =	swait.ge [sflag:s6], $0xA000  }
0x3b: {  	[sflag:s6] =	ssyncset.done $0x0;
	s0 =	rddreg [dreg:$0x14]  }
0x3c: {  	s10 =	sld [smem:$0x7F6];
	[sflag:s6] =	ssyncadd.s32 $0xFFFF6000  }
.LBB2_10:
0x3d: {  	s1 =	rddreg [dreg:$0x13]  }
0x3e: {  	s0 =	sadd.s32 s1, s0  }
0x3f: {  	[hbm4b:s0+s4] =	stream.linear.scatter [tilespmem:s2], [sflag:$0xB], $0xA000, $0x38;
	[tilespmem:$0x1F090] =	vst v63  }
0x40: {  	_ =	swait.ge [sflag:s6], $0xA000  }
0x41: {  	s10 =	sadd.s32 $0x1, s10;
	s31 =	rddreg [dreg:$0x15]  }
0x42: {  	p1 =	sne.s32 s10, s31  }
.Ltmp1:
0x43: {  	_ = 	snop;
	(pc) =	sbr.rel @!p1 .LBB2_11-.Ltmp1, $3  }
0x44: {  	_ =	sdelay $0x1  }
0x45: {  	[sflag:s6] =	ssyncset.done $0x0  }
0x46: {  	[sflag:s6] =	ssyncadd.s32 $0xFFFF6000  }
.LBB2_1:
0x47: {  	[smem:$0x7F6] =	sst s10  }
0x48: {  	s0 =	rddreg [dreg:$0x1]  }
0x49: {  	[tilespmem:s2], [sflag:$0xB] =	stream.linear.gather [hbm4b:s0+s4], $0xA000, $0x38;
	[tilespmem:$0x1F090] =	vst v63  }
0x4a: {  	_ =	swait.ge [sflag:s6], $0xA000  }
0x4b: {  	[sflag:s6] =	ssyncset.done $0x0  }
.Ltmp2:
0x4c: {  	[sflag:s6] =	ssyncadd.s32 $0xFFFF6000;
	(pc) =	sbr.rel @!p0 .LBB2_2-.Ltmp2, $4  }
0x4d: {  	[spmem:s13] =	stream.linear.scatter [tilespmem:s2], [sflag:$0xB], $0xA000, $0x38;
	[tilespmem:$0x1F090] =	vst v63  }
0x4e: {  	_ =	swait.ge [sflag:s6], $0xA000  }
0x4f: {  	[sflag:s6] =	ssyncset.done $0x0  }
0x50: {  	s29 =	simm.s32 $0x0;
	[sflag:s6] =	ssyncadd.s32 $0xFFFF6000  }
0x51: {  	s0 =	rddreg [dreg:$0xc]  }
0x52: {  	[tilespmem:s29], [sflag:$0xB] =	stream.linear.gather [hbm4b:s0+s29], $0x4B00, $0x38;
	[tilespmem:$0x1F090] =	vst v63  }
0x53: {  	_ =	swait.ge [sflag:s6], $0x4B00  }
0x54: {  	[sflag:s6] =	ssyncset.done $0x0  }
0x55: {  	[sflag:s6] =	ssyncadd.s32 $0xFFFFB500  }
0x56: {  	[bflag:$0x0] =	sbarrier.arrive $0xFFFF  }
0x57: {  	s12 =	rddreg [dreg:$0xd]  }
0x58: {  	s13 =	rddreg [dreg:$0xe]  }
0x59: {  	s14 =	rddreg [dreg:$0xf]  }
0x5a: {  	s16 =	rddreg [dreg:$0x10]  }
0x5b: {  	s23 =	rddreg [dreg:$0x11]  }
0x5c: {  	s1 =	rddreg [dreg:$0x5]  }
0x5d: {  	s6 =	sld [smem:$0x7FC]  }
0x5e: {  	[tilespmem:s7], [sflag:$0x1] =	stream.linear.gather [hbm4b:s12+s29], $0x1400, $0x38;
	[tilespmem:$0x1F090] =	vst v63  }
0x5f: {  	s2 =	sld [smem:$0x7FA]  }
0x60: {  	[tilespmem:s18], [sflag:$0x2] =	stream.linear.gather [hbm4b:s13+s29], $0x1400, $0x38;
	[tilespmem:$0x1F090] =	vst v63  }
0x61: {  	s31 =	sld [smem:$0x7F9]  }
0x62: {  	[tilespmem:s9], [sflag:$0x3] =	stream.linear.gather [hbm4b:s14+s29], $0x1400, $0x38;
	[tilespmem:$0x1F090] =	vst v63  }
0x63: {  	s13 =	sld [smem:$0x7FB]  }
0x64: {  	[tilespmem:s19], [sflag:$0x4] =	stream.linear.gather [hbm4b:s16+s29], $0x1400, $0x38;
	[tilespmem:$0x1F090] =	vst v63  }
0x65: {  	s14 =	sld [smem:$0x7FD]  }
0x66: {  	[tilespmem:s22], [sflag:$0x5] =	stream.linear.gather [hbm4b:s23+s29], $0x1400, $0x38;
	[tilespmem:$0x1F090] =	vst v63  }
.LBB2_7:
0x67: {  	s0 =	smulhi.u32 $0x51EB851F, s1;
	_ =	sdelay $0x1  }
0x68: {  	s0 =	sshrl.u32 s0, $0xB  }
0x69: {  	s0 =	smul.u32 $0x1900, s0  }
0x6a: {  	s10 =	rddreg [dreg:$0x17]  }
0x6b: {  	s10 =	sadd.s32 s29, s10;
	s12 =	ssub.s32 $0x27100, s0;
	s0 =	sadd.s32 s29, s5  }
0x6c: {  	s23 =	sadd.s32 s12, s0;
	s12 =	sadd.s32 s12, s10  }
0x6d: {  	s23 =	sshrl.u32 s23, $0x1;
	s12 =	ssub.s32 s0, s12  }
0x6e: {  	s12 =	sadd.s32 s23, s12  }
0x6f: {  	s12 =	sadd.s32 $0x27100, s12  }
0x70: {  	v5 =	vadd.s32 s12, v0;
	_ =	sdelay $0x1  }
0x71: {  	_ =	swait.ge [sflag:s15], $0x1400  }
0x72: {  	[sflag:s15] =	ssyncset.done $0x0  }
0x73: {  	[sflag:s15] =	ssyncadd.s32 $0xFFFFEC00  }
0x74: {  	v5 =	vld.idx.msk [tilespmem:v5+s4+$0x0], $0xffff  }
0x75: {  	v6 =	vadd.s32 s12, v1;
	_ =	sdelay $0x3  }
0x76: {  	[tilespmem:$0x4B00] =	vst v5  }
0x77: {  	v5 =	vld.idx.msk [tilespmem:v6+s4+$0x0], $0xffff  }
0x78: {  	v6 =	vadd.s32 s12, v2;
	_ =	sdelay $0x3  }
0x79: {  	[tilespmem:$0x4B10] =	vst v5  }
0x7a: {  	v5 =	vld.idx.msk [tilespmem:v6+s4+$0x0], $0xffff  }
0x7b: {  	v6 =	vadd.s32 s12, v3;
	_ =	sdelay $0x2  }
0x7c: {  	s16 =	smulhi.u32 $0x51EB851F, s14  }
0x7d: {  	[tilespmem:$0x4B20] =	vst v5  }
0x7e: {  	s23 =	sshrl.u32 s16, $0xB;
	v5 =	vld.idx.msk [tilespmem:v6+s4+$0x0], $0xffff  }
0x7f: {  	v6 =	vadd.s32 s12, v4;
	s12 =	smul.u32 $0x1900, s23  }
0x80: {  	s16 =	rddreg [dreg:$0x1a]  }
0x81: {  	s23 =	ssub.s32 s16, s12;
	s16 =	sld [smem:$0x7FD];
	_ =	sdelay $0x1  }
0x82: {  	[tilespmem:$0x4B30] =	vst v5  }
0x83: {  	s12 =	ssub.s32 s16, s12;
	v5 =	vld.idx.msk [tilespmem:v6+s4+$0x0], $0xffff  }
0x84: {  	s23 =	sadd.s32 s23, s0;
	s12 =	sadd.s32 s12, s29  }
0x85: {  	s23 =	ssub.s32 s0, s23;
	s12 =	sshrl.u32 s12, $0x1  }
0x86: {  	s12 =	sadd.s32 s12, s23  }
0x87: {  	s12 =	sadd.s32 $0x27150, s12  }
0x88: {  	s23 =	simm.s32 $0x4B00;
	[tilespmem:$0x4B40] =	vst v5;
	v5 =	vadd.s32 s12, v0  }
0x89: {  	[spmem:s3] =	stream.indirect.scatter.add.f32 [tilespmem:s7], [sflag:$0x6], $0x40, s23, s30, $0xb8;
	[tilespmem:$0x1F090] =	vst v63  }
0x8a: {  	_ =	swait.ge [sflag:s8], $0x1400  }
0x8b: {  	[sflag:s8] =	ssyncset.done $0x0  }
0x8c: {  	[sflag:s8] =	ssyncadd.s32 $0xFFFFEC00  }
0x8d: {  	v5 =	vld.idx.msk [tilespmem:v5+s4+$0x0], $0xffff  }
0x8e: {  	v6 =	vadd.s32 s12, v1;
	_ =	sdelay $0x3  }
0x8f: {  	[tilespmem:$0x4B50] =	vst v5  }
0x90: {  	v5 =	vld.idx.msk [tilespmem:v6+s4+$0x0], $0xffff  }
0x91: {  	v6 =	vadd.s32 s12, v2;
	_ =	sdelay $0x3  }
0x92: {  	[tilespmem:$0x4B60] =	vst v5  }
0x93: {  	v5 =	vld.idx.msk [tilespmem:v6+s4+$0x0], $0xffff  }
0x94: {  	v6 =	vadd.s32 s12, v3;
	_ =	sdelay $0x2  }
0x95: {  	s16 =	smulhi.u32 $0x51EB851F, s6  }
0x96: {  	[tilespmem:$0x4B70] =	vst v5  }
0x97: {  	s23 =	sshrl.u32 s16, $0xB;
	v5 =	vld.idx.msk [tilespmem:v6+s4+$0x0], $0xffff  }
0x98: {  	v6 =	vadd.s32 s12, v4;
	s12 =	smul.u32 $0x1900, s23  }
0x99: {  	s16 =	rddreg [dreg:$0x19]  }
0x9a: {  	s23 =	ssub.s32 s16, s12;
	s16 =	sld [smem:$0x7FC];
	_ =	sdelay $0x1  }
0x9b: {  	[tilespmem:$0x4B80] =	vst v5  }
0x9c: {  	s12 =	ssub.s32 s16, s12;
	v5 =	vld.idx.msk [tilespmem:v6+s4+$0x0], $0xffff  }
0x9d: {  	s23 =	sadd.s32 s23, s0;
	s12 =	sadd.s32 s12, s29  }
0x9e: {  	s23 =	ssub.s32 s0, s23;
	s12 =	sshrl.u32 s12, $0x1  }
0x9f: {  	s12 =	sadd.s32 s12, s23  }
0xa0: {  	s12 =	sadd.s32 $0x271A0, s12  }
0xa1: {  	s23 =	simm.s32 $0x4B50;
	[tilespmem:$0x4B90] =	vst v5;
	v5 =	vadd.s32 s12, v0  }
0xa2: {  	[spmem:s3] =	stream.indirect.scatter.add.f32 [tilespmem:s18], [sflag:$0x7], $0x40, s23, s30, $0xb8;
	[tilespmem:$0x1F090] =	vst v63  }
0xa3: {  	_ =	swait.ge [sflag:s11], $0x1400  }
0xa4: {  	[sflag:s11] =	ssyncset.done $0x0  }
0xa5: {  	[sflag:s11] =	ssyncadd.s32 $0xFFFFEC00  }
0xa6: {  	v5 =	vld.idx.msk [tilespmem:v5+s4+$0x0], $0xffff  }
0xa7: {  	v6 =	vadd.s32 s12, v1;
	_ =	sdelay $0x3  }
0xa8: {  	[tilespmem:$0x4BA0] =	vst v5  }
0xa9: {  	v5 =	vld.idx.msk [tilespmem:v6+s4+$0x0], $0xffff  }
0xaa: {  	v6 =	vadd.s32 s12, v2;
	_ =	sdelay $0x3  }
0xab: {  	[tilespmem:$0x4BB0] =	vst v5  }
0xac: {  	v5 =	vld.idx.msk [tilespmem:v6+s4+$0x0], $0xffff  }
0xad: {  	v6 =	vadd.s32 s12, v3;
	_ =	sdelay $0x2  }
0xae: {  	s16 =	smulhi.u32 $0x51EB851F, s13  }
0xaf: {  	[tilespmem:$0x4BC0] =	vst v5  }
0xb0: {  	s23 =	sshrl.u32 s16, $0xB;
	v5 =	vld.idx.msk [tilespmem:v6+s4+$0x0], $0xffff  }
0xb1: {  	v6 =	vadd.s32 s12, v4;
	s12 =	smul.u32 $0x1900, s23  }
0xb2: {  	s16 =	rddreg [dreg:$0x18]  }
0xb3: {  	s23 =	ssub.s32 s16, s12;
	s16 =	sld [smem:$0x7FB];
	_ =	sdelay $0x1  }
0xb4: {  	[tilespmem:$0x4BD0] =	vst v5  }
0xb5: {  	s12 =	ssub.s32 s16, s12;
	v5 =	vld.idx.msk [tilespmem:v6+s4+$0x0], $0xffff  }
0xb6: {  	s23 =	sadd.s32 s23, s0;
	s12 =	sadd.s32 s12, s29  }
0xb7: {  	s23 =	ssub.s32 s0, s23;
	s12 =	sshrl.u32 s12, $0x1  }
0xb8: {  	s12 =	sadd.s32 s12, s23  }
0xb9: {  	s12 =	sadd.s32 $0x271F0, s12  }
0xba: {  	s23 =	simm.s32 $0x4BA0;
	[tilespmem:$0x4BE0] =	vst v5;
	v5 =	vadd.s32 s12, v0  }
0xbb: {  	[spmem:s3] =	stream.indirect.scatter.add.f32 [tilespmem:s9], [sflag:$0x8], $0x40, s23, s30, $0xb8;
	[tilespmem:$0x1F090] =	vst v63  }
0xbc: {  	_ =	swait.ge [sflag:s21], $0x1400  }
0xbd: {  	[sflag:s21] =	ssyncset.done $0x0  }
0xbe: {  	[sflag:s21] =	ssyncadd.s32 $0xFFFFEC00  }
0xbf: {  	v5 =	vld.idx.msk [tilespmem:v5+s4+$0x0], $0xffff  }
0xc0: {  	v6 =	vadd.s32 s12, v1;
	_ =	sdelay $0x3  }
0xc1: {  	[tilespmem:$0x4BF0] =	vst v5  }
0xc2: {  	v5 =	vld.idx.msk [tilespmem:v6+s4+$0x0], $0xffff  }
0xc3: {  	v6 =	vadd.s32 s12, v2;
	_ =	sdelay $0x3  }
0xc4: {  	[tilespmem:$0x4C00] =	vst v5  }
0xc5: {  	v5 =	vld.idx.msk [tilespmem:v6+s4+$0x0], $0xffff  }
0xc6: {  	v6 =	vadd.s32 s12, v3;
	_ =	sdelay $0x3  }
0xc7: {  	[tilespmem:$0x4C10] =	vst v5  }
0xc8: {  	v5 =	vld.idx.msk [tilespmem:v6+s4+$0x0], $0xffff  }
0xc9: {  	s23 =	smulhi.u32 $0x51EB851F, s2;
	v6 =	vadd.s32 s12, v4;
	_ =	sdelay $0x1  }
0xca: {  	s12 =	sshrl.u32 s23, $0xB  }
0xcb: {  	s12 =	smul.u32 $0x1900, s12  }
0xcc: {  	[tilespmem:$0x4C20] =	vst v5  }
0xcd: {  	s12 =	ssub.s32 $0x27240, s12;
	v5 =	vld.idx.msk [tilespmem:v6+s4+$0x0], $0xffff  }
0xce: {  	s10 =	sadd.s32 s12, s10;
	s12 =	sadd.s32 s12, s0  }
0xcf: {  	s0 =	ssub.s32 s0, s10;
	s12 =	sshrl.u32 s12, $0x1  }
0xd0: {  	s0 =	sadd.s32 s12, s0  }
0xd1: {  	s0 =	sadd.s32 $0x27240, s0  }
0xd2: {  	s16 =	simm.s32 $0x4BF0;
	[tilespmem:$0x4C30] =	vst v5;
	v5 =	vadd.s32 s0, v0  }
0xd3: {  	[spmem:s3] =	stream.indirect.scatter.add.f32 [tilespmem:s19], [sflag:$0x9], $0x40, s16, s30, $0xb8;
	[tilespmem:$0x1F090] =	vst v63  }
0xd4: {  	_ =	swait.ge [sflag:s20], $0x1400  }
0xd5: {  	[sflag:s20] =	ssyncset.done $0x0  }
0xd6: {  	[sflag:s20] =	ssyncadd.s32 $0xFFFFEC00  }
0xd7: {  	v5 =	vld.idx.msk [tilespmem:v5+s4+$0x0], $0xffff  }
0xd8: {  	v6 =	vadd.s32 s0, v1;
	_ =	sdelay $0x3  }
0xd9: {  	[tilespmem:$0x4C40] =	vst v5  }
0xda: {  	v5 =	vld.idx.msk [tilespmem:v6+s4+$0x0], $0xffff  }
0xdb: {  	v6 =	vadd.s32 s0, v2;
	_ =	sdelay $0x3  }
0xdc: {  	[tilespmem:$0x4C50] =	vst v5  }
0xdd: {  	v5 =	vld.idx.msk [tilespmem:v6+s4+$0x0], $0xffff  }
0xde: {  	v6 =	vadd.s32 s0, v3;
	_ =	sdelay $0x3  }
0xdf: {  	[tilespmem:$0x4C60] =	vst v5  }
0xe0: {  	v5 =	vld.idx.msk [tilespmem:v6+s4+$0x0], $0xffff  }
0xe1: {  	v6 =	vadd.s32 s0, v4;
	_ =	sdelay $0x3  }
0xe2: {  	[tilespmem:$0x4C70] =	vst v5  }
0xe3: {  	v5 =	vld.idx.msk [tilespmem:v6+s4+$0x0], $0xffff;
	_ =	sdelay $0x3  }
0xe4: {  	p1 =	seq.s32 s29, $0x2580  }
.Ltmp3:
0xe5: {  	s23 =	simm.s32 $0x4C40;
	[tilespmem:$0x4C80] =	vst v5;
	(pc) =	sbr.rel @p1 .LBB2_9-.Ltmp3, $4  }
0xe6: {  	[spmem:s3] =	stream.indirect.scatter.add.f32 [tilespmem:s22], [sflag:$0xA], $0x40, s23, s30, $0xb8;
	[tilespmem:$0x1F090] =	vst v63  }
0xe7: {  	_ =	swait.ge [sflag:s17], $0x1400  }
0xe8: {  	[sflag:s17] =	ssyncset.done $0x0  }
0xe9: {  	[sflag:s17] =	ssyncadd.s32 $0xFFFFEC00  }
0xea: {  	s0 =	sadd.s32 $0xFFFFF600, s31  }
0xeb: {  	[tilespmem:s7], [sflag:$0x1] =	stream.linear.gather [hbm4b:s0+s4], $0x1400, $0x38;
	[tilespmem:$0x1F090] =	vst v63  }
0xec: {  	_ =	swait.ge [sflag:s24], $0x1400  }
0xed: {  	[sflag:s24] =	ssyncset.done $0x0  }
0xee: {  	s12 =	sadd.s32 $0xFFFFF880, s31;
	[sflag:s24] =	ssyncadd.s32 $0xFFFFEC00  }
0xef: {  	[tilespmem:s18], [sflag:$0x2] =	stream.linear.gather [hbm4b:s12+s4], $0x1400, $0x38;
	[tilespmem:$0x1F090] =	vst v63  }
0xf0: {  	_ =	swait.ge [sflag:s25], $0x1400  }
0xf1: {  	[sflag:s25] =	ssyncset.done $0x0  }
0xf2: {  	s16 =	sadd.s32 $0xFFFFFB00, s31;
	[sflag:s25] =	ssyncadd.s32 $0xFFFFEC00  }
0xf3: {  	[tilespmem:s9], [sflag:$0x3] =	stream.linear.gather [hbm4b:s16+s4], $0x1400, $0x38;
	[tilespmem:$0x1F090] =	vst v63  }
0xf4: {  	_ =	swait.ge [sflag:s26], $0x1400  }
0xf5: {  	[sflag:s26] =	ssyncset.done $0x0  }
0xf6: {  	s23 =	sadd.s32 $0xFFFFFD80, s31;
	[sflag:s26] =	ssyncadd.s32 $0xFFFFEC00  }
0xf7: {  	[tilespmem:s19], [sflag:$0x4] =	stream.linear.gather [hbm4b:s23+s4], $0x1400, $0x38;
	[tilespmem:$0x1F090] =	vst v63  }
.Ltmp4:
0xf8: {  	_ =	swait.ge [sflag:s28], $0x1400;
	(pc) =	sbr.rel .LBB2_7-.Ltmp4, $4  }
0xf9: {  	s29 =	sadd.s32 $0x190, s29;
	s2 =	sadd.s32 $0x190, s2;
	[sflag:s28] =	ssyncset.done $0x0  }
0xfa: {  	s13 =	sadd.s32 $0x190, s13;
	s6 =	sadd.s32 $0x190, s6;
	[sflag:s28] =	ssyncadd.s32 $0xFFFFEC00  }
0xfb: {  	[tilespmem:s22], [sflag:$0x5] =	stream.linear.gather [hbm4b:s31+s4], $0x1400, $0x38;
	[tilespmem:$0x1F090] =	vst v63  }
0xfc: {  	s14 =	sadd.s32 $0x190, s14;
	s1 =	sadd.s32 $0x190, s1;
	s31 =	sadd.s32 $0xC80, s31  }
.LBB2_2:
0xfd: {  	s0 =	rddreg [dreg:$0x6]  }
0xfe: {  	[tilespmem:s29], [sflag:$0xB] =	stream.linear.gather [hbm4b:s0+s29], $0x4B00, $0x38;
	[tilespmem:$0x1F090] =	vst v63  }
0xff: {  	_ =	swait.ge [sflag:s6], $0x4B00  }
0x100: {  	[sflag:s6] =	ssyncset.done $0x0  }
0x101: {  	[sflag:s6] =	ssyncadd.s32 $0xFFFFB500  }
0x102: {  	[bflag:$0x0] =	sbarrier.arrive $0xFFFF  }
0x103: {  	s12 =	rddreg [dreg:$0x7]  }
0x104: {  	s13 =	rddreg [dreg:$0x8]  }
0x105: {  	s14 =	rddreg [dreg:$0x9]  }
0x106: {  	s16 =	rddreg [dreg:$0xa]  }
0x107: {  	s23 =	rddreg [dreg:$0xb]  }
0x108: {  	s6 =	sld [smem:$0x7F8]  }
0x109: {  	[tilespmem:s7], [sflag:$0x1] =	stream.linear.gather [hbm4b:s12+s29], $0x1400, $0x38;
	[tilespmem:$0x1F090] =	vst v63  }
0x10a: {  	s2 =	rddreg [dreg:$0x1f]  }
0x10b: {  	[tilespmem:s18], [sflag:$0x2] =	stream.linear.gather [hbm4b:s13+s29], $0x1400, $0x38;
	[tilespmem:$0x1F090] =	vst v63  }
0x10c: {  	s31 =	rddreg [dreg:$0x1b]  }
0x10d: {  	[tilespmem:s9], [sflag:$0x3] =	stream.linear.gather [hbm4b:s14+s29], $0x1400, $0x38;
	[tilespmem:$0x1F090] =	vst v63  }
0x10e: {  	s13 =	sld [smem:$0x7F7]  }
0x10f: {  	[tilespmem:s19], [sflag:$0x4] =	stream.linear.gather [hbm4b:s16+s29], $0x1400, $0x38;
	[tilespmem:$0x1F090] =	vst v63  }
0x110: {  	s1 =	smov.u32 s5;
	s14 =	rddreg [dreg:$0x1c]  }
0x111: {  	[tilespmem:s22], [sflag:$0x5] =	stream.linear.gather [hbm4b:s23+s29], $0x1400, $0x38;
	[tilespmem:$0x1F090] =	vst v63  }
.LBB2_3:
0x112: {  	s0 =	smulhi.u32 $0x51EB851F, s1;
	_ =	sdelay $0x1  }
0x113: {  	s0 =	sshrl.u32 s0, $0xB  }
0x114: {  	s0 =	smul.u32 $0x1900, s0  }
0x115: {  	s10 =	rddreg [dreg:$0x16]  }
0x116: {  	s10 =	ssub.s32 s10, s0;
	s12 =	ssub.s32 s5, s0;
	s0 =	sadd.s32 s29, s5  }
0x117: {  	s12 =	sadd.s32 s12, s29;
	s10 =	sadd.s32 s10, s0  }
0x118: {  	s12 =	sshrl.u32 s12, $0x1;
	s10 =	ssub.s32 s0, s10  }
0x119: {  	s10 =	sadd.s32 s12, s10  }
0x11a: {  	v5 =	vadd.s32 s10, v0;
	_ =	sdelay $0x1  }
0x11b: {  	_ =	swait.ge [sflag:s15], $0x1400  }
0x11c: {  	[sflag:s15] =	ssyncset.done $0x0  }
0x11d: {  	[sflag:s15] =	ssyncadd.s32 $0xFFFFEC00  }
0x11e: {  	v5 =	vld.idx.msk [tilespmem:v5+s4+$0x0], $0xffff  }
0x11f: {  	v6 =	vadd.s32 s10, v1;
	_ =	sdelay $0x3  }
0x120: {  	[tilespmem:$0x4B00] =	vst v5  }
0x121: {  	v5 =	vld.idx.msk [tilespmem:v6+s4+$0x0], $0xffff  }
0x122: {  	v6 =	vadd.s32 s10, v2;
	_ =	sdelay $0x3  }
0x123: {  	[tilespmem:$0x4B10] =	vst v5  }
0x124: {  	v5 =	vld.idx.msk [tilespmem:v6+s4+$0x0], $0xffff  }
0x125: {  	v6 =	vadd.s32 s10, v3;
	_ =	sdelay $0x3  }
0x126: {  	[tilespmem:$0x4B20] =	vst v5  }
0x127: {  	v5 =	vld.idx.msk [tilespmem:v6+s4+$0x0], $0xffff  }
0x128: {  	s23 =	smulhi.u32 $0x51EB851F, s6;
	v6 =	vadd.s32 s10, v4;
	_ =	sdelay $0x1  }
0x129: {  	s12 =	sshrl.u32 s23, $0xB  }
0x12a: {  	s10 =	smul.u32 $0x1900, s12  }
0x12b: {  	s23 =	rddreg [dreg:$0x1d];
	[tilespmem:$0x4B30] =	vst v5  }
0x12c: {  	s16 =	ssub.s32 $0x50, s10;
	s10 =	sadd.s32 s29, s23;
	v5 =	vld.idx.msk [tilespmem:v6+s4+$0x0], $0xffff  }
0x12d: {  	s23 =	sadd.s32 s16, s0;
	s12 =	sadd.s32 s16, s10  }
0x12e: {  	s23 =	sshrl.u32 s23, $0x1;
	s12 =	ssub.s32 s0, s12  }
0x12f: {  	s12 =	sadd.s32 s23, s12  }
0x130: {  	s12 =	sadd.s32 $0x50, s12  }
0x131: {  	s16 =	simm.s32 $0x4B00;
	[tilespmem:$0x4B40] =	vst v5;
	v5 =	vadd.s32 s12, v0  }
0x132: {  	[spmem:s3] =	stream.indirect.scatter.add.f32 [tilespmem:s7], [sflag:$0x6], $0x40, s16, s30, $0xb8;
	[tilespmem:$0x1F090] =	vst v63  }
0x133: {  	_ =	swait.ge [sflag:s8], $0x1400  }
0x134: {  	[sflag:s8] =	ssyncset.done $0x0  }
0x135: {  	[sflag:s8] =	ssyncadd.s32 $0xFFFFEC00  }
0x136: {  	v5 =	vld.idx.msk [tilespmem:v5+s4+$0x0], $0xffff  }
0x137: {  	v6 =	vadd.s32 s12, v1;
	_ =	sdelay $0x3  }
0x138: {  	[tilespmem:$0x4B50] =	vst v5  }
0x139: {  	v5 =	vld.idx.msk [tilespmem:v6+s4+$0x0], $0xffff  }
0x13a: {  	v6 =	vadd.s32 s12, v2;
	_ =	sdelay $0x3  }
0x13b: {  	[tilespmem:$0x4B60] =	vst v5  }
0x13c: {  	v5 =	vld.idx.msk [tilespmem:v6+s4+$0x0], $0xffff  }
0x13d: {  	v6 =	vadd.s32 s12, v3;
	_ =	sdelay $0x3  }
0x13e: {  	[tilespmem:$0x4B70] =	vst v5  }
0x13f: {  	v5 =	vld.idx.msk [tilespmem:v6+s4+$0x0], $0xffff  }
0x140: {  	s16 =	smulhi.u32 $0x51EB851F, s13;
	v6 =	vadd.s32 s12, v4;
	_ =	sdelay $0x1  }
0x141: {  	s23 =	sshrl.u32 s16, $0xB  }
0x142: {  	s12 =	smul.u32 $0x1900, s23  }
0x143: {  	[tilespmem:$0x4B80] =	vst v5  }
0x144: {  	s12 =	ssub.s32 $0xA0, s12;
	v5 =	vld.idx.msk [tilespmem:v6+s4+$0x0], $0xffff  }
0x145: {  	s16 =	sadd.s32 s12, s0;
	s12 =	sadd.s32 s12, s10  }
0x146: {  	s23 =	sshrl.u32 s16, $0x1;
	s12 =	ssub.s32 s0, s12  }
0x147: {  	s12 =	sadd.s32 s23, s12  }
0x148: {  	s12 =	sadd.s32 $0xA0, s12  }
0x149: {  	s23 =	simm.s32 $0x4B50;
	[tilespmem:$0x4B90] =	vst v5;
	v5 =	vadd.s32 s12, v0  }
0x14a: {  	[spmem:s3] =	stream.indirect.scatter.add.f32 [tilespmem:s18], [sflag:$0x7], $0x40, s23, s30, $0xb8;
	[tilespmem:$0x1F090] =	vst v63  }
0x14b: {  	_ =	swait.ge [sflag:s11], $0x1400  }
0x14c: {  	[sflag:s11] =	ssyncset.done $0x0  }
0x14d: {  	[sflag:s11] =	ssyncadd.s32 $0xFFFFEC00  }
0x14e: {  	v5 =	vld.idx.msk [tilespmem:v5+s4+$0x0], $0xffff  }
0x14f: {  	v6 =	vadd.s32 s12, v1;
	_ =	sdelay $0x3  }
0x150: {  	[tilespmem:$0x4BA0] =	vst v5  }
0x151: {  	v5 =	vld.idx.msk [tilespmem:v6+s4+$0x0], $0xffff  }
0x152: {  	v6 =	vadd.s32 s12, v2;
	_ =	sdelay $0x3  }
0x153: {  	[tilespmem:$0x4BB0] =	vst v5  }
0x154: {  	v5 =	vld.idx.msk [tilespmem:v6+s4+$0x0], $0xffff  }
0x155: {  	v6 =	vadd.s32 s12, v3;
	_ =	sdelay $0x3  }
0x156: {  	[tilespmem:$0x4BC0] =	vst v5  }
0x157: {  	s16 =	smulhi.u32 $0x51EB851F, s2;
	v5 =	vld.idx.msk [tilespmem:v6+s4+$0x0], $0xffff  }
0x158: {  	v6 =	vadd.s32 s12, v4  }
0x159: {  	s23 =	sshrl.u32 s16, $0xB  }
0x15a: {  	s12 =	smul.u32 $0x1900, s23  }
0x15b: {  	s16 =	rddreg [dreg:$0x1e]  }
0x15c: {  	s23 =	ssub.s32 s16, s12;
	s16 =	rddreg [dreg:$0x1f];
	[tilespmem:$0x4BD0] =	vst v5  }
0x15d: {  	s12 =	ssub.s32 s16, s12;
	v5 =	vld.idx.msk [tilespmem:v6+s4+$0x0], $0xffff  }
0x15e: {  	s23 =	sadd.s32 s23, s0;
	s12 =	sadd.s32 s12, s29  }
0x15f: {  	s23 =	ssub.s32 s0, s23;
	s12 =	sshrl.u32 s12, $0x1  }
0x160: {  	s12 =	sadd.s32 s12, s23  }
0x161: {  	s12 =	sadd.s32 $0xF0, s12  }
0x162: {  	s23 =	simm.s32 $0x4BA0;
	[tilespmem:$0x4BE0] =	vst v5;
	v5 =	vadd.s32 s12, v0  }
0x163: {  	[spmem:s3] =	stream.indirect.scatter.add.f32 [tilespmem:s9], [sflag:$0x8], $0x40, s23, s30, $0xb8;
	[tilespmem:$0x1F090] =	vst v63  }
0x164: {  	_ =	swait.ge [sflag:s21], $0x1400  }
0x165: {  	[sflag:s21] =	ssyncset.done $0x0  }
0x166: {  	[sflag:s21] =	ssyncadd.s32 $0xFFFFEC00  }
0x167: {  	v5 =	vld.idx.msk [tilespmem:v5+s4+$0x0], $0xffff  }
0x168: {  	v6 =	vadd.s32 s12, v1;
	_ =	sdelay $0x3  }
0x169: {  	[tilespmem:$0x4BF0] =	vst v5  }
0x16a: {  	v5 =	vld.idx.msk [tilespmem:v6+s4+$0x0], $0xffff  }
0x16b: {  	v6 =	vadd.s32 s12, v2;
	_ =	sdelay $0x3  }
0x16c: {  	[tilespmem:$0x4C00] =	vst v5  }
0x16d: {  	v5 =	vld.idx.msk [tilespmem:v6+s4+$0x0], $0xffff  }
0x16e: {  	v6 =	vadd.s32 s12, v3;
	_ =	sdelay $0x3  }
0x16f: {  	[tilespmem:$0x4C10] =	vst v5  }
0x170: {  	v5 =	vld.idx.msk [tilespmem:v6+s4+$0x0], $0xffff  }
0x171: {  	s23 =	smulhi.u32 $0x51EB851F, s14;
	v6 =	vadd.s32 s12, v4;
	_ =	sdelay $0x1  }
0x172: {  	s12 =	sshrl.u32 s23, $0xB  }
0x173: {  	s12 =	smul.u32 $0x1900, s12  }
0x174: {  	[tilespmem:$0x4C20] =	vst v5  }
0x175: {  	s12 =	ssub.s32 $0x140, s12;
	v5 =	vld.idx.msk [tilespmem:v6+s4+$0x0], $0xffff  }
0x176: {  	s10 =	sadd.s32 s12, s10;
	s12 =	sadd.s32 s12, s0  }
0x177: {  	s0 =	ssub.s32 s0, s10;
	s12 =	sshrl.u32 s12, $0x1  }
0x178: {  	s0 =	sadd.s32 s12, s0  }
0x179: {  	s0 =	sadd.s32 $0x140, s0  }
0x17a: {  	s16 =	simm.s32 $0x4BF0;
	[tilespmem:$0x4C30] =	vst v5;
	v5 =	vadd.s32 s0, v0  }
0x17b: {  	[spmem:s3] =	stream.indirect.scatter.add.f32 [tilespmem:s19], [sflag:$0x9], $0x40, s16, s30, $0xb8;
	[tilespmem:$0x1F090] =	vst v63  }
0x17c: {  	_ =	swait.ge [sflag:s20], $0x1400  }
0x17d: {  	[sflag:s20] =	ssyncset.done $0x0  }
0x17e: {  	[sflag:s20] =	ssyncadd.s32 $0xFFFFEC00  }
0x17f: {  	v5 =	vld.idx.msk [tilespmem:v5+s4+$0x0], $0xffff  }
0x180: {  	v6 =	vadd.s32 s0, v1;
	_ =	sdelay $0x3  }
0x181: {  	[tilespmem:$0x4C40] =	vst v5  }
0x182: {  	v5 =	vld.idx.msk [tilespmem:v6+s4+$0x0], $0xffff  }
0x183: {  	v6 =	vadd.s32 s0, v2;
	_ =	sdelay $0x3  }
0x184: {  	[tilespmem:$0x4C50] =	vst v5  }
0x185: {  	v5 =	vld.idx.msk [tilespmem:v6+s4+$0x0], $0xffff  }
0x186: {  	v6 =	vadd.s32 s0, v3;
	_ =	sdelay $0x3  }
0x187: {  	[tilespmem:$0x4C60] =	vst v5  }
0x188: {  	v5 =	vld.idx.msk [tilespmem:v6+s4+$0x0], $0xffff  }
0x189: {  	v6 =	vadd.s32 s0, v4;
	_ =	sdelay $0x3  }
0x18a: {  	[tilespmem:$0x4C70] =	vst v5  }
0x18b: {  	v5 =	vld.idx.msk [tilespmem:v6+s4+$0x0], $0xffff;
	_ =	sdelay $0x3  }
0x18c: {  	p1 =	seq.s32 s29, $0x2580  }
.Ltmp5:
0x18d: {  	s23 =	simm.s32 $0x4C40;
	[tilespmem:$0x4C80] =	vst v5;
	(pc) =	sbr.rel @p1 .LBB2_5-.Ltmp5, $4  }
0x18e: {  	[spmem:s3] =	stream.indirect.scatter.add.f32 [tilespmem:s22], [sflag:$0xA], $0x40, s23, s30, $0xb8;
	[tilespmem:$0x1F090] =	vst v63  }
0x18f: {  	_ =	swait.ge [sflag:s17], $0x1400  }
0x190: {  	[sflag:s17] =	ssyncset.done $0x0  }
0x191: {  	[sflag:s17] =	ssyncadd.s32 $0xFFFFEC00  }
0x192: {  	s0 =	sadd.s32 $0xFFFFF600, s31  }
0x193: {  	[tilespmem:s7], [sflag:$0x1] =	stream.linear.gather [hbm4b:s0+s4], $0x1400, $0x38;
	[tilespmem:$0x1F090] =	vst v63  }
0x194: {  	_ =	swait.ge [sflag:s24], $0x1400  }
0x195: {  	[sflag:s24] =	ssyncset.done $0x0  }
0x196: {  	s12 =	sadd.s32 $0xFFFFF880, s31;
	[sflag:s24] =	ssyncadd.s32 $0xFFFFEC00  }
0x197: {  	[tilespmem:s18], [sflag:$0x2] =	stream.linear.gather [hbm4b:s12+s4], $0x1400, $0x38;
	[tilespmem:$0x1F090] =	vst v63  }
0x198: {  	_ =	swait.ge [sflag:s25], $0x1400  }
0x199: {  	[sflag:s25] =	ssyncset.done $0x0  }
0x19a: {  	s16 =	sadd.s32 $0xFFFFFB00, s31;
	[sflag:s25] =	ssyncadd.s32 $0xFFFFEC00  }
0x19b: {  	[tilespmem:s9], [sflag:$0x3] =	stream.linear.gather [hbm4b:s16+s4], $0x1400, $0x38;
	[tilespmem:$0x1F090] =	vst v63  }
0x19c: {  	_ =	swait.ge [sflag:s26], $0x1400  }
0x19d: {  	[sflag:s26] =	ssyncset.done $0x0  }
0x19e: {  	s23 =	sadd.s32 $0xFFFFFD80, s31;
	[sflag:s26] =	ssyncadd.s32 $0xFFFFEC00  }
0x19f: {  	[tilespmem:s19], [sflag:$0x4] =	stream.linear.gather [hbm4b:s23+s4], $0x1400, $0x38;
	[tilespmem:$0x1F090] =	vst v63  }
.Ltmp6:
0x1a0: {  	_ =	swait.ge [sflag:s28], $0x1400;
	(pc) =	sbr.rel .LBB2_3-.Ltmp6, $4  }
0x1a1: {  	s29 =	sadd.s32 $0x190, s29;
	s14 =	sadd.s32 $0x190, s14;
	[sflag:s28] =	ssyncset.done $0x0  }
0x1a2: {  	s2 =	sadd.s32 $0x190, s2;
	s13 =	sadd.s32 $0x190, s13;
	[sflag:s28] =	ssyncadd.s32 $0xFFFFEC00  }
0x1a3: {  	[tilespmem:s22], [sflag:$0x5] =	stream.linear.gather [hbm4b:s31+s4], $0x1400, $0x38;
	[tilespmem:$0x1F090] =	vst v63  }
0x1a4: {  	s6 =	sadd.s32 $0x190, s6;
	s1 =	sadd.s32 $0x190, s1;
	s31 =	sadd.s32 $0xC80, s31  }
.LBB2_5:
0x1a5: {  	_ =	swait.ge [sflag:s24], $0x1400  }
0x1a6: {  	[sflag:s24] =	ssyncset.done $0x0  }
0x1a7: {  	[sflag:s24] =	ssyncadd.s32 $0xFFFFEC00  }
0x1a8: {  	_ =	swait.ge [sflag:s25], $0x1400  }
0x1a9: {  	[sflag:s25] =	ssyncset.done $0x0  }
0x1aa: {  	[sflag:s25] =	ssyncadd.s32 $0xFFFFEC00  }
0x1ab: {  	_ =	swait.ge [sflag:s26], $0x1400  }
0x1ac: {  	[sflag:s26] =	ssyncset.done $0x0  }
0x1ad: {  	[sflag:s26] =	ssyncadd.s32 $0xFFFFEC00  }
0x1ae: {  	_ =	swait.ge [sflag:s28], $0x1400  }
0x1af: {  	[sflag:s28] =	ssyncset.done $0x0  }
0x1b0: {  	[sflag:s28] =	ssyncadd.s32 $0xFFFFEC00  }
0x1b1: {  	s2 =	simm.s32 $0xB090;
	[bflag:$0x0] =	sbarrier.arrive $0xFFFF  }
.Ltmp7:
0x1b2: {  	s6 =	simm.s32 $0xB;
	s13 =	rddreg [dreg:$0x12];
	(pc) =	sbr.rel .LBB2_10-.Ltmp7, $4  }
0x1b3: {  	[tilespmem:s2], [sflag:$0xB] =	stream.linear.gather [spmem:s13], $0xA000, $0x38;
	[tilespmem:$0x1F090] =	vst v63  }
0x1b4: {  	_ =	swait.ge [sflag:s6], $0xA000  }
0x1b5: {  	[sflag:s6] =	ssyncset.done $0x0;
	s0 =	rddreg [dreg:$0x4]  }
0x1b6: {  	s10 =	sld [smem:$0x7F6];
	[sflag:s6] =	ssyncadd.s32 $0xFFFF6000  }
.LBB2_11:
0x1b7: {  	_ =	sfence.sel $0x180000  }
0x1b8: {  	[bflag:$0x0] =	sbarrier.arrive $0xFFFF  }
0x1b9: {  	_ =	strace $0x9000004D  }
0x1ba: {  	s0 =	stileid.u32;
	[bflag:$0x2] =	sbarrier.arrive $0xFFFF  }
0x1bb: {  	p0 =	sne.s32 s0, $0x0;
	s0 =	rddreg [dreg:$0x3]  }
0x1bc: {  	s0 =	sadd.s32 @!p0 $0x100000, s0  }
0x1bd: {  	[sflag:s0] =	ssyncadd.tile.s32 @!p0 $0x1;
	_ =	shalt  }
.Lfunc_end2:
_tile_overlayer_lowered:
.L_overlay_start_2:
0x1be: {  	(tag) =	ssettag $0x2  }
0x1bf: {  	s0 =	rddreg [dreg:$0x0];
	s2 =	stileid.u32  }
0x1c0: {  	s1 =	rddreg [dreg:$0x1];
	p0 =	sne.s32 s2, $0x0  }
0x1c1: {  	s3 =	rddreg [dreg:$0x2];
	[bflag:$0x3] =	sbarrier.arrive $0xFFFF;
	s2 =	simm.s32 @!p0 $0x1C0B  }
0x1c2: {  	[timem:s3], [sflag:s2] =	dma.local @!p0 [hbm:s0], s1  }
0x1c3: {  	s0 =	simm.s32 @!p0 $0xB  }
0x1c4: {  	_ =	swait.ge @!p0 [sflag:s0], s1  }
0x1c5: {  	s1 =	ssub.s32 @!p0 $0x0, s1;
	[sflag:s0] =	ssyncset.done @!p0 $0x0  }
0x1c6: {  	[sflag:s0] =	ssyncadd.s32 @!p0 s1  }
0x1c7: {  	[bflag:$0x3] =	sbarrier.arrive $0xFFFF  }
0x1c8: {  	_ =	shalt  }

// kernel: kernel.9.cloned.1.call-start
scs
__scs_entry_jumppad:
0x0: {  	(pc) =	sbr.rel $0x88, $3  }
0x1: {  	(tag) =	ssettag $0x0;
	lr =	simm.s32 $0x1  }
0x2: {  	[smem:$0x3F8B] =	sst lr;
	_ =	strace $0xD0000000  }
0x3: {  	_ = 	snop  }
0x4: {  	_ = 	snop  }
0x5: {  	_ = 	snop  }
0x6: {  	_ = 	snop  }
0x7: {  	_ = 	snop  }
__scs_overlays_trampoline_lowered:
0x8: {  	[smem:$0x3F9A] =	sst s0  }
0x9: {  	[smem:$0x3F9B] =	sst s1  }
0xa: {  	[smem:$0x3F9C] =	sst s2  }
0xb: {  	[smem:$0x3F9D] =	sst s3  }
0xc: {  	[smem:$0x3F9E] =	sst s4  }
0xd: {  	[smem:$0x3F9F] =	sst s5  }
0xe: {  	[smem:$0x3FA0] =	sst s6  }
0xf: {  	[smem:$0x3FA1] =	sst s7  }
0x10: {  	[smem:$0x3FA2] =	sst s8  }
0x11: {  	[smem:$0x3FA3] =	sst s9;
	s0 =	simm.s32 @!p0 $0x0  }
0x12: {  	s1 =	sld [smem:$0x3F89];
	s0 =	simm.s32 @p0 $0x1  }
0x13: {  	[smem:$0x3FA4] =	sst s0;
	s0 =	simm.s32 @!p1 $0x0  }
0x14: {  	s2 =	sld [smem:$0x3F88];
	s0 =	simm.s32 @p1 $0x1  }
0x15: {  	[smem:$0x3FA5] =	sst s0;
	s0 =	simm.s32 @!p2 $0x0  }
0x16: {  	s3 =	sld [smem:$0x3FDB];
	s0 =	simm.s32 @p2 $0x1  }
0x17: {  	s4 =	simm.s32 $0x1BF5;
	[smem:$0x3FA7] =	sst s0  }
0x18: {  	s0 =	sld [smem:$0x3F8A];
	_ =	swait.ge [sflag:s4], $0x0  }
0x19: {  	s7 =	sld [smem:$0x3F8B]  }
0x1a: {  	s8 =	sadd.s32 $0xFFFFE003, lr  }
0x1b: {  	s9 =	sadd.s32 $0xFFFFFEF7, lr;
	s5 =	simm.s32 $0xFFFFFFFF;
	p2 =	slt.u32 s8, $0xFFFFF086  }
0x1c: {  	p1 =	slt.u32 s9, $0xF7A;
	s5 =	simm.s32 @!p2 $0x0  }
0x1d: {  	s5 =	simm.s32 @p1 $0x1;
	p0 =	seq.s32 s7, s2  }
0x1e: {  	s7 =	smul.u32 @!p0 $0xF7A, s2;
	p2 =	seq.s32 @!p0 s5, $0x0  }
0x1f: {  	s9 =	smul.u32 $0xF7A, s1;
	s8 =	simm.s32 @!p0 $0x1BF5;
	p2 =	por !p2, p0  }
0x20: {  	[sflag:s8] =	ssyncset.s32 @!p0 $0xFFFFF086;
	s6 =	sadd.s32 @!p0 s3, s7;
	s7 =	simm.s32 @!p0 $0x108  }
0x21: {  	s3 =	sadd.s32 s3, s9;
	s6 =	sadd.s32 @!p0 $0x88, s6;
	s7 =	simm.s32 @p2 $0x1082  }
0x22: {  	[simem:s7], [sflag:s8] =	dma.local @!p0 [hbm:s6], $0xF7A  }
0x23: {  	s9 =	sor.u32 $0xD0000000, s2;
	s6 =	simm.s32 $0x108;
	_ =	swait.ge @!p0 [sflag:s8], $0x0  }
0x24: {  	s3 =	sadd.s32 $0x88, s3;
	s6 =	simm.s32 @!p1 $0x1082;
	[sflag:s4] =	ssyncset.s32 $0xFFFFF086  }
0x25: {  	[simem:s6], [sflag:s4] =	dma.local [hbm:s3], $0xF7A  }
0x26: {  	[smem:$0x3F8B] =	sst s1;
	(tag) =	ssettag s2;
	_ =	strace s9  }
0x27: {  	s1 =	sld [smem:$0x3F9B]  }
0x28: {  	s2 =	sld [smem:$0x3F9C]  }
0x29: {  	s4 =	sld [smem:$0x3F9E]  }
0x2a: {  	p0 =	seq.s32 s5, $0x0;
	s5 =	sld [smem:$0x3F9F]  }
0x2b: {  	s6 =	sld [smem:$0x3FA0]  }
0x2c: {  	s7 =	sld [smem:$0x3FA1]  }
0x2d: {  	s3 =	simm.s32 $0x108;
	s8 =	sld [smem:$0x3FA2]  }
0x2e: {  	s3 =	simm.s32 @!p0 $0x1082;
	s9 =	sld [smem:$0x3FA3]  }
0x2f: {  	lr =	sadd.s32 s0, s3;
	s0 =	sld [smem:$0x3F9A]  }
0x30: {  	s3 =	sld [smem:$0x3F9D]  }
0x31: {  	[smem:$0x3FA6] =	sst s10  }
0x32: {  	s10 =	sld [smem:$0x3FA4];
	_ =	sdelay $0x3  }
0x33: {  	p0 =	seq.s32 s10, $0x1;
	s10 =	sld [smem:$0x3FA6];
	_ =	sdelay $0x3  }
0x34: {  	[smem:$0x3FA6] =	sst s10  }
0x35: {  	s10 =	sld [smem:$0x3FA5];
	_ =	sdelay $0x3  }
0x36: {  	p1 =	seq.s32 s10, $0x1;
	s10 =	sld [smem:$0x3FA6];
	_ =	sdelay $0x3  }
0x37: {  	[smem:$0x3FA6] =	sst s10  }
0x38: {  	s10 =	sld [smem:$0x3FA7]  }
0x39: {  	_ = 	snop;
	(pc) =	sbr.ind lr, $3  }
0x3a: {  	_ = 	snop  }
0x3b: {  	_ = 	snop  }
0x3c: {  	p2 =	seq.s32 s10, $0x1;
	s10 =	sld [smem:$0x3FA6]  }
0x3d: {  	_ =	shalt  }
0x3e: {  	_ =	shalt  }
0x3f: {  	_ =	shalt  }
0x40: {  	_ =	shalt  }
0x41: {  	_ =	shalt  }
0x42: {  	_ =	shalt  }
0x43: {  	_ =	shalt  }
0x44: {  	_ =	shalt  }
0x45: {  	_ =	shalt  }
0x46: {  	_ =	shalt  }
0x47: {  	_ =	shalt  }
0x48: {  	_ =	shalt  }
0x49: {  	_ =	shalt  }
0x4a: {  	_ =	shalt  }
0x4b: {  	_ =	shalt  }
0x4c: {  	_ =	shalt  }
0x4d: {  	_ =	shalt  }
0x4e: {  	_ =	shalt  }
0x4f: {  	_ =	shalt  }
0x50: {  	_ =	shalt  }
0x51: {  	_ =	shalt  }
0x52: {  	_ =	shalt  }
0x53: {  	_ =	shalt  }
0x54: {  	_ =	shalt  }
0x55: {  	_ =	shalt  }
0x56: {  	_ =	shalt  }
0x57: {  	_ =	shalt  }
0x58: {  	_ =	shalt  }
0x59: {  	_ =	shalt  }
0x5a: {  	_ =	shalt  }
0x5b: {  	_ =	shalt  }
0x5c: {  	_ =	shalt  }
0x5d: {  	_ =	shalt  }
0x5e: {  	_ =	shalt  }
0x5f: {  	_ =	shalt  }
0x60: {  	_ =	shalt  }
0x61: {  	_ =	shalt  }
0x62: {  	_ =	shalt  }
0x63: {  	_ =	shalt  }
0x64: {  	_ =	shalt  }
0x65: {  	_ =	shalt  }
0x66: {  	_ =	shalt  }
0x67: {  	_ =	shalt  }
0x68: {  	_ =	shalt  }
0x69: {  	_ =	shalt  }
0x6a: {  	_ =	shalt  }
0x6b: {  	_ =	shalt  }
0x6c: {  	_ =	shalt  }
0x6d: {  	_ =	shalt  }
0x6e: {  	_ =	shalt  }
0x6f: {  	_ =	shalt  }
0x70: {  	_ =	shalt  }
0x71: {  	_ =	shalt  }
0x72: {  	_ =	shalt  }
0x73: {  	_ =	shalt  }
0x74: {  	_ =	shalt  }
0x75: {  	_ =	shalt  }
0x76: {  	_ =	shalt  }
0x77: {  	_ =	shalt  }
0x78: {  	_ =	shalt  }
0x79: {  	_ =	shalt  }
0x7a: {  	_ =	shalt  }
0x7b: {  	_ =	shalt  }
0x7c: {  	_ =	shalt  }
0x7d: {  	_ =	shalt  }
0x7e: {  	_ =	shalt  }
0x7f: {  	_ =	shalt  }
0x80: {  	_ =	shalt  }
0x81: {  	_ =	shalt  }
0x82: {  	_ =	shalt  }
0x83: {  	_ =	shalt  }
0x84: {  	_ =	shalt  }
0x85: {  	_ =	shalt  }
0x86: {  	_ =	shalt  }
0x87: {  	_ =	shalt  }
.Lfunc_end0:
.L_simem_size_0:
called_computation_lowered:
.L_overlay_start_0:
0x88: {  	s2 =	sld [smem:$0x3FD9]  }
0x89: {  	s3 =	sld [smem:$0x3FFE];
	_ =	sdelay $0x1  }
0x8a: {  	s1 =	srdreg.scid  }
0x8b: {  	s0 =	sand.u32 $0x1, s1  }
0x8c: {  	s14 =	sshll.u32 s0, $0xA;
	s2 =	sadd.s32 s3, s2  }
0x8d: {  	s2 =	sadd.s32 s2, s14  }
0x8e: {  	[smem:$0x3FB2] =	sst s2  }
0x8f: {  	_ = 	snop  }
0x90: {  	s2 =	sld [smem:$0x3FD0];
	_ =	sdelay $0x2  }
0x91: {  	s15 =	simm.s32 $0xB;
	s4 =	simm.s32 $0x10  }
0x92: {  	[smem:s4], [sflag:s15] =	dma.local [hbm:s2], $0x1  }
0x93: {  	_ =	swait.eq [sflag:s15], $0x1  }
0x94: {  	[sflag:s15] =	ssyncset.done $0x0  }
0x95: {  	[sflag:s15] =	ssyncadd.s32 $0xFFFFFFFF  }
0x96: {  	s16 =	sld [smem:$0x11];
	(tm) =	ssettm $0x1  }
0x97: {  	s17 =	sld [smem:$0x3FFB];
	_ =	sdelay $0x3  }
0x98: {  	_ =	strace s17  }
0x99: {  	s3 =	sld [smem:$0x3FFC];
	_ =	sdelay $0x3  }
0x9a: {  	_ =	strace s3  }
0x9b: {  	s3 =	sld [smem:$0x3FFD];
	_ =	sdelay $0x3  }
0x9c: {  	_ =	strace s3  }
0x9d: {  	_ =	strace $0x8FFFFFFF  }
0x9e: {  	s18 =	sld [smem:$0x3FDB];
	_ =	sdelay $0x1  }
0x9f: {  	s19 =	simm.s32 $_scs_section_size  }
0xa0: {  	s5 =	simm.s32 $_size__tile_overlayer_lowered;
	s6 =	simm.s32 $_tile_overlayer_lowered  }
0xa1: {  	s22 =	simm.s32 $0x1BFF;
	s21 =	sshll.u32 s6, $0x1;
	s3 =	sadd.s32 s19, s18  }
0xa2: {  	s7 =	simm.s32 $0x0;
	s20 =	sshll.u32 s5, $0x1;
	s5 =	sadd.s32 s21, s3  }
0xa3: {  	[timem:s7], [sflag:s22] =	dma.local [hbm:s5], s20  }
0xa4: {  	_ =	swait.ge [sflag:s22], s20  }
0xa5: {  	s4 =	ssub.s32 $0x0, s20;
	[sflag:s22] =	ssyncset.done $0x0  }
0xa6: {  	[sflag:s22] =	ssyncadd.s32 s4;
	_ =	sdelay $0x1  }
0xa7: {  	s23 =	simm.s32 $0x1B8B  }
0xa8: {  	_ =	swait.ge [sflag:s23], $0x1  }
0xa9: {  	[sflag:s23] =	ssyncset.done $0x0  }
0xaa: {  	s25 =	simm.s32 $0x1B8E;
	s24 =	sld [smem:$0x3FFE];
	[sflag:s23] =	ssyncadd.s32 $0xFFFFFFFF  }
0xab: {  	s26 =	simm.s32 $execute0_lowered;
	[smem:$0x3FD2] =	sst s25  }
0xac: {  	s5 =	sshll.u32 s26, $0x1;
	_ =	strace $0x80000046;
	[dreg:$0x1] =	wrdreg $0xFFFFFFFF  }
0xad: {  	s28 =	simm.s32 $_size_execute0_lowered;
	s3 =	sadd.s32 s3, s5;
	[dreg:$0x0] =	wrdreg $0x0  }
0xae: {  	s5 =	sshll.u32 s28, $0x1;
	[dreg:$0x2] =	wrdreg s3  }
0xaf: {  	[dreg:$0x3] =	wrdreg s5  }
0xb0: {  	[dreg:$0x4] =	wrdreg $0xC0  }
0xb1: {  	_ =	task [dreg:s7], $0x5FFFF  }
0xb2: {  	[dreg:$0x1] =	wrdreg $0xFFFFFFFF  }
0xb3: {  	[dreg:$0x0] =	wrdreg $0x60  }
0xb4: {  	[dreg:$0x2] =	wrdreg s16  }
0xb5: {  	[dreg:$0x3] =	wrdreg s24  }
0xb6: {  	[dreg:$0x4] =	wrdreg $0x9  }
0xb7: {  	_ =	task.clear_ibuf [dreg:s7], $0x5FFFF;
	_ =	strace $0x90000046  }
0xb8: {  	s29 =	simm.s32 $0x9;
	_ =	strace $0x80000048  }
0xb9: {  	_ =	swait.ge [sflag:s29], $0x1  }
0xba: {  	[sflag:s29] =	ssyncadd.s32 $0xFFFFFFFF  }
0xbb: {  	_ =	strace $0x90000048  }
0xbc: {  	_ =	sfence  }
0xbd: {  	s30 =	sld [smem:$0x0];
	_ =	sdelay $0x2  }
0xbe: {  	s31 =	sshll.u32 s1, $0xD;
	s1 =	sshrl.u32 s1, $0x2  }
0xbf: {  	s3 =	sand.u32 $0x4000, s31;
	s1 =	sadd.s32 s1, s30  }
0xc0: {  	s0 =	sor.u32 s3, s0;
	s1 =	sshll.u32 s1, $0x11  }
0xc1: {  	s0 =	sor.u32 s1, s0  }
0xc2: {  	s0 =	sadd.s32 $0x8F2B, s0  }
0xc3: {  	[sflag:s0] =	ssyncadd.remote.s32 $0x1  }
0xc4: {  	_ =	sfence.sel $0xFFFF  }
0xc5: {  	[dreg:$0x0] =	wrdreg $0xFFFFFFFF;
	(pc) =	sbr.abs _section_cstart, $3  }
0xc6: {  	[dreg:$0x1] =	wrdreg $0xFFFFFFFF  }
0xc7: {  	_ =	task.clear_ibuf [dreg:s7], $0x2FFFF;
	_ =	strace $0x9FFFFFFF  }
0xc8: {  	(tm) =	ssettm $0x7FFFFFFF  }
0xc9: {  	_ =	shalt  }
tec
execute0_lowered:
.L_overlay_start_1:
0x0: {  	(tag) =	ssettag $0x1  }
0x1: {  	s0 =	srdreg.scid;
	s2 =	rddreg [dreg:$0x0]  }
0x2: {  	s9 =	stileid.u32;
	s4 =	rddreg [dreg:$0x1]  }
0x3: {  	s3 =	simm.s32 $0x0;
	s12 =	simm.s32 $0xB;
	s13 =	simm.s32 $0x1388  }
0x4: {  	s14 =	simm.s32 $0x50;
	s16 =	simm.s32 $0x4E20;
	s18 =	simm.s32 $0x6220  }
0x5: {  	s20 =	simm.s32 $0x7620;
	s28 =	simm.s32 $0x3;
	s29 =	simm.s32 $0x4  }
0x6: {  	s30 =	simm.s32 $0x5;
	s31 =	simm.s32 $0x6;
	s15 =	simm.s32 $0x9  }
0x7: {  	s17 =	simm.s32 $0xA;
	s19 =	simm.s32 $0x0;
	s5 =	smul.u32 $0x4E20, s9  }
0x8: {  	s0 =	sand.u32 $0x1, s0;
	s1 =	sshll.u32 s9, $0x1;
	s23 =	smul.u32 $0x27100, s9  }
0x9: {  	s1 =	sor.u32 s0, s1;
	s6 =	ssub.s32 $0x2, s0;
	s7 =	smul.u32 $0x2710, s0  }
0xa: {  	[smem:$0x7FF] =	sst s3;
	s1 =	smul.u32 $0x271, s1;
	s8 =	sshrl.u32 s6, $0x1  }
0xb: {  	_ =	strace $0x80000047;
	s0 =	smul.u32 $0x13880, s0;
	s6 =	ssub.s32 s6, s8  }
0xc: {  	s5 =	sadd.s32 s7, s5;
	s1 =	sadd.s32 s1, s4;
	s6 =	smax.u32 s6, $0x1  }
0xd: {  	vm0 =	vcmask $0x300;
	vm1 =	vcmask $0xB08;
	s4 =	sadd.s32 $0x1AA00, s4;
	s21 =	sadd.s32 $0x10A00, s1;
	[dreg:$0x5] =	wrdreg s6  }
0xe: {  	vm2 =	vcmask $0x1310;
	vm1 =	vmor vm0, vm1;
	s22 =	sshll.u32 s5, $0x3;
	s1 =	sadd.s32 $0x6C00, s1;
	[dreg:$0x3] =	wrdreg s21  }
0xf: {  	vm1 =	vmor vm1, vm2;
	vm2 =	vcmask $0x1B18;
	[dreg:$0x4] =	wrdreg s1;
	s1 =	sadd.s32 s4, s22;
	s4 =	sadd.s32 s23, s4  }
.Ltmp0:
0x10: {  	vm1 =	vmor vm1, vm2;
	vm2 =	vcmask $0x2320;
	s22 =	simm.s32 $0x8A20;
	s24 =	sadd.s32 $0xA00, s1;
	(pc) =	sbr.rel .LBB2_1-.Ltmp0, $4  }
0x11: {  	vm1 =	vmor vm1, vm2;
	vm2 =	vcmask $0x2B28;
	s25 =	sadd.s32 $0x780, s1;
	s26 =	sadd.s32 $0x500, s1;
	[dreg:$0x6] =	wrdreg s24  }
0x12: {  	v0 =	vimm.s32 $0x0;
	vm1 =	vmor vm1, vm2;
	vm2 =	vcmask $0x3330;
	s10 =	sadd.s32 $0x280, s1;
	s11 =	sadd.s32 s0, s4;
	[dreg:$0x7] =	wrdreg s25  }
0x13: {  	v1 =	vlaneseq.u32;
	vm1 =	vmor vm1, vm2;
	vm2 =	vcmask $0x3B38;
	s1 =	simm.s32 $0x7;
	s0 =	simm.s32 $0x8;
	[dreg:$0x8] =	wrdreg s26  }
0x14: {  	v0 =	vsel vm0, $0x3, v0;
	v1 =	vshrl.u32 v1, $0x1;
	vm0 =	vmor vm1, vm2;
	s24 =	simm.s32 $0x9E20;
	s25 =	simm.s32 $0x1;
	s26 =	simm.s32 $0x2  }
.LBB2_6:
0x15: {  	_ =	swait.ge [sflag:s1], $0x1400  }
0x16: {  	[sflag:s1] =	ssyncset.done $0x0  }
0x17: {  	[sflag:s1] =	ssyncadd.s32 $0xFFFFEC00  }
0x18: {  	_ =	swait.ge [sflag:s0], $0x1400  }
0x19: {  	[sflag:s0] =	ssyncset.done $0x0  }
0x1a: {  	[sflag:s0] =	ssyncadd.s32 $0xFFFFEC00  }
0x1b: {  	_ =	swait.ge [sflag:s15], $0x1400  }
0x1c: {  	[sflag:s15] =	ssyncset.done $0x0  }
0x1d: {  	[sflag:s15] =	ssyncadd.s32 $0xFFFFEC00  }
0x1e: {  	_ =	swait.ge [sflag:s17], $0x1400  }
0x1f: {  	s19 =	sadd.s32 $0x1, s19;
	s4 =	rddreg [dreg:$0x5]  }
0x20: {  	p0 =	sne.s32 s19, s4  }
.Ltmp1:
0x21: {  	_ = 	snop;
	(pc) =	sbr.rel @!p0 .LBB2_7-.Ltmp1, $3  }
0x22: {  	_ =	sdelay $0x1  }
0x23: {  	[sflag:s17] =	ssyncset.done $0x0  }
0x24: {  	[sflag:s17] =	ssyncadd.s32 $0xFFFFEC00  }
.LBB2_1:
0x25: {  	s4 =	simm.s32 $0x0  }
0x26: {  	v2 =	vmov s4  }
0x27: {  	s5 =	rddreg [dreg:$0x3];
	v2 =	vshrl.u32 v2, $0x4  }
0x28: {  	[tilespmem:s3], [sflag:$0xB] =	stream.linear.gather [hbm4b:s5+s3], $0x1388, $0x38;
	v2 =	vshll.u32 v2, v0;
	[tilespmem:$0xB220] =	vst v63  }
0x29: {  	_ =	swait.ge [sflag:s12], $0x1388;
	v2 =	vbroadcast v2, $0x0  }
0x2a: {  	[sflag:s12] =	ssyncset.done $0x0  }
0x2b: {  	s6 =	rddreg [dreg:$0x4];
	[sflag:s12] =	ssyncadd.s32 $0xFFFFEC78;
	v2 =	vor.u32 v1, v2  }
0x2c: {  	[tilespmem:s13], [sflag:$0xB] =	stream.linear.gather [hbm4b:s6+s3], $0x1388, $0x38;
	[tilespmem:$0xB220] =	vst v63  }
0x2d: {  	_ =	swait.ge [sflag:s12], $0x1388  }
0x2e: {  	s7 =	simm.s32 $0x10;
	[sflag:s12] =	ssyncset.done $0x0  }
0x2f: {  	v3 =	vmov s7;
	[sflag:s12] =	ssyncadd.s32 $0xFFFFEC78  }
0x30: {  	v3 =	vshrl.u32 v3, $0x4;
	v4 =	vld.idx.msk [tilespmem:v2+s13+$0x0], $0xffff  }
0x31: {  	v3 =	vshll.u32 v3, v0;
	v2 =	vld.idx.msk [tilespmem:v2+s3+$0x0], $0xffff  }
0x32: {  	v3 =	vbroadcast v3, $0x0;
	_ =	sdelay $0x1  }
0x33: {  	v3 =	vor.u32 v1, v3  }
0x34: {  	v4 =	vshll.u32 v4, $0x1  }
0x35: {  	v2 =	vshll.u32 v2, $0x1;
	v4 =	vor.u32 $0x1, v4  }
0x36: {  	s21 =	simm.s32 $0x2730;
	s8 =	simm.s32 $0x20;
	v2 =	vsel vm0, v2, v4  }
0x37: {  	[tilespmem:s21+$0xFFFFFFE0] =	vst v2;
	v2 =	vmov s8  }
0x38: {  	v61 =	vld.idx.msk [tilespmem:v3+s13+$0x0], $0xffff;
	v2 =	vshrl.u32 v2, $0x4  }
0x39: {  	v3 =	vld.idx.msk [tilespmem:v3+s3+$0x0], $0xffff;
	v2 =	vshll.u32 v2, v0  }
0x3a: {  	v2 =	vbroadcast v2, $0x0;
	_ =	sdelay $0x1  }
0x3b: {  	v2 =	vor.u32 v1, v2  }
0x3c: {  	v4 =	vshll.u32 v61, $0x1  }
0x3d: {  	v3 =	vshll.u32 v3, $0x1;
	v4 =	vor.u32 $0x1, v4  }
0x3e: {  	s9 =	simm.s32 $0x30;
	v3 =	vsel vm0, v3, v4  }
0x3f: {  	[tilespmem:s21+$0xFFFFFFF0] =	vst v3;
	v3 =	vmov s9  }
0x40: {  	v62 =	vld.idx.msk [tilespmem:v2+s13+$0x0], $0xffff;
	v3 =	vshrl.u32 v3, $0x4  }
0x41: {  	v2 =	vld.idx.msk [tilespmem:v2+s3+$0x0], $0xffff;
	v3 =	vshll.u32 v3, v0  }
0x42: {  	v3 =	vbroadcast v3, $0x0;
	_ =	sdelay $0x1  }
0x43: {  	v3 =	vor.u32 v1, v3  }
0x44: {  	v4 =	vshll.u32 v62, $0x1  }
0x45: {  	v2 =	vshll.u32 v2, $0x1;
	v4 =	vor.u32 $0x1, v4  }
0x46: {  	v2 =	vsel vm0, v2, v4  }
0x47: {  	[tilespmem:s21+$0x0] =	vst v2  }
0x48: {  	v2 =	vld.idx.msk [tilespmem:v3+s13+$0x0], $0xffff  }
0x49: {  	s23 =	simm.s32 $0x40;
	v3 =	vld.idx.msk [tilespmem:v3+s3+$0x0], $0xffff  }
0x4a: {  	v63 =	vmov s23  }
0x4b: {  	v4 =	vshrl.u32 v63, $0x4  }
0x4c: {  	v4 =	vshll.u32 v4, v0  }
0x4d: {  	v4 =	vbroadcast v4, $0x0;
	v2 =	vshll.u32 v2, $0x1  }
0x4e: {  	v3 =	vshll.u32 v3, $0x1;
	v2 =	vor.u32 $0x1, v2  }
0x4f: {  	v3 =	vsel vm0, v3, v2;
	v2 =	vor.u32 v1, v4;
	_ =	sdelay $0x3  }
0x50: {  	s23 =	simm.s32 $0x90;
	s7 =	simm.s32 $0x50;
	s4 =	simm.s32 $0xE0;
	[tilespmem:s21+$0x10] =	vst v3  }
.LBB2_2:
0x51: {  	p0 =	sne.s32 s4, $0x2700;
	v3 =	vmov s7;
	v4 =	vld.idx.msk [tilespmem:v2+s13+$0x0], $0xffff  }
0x52: {  	v3 =	vshrl.u32 v3, $0x4;
	v2 =	vld.idx.msk [tilespmem:v2+s3+$0x0], $0xffff  }
0x53: {  	v3 =	vshll.u32 v3, v0  }
0x54: {  	v3 =	vbroadcast v3, $0x0;
	_ =	sdelay $0x1  }
0x55: {  	v3 =	vor.u32 v1, v3  }
0x56: {  	v4 =	vshll.u32 v4, $0x1  }
0x57: {  	v4 =	vor.u32 $0x1, v4;
	v2 =	vshll.u32 v2, $0x1  }
0x58: {  	v2 =	vsel vm0, v2, v4  }
0x59: {  	s7 =	sadd.s32 $0xFFFFFFD0, s23;
	[tilespmem:s21+$0x20] =	vst v2  }
0x5a: {  	v4 =	vmov s7;
	v2 =	vld.idx.msk [tilespmem:v3+s13+$0x0], $0xffff  }
0x5b: {  	v4 =	vshrl.u32 v4, $0x4;
	v3 =	vld.idx.msk [tilespmem:v3+s3+$0x0], $0xffff  }
0x5c: {  	v4 =	vshll.u32 v4, v0  }
0x5d: {  	v4 =	vbroadcast v4, $0x0;
	_ =	sdelay $0x1  }
0x5e: {  	v4 =	vor.u32 v1, v4  }
0x5f: {  	v2 =	vshll.u32 v2, $0x1  }
0x60: {  	v2 =	vor.u32 $0x1, v2;
	v3 =	vshll.u32 v3, $0x1  }
0x61: {  	s21 =	sadd.s32 $0x50, s21;
	v2 =	vsel vm0, v3, v2  }
0x62: {  	s7 =	sadd.s32 $0xFFFFFFE0, s23;
	[tilespmem:s21+$0xFFFFFFE0] =	vst v2  }
0x63: {  	v3 =	vmov s7;
	v2 =	vld.idx.msk [tilespmem:v4+s13+$0x0], $0xffff  }
0x64: {  	v3 =	vshrl.u32 v3, $0x4;
	v4 =	vld.idx.msk [tilespmem:v4+s3+$0x0], $0xffff  }
0x65: {  	v3 =	vshll.u32 v3, v0  }
0x66: {  	v3 =	vbroadcast v3, $0x0;
	_ =	sdelay $0x1  }
0x67: {  	v3 =	vor.u32 v1, v3  }
0x68: {  	v2 =	vshll.u32 v2, $0x1  }
0x69: {  	v2 =	vor.u32 $0x1, v2;
	v4 =	vshll.u32 v4, $0x1  }
0x6a: {  	v2 =	vsel vm0, v4, v2  }
0x6b: {  	s7 =	sadd.s32 $0xFFFFFFF0, s23;
	[tilespmem:s21+$0xFFFFFFF0] =	vst v2  }
0x6c: {  	v4 =	vmov s7;
	v2 =	vld.idx.msk [tilespmem:v3+s13+$0x0], $0xffff  }
0x6d: {  	v4 =	vshrl.u32 v4, $0x4;
	v3 =	vld.idx.msk [tilespmem:v3+s3+$0x0], $0xffff  }
0x6e: {  	v4 =	vshll.u32 v4, v0  }
0x6f: {  	v4 =	vbroadcast v4, $0x0;
	_ =	sdelay $0x1  }
0x70: {  	v4 =	vor.u32 v1, v4  }
0x71: {  	v2 =	vshll.u32 v2, $0x1  }
0x72: {  	v2 =	vor.u32 $0x1, v2;
	v3 =	vshll.u32 v3, $0x1  }
0x73: {  	v2 =	vsel vm0, v3, v2  }
0x74: {  	[tilespmem:s21+$0x0] =	vst v2  }
0x75: {  	v2 =	vmov s23;
	s23 =	smov.u32 s4;
	v3 =	vld.idx.msk [tilespmem:v4+s13+$0x0], $0xffff  }
0x76: {  	v2 =	vshrl.u32 v2, $0x4;
	v4 =	vld.idx.msk [tilespmem:v4+s3+$0x0], $0xffff  }
0x77: {  	v2 =	vshll.u32 v2, v0  }
0x78: {  	v2 =	vbroadcast v2, $0x0;
	_ =	sdelay $0x1  }
.Ltmp2:
0x79: {  	v2 =	vor.u32 v1, v2;
	(pc) =	sbr.rel @p0 .LBB2_2-.Ltmp2, $4  }
0x7a: {  	v3 =	vshll.u32 v3, $0x1  }
0x7b: {  	v3 =	vor.u32 $0x1, v3;
	v4 =	vshll.u32 v4, $0x1  }
0x7c: {  	v3 =	vsel vm0, v4, v3  }
0x7d: {  	s4 =	sadd.s32 $0x50, s4;
	s7 =	sadd.s32 $0xFFFFFFC0, s23;
	[tilespmem:s21+$0x10] =	vst v3  }
0x7e: {  	_ =	sdelay $0x2  }
0x7f: {  	v3 =	vmov s7  }
0x80: {  	v4 =	vld.idx.msk [tilespmem:v2+s13+$0x0], $0xffff;
	v3 =	vshrl.u32 v3, $0x4  }
0x81: {  	v2 =	vld.idx.msk [tilespmem:v2+s3+$0x0], $0xffff;
	v3 =	vshll.u32 v3, v0  }
0x82: {  	v3 =	vbroadcast v3, $0x0;
	_ =	sdelay $0x1  }
0x83: {  	v3 =	vor.u32 v1, v3  }
0x84: {  	v4 =	vshll.u32 v4, $0x1  }
0x85: {  	v2 =	vshll.u32 v2, $0x1;
	v4 =	vor.u32 $0x1, v4  }
0x86: {  	s4 =	sadd.s32 $0xFFFFFFD0, s23;
	v2 =	vsel vm0, v2, v4  }
0x87: {  	[tilespmem:s21+$0x20] =	vst v2;
	v2 =	vmov s4  }
0x88: {  	v2 =	vshrl.u32 v2, $0x4;
	v60 =	vld.idx.msk [tilespmem:v3+s13+$0x0], $0xffff  }
0x89: {  	v3 =	vld.idx.msk [tilespmem:v3+s3+$0x0], $0xffff;
	v2 =	vshll.u32 v2, v0  }
0x8a: {  	v2 =	vbroadcast v2, $0x0;
	_ =	sdelay $0x1  }
0x8b: {  	v2 =	vor.u32 v1, v2  }
0x8c: {  	v4 =	vshll.u32 v60, $0x1  }
0x8d: {  	v3 =	vshll.u32 v3, $0x1;
	v4 =	vor.u32 $0x1, v4  }
0x8e: {  	s5 =	sadd.s32 $0xFFFFFFE0, s23;
	s21 =	sadd.s32 $0x50, s21;
	v3 =	vsel vm0, v3, v4  }
0x8f: {  	[tilespmem:s21+$0xFFFFFFE0] =	vst v3;
	v3 =	vmov s5  }
0x90: {  	v61 =	vld.idx.msk [tilespmem:v2+s13+$0x0], $0xffff;
	v3 =	vshrl.u32 v3, $0x4  }
0x91: {  	v2 =	vld.idx.msk [tilespmem:v2+s3+$0x0], $0xffff;
	v3 =	vshll.u32 v3, v0  }
0x92: {  	v3 =	vbroadcast v3, $0x0;
	_ =	sdelay $0x1  }
0x93: {  	v3 =	vor.u32 v1, v3  }
0x94: {  	v4 =	vshll.u32 v61, $0x1  }
0x95: {  	v2 =	vshll.u32 v2, $0x1;
	v4 =	vor.u32 $0x1, v4  }
0x96: {  	s6 =	sadd.s32 $0xFFFFFFF0, s23;
	v2 =	vsel vm0, v2, v4  }
0x97: {  	[tilespmem:s21+$0xFFFFFFF0] =	vst v2;
	v2 =	vmov s6  }
0x98: {  	v62 =	vld.idx.msk [tilespmem:v3+s13+$0x0], $0xffff;
	v2 =	vshrl.u32 v2, $0x4  }
0x99: {  	v3 =	vld.idx.msk [tilespmem:v3+s3+$0x0], $0xffff;
	v2 =	vshll.u32 v2, v0  }
0x9a: {  	v2 =	vbroadcast v2, $0x0;
	_ =	sdelay $0x1  }
0x9b: {  	v2 =	vor.u32 v1, v2  }
0x9c: {  	v4 =	vshll.u32 v62, $0x1  }
0x9d: {  	v3 =	vshll.u32 v3, $0x1;
	v4 =	vor.u32 $0x1, v4  }
0x9e: {  	v3 =	vsel vm0, v3, v4  }
0x9f: {  	[tilespmem:s21+$0x0] =	vst v3;
	v3 =	vmov s23  }
0xa0: {  	v63 =	vld.idx.msk [tilespmem:v2+s13+$0x0], $0xffff;
	v3 =	vshrl.u32 v3, $0x4  }
0xa1: {  	v2 =	vld.idx.msk [tilespmem:v2+s3+$0x0], $0xffff;
	v3 =	vshll.u32 v3, v0  }
0xa2: {  	v3 =	vbroadcast v3, $0x0;
	_ =	sdelay $0x1  }
0xa3: {  	v3 =	vor.u32 v1, v3  }
0xa4: {  	v4 =	vshll.u32 v63, $0x1  }
0xa5: {  	v2 =	vshll.u32 v2, $0x1;
	v4 =	vor.u32 $0x1, v4  }
0xa6: {  	v2 =	vsel vm0, v2, v4  }
0xa7: {  	[tilespmem:s21+$0x10] =	vst v2  }
0xa8: {  	v2 =	vld.idx.msk [tilespmem:v3+s13+$0x0], $0xffff  }
0xa9: {  	v3 =	vld.idx.msk [tilespmem:v3+s3+$0x0], $0xffff;
	_ =	sdelay $0x3  }
0xaa: {  	v2 =	vshll.u32 v2, $0x1  }
0xab: {  	v3 =	vshll.u32 v3, $0x1;
	v2 =	vor.u32 $0x1, v2  }
0xac: {  	v2 =	vsel vm0, v3, v2  }
0xad: {  	s7 =	simm.s32 $0x2710;
	[tilespmem:s21+$0x20] =	vst v2  }
0xae: {  	[tilespmem:s16], [sflag:$0x1] =	stream.indirect.gather [hbm4b:s2+s14], $0x40, s7, s14, $0xb8;
	[tilespmem:$0xB220] =	vst v63  }
0xaf: {  	s8 =	simm.s32 $0x2760  }
0xb0: {  	[tilespmem:s18], [sflag:$0x2] =	stream.indirect.gather [hbm4b:s2+s14], $0x40, s8, s14, $0xb8;
	[tilespmem:$0xB220] =	vst v63  }
0xb1: {  	s9 =	simm.s32 $0x27B0  }
0xb2: {  	[tilespmem:s20], [sflag:$0x3] =	stream.indirect.gather [hbm4b:s2+s14], $0x40, s9, s14, $0xb8;
	[tilespmem:$0xB220] =	vst v63  }
0xb3: {  	s21 =	simm.s32 $0x2800;
	s7 =	rddreg [dreg:$0x6]  }
0xb4: {  	[tilespmem:s22], [sflag:$0x4] =	stream.indirect.gather [hbm4b:s2+s14], $0x40, s21, s14, $0xb8;
	[tilespmem:$0xB220] =	vst v63  }
0xb5: {  	s4 =	simm.s32 $0x0;
	s23 =	simm.s32 $0x2850;
	s8 =	rddreg [dreg:$0x7]  }
0xb6: {  	[tilespmem:s24], [sflag:$0x5] =	stream.indirect.gather [hbm4b:s2+s14], $0x40, s23, s14, $0xb8;
	[tilespmem:$0xB220] =	vst v63  }
0xb7: {  	s9 =	rddreg [dreg:$0x8];
	s21 =	smov.u32 s11;
	s23 =	smov.u32 s10  }
.LBB2_4:
0xb8: {  	_ =	swait.ge [sflag:s25], $0x1400  }
0xb9: {  	[sflag:s25] =	ssyncset.done $0x0  }
0xba: {  	[sflag:s25] =	ssyncadd.s32 $0xFFFFEC00  }
0xbb: {  	[hbm4b:s21+s3] =	stream.linear.scatter [tilespmem:s16], [sflag:$0x6], $0x1400, $0x38;
	[tilespmem:$0xB220] =	vst v63  }
0xbc: {  	_ =	swait.ge [sflag:s26], $0x1400  }
0xbd: {  	[sflag:s26] =	ssyncset.done $0x0  }
0xbe: {  	[sflag:s26] =	ssyncadd.s32 $0xFFFFEC00  }
0xbf: {  	[hbm4b:s23+s3] =	stream.linear.scatter [tilespmem:s18], [sflag:$0x7], $0x1400, $0x38;
	[tilespmem:$0xB220] =	vst v63  }
0xc0: {  	_ =	swait.ge [sflag:s28], $0x1400  }
0xc1: {  	[sflag:s28] =	ssyncset.done $0x0  }
0xc2: {  	[sflag:s28] =	ssyncadd.s32 $0xFFFFEC00  }
0xc3: {  	[hbm4b:s9+s3] =	stream.linear.scatter [tilespmem:s20], [sflag:$0x8], $0x1400, $0x38;
	[tilespmem:$0xB220] =	vst v63  }
0xc4: {  	_ =	swait.ge [sflag:s29], $0x1400  }
0xc5: {  	[sflag:s29] =	ssyncset.done $0x0  }
0xc6: {  	[sflag:s29] =	ssyncadd.s32 $0xFFFFEC00  }
0xc7: {  	[hbm4b:s8+s3] =	stream.linear.scatter [tilespmem:s22], [sflag:$0x9], $0x1400, $0x38;
	[tilespmem:$0xB220] =	vst v63  }
0xc8: {  	_ =	swait.ge [sflag:s30], $0x1400  }
0xc9: {  	p0 =	seq.s32 s4, $0x9600;
	[sflag:s30] =	ssyncset.done $0x0  }
.Ltmp3:
0xca: {  	[sflag:s30] =	ssyncadd.s32 $0xFFFFEC00;
	(pc) =	sbr.rel @p0 .LBB2_6-.Ltmp3, $4  }
0xcb: {  	[hbm4b:s7+s3] =	stream.linear.scatter [tilespmem:s24], [sflag:$0xA], $0x1400, $0x38;
	[tilespmem:$0xB220] =	vst v63  }
0xcc: {  	_ =	swait.ge [sflag:s31], $0x1400  }
0xcd: {  	[sflag:s31] =	ssyncset.done $0x0  }
0xce: {  	[sflag:s31] =	ssyncadd.s32 $0xFFFFEC00  }
0xcf: {  	s6 =	sshra.s32 s4, $0x2  }
0xd0: {  	s5 =	sadd.s32 $0x28A0, s6  }
0xd1: {  	[tilespmem:s16], [sflag:$0x1] =	stream.indirect.gather [hbm4b:s2+s14], $0x40, s5, s14, $0xb8;
	[tilespmem:$0xB220] =	vst v63  }
0xd2: {  	_ =	swait.ge [sflag:s1], $0x1400  }
0xd3: {  	[sflag:s1] =	ssyncset.done $0x0  }
0xd4: {  	s5 =	sadd.s32 $0x28F0, s6;
	[sflag:s1] =	ssyncadd.s32 $0xFFFFEC00  }
0xd5: {  	[tilespmem:s18], [sflag:$0x2] =	stream.indirect.gather [hbm4b:s2+s14], $0x40, s5, s14, $0xb8;
	[tilespmem:$0xB220] =	vst v63  }
0xd6: {  	_ =	swait.ge [sflag:s0], $0x1400  }
0xd7: {  	[sflag:s0] =	ssyncset.done $0x0  }
0xd8: {  	s5 =	sadd.s32 $0x2940, s6;
	[sflag:s0] =	ssyncadd.s32 $0xFFFFEC00  }
0xd9: {  	[tilespmem:s20], [sflag:$0x3] =	stream.indirect.gather [hbm4b:s2+s14], $0x40, s5, s14, $0xb8;
	[tilespmem:$0xB220] =	vst v63  }
0xda: {  	_ =	swait.ge [sflag:s15], $0x1400  }
0xdb: {  	[sflag:s15] =	ssyncset.done $0x0  }
0xdc: {  	s5 =	sadd.s32 $0x2990, s6;
	[sflag:s15] =	ssyncadd.s32 $0xFFFFEC00  }
0xdd: {  	[tilespmem:s22], [sflag:$0x4] =	stream.indirect.gather [hbm4b:s2+s14], $0x40, s5, s14, $0xb8;
	[tilespmem:$0xB220] =	vst v63  }
.Ltmp4:
0xde: {  	s4 =	sadd.s32 $0x640, s4;
	(pc) =	sbr.rel .LBB2_4-.Ltmp4, $4  }
0xdf: {  	s7 =	sadd.s32 $0xC80, s7;
	s8 =	sadd.s32 $0xC80, s8;
	_ =	swait.ge [sflag:s17], $0x1400  }
0xe0: {  	s9 =	sadd.s32 $0xC80, s9;
	s23 =	sadd.s32 $0xC80, s23;
	[sflag:s17] =	ssyncset.done $0x0  }
0xe1: {  	s21 =	sadd.s32 $0xC80, s21;
	s6 =	sadd.s32 $0x29E0, s6;
	[sflag:s17] =	ssyncadd.s32 $0xFFFFEC00  }
0xe2: {  	[tilespmem:s24], [sflag:$0x5] =	stream.indirect.gather [hbm4b:s2+s14], $0x40, s6, s14, $0xb8;
	[tilespmem:$0xB220] =	vst v63  }
.LBB2_7:
0xe3: {  	_ =	sfence.sel $0x180000  }
0xe4: {  	[bflag:$0x0] =	sbarrier.arrive $0xFFFF  }
0xe5: {  	_ =	strace $0x90000047  }
0xe6: {  	s0 =	stileid.u32;
	[bflag:$0x2] =	sbarrier.arrive $0xFFFF  }
0xe7: {  	p0 =	sne.s32 s0, $0x0;
	s0 =	rddreg [dreg:$0x2]  }
0xe8: {  	s0 =	sadd.s32 @!p0 $0x100000, s0  }
0xe9: {  	[sflag:s0] =	ssyncadd.tile.s32 @!p0 $0x1;
	_ =	shalt  }
.Lfunc_end2:
_tile_overlayer_lowered:
.L_overlay_start_2:
0xea: {  	(tag) =	ssettag $0x2  }
0xeb: {  	s0 =	rddreg [dreg:$0x0];
	s2 =	stileid.u32  }
0xec: {  	s1 =	rddreg [dreg:$0x1];
	p0 =	sne.s32 s2, $0x0  }
0xed: {  	s3 =	rddreg [dreg:$0x2];
	[bflag:$0x3] =	sbarrier.arrive $0xFFFF;
	s2 =	simm.s32 @!p0 $0x1C0B  }
0xee: {  	[timem:s3], [sflag:s2] =	dma.local @!p0 [hbm:s0], s1  }
0xef: {  	s0 =	simm.s32 @!p0 $0xB  }
0xf0: {  	_ =	swait.ge @!p0 [sflag:s0], s1  }
0xf1: {  	s1 =	ssub.s32 @!p0 $0x0, s1;
	[sflag:s0] =	ssyncset.done @!p0 $0x0  }
0xf2: {  	[sflag:s0] =	ssyncadd.s32 @!p0 s1  }
0xf3: {  	[bflag:$0x3] =	sbarrier.arrive $0xFFFF  }
0xf4: {  	_ =	shalt  }

</sc_bundles>
